<compile_context>
chip_gen: v7x
topology: tpu7x:2x2x1
jax: 0.10.2.dev20260603
libtpu: 0.0.44.dev20260713+nightly
codegen_flags: <defaults>
</compile_context>

<pallas_src>
import functools

import jax
import jax.numpy as jnp
from jax import lax
from jax.experimental import pallas as pl
from jax.experimental.pallas import tpu as pltpu
from jax.experimental.pallas import tpu_sc as plsc

NC = 2
NS = 16
NW = NC * NS

G = 128


def _sc_aggregate(h, pk3, zeros_nd):
  N, D = h.shape
  NP = zeros_nd.shape[0]
  EPT = pk3.shape[1]
  CH = 96
  NCH = EPT // CH
  RPT = NP // NS
  NBUF = 3
  NV = CH // 16

  mesh = plsc.VectorSubcoreMesh(core_axis_name="c", subcore_axis_name="s")

  scratch = (
      [pltpu.VMEM((EPT,), jnp.int32)] +
      [pltpu.VMEM((CH,), jnp.int32) for _ in range(NBUF)] +
      [pltpu.VMEM((CH,), jnp.int32) for _ in range(NBUF)] +
      [pltpu.VMEM((CH, D), jnp.float32) for _ in range(NBUF)] +
      [pltpu.VMEM_SHARED((NP, D), jnp.float32)] +
      [pltpu.SemaphoreType.DMA for _ in range(NBUF)]
  )

  @functools.partial(
      pl.kernel,
      mesh=mesh,
      out_type=jax.ShapeDtypeStruct((NC, NP, D), jnp.float32),
      scratch_types=scratch,
  )
  def agg_kernel(h_hbm, pk_hbm, z_hbm, out_hbm, *sc):
    pk = sc[0]
    sidxs = sc[1:1 + NBUF]
    didxs = sc[1 + NBUF:1 + 2 * NBUF]
    rowss = sc[1 + 2 * NBUF:1 + 3 * NBUF]
    acc_sh = sc[1 + 3 * NBUF]
    sems = sc[2 + 3 * NBUF:]
    cid = lax.axis_index("c")
    sid = lax.axis_index("s")
    wid = sid * NC + cid

    def unpack_src(g, dref):
      for j in range(NV):
        rec = pk[pl.ds(g * CH + 16 * j, 16)]
        dref[pl.ds(16 * j, 16)] = rec & 0x3FFF

    def unpack_dst(g, dref):
      for j in range(NV):
        rec = pk[pl.ds(g * CH + 16 * j, 16)]
        dref[pl.ds(16 * j, 16)] = lax.shift_right_logical(rec, 14)

    pltpu.sync_copy(pk_hbm.at[wid], pk)
    pltpu.sync_copy(z_hbm.at[pl.ds(sid * RPT, RPT)],
                    acc_sh.at[pl.ds(sid * RPT, RPT)])
    plsc.subcore_barrier()

    unpack_src(0, sidxs[0])
    pltpu.async_copy(h_hbm.at[sidxs[0]], rowss[0], sems[0])
    unpack_src(1, sidxs[1])
    pltpu.async_copy(h_hbm.at[sidxs[1]], rowss[1], sems[1])

    def phase(g, k):
      kn = (k + 2) % NBUF
      pltpu.make_async_copy(h_hbm.at[sidxs[k]], rowss[k], sems[k]).wait()
      unpack_dst(g, didxs[k])
      pltpu.sync_copy(rowss[k], acc_sh.at[didxs[k]], add=True)

      @pl.when(g + 2 < NCH)
      def _():
        unpack_src(g + 2, sidxs[kn])
        pltpu.async_copy(h_hbm.at[sidxs[kn]], rowss[kn], sems[kn])

    def body(i, carry):
      g = NBUF * i
      for k in range(NBUF):
        phase(g + k, k)
      return carry

    lax.fori_loop(0, NCH // NBUF, body, 0)

    plsc.subcore_barrier()
    pltpu.sync_copy(acc_sh.at[pl.ds(sid * RPT, RPT)],
                    out_hbm.at[cid, pl.ds(sid * RPT, RPT)])

  return agg_kernel(h, pk3, zeros_nd)


def _tc_layer(h, parts, batch3, W1, b1r, W2, b2r, eps11, B):
  N, D = h.shape
  H = W1.shape[1]
  NB = N // B

  def body(eps_ref, x_ref, a0_ref, a1_ref, b_ref, w1_ref, b1_ref,
           w2_ref, b2_ref, nodes_ref, pool_ref, cnt_ref):
    i = pl.program_id(0)
    e = eps_ref[0, 0]
    hin = (1.0 + e) * x_ref[...] + a0_ref[0] + a1_ref[0]
    t = jnp.dot(hin, w1_ref[...], preferred_element_type=jnp.float32)
    t = jnp.maximum(t + b1_ref[...], 0.0)
    out = jnp.dot(t, w2_ref[...], preferred_element_type=jnp.float32)
    out = jnp.maximum(out + b2_ref[...], 0.0)
    nodes_ref[...] = out

    bids = b_ref[0, 0, :]
    gids = lax.broadcasted_iota(jnp.int32, (G, B), 0)
    mask = (bids[None, :] == gids).astype(jnp.float32)

    @pl.when(i == 0)
    def _():
      pool_ref[...] = jnp.zeros_like(pool_ref)
      cnt_ref[...] = jnp.zeros_like(cnt_ref)

    pool_ref[...] += jnp.dot(mask, out, preferred_element_type=jnp.float32)
    cnt_ref[...] += jnp.sum(mask, axis=1, keepdims=True)

    @pl.when(i == NB - 1)
    def _():
      pool_ref[...] = pool_ref[...] / jnp.maximum(cnt_ref[...], 1.0)

  nodes, pool = pl.pallas_call(
      body,
      grid=(NB,),
      in_specs=[
          pl.BlockSpec(memory_space=pltpu.SMEM),
          pl.BlockSpec((B, D), lambda i: (i, 0)),
          pl.BlockSpec((1, B, D), lambda i: (0, i, 0)),
          pl.BlockSpec((1, B, D), lambda i: (1, i, 0)),
          pl.BlockSpec((1, 1, B), lambda i: (i, 0, 0)),
          pl.BlockSpec((D, H), lambda i: (0, 0)),
          pl.BlockSpec((1, H), lambda i: (0, 0)),
          pl.BlockSpec((H, H), lambda i: (0, 0)),
          pl.BlockSpec((1, H), lambda i: (0, 0)),
      ],
      out_specs=[
          pl.BlockSpec((B, H), lambda i: (i, 0)),
          pl.BlockSpec((G, H), lambda i: (0, 0)),
      ],
      out_shape=[
          jax.ShapeDtypeStruct((N, H), jnp.float32),
          jax.ShapeDtypeStruct((G, H), jnp.float32),
      ],
      scratch_shapes=[pltpu.VMEM((G, 1), jnp.float32)],
  )(eps11, h, parts, parts, batch3, W1, b1r, W2, b2r)
  return nodes, pool


def _tc_layer_last(h, parts, batch3, W1, b1r, W2, b2r, eps11, B,
                   h1, h2, p1, p2):
  N, D = h.shape
  H = W1.shape[1]
  NB = N // B

  def body(eps_ref, x_ref, a0_ref, a1_ref, b_ref, w1_ref, b1_ref,
           w2_ref, b2_ref, h1_ref, h2_ref, p1_ref, p2_ref,
           nodes_ref, pool_ref, pacc_ref, cnt_ref):
    i = pl.program_id(0)
    e = eps_ref[0, 0]
    hin = (1.0 + e) * x_ref[...] + a0_ref[0] + a1_ref[0]
    t = jnp.dot(hin, w1_ref[...], preferred_element_type=jnp.float32)
    t = jnp.maximum(t + b1_ref[...], 0.0)
    out = jnp.dot(t, w2_ref[...], preferred_element_type=jnp.float32)
    out = jnp.maximum(out + b2_ref[...], 0.0)
    nodes_ref[...] = jnp.concatenate([h1_ref[...], h2_ref[...], out], axis=1)

    bids = b_ref[0, 0, :]
    gids = lax.broadcasted_iota(jnp.int32, (G, B), 0)
    mask = (bids[None, :] == gids).astype(jnp.float32)

    @pl.when(i == 0)
    def _():
      pacc_ref[...] = jnp.zeros_like(pacc_ref)
      cnt_ref[...] = jnp.zeros_like(cnt_ref)

    pacc_ref[...] += jnp.dot(mask, out, preferred_element_type=jnp.float32)
    cnt_ref[...] += jnp.sum(mask, axis=1, keepdims=True)

    @pl.when(i == NB - 1)
    def _():
      p3 = pacc_ref[...] / jnp.maximum(cnt_ref[...], 1.0)
      pool_ref[...] = jnp.concatenate([p1_ref[...], p2_ref[...], p3], axis=1)

  nodes_all, pool_all = pl.pallas_call(
      body,
      grid=(NB,),
      in_specs=[
          pl.BlockSpec(memory_space=pltpu.SMEM),
          pl.BlockSpec((B, D), lambda i: (i, 0)),
          pl.BlockSpec((1, B, D), lambda i: (0, i, 0)),
          pl.BlockSpec((1, B, D), lambda i: (1, i, 0)),
          pl.BlockSpec((1, 1, B), lambda i: (i, 0, 0)),
          pl.BlockSpec((D, H), lambda i: (0, 0)),
          pl.BlockSpec((1, H), lambda i: (0, 0)),
          pl.BlockSpec((H, H), lambda i: (0, 0)),
          pl.BlockSpec((1, H), lambda i: (0, 0)),
          pl.BlockSpec((B, H), lambda i: (i, 0)),
          pl.BlockSpec((B, H), lambda i: (i, 0)),
          pl.BlockSpec((G, H), lambda i: (0, 0)),
          pl.BlockSpec((G, H), lambda i: (0, 0)),
      ],
      out_specs=[
          pl.BlockSpec((B, 3 * H), lambda i: (i, 0)),
          pl.BlockSpec((G, 3 * H), lambda i: (0, 0)),
      ],
      out_shape=[
          jax.ShapeDtypeStruct((N, 3 * H), jnp.float32),
          jax.ShapeDtypeStruct((G, 3 * H), jnp.float32),
      ],
      scratch_shapes=[
          pltpu.VMEM((G, H), jnp.float32),
          pltpu.VMEM((G, 1), jnp.float32),
      ],
  )(eps11, h, parts, parts, batch3, W1, b1r, W2, b2r, h1, h2, p1, p2)
  return nodes_all, pool_all


def kernel(x, edge_index, batch,
           W1_0, b1_0, W2_0, b2_0, eps_0,
           W1_1, b1_1, W2_1, b2_1, eps_1,
           W1_2, b1_2, W2_2, b2_2, eps_2):
  N, D = x.shape
  src = edge_index[0].astype(jnp.int32)
  dst = edge_index[1].astype(jnp.int32)
  B = 1000
  batch3 = batch.astype(jnp.int32).reshape(N // B, 1, B)
  NP = ((N + 8 * NS - 1) // (8 * NS)) * (8 * NS)

  CH = 96
  E = src.shape[0]
  EPC = 3 * NW * CH
  EP = ((E + EPC - 1) // EPC) * EPC
  if EP > E and NP == N:
    NP += 8 * NS
  zeros_nd = jnp.zeros((NP, D), jnp.float32)
  if EP > E:
    pad_ar = jnp.arange(EP - E, dtype=jnp.int32)
    src = jnp.concatenate([src, pad_ar % N])
    dst = jnp.concatenate([dst, N + pad_ar % (NP - N)])
  pk3 = (src | (dst << 14)).reshape(NW, EP // NW)

  params = [
      (W1_0, b1_0.reshape(1, -1), W2_0, b2_0.reshape(1, -1),
       eps_0.reshape(1, 1)),
      (W1_1, b1_1.reshape(1, -1), W2_1, b2_1.reshape(1, -1),
       eps_1.reshape(1, 1)),
      (W1_2, b1_2.reshape(1, -1), W2_2, b2_2.reshape(1, -1),
       eps_2.reshape(1, 1)),
  ]

  h = x
  nodes_list = []
  pool_list = []
  for (W1, b1r, W2, b2r, eps11) in params[:2]:
    parts = _sc_aggregate(h, pk3, zeros_nd)
    h, pool = _tc_layer(h, parts, batch3, W1, b1r, W2, b2r, eps11, B)
    nodes_list.append(h)
    pool_list.append(pool)

  (W1, b1r, W2, b2r, eps11) = params[2]
  parts = _sc_aggregate(h, pk3, zeros_nd)
  out_nodes, out_pool = _tc_layer_last(
      h, parts, batch3, W1, b1r, W2, b2r, eps11, B,
      nodes_list[0], nodes_list[1], pool_list[0], pool_list[1])
  return (out_pool, out_nodes)

# --- scband reference (transcript-rebuilt; emitter-appended) ---
"""Pipeline reference for scband-gnn-infograph-75728863363725 (READ-ONLY COPY).

The authoritative reference and input builder live on the scoring server;
editing this copy changes nothing except your own understanding.
"""

import jax, jax.numpy as jnp
import numpy as np

N = 10000
E = 320000
D = 128
H = 128
L = 3
G = 128


def setup_inputs(seed: int = 0) -> dict:
    key = jax.random.key(seed)
    ks = [jax.random.fold_in(key, i) for i in range(64)]
    inp = {}
    inp["x"] = jax.random.normal(ks[0], (N, D), dtype=jnp.float32)
    inp["edge_index"] = jax.random.randint(ks[1], (2, E), 0, N, dtype=jnp.int64)
    inp["batch"] = jnp.sort(jax.random.randint(ks[2], (N,), 0, G, dtype=jnp.int64))
    kidx = 3
    for i in range(L):
        d_in = D if i == 0 else H
        inp[f"W1_{i}"] = jax.random.normal(ks[kidx], (d_in, H), dtype=jnp.float32) * 0.05; kidx += 1
        inp[f"b1_{i}"] = jnp.zeros((H,), dtype=jnp.float32)
        inp[f"W2_{i}"] = jax.random.normal(ks[kidx], (H, H), dtype=jnp.float32) * 0.05; kidx += 1
        inp[f"b2_{i}"] = jnp.zeros((H,), dtype=jnp.float32)
        inp[f"eps_{i}"] = jnp.zeros((), dtype=jnp.float32)
    return inp


def _gin_conv(x, src, dst, W1, b1, W2, b2, eps):
    # PyG GINConv: out = nn((1+eps)*x + sum_{j->i} x_j)
    agg = jax.ops.segment_sum(x[src], dst, num_segments=N)
    h = (1.0 + eps) * x + agg
    h = jnp.maximum(h @ W1 + b1, 0.0)
    h = h @ W2 + b2
    return h


def _global_mean_pool(x, batch):
    s = jax.ops.segment_sum(x, batch, num_segments=G)
    c = jax.ops.segment_sum(jnp.ones((x.shape[0], 1), dtype=x.dtype), batch, num_segments=G)
    return s / jnp.maximum(c, 1.0)


def reference(x, edge_index, batch,
              W1_0, b1_0, W2_0, b2_0, eps_0,
              W1_1, b1_1, W2_1, b2_1, eps_1,
              W1_2, b1_2, W2_2, b2_2, eps_2):
    src = edge_index[0]
    dst = edge_index[1]
    params = [(W1_0, b1_0, W2_0, b2_0, eps_0),
              (W1_1, b1_1, W2_1, b2_1, eps_1),
              (W1_2, b1_2, W2_2, b2_2, eps_2)]
    xs = []
    h = x
    for (W1, b1, W2, b2, eps) in params:
        h = jnp.maximum(_gin_conv(h, src, dst, W1, b1, W2, b2, eps), 0.0)
        xs.append(h)
    xpool = [_global_mean_pool(xi, batch) for xi in xs]
    out_pool = jnp.concatenate(xpool, axis=1)
    out_nodes = jnp.concatenate(xs, axis=1)
    return (out_pool, out_nodes)

if __name__ == "__main__":
    import jax
    _d = setup_inputs()
    print(jax.jit(kernel)(*tuple(_d.values())))

</pallas_src>

<mosaic_0001>
#map = affine_map<(d0, d1) -> (0, 0)>
#map1 = affine_map<(d0, d1) -> (0, 0, 0)>
module attributes {stable_mosaic.version = 14 : i64} {
  func.func @agg_kernel(%arg0: i32, %arg1: i32, %arg2: memref<10000x128xf32, #tpu.memory_space<hbm>>, %arg3: memref<32x10080xi32, #tpu.memory_space<hbm>>, %arg4: memref<10112x128xf32, #tpu.memory_space<hbm>>, %arg5: memref<2x10112x128xf32, #tpu.memory_space<hbm>>, %arg6: memref<10080xi32, #tpu.memory_space<vmem>>, %arg7: memref<96xi32, #tpu.memory_space<vmem>>, %arg8: memref<96xi32, #tpu.memory_space<vmem>>, %arg9: memref<96xi32, #tpu.memory_space<vmem>>, %arg10: memref<96xi32, #tpu.memory_space<vmem>>, %arg11: memref<96xi32, #tpu.memory_space<vmem>>, %arg12: memref<96xi32, #tpu.memory_space<vmem>>, %arg13: memref<96x128xf32, #tpu.memory_space<vmem>>, %arg14: memref<96x128xf32, #tpu.memory_space<vmem>>, %arg15: memref<96x128xf32, #tpu.memory_space<vmem>>, %arg16: memref<10112x128xf32, #tpu.memory_space<vmem_shared>>, %arg17: memref<!tpu.dma_semaphore, #tpu.memory_space<semaphore_mem>>, %arg18: memref<!tpu.dma_semaphore, #tpu.memory_space<semaphore_mem>>, %arg19: memref<!tpu.dma_semaphore, #tpu.memory_space<semaphore_mem>>) attributes {dimension_semantics = [#tpu.dimension_semantics<core_parallel>, #tpu.dimension_semantics<subcore_parallel>], iteration_bounds = array<i64: 2, 16>, scalar_prefetch = 0 : i64, scratch_operands = 14 : i64, tpu.core_type = #tpu.core_type<sc_vector_subcore>, window_params = [{transform_indices = #map}, {transform_indices = #map}, {transform_indices = #map}, {transform_indices = #map1}]} {
    %mul3A = arith.constant 2 : i32
    %mul3A_0 = arith.muli %arg1, %mul3A : i32
    %add3A = arith.addi %mul3A_0, %arg0 : i32
    "tpu.region"() ({
      %run_scoped3A = tpu.sem_alloc : memref<!tpu.dma_semaphore, #tpu.memory_space<semaphore_mem>>
      %dma_start3A_137 = arith.constant 0 : i32
      %dma_start3A_138 = tpu.memref_slice %arg3[%add3A, %dma_start3A_137] : memref<32x10080xi32, #tpu.memory_space<hbm>> -> memref<1x10080xi32, #tpu.memory_space<hbm>>
      %dma_start3A_139 = tpu.memref_squeeze %dma_start3A_138 : memref<1x10080xi32, #tpu.memory_space<hbm>> -> memref<10080xi32, #tpu.memory_space<hbm>>
      %dma_start3A_140 = arith.constant 0 : i32
      %dma_start3A_141 = tpu.memref_slice %arg3[%add3A, %dma_start3A_140] : memref<32x10080xi32, #tpu.memory_space<hbm>> -> memref<1x10080xi32, #tpu.memory_space<hbm>>
      %dma_start3A_142 = tpu.memref_squeeze %dma_start3A_141 : memref<1x10080xi32, #tpu.memory_space<hbm>> -> memref<10080xi32, #tpu.memory_space<hbm>>
      tpu.enqueue_dma source(%dma_start3A_142 : memref<10080xi32, #tpu.memory_space<hbm>>) target(%arg6 : memref<10080xi32, #tpu.memory_space<vmem>>) target_semaphore(%run_scoped3A : memref<!tpu.dma_semaphore, #tpu.memory_space<semaphore_mem>>)
      %dma_wait3A = arith.constant 0 : i32
      %dma_wait3A_143 = tpu.memref_slice %arg3[%add3A, %dma_wait3A] : memref<32x10080xi32, #tpu.memory_space<hbm>> -> memref<1x10080xi32, #tpu.memory_space<hbm>>
      %dma_wait3A_144 = tpu.memref_squeeze %dma_wait3A_143 : memref<1x10080xi32, #tpu.memory_space<hbm>> -> memref<10080xi32, #tpu.memory_space<hbm>>
      %dma_wait3A_145 = arith.constant 0 : i32
      %dma_wait3A_146 = tpu.memref_slice %arg3[%add3A, %dma_wait3A_145] : memref<32x10080xi32, #tpu.memory_space<hbm>> -> memref<1x10080xi32, #tpu.memory_space<hbm>>
      %dma_wait3A_147 = tpu.memref_squeeze %dma_wait3A_146 : memref<1x10080xi32, #tpu.memory_space<hbm>> -> memref<10080xi32, #tpu.memory_space<hbm>>
      tpu.wait_dma2 semaphore(%run_scoped3A : memref<!tpu.dma_semaphore, #tpu.memory_space<semaphore_mem>>) src(%dma_wait3A_147 : memref<10080xi32, #tpu.memory_space<hbm>>) dst(%arg6 : memref<10080xi32, #tpu.memory_space<vmem>>)
      tpu.yield
    }) : () -> ()
    %mul3A_1 = arith.constant 632 : i32
    %mul3A_2 = arith.muli %arg1, %mul3A_1 : i32
    %mul3A_3 = arith.constant 632 : i32
    %mul3A_4 = arith.muli %arg1, %mul3A_3 : i32
    "tpu.region"() ({
      %run_scoped3A = tpu.sem_alloc : memref<!tpu.dma_semaphore, #tpu.memory_space<semaphore_mem>>
      %dma_start3A_137 = arith.constant 0 : i32
      %dma_start3A_138 = tpu.memref_slice %arg16[%mul3A_4, %dma_start3A_137] : memref<10112x128xf32, #tpu.memory_space<vmem_shared>> -> memref<632x128xf32, #tpu.memory_space<vmem_shared>>
      %dma_start3A_139 = arith.constant 0 : i32
      %dma_start3A_140 = tpu.memref_slice %arg4[%mul3A_2, %dma_start3A_139] : memref<10112x128xf32, #tpu.memory_space<hbm>> -> memref<632x128xf32, #tpu.memory_space<hbm>>
      tpu.enqueue_dma source(%dma_start3A_140 : memref<632x128xf32, #tpu.memory_space<hbm>>) target(%dma_start3A_138 : memref<632x128xf32, #tpu.memory_space<vmem_shared>>) target_semaphore(%run_scoped3A : memref<!tpu.dma_semaphore, #tpu.memory_space<semaphore_mem>>)
      %dma_wait3A = arith.constant 0 : i32
      %dma_wait3A_141 = tpu.memref_slice %arg16[%mul3A_4, %dma_wait3A] : memref<10112x128xf32, #tpu.memory_space<vmem_shared>> -> memref<632x128xf32, #tpu.memory_space<vmem_shared>>
      %dma_wait3A_142 = arith.constant 0 : i32
      %dma_wait3A_143 = tpu.memref_slice %arg4[%mul3A_2, %dma_wait3A_142] : memref<10112x128xf32, #tpu.memory_space<hbm>> -> memref<632x128xf32, #tpu.memory_space<hbm>>
      tpu.wait_dma2 semaphore(%run_scoped3A : memref<!tpu.dma_semaphore, #tpu.memory_space<semaphore_mem>>) src(%dma_wait3A_143 : memref<632x128xf32, #tpu.memory_space<hbm>>) dst(%dma_wait3A_141 : memref<632x128xf32, #tpu.memory_space<vmem_shared>>)
      tpu.yield
    }) : () -> ()
    %barrier3A = arith.constant 0 : index
    tpu.barrier barrier_id(%barrier3A)
    %get3A = arith.constant 0 : index
    %get3A_5 = tpu.vector_load %arg6[%get3A] {strides = array<i32>} : memref<10080xi32, #tpu.memory_space<vmem>>, vector<16xi32>,
    %get3A_6 = vector.shape_cast %get3A_5 : vector<16xi32> to vector<16xi32>
    %and3A = arith.constant 16383 : i32
    %and3A_7 = vector.broadcast %and3A : i32 to vector<16xi32>
    %and3A_8 = arith.andi %get3A_6, %and3A_7 : vector<16xi32>
    %swap3A = arith.constant 0 : index
    %swap3A_9 = tpu.vector_load %arg7[%swap3A] {strides = array<i32>} : memref<96xi32, #tpu.memory_space<vmem>>, vector<16xi32>,
    %swap3A_10 = vector.shape_cast %swap3A_9 : vector<16xi32> to vector<16xi32>
    %swap3A_11 = vector.shape_cast %and3A_8 : vector<16xi32> to vector<16xi32>
    tpu.vector_store %arg7[%swap3A], %swap3A_11 {strides = array<i32>} : memref<96xi32, #tpu.memory_space<vmem>>, vector<16xi32>,
    %get3A_12 = arith.constant 16 : index
    %get3A_13 = tpu.vector_load %arg6[%get3A_12] {strides = array<i32>} : memref<10080xi32, #tpu.memory_space<vmem>>, vector<16xi32>,
    %get3A_14 = vector.shape_cast %get3A_13 : vector<16xi32> to vector<16xi32>
    %and3A_15 = arith.constant 16383 : i32
    %and3A_16 = vector.broadcast %and3A_15 : i32 to vector<16xi32>
    %and3A_17 = arith.andi %get3A_14, %and3A_16 : vector<16xi32>
    %swap3A_18 = arith.constant 16 : index
    %swap3A_19 = tpu.vector_load %arg7[%swap3A_18] {strides = array<i32>} : memref<96xi32, #tpu.memory_space<vmem>>, vector<16xi32>,
    %swap3A_20 = vector.shape_cast %swap3A_19 : vector<16xi32> to vector<16xi32>
    %swap3A_21 = vector.shape_cast %and3A_17 : vector<16xi32> to vector<16xi32>
    tpu.vector_store %arg7[%swap3A_18], %swap3A_21 {strides = array<i32>} : memref<96xi32, #tpu.memory_space<vmem>>, vector<16xi32>,
    %get3A_22 = arith.constant 32 : index
    %get3A_23 = tpu.vector_load %arg6[%get3A_22] {strides = array<i32>} : memref<10080xi32, #tpu.memory_space<vmem>>, vector<16xi32>,
    %get3A_24 = vector.shape_cast %get3A_23 : vector<16xi32> to vector<16xi32>
    %and3A_25 = arith.constant 16383 : i32
    %and3A_26 = vector.broadcast %and3A_25 : i32 to vector<16xi32>
    %and3A_27 = arith.andi %get3A_24, %and3A_26 : vector<16xi32>
    %swap3A_28 = arith.constant 32 : index
    %swap3A_29 = tpu.vector_load %arg7[%swap3A_28] {strides = array<i32>} : memref<96xi32, #tpu.memory_space<vmem>>, vector<16xi32>,
    %swap3A_30 = vector.shape_cast %swap3A_29 : vector<16xi32> to vector<16xi32>
    %swap3A_31 = vector.shape_cast %and3A_27 : vector<16xi32> to vector<16xi32>
    tpu.vector_store %arg7[%swap3A_28], %swap3A_31 {strides = array<i32>} : memref<96xi32, #tpu.memory_space<vmem>>, vector<16xi32>,
    %get3A_32 = arith.constant 48 : index
    %get3A_33 = tpu.vector_load %arg6[%get3A_32] {strides = array<i32>} : memref<10080xi32, #tpu.memory_space<vmem>>, vector<16xi32>,
    %get3A_34 = vector.shape_cast %get3A_33 : vector<16xi32> to vector<16xi32>
    %and3A_35 = arith.constant 16383 : i32
    %and3A_36 = vector.broadcast %and3A_35 : i32 to vector<16xi32>
    %and3A_37 = arith.andi %get3A_34, %and3A_36 : vector<16xi32>
    %swap3A_38 = arith.constant 48 : index
    %swap3A_39 = tpu.vector_load %arg7[%swap3A_38] {strides = array<i32>} : memref<96xi32, #tpu.memory_space<vmem>>, vector<16xi32>,
    %swap3A_40 = vector.shape_cast %swap3A_39 : vector<16xi32> to vector<16xi32>
    %swap3A_41 = vector.shape_cast %and3A_37 : vector<16xi32> to vector<16xi32>
    tpu.vector_store %arg7[%swap3A_38], %swap3A_41 {strides = array<i32>} : memref<96xi32, #tpu.memory_space<vmem>>, vector<16xi32>,
    %get3A_42 = arith.constant 64 : index
    %get3A_43 = tpu.vector_load %arg6[%get3A_42] {strides = array<i32>} : memref<10080xi32, #tpu.memory_space<vmem>>, vector<16xi32>,
    %get3A_44 = vector.shape_cast %get3A_43 : vector<16xi32> to vector<16xi32>
    %and3A_45 = arith.constant 16383 : i32
    %and3A_46 = vector.broadcast %and3A_45 : i32 to vector<16xi32>
    %and3A_47 = arith.andi %get3A_44, %and3A_46 : vector<16xi32>
    %swap3A_48 = arith.constant 64 : index
    %swap3A_49 = tpu.vector_load %arg7[%swap3A_48] {strides = array<i32>} : memref<96xi32, #tpu.memory_space<vmem>>, vector<16xi32>,
    %swap3A_50 = vector.shape_cast %swap3A_49 : vector<16xi32> to vector<16xi32>
    %swap3A_51 = vector.shape_cast %and3A_47 : vector<16xi32> to vector<16xi32>
    tpu.vector_store %arg7[%swap3A_48], %swap3A_51 {strides = array<i32>} : memref<96xi32, #tpu.memory_space<vmem>>, vector<16xi32>,
    %get3A_52 = arith.constant 80 : index
    %get3A_53 = tpu.vector_load %arg6[%get3A_52] {strides = array<i32>} : memref<10080xi32, #tpu.memory_space<vmem>>, vector<16xi32>,
    %get3A_54 = vector.shape_cast %get3A_53 : vector<16xi32> to vector<16xi32>
    %and3A_55 = arith.constant 16383 : i32
    %and3A_56 = vector.broadcast %and3A_55 : i32 to vector<16xi32>
    %and3A_57 = arith.andi %get3A_54, %and3A_56 : vector<16xi32>
    %swap3A_58 = arith.constant 80 : index
    %swap3A_59 = tpu.vector_load %arg7[%swap3A_58] {strides = array<i32>} : memref<96xi32, #tpu.memory_space<vmem>>, vector<16xi32>,
    %swap3A_60 = vector.shape_cast %swap3A_59 : vector<16xi32> to vector<16xi32>
    %swap3A_61 = vector.shape_cast %and3A_57 : vector<16xi32> to vector<16xi32>
    tpu.vector_store %arg7[%swap3A_58], %swap3A_61 {strides = array<i32>} : memref<96xi32, #tpu.memory_space<vmem>>, vector<16xi32>,
    %dma_start3A = arith.constant 0 : i32
    %dma_start3A_62 = arith.constant 0 : i32
    %dma_start3A_63 = tpu.memref_slice %arg2[%dma_start3A, %dma_start3A_62] : memref<10000x128xf32, #tpu.memory_space<hbm>> -> memref<10000x128xf32, #tpu.memory_space<hbm>>
    tpu.enqueue_indirect_dma source(%dma_start3A_63 : memref<10000x128xf32, #tpu.memory_space<hbm>>) target(%arg13 : memref<96x128xf32, #tpu.memory_space<vmem>>) offsets(%arg7 : memref<96xi32, #tpu.memory_space<vmem>>) semaphore(%arg17 : memref<!tpu.dma_semaphore, #tpu.memory_space<semaphore_mem>>)
    %get3A_64 = arith.constant 96 : index
    %get3A_65 = tpu.vector_load %arg6[%get3A_64] {strides = array<i32>} : memref<10080xi32, #tpu.memory_space<vmem>>, vector<16xi32>,
    %get3A_66 = vector.shape_cast %get3A_65 : vector<16xi32> to vector<16xi32>
    %and3A_67 = arith.constant 16383 : i32
    %and3A_68 = vector.broadcast %and3A_67 : i32 to vector<16xi32>
    %and3A_69 = arith.andi %get3A_66, %and3A_68 : vector<16xi32>
    %swap3A_70 = arith.constant 0 : index
    %swap3A_71 = tpu.vector_load %arg8[%swap3A_70] {strides = array<i32>} : memref<96xi32, #tpu.memory_space<vmem>>, vector<16xi32>,
    %swap3A_72 = vector.shape_cast %swap3A_71 : vector<16xi32> to vector<16xi32>
    %swap3A_73 = vector.shape_cast %and3A_69 : vector<16xi32> to vector<16xi32>
    tpu.vector_store %arg8[%swap3A_70], %swap3A_73 {strides = array<i32>} : memref<96xi32, #tpu.memory_space<vmem>>, vector<16xi32>,
    %get3A_74 = arith.constant 112 : index
    %get3A_75 = tpu.vector_load %arg6[%get3A_74] {strides = array<i32>} : memref<10080xi32, #tpu.memory_space<vmem>>, vector<16xi32>,
    %get3A_76 = vector.shape_cast %get3A_75 : vector<16xi32> to vector<16xi32>
    %and3A_77 = arith.constant 16383 : i32
    %and3A_78 = vector.broadcast %and3A_77 : i32 to vector<16xi32>
    %and3A_79 = arith.andi %get3A_76, %and3A_78 : vector<16xi32>
    %swap3A_80 = arith.constant 16 : index
    %swap3A_81 = tpu.vector_load %arg8[%swap3A_80] {strides = array<i32>} : memref<96xi32, #tpu.memory_space<vmem>>, vector<16xi32>,
    %swap3A_82 = vector.shape_cast %swap3A_81 : vector<16xi32> to vector<16xi32>
    %swap3A_83 = vector.shape_cast %and3A_79 : vector<16xi32> to vector<16xi32>
    tpu.vector_store %arg8[%swap3A_80], %swap3A_83 {strides = array<i32>} : memref<96xi32, #tpu.memory_space<vmem>>, vector<16xi32>,
    %get3A_84 = arith.constant 128 : index
    %get3A_85 = tpu.vector_load %arg6[%get3A_84] {strides = array<i32>} : memref<10080xi32, #tpu.memory_space<vmem>>, vector<16xi32>,
    %get3A_86 = vector.shape_cast %get3A_85 : vector<16xi32> to vector<16xi32>
    %and3A_87 = arith.constant 16383 : i32
    %and3A_88 = vector.broadcast %and3A_87 : i32 to vector<16xi32>
    %and3A_89 = arith.andi %get3A_86, %and3A_88 : vector<16xi32>
    %swap3A_90 = arith.constant 32 : index
    %swap3A_91 = tpu.vector_load %arg8[%swap3A_90] {strides = array<i32>} : memref<96xi32, #tpu.memory_space<vmem>>, vector<16xi32>,
    %swap3A_92 = vector.shape_cast %swap3A_91 : vector<16xi32> to vector<16xi32>
    %swap3A_93 = vector.shape_cast %and3A_89 : vector<16xi32> to vector<16xi32>
    tpu.vector_store %arg8[%swap3A_90], %swap3A_93 {strides = array<i32>} : memref<96xi32, #tpu.memory_space<vmem>>, vector<16xi32>,
    %get3A_94 = arith.constant 144 : index
    %get3A_95 = tpu.vector_load %arg6[%get3A_94] {strides = array<i32>} : memref<10080xi32, #tpu.memory_space<vmem>>, vector<16xi32>,
    %get3A_96 = vector.shape_cast %get3A_95 : vector<16xi32> to vector<16xi32>
    %and3A_97 = arith.constant 16383 : i32
    %and3A_98 = vector.broadcast %and3A_97 : i32 to vector<16xi32>
    %and3A_99 = arith.andi %get3A_96, %and3A_98 : vector<16xi32>
    %swap3A_100 = arith.constant 48 : index
    %swap3A_101 = tpu.vector_load %arg8[%swap3A_100] {strides = array<i32>} : memref<96xi32, #tpu.memory_space<vmem>>, vector<16xi32>,
    %swap3A_102 = vector.shape_cast %swap3A_101 : vector<16xi32> to vector<16xi32>
    %swap3A_103 = vector.shape_cast %and3A_99 : vector<16xi32> to vector<16xi32>
    tpu.vector_store %arg8[%swap3A_100], %swap3A_103 {strides = array<i32>} : memref<96xi32, #tpu.memory_space<vmem>>, vector<16xi32>,
    %get3A_104 = arith.constant 160 : index
    %get3A_105 = tpu.vector_load %arg6[%get3A_104] {strides = array<i32>} : memref<10080xi32, #tpu.memory_space<vmem>>, vector<16xi32>,
    %get3A_106 = vector.shape_cast %get3A_105 : vector<16xi32> to vector<16xi32>
    %and3A_107 = arith.constant 16383 : i32
    %and3A_108 = vector.broadcast %and3A_107 : i32 to vector<16xi32>
    %and3A_109 = arith.andi %get3A_106, %and3A_108 : vector<16xi32>
    %swap3A_110 = arith.constant 64 : index
    %swap3A_111 = tpu.vector_load %arg8[%swap3A_110] {strides = array<i32>} : memref<96xi32, #tpu.memory_space<vmem>>, vector<16xi32>,
    %swap3A_112 = vector.shape_cast %swap3A_111 : vector<16xi32> to vector<16xi32>
    %swap3A_113 = vector.shape_cast %and3A_109 : vector<16xi32> to vector<16xi32>
    tpu.vector_store %arg8[%swap3A_110], %swap3A_113 {strides = array<i32>} : memref<96xi32, #tpu.memory_space<vmem>>, vector<16xi32>,
    %get3A_114 = arith.constant 176 : index
    %get3A_115 = tpu.vector_load %arg6[%get3A_114] {strides = array<i32>} : memref<10080xi32, #tpu.memory_space<vmem>>, vector<16xi32>,
    %get3A_116 = vector.shape_cast %get3A_115 : vector<16xi32> to vector<16xi32>
    %and3A_117 = arith.constant 16383 : i32
    %and3A_118 = vector.broadcast %and3A_117 : i32 to vector<16xi32>
    %and3A_119 = arith.andi %get3A_116, %and3A_118 : vector<16xi32>
    %swap3A_120 = arith.constant 80 : index
    %swap3A_121 = tpu.vector_load %arg8[%swap3A_120] {strides = array<i32>} : memref<96xi32, #tpu.memory_space<vmem>>, vector<16xi32>,
    %swap3A_122 = vector.shape_cast %swap3A_121 : vector<16xi32> to vector<16xi32>
    %swap3A_123 = vector.shape_cast %and3A_119 : vector<16xi32> to vector<16xi32>
    tpu.vector_store %arg8[%swap3A_120], %swap3A_123 {strides = array<i32>} : memref<96xi32, #tpu.memory_space<vmem>>, vector<16xi32>,
    %dma_start3A_124 = arith.constant 0 : i32
    %dma_start3A_125 = arith.constant 0 : i32
    %dma_start3A_126 = tpu.memref_slice %arg2[%dma_start3A_124, %dma_start3A_125] : memref<10000x128xf32, #tpu.memory_space<hbm>> -> memref<10000x128xf32, #tpu.memory_space<hbm>>
    tpu.enqueue_indirect_dma source(%dma_start3A_126 : memref<10000x128xf32, #tpu.memory_space<hbm>>) target(%arg14 : memref<96x128xf32, #tpu.memory_space<vmem>>) offsets(%arg8 : memref<96xi32, #tpu.memory_space<vmem>>) semaphore(%arg18 : memref<!tpu.dma_semaphore, #tpu.memory_space<semaphore_mem>>)
    %scan3A = arith.constant 0 : i32
    %scan3A_127 = arith.constant 0 : i32
    %scan3A_128 = arith.constant 35 : i32
    %scan3A_129 = arith.addi %scan3A_127, %scan3A_128 : i32
    %scan3A_130 = arith.constant 1 : i32
    scf.for %scan3A_137 = %scan3A_127 to %scan3A_129 step %scan3A_130  : i32 {
      %mul3A_138 = arith.constant 3 : i32
      %mul3A_139 = arith.muli %mul3A_138, %scan3A_137 : i32
      %add3A_140 = arith.constant 0 : i32
      %add3A_141 = arith.addi %mul3A_139, %add3A_140 : i32
      %dma_wait3A = arith.constant 0 : i32
      %dma_wait3A_142 = arith.constant 0 : i32
      %dma_wait3A_143 = tpu.memref_slice %arg2[%dma_wait3A, %dma_wait3A_142] : memref<10000x128xf32, #tpu.memory_space<hbm>> -> memref<10000x128xf32, #tpu.memory_space<hbm>>
      tpu.wait_indirect_dma semaphore(%arg17 : memref<!tpu.dma_semaphore, #tpu.memory_space<semaphore_mem>>) src(%dma_wait3A_143 : memref<10000x128xf32, #tpu.memory_space<hbm>>) dst(%arg13 : memref<96x128xf32, #tpu.memory_space<vmem>>)
      %mul3A_144 = arith.constant 96 : i32
      %mul3A_145 = arith.muli %add3A_141, %mul3A_144 : i32
      %add3A_146 = arith.constant 0 : i32
      %add3A_147 = arith.addi %mul3A_145, %add3A_146 : i32
      %get3A_148 = arith.index_cast %add3A_147 : i32 to index
      %get3A_149 = tpu.vector_load %arg6[%get3A_148] {strides = array<i32>} : memref<10080xi32, #tpu.memory_space<vmem>>, vector<16xi32>,
      %get3A_150 = vector.shape_cast %get3A_149 : vector<16xi32> to vector<16xi32>
      %shift_right_logical3A = arith.constant 14 : i32
      %shift_right_logical3A_151 = vector.broadcast %shift_right_logical3A : i32 to vector<16xi32>
      %shift_right_logical3A_152 = arith.shrui %get3A_150, %shift_right_logical3A_151 : vector<16xi32>
      %swap3A_153 = arith.constant 0 : index
      %swap3A_154 = tpu.vector_load %arg10[%swap3A_153] {strides = array<i32>} : memref<96xi32, #tpu.memory_space<vmem>>, vector<16xi32>,
      %swap3A_155 = vector.shape_cast %swap3A_154 : vector<16xi32> to vector<16xi32>
      %swap3A_156 = vector.shape_cast %shift_right_logical3A_152 : vector<16xi32> to vector<16xi32>
      tpu.vector_store %arg10[%swap3A_153], %swap3A_156 {strides = array<i32>} : memref<96xi32, #tpu.memory_space<vmem>>, vector<16xi32>,
      %mul3A_157 = arith.constant 96 : i32
      %mul3A_158 = arith.muli %add3A_141, %mul3A_157 : i32
      %add3A_159 = arith.constant 16 : i32
      %add3A_160 = arith.addi %mul3A_158, %add3A_159 : i32
      %get3A_161 = arith.index_cast %add3A_160 : i32 to index
      %get3A_162 = tpu.vector_load %arg6[%get3A_161] {strides = array<i32>} : memref<10080xi32, #tpu.memory_space<vmem>>, vector<16xi32>,
      %get3A_163 = vector.shape_cast %get3A_162 : vector<16xi32> to vector<16xi32>
      %shift_right_logical3A_164 = arith.constant 14 : i32
      %shift_right_logical3A_165 = vector.broadcast %shift_right_logical3A_164 : i32 to vector<16xi32>
      %shift_right_logical3A_166 = arith.shrui %get3A_163, %shift_right_logical3A_165 : vector<16xi32>
      %swap3A_167 = arith.constant 16 : index
      %swap3A_168 = tpu.vector_load %arg10[%swap3A_167] {strides = array<i32>} : memref<96xi32, #tpu.memory_space<vmem>>, vector<16xi32>,
      %swap3A_169 = vector.shape_cast %swap3A_168 : vector<16xi32> to vector<16xi32>
      %swap3A_170 = vector.shape_cast %shift_right_logical3A_166 : vector<16xi32> to vector<16xi32>
      tpu.vector_store %arg10[%swap3A_167], %swap3A_170 {strides = array<i32>} : memref<96xi32, #tpu.memory_space<vmem>>, vector<16xi32>,
      %mul3A_171 = arith.constant 96 : i32
      %mul3A_172 = arith.muli %add3A_141, %mul3A_171 : i32
      %add3A_173 = arith.constant 32 : i32
      %add3A_174 = arith.addi %mul3A_172, %add3A_173 : i32
      %get3A_175 = arith.index_cast %add3A_174 : i32 to index
      %get3A_176 = tpu.vector_load %arg6[%get3A_175] {strides = array<i32>} : memref<10080xi32, #tpu.memory_space<vmem>>, vector<16xi32>,
      %get3A_177 = vector.shape_cast %get3A_176 : vector<16xi32> to vector<16xi32>
      %shift_right_logical3A_178 = arith.constant 14 : i32
      %shift_right_logical3A_179 = vector.broadcast %shift_right_logical3A_178 : i32 to vector<16xi32>
      %shift_right_logical3A_180 = arith.shrui %get3A_177, %shift_right_logical3A_179 : vector<16xi32>
      %swap3A_181 = arith.constant 32 : index
      %swap3A_182 = tpu.vector_load %arg10[%swap3A_181] {strides = array<i32>} : memref<96xi32, #tpu.memory_space<vmem>>, vector<16xi32>,
      %swap3A_183 = vector.shape_cast %swap3A_182 : vector<16xi32> to vector<16xi32>
      %swap3A_184 = vector.shape_cast %shift_right_logical3A_180 : vector<16xi32> to vector<16xi32>
      tpu.vector_store %arg10[%swap3A_181], %swap3A_184 {strides = array<i32>} : memref<96xi32, #tpu.memory_space<vmem>>, vector<16xi32>,
      %mul3A_185 = arith.constant 96 : i32
      %mul3A_186 = arith.muli %add3A_141, %mul3A_185 : i32
      %add3A_187 = arith.constant 48 : i32
      %add3A_188 = arith.addi %mul3A_186, %add3A_187 : i32
      %get3A_189 = arith.index_cast %add3A_188 : i32 to index
      %get3A_190 = tpu.vector_load %arg6[%get3A_189] {strides = array<i32>} : memref<10080xi32, #tpu.memory_space<vmem>>, vector<16xi32>,
      %get3A_191 = vector.shape_cast %get3A_190 : vector<16xi32> to vector<16xi32>
      %shift_right_logical3A_192 = arith.constant 14 : i32
      %shift_right_logical3A_193 = vector.broadcast %shift_right_logical3A_192 : i32 to vector<16xi32>
      %shift_right_logical3A_194 = arith.shrui %get3A_191, %shift_right_logical3A_193 : vector<16xi32>
      %swap3A_195 = arith.constant 48 : index
      %swap3A_196 = tpu.vector_load %arg10[%swap3A_195] {strides = array<i32>} : memref<96xi32, #tpu.memory_space<vmem>>, vector<16xi32>,
      %swap3A_197 = vector.shape_cast %swap3A_196 : vector<16xi32> to vector<16xi32>
      %swap3A_198 = vector.shape_cast %shift_right_logical3A_194 : vector<16xi32> to vector<16xi32>
      tpu.vector_store %arg10[%swap3A_195], %swap3A_198 {strides = array<i32>} : memref<96xi32, #tpu.memory_space<vmem>>, vector<16xi32>,
      %mul3A_199 = arith.constant 96 : i32
      %mul3A_200 = arith.muli %add3A_141, %mul3A_199 : i32
      %add3A_201 = arith.constant 64 : i32
      %add3A_202 = arith.addi %mul3A_200, %add3A_201 : i32
      %get3A_203 = arith.index_cast %add3A_202 : i32 to index
      %get3A_204 = tpu.vector_load %arg6[%get3A_203] {strides = array<i32>} : memref<10080xi32, #tpu.memory_space<vmem>>, vector<16xi32>,
      %get3A_205 = vector.shape_cast %get3A_204 : vector<16xi32> to vector<16xi32>
      %shift_right_logical3A_206 = arith.constant 14 : i32
      %shift_right_logical3A_207 = vector.broadcast %shift_right_logical3A_206 : i32 to vector<16xi32>
      %shift_right_logical3A_208 = arith.shrui %get3A_205, %shift_right_logical3A_207 : vector<16xi32>
      %swap3A_209 = arith.constant 64 : index
      %swap3A_210 = tpu.vector_load %arg10[%swap3A_209] {strides = array<i32>} : memref<96xi32, #tpu.memory_space<vmem>>, vector<16xi32>,
      %swap3A_211 = vector.shape_cast %swap3A_210 : vector<16xi32> to vector<16xi32>
      %swap3A_212 = vector.shape_cast %shift_right_logical3A_208 : vector<16xi32> to vector<16xi32>
      tpu.vector_store %arg10[%swap3A_209], %swap3A_212 {strides = array<i32>} : memref<96xi32, #tpu.memory_space<vmem>>, vector<16xi32>,
      %mul3A_213 = arith.constant 96 : i32
      %mul3A_214 = arith.muli %add3A_141, %mul3A_213 : i32
      %add3A_215 = arith.constant 80 : i32
      %add3A_216 = arith.addi %mul3A_214, %add3A_215 : i32
      %get3A_217 = arith.index_cast %add3A_216 : i32 to index
      %get3A_218 = tpu.vector_load %arg6[%get3A_217] {strides = array<i32>} : memref<10080xi32, #tpu.memory_space<vmem>>, vector<16xi32>,
      %get3A_219 = vector.shape_cast %get3A_218 : vector<16xi32> to vector<16xi32>
      %shift_right_logical3A_220 = arith.constant 14 : i32
      %shift_right_logical3A_221 = vector.broadcast %shift_right_logical3A_220 : i32 to vector<16xi32>
      %shift_right_logical3A_222 = arith.shrui %get3A_219, %shift_right_logical3A_221 : vector<16xi32>
      %swap3A_223 = arith.constant 80 : index
      %swap3A_224 = tpu.vector_load %arg10[%swap3A_223] {strides = array<i32>} : memref<96xi32, #tpu.memory_space<vmem>>, vector<16xi32>,
      %swap3A_225 = vector.shape_cast %swap3A_224 : vector<16xi32> to vector<16xi32>
      %swap3A_226 = vector.shape_cast %shift_right_logical3A_222 : vector<16xi32> to vector<16xi32>
      tpu.vector_store %arg10[%swap3A_223], %swap3A_226 {strides = array<i32>} : memref<96xi32, #tpu.memory_space<vmem>>, vector<16xi32>,
      "tpu.region"() ({
        %run_scoped3A = tpu.sem_alloc : memref<!tpu.dma_semaphore, #tpu.memory_space<semaphore_mem>>
        %dma_start3A_423 = arith.constant 0 : i32
        %dma_start3A_424 = arith.constant 0 : i32
        %dma_start3A_425 = tpu.memref_slice %arg16[%dma_start3A_423, %dma_start3A_424] : memref<10112x128xf32, #tpu.memory_space<vmem_shared>> -> memref<10112x128xf32, #tpu.memory_space<vmem_shared>>
        tpu.enqueue_indirect_dma source(%arg13 : memref<96x128xf32, #tpu.memory_space<vmem>>) target(%dma_start3A_425 : memref<10112x128xf32, #tpu.memory_space<vmem_shared>>) offsets(%arg10 : memref<96xi32, #tpu.memory_space<vmem>>) semaphore(%run_scoped3A : memref<!tpu.dma_semaphore, #tpu.memory_space<semaphore_mem>>) {add = true}
        %dma_wait3A_426 = arith.constant 0 : i32
        %dma_wait3A_427 = arith.constant 0 : i32
        %dma_wait3A_428 = tpu.memref_slice %arg16[%dma_wait3A_426, %dma_wait3A_427] : memref<10112x128xf32, #tpu.memory_space<vmem_shared>> -> memref<10112x128xf32, #tpu.memory_space<vmem_shared>>
        tpu.wait_indirect_dma semaphore(%run_scoped3A : memref<!tpu.dma_semaphore, #tpu.memory_space<semaphore_mem>>) src(%arg13 : memref<96x128xf32, #tpu.memory_space<vmem>>) dst(%dma_wait3A_428 : memref<10112x128xf32, #tpu.memory_space<vmem_shared>>)
        tpu.yield
      }) : () -> ()
      %add3A_227 = arith.constant 2 : i32
      %add3A_228 = arith.addi %add3A_141, %add3A_227 : i32
      %lt3A = arith.constant 105 : i32
      %lt3A_229 = arith.cmpi slt, %add3A_228, %lt3A : i32
      %convert_element_type3A = arith.extui %lt3A_229 : i1 to i32
      %cond3A = arith.constant 0 : i32
      %cond3A_230 = arith.cmpi ne, %convert_element_type3A, %cond3A : i32
      scf.if %cond3A_230 {
        %add3A_423 = arith.constant 2 : i32
        %add3A_424 = arith.addi %add3A_141, %add3A_423 : i32
        %mul3A_425 = arith.constant 96 : i32
        %mul3A_426 = arith.muli %add3A_424, %mul3A_425 : i32
        %add3A_427 = arith.constant 0 : i32
        %add3A_428 = arith.addi %mul3A_426, %add3A_427 : i32
        %get3A_429 = arith.index_cast %add3A_428 : i32 to index
        %get3A_430 = tpu.vector_load %arg6[%get3A_429] {strides = array<i32>} : memref<10080xi32, #tpu.memory_space<vmem>>, vector<16xi32>,
        %get3A_431 = vector.shape_cast %get3A_430 : vector<16xi32> to vector<16xi32>
        %and3A_432 = arith.constant 16383 : i32
        %and3A_433 = vector.broadcast %and3A_432 : i32 to vector<16xi32>
        %and3A_434 = arith.andi %get3A_431, %and3A_433 : vector<16xi32>
        %swap3A_435 = arith.constant 0 : index
        %swap3A_436 = tpu.vector_load %arg9[%swap3A_435] {strides = array<i32>} : memref<96xi32, #tpu.memory_space<vmem>>, vector<16xi32>,
        %swap3A_437 = vector.shape_cast %swap3A_436 : vector<16xi32> to vector<16xi32>
        %swap3A_438 = vector.shape_cast %and3A_434 : vector<16xi32> to vector<16xi32>
        tpu.vector_store %arg9[%swap3A_435], %swap3A_438 {strides = array<i32>} : memref<96xi32, #tpu.memory_space<vmem>>, vector<16xi32>,
        %mul3A_439 = arith.constant 96 : i32
        %mul3A_440 = arith.muli %add3A_424, %mul3A_439 : i32
        %add3A_441 = arith.constant 16 : i32
        %add3A_442 = arith.addi %mul3A_440, %add3A_441 : i32
        %get3A_443 = arith.index_cast %add3A_442 : i32 to index
        %get3A_444 = tpu.vector_load %arg6[%get3A_443] {strides = array<i32>} : memref<10080xi32, #tpu.memory_space<vmem>>, vector<16xi32>,
        %get3A_445 = vector.shape_cast %get3A_444 : vector<16xi32> to vector<16xi32>
        %and3A_446 = arith.constant 16383 : i32
        %and3A_447 = vector.broadcast %and3A_446 : i32 to vector<16xi32>
        %and3A_448 = arith.andi %get3A_445, %and3A_447 : vector<16xi32>
        %swap3A_449 = arith.constant 16 : index
        %swap3A_450 = tpu.vector_load %arg9[%swap3A_449] {strides = array<i32>} : memref<96xi32, #tpu.memory_space<vmem>>, vector<16xi32>,
        %swap3A_451 = vector.shape_cast %swap3A_450 : vector<16xi32> to vector<16xi32>
        %swap3A_452 = vector.shape_cast %and3A_448 : vector<16xi32> to vector<16xi32>
        tpu.vector_store %arg9[%swap3A_449], %swap3A_452 {strides = array<i32>} : memref<96xi32, #tpu.memory_space<vmem>>, vector<16xi32>,
        %mul3A_453 = arith.constant 96 : i32
        %mul3A_454 = arith.muli %add3A_424, %mul3A_453 : i32
        %add3A_455 = arith.constant 32 : i32
        %add3A_456 = arith.addi %mul3A_454, %add3A_455 : i32
        %get3A_457 = arith.index_cast %add3A_456 : i32 to index
        %get3A_458 = tpu.vector_load %arg6[%get3A_457] {strides = array<i32>} : memref<10080xi32, #tpu.memory_space<vmem>>, vector<16xi32>,
        %get3A_459 = vector.shape_cast %get3A_458 : vector<16xi32> to vector<16xi32>
        %and3A_460 = arith.constant 16383 : i32
        %and3A_461 = vector.broadcast %and3A_460 : i32 to vector<16xi32>
        %and3A_462 = arith.andi %get3A_459, %and3A_461 : vector<16xi32>
        %swap3A_463 = arith.constant 32 : index
        %swap3A_464 = tpu.vector_load %arg9[%swap3A_463] {strides = array<i32>} : memref<96xi32, #tpu.memory_space<vmem>>, vector<16xi32>,
        %swap3A_465 = vector.shape_cast %swap3A_464 : vector<16xi32> to vector<16xi32>
        %swap3A_466 = vector.shape_cast %and3A_462 : vector<16xi32> to vector<16xi32>
        tpu.vector_store %arg9[%swap3A_463], %swap3A_466 {strides = array<i32>} : memref<96xi32, #tpu.memory_space<vmem>>, vector<16xi32>,
        %mul3A_467 = arith.constant 96 : i32
        %mul3A_468 = arith.muli %add3A_424, %mul3A_467 : i32
        %add3A_469 = arith.constant 48 : i32
        %add3A_470 = arith.addi %mul3A_468, %add3A_469 : i32
        %get3A_471 = arith.index_cast %add3A_470 : i32 to index
        %get3A_472 = tpu.vector_load %arg6[%get3A_471] {strides = array<i32>} : memref<10080xi32, #tpu.memory_space<vmem>>, vector<16xi32>,
        %get3A_473 = vector.shape_cast %get3A_472 : vector<16xi32> to vector<16xi32>
        %and3A_474 = arith.constant 16383 : i32
        %and3A_475 = vector.broadcast %and3A_474 : i32 to vector<16xi32>
        %and3A_476 = arith.andi %get3A_473, %and3A_475 : vector<16xi32>
        %swap3A_477 = arith.constant 48 : index
        %swap3A_478 = tpu.vector_load %arg9[%swap3A_477] {strides = array<i32>} : memref<96xi32, #tpu.memory_space<vmem>>, vector<16xi32>,
        %swap3A_479 = vector.shape_cast %swap3A_478 : vector<16xi32> to vector<16xi32>
        %swap3A_480 = vector.shape_cast %and3A_476 : vector<16xi32> to vector<16xi32>
        tpu.vector_store %arg9[%swap3A_477], %swap3A_480 {strides = array<i32>} : memref<96xi32, #tpu.memory_space<vmem>>, vector<16xi32>,
        %mul3A_481 = arith.constant 96 : i32
        %mul3A_482 = arith.muli %add3A_424, %mul3A_481 : i32
        %add3A_483 = arith.constant 64 : i32
        %add3A_484 = arith.addi %mul3A_482, %add3A_483 : i32
        %get3A_485 = arith.index_cast %add3A_484 : i32 to index
        %get3A_486 = tpu.vector_load %arg6[%get3A_485] {strides = array<i32>} : memref<10080xi32, #tpu.memory_space<vmem>>, vector<16xi32>,
        %get3A_487 = vector.shape_cast %get3A_486 : vector<16xi32> to vector<16xi32>
        %and3A_488 = arith.constant 16383 : i32
        %and3A_489 = vector.broadcast %and3A_488 : i32 to vector<16xi32>
        %and3A_490 = arith.andi %get3A_487, %and3A_489 : vector<16xi32>
        %swap3A_491 = arith.constant 64 : index
        %swap3A_492 = tpu.vector_load %arg9[%swap3A_491] {strides = array<i32>} : memref<96xi32, #tpu.memory_space<vmem>>, vector<16xi32>,
        %swap3A_493 = vector.shape_cast %swap3A_492 : vector<16xi32> to vector<16xi32>
        %swap3A_494 = vector.shape_cast %and3A_490 : vector<16xi32> to vector<16xi32>
        tpu.vector_store %arg9[%swap3A_491], %swap3A_494 {strides = array<i32>} : memref<96xi32, #tpu.memory_space<vmem>>, vector<16xi32>,
        %mul3A_495 = arith.constant 96 : i32
        %mul3A_496 = arith.muli %add3A_424, %mul3A_495 : i32
        %add3A_497 = arith.constant 80 : i32
        %add3A_498 = arith.addi %mul3A_496, %add3A_497 : i32
        %get3A_499 = arith.index_cast %add3A_498 : i32 to index
        %get3A_500 = tpu.vector_load %arg6[%get3A_499] {strides = array<i32>} : memref<10080xi32, #tpu.memory_space<vmem>>, vector<16xi32>,
        %get3A_501 = vector.shape_cast %get3A_500 : vector<16xi32> to vector<16xi32>
        %and3A_502 = arith.constant 16383 : i32
        %and3A_503 = vector.broadcast %and3A_502 : i32 to vector<16xi32>
        %and3A_504 = arith.andi %get3A_501, %and3A_503 : vector<16xi32>
        %swap3A_505 = arith.constant 80 : index
        %swap3A_506 = tpu.vector_load %arg9[%swap3A_505] {strides = array<i32>} : memref<96xi32, #tpu.memory_space<vmem>>, vector<16xi32>,
        %swap3A_507 = vector.shape_cast %swap3A_506 : vector<16xi32> to vector<16xi32>
        %swap3A_508 = vector.shape_cast %and3A_504 : vector<16xi32> to vector<16xi32>
        tpu.vector_store %arg9[%swap3A_505], %swap3A_508 {strides = array<i32>} : memref<96xi32, #tpu.memory_space<vmem>>, vector<16xi32>,
        %dma_start3A_509 = arith.constant 0 : i32
        %dma_start3A_510 = arith.constant 0 : i32
        %dma_start3A_511 = tpu.memref_slice %arg2[%dma_start3A_509, %dma_start3A_510] : memref<10000x128xf32, #tpu.memory_space<hbm>> -> memref<10000x128xf32, #tpu.memory_space<hbm>>
        tpu.enqueue_indirect_dma source(%dma_start3A_511 : memref<10000x128xf32, #tpu.memory_space<hbm>>) target(%arg15 : memref<96x128xf32, #tpu.memory_space<vmem>>) offsets(%arg9 : memref<96xi32, #tpu.memory_space<vmem>>) semaphore(%arg19 : memref<!tpu.dma_semaphore, #tpu.memory_space<semaphore_mem>>)
      } else {
      }
      %add3A_231 = arith.constant 1 : i32
      %add3A_232 = arith.addi %mul3A_139, %add3A_231 : i32
      %dma_wait3A_233 = arith.constant 0 : i32
      %dma_wait3A_234 = arith.constant 0 : i32
      %dma_wait3A_235 = tpu.memref_slice %arg2[%dma_wait3A_233, %dma_wait3A_234] : memref<10000x128xf32, #tpu.memory_space<hbm>> -> memref<10000x128xf32, #tpu.memory_space<hbm>>
      tpu.wait_indirect_dma semaphore(%arg18 : memref<!tpu.dma_semaphore, #tpu.memory_space<semaphore_mem>>) src(%dma_wait3A_235 : memref<10000x128xf32, #tpu.memory_space<hbm>>) dst(%arg14 : memref<96x128xf32, #tpu.memory_space<vmem>>)
      %mul3A_236 = arith.constant 96 : i32
      %mul3A_237 = arith.muli %add3A_232, %mul3A_236 : i32
      %add3A_238 = arith.constant 0 : i32
      %add3A_239 = arith.addi %mul3A_237, %add3A_238 : i32
      %get3A_240 = arith.index_cast %add3A_239 : i32 to index
      %get3A_241 = tpu.vector_load %arg6[%get3A_240] {strides = array<i32>} : memref<10080xi32, #tpu.memory_space<vmem>>, vector<16xi32>,
      %get3A_242 = vector.shape_cast %get3A_241 : vector<16xi32> to vector<16xi32>
      %shift_right_logical3A_243 = arith.constant 14 : i32
      %shift_right_logical3A_244 = vector.broadcast %shift_right_logical3A_243 : i32 to vector<16xi32>
      %shift_right_logical3A_245 = arith.shrui %get3A_242, %shift_right_logical3A_244 : vector<16xi32>
      %swap3A_246 = arith.constant 0 : index
      %swap3A_247 = tpu.vector_load %arg11[%swap3A_246] {strides = array<i32>} : memref<96xi32, #tpu.memory_space<vmem>>, vector<16xi32>,
      %swap3A_248 = vector.shape_cast %swap3A_247 : vector<16xi32> to vector<16xi32>
      %swap3A_249 = vector.shape_cast %shift_right_logical3A_245 : vector<16xi32> to vector<16xi32>
      tpu.vector_store %arg11[%swap3A_246], %swap3A_249 {strides = array<i32>} : memref<96xi32, #tpu.memory_space<vmem>>, vector<16xi32>,
      %mul3A_250 = arith.constant 96 : i32
      %mul3A_251 = arith.muli %add3A_232, %mul3A_250 : i32
      %add3A_252 = arith.constant 16 : i32
      %add3A_253 = arith.addi %mul3A_251, %add3A_252 : i32
      %get3A_254 = arith.index_cast %add3A_253 : i32 to index
      %get3A_255 = tpu.vector_load %arg6[%get3A_254] {strides = array<i32>} : memref<10080xi32, #tpu.memory_space<vmem>>, vector<16xi32>,
      %get3A_256 = vector.shape_cast %get3A_255 : vector<16xi32> to vector<16xi32>
      %shift_right_logical3A_257 = arith.constant 14 : i32
      %shift_right_logical3A_258 = vector.broadcast %shift_right_logical3A_257 : i32 to vector<16xi32>
      %shift_right_logical3A_259 = arith.shrui %get3A_256, %shift_right_logical3A_258 : vector<16xi32>
      %swap3A_260 = arith.constant 16 : index
      %swap3A_261 = tpu.vector_load %arg11[%swap3A_260] {strides = array<i32>} : memref<96xi32, #tpu.memory_space<vmem>>, vector<16xi32>,
      %swap3A_262 = vector.shape_cast %swap3A_261 : vector<16xi32> to vector<16xi32>
      %swap3A_263 = vector.shape_cast %shift_right_logical3A_259 : vector<16xi32> to vector<16xi32>
      tpu.vector_store %arg11[%swap3A_260], %swap3A_263 {strides = array<i32>} : memref<96xi32, #tpu.memory_space<vmem>>, vector<16xi32>,
      %mul3A_264 = arith.constant 96 : i32
      %mul3A_265 = arith.muli %add3A_232, %mul3A_264 : i32
      %add3A_266 = arith.constant 32 : i32
      %add3A_267 = arith.addi %mul3A_265, %add3A_266 : i32
      %get3A_268 = arith.index_cast %add3A_267 : i32 to index
      %get3A_269 = tpu.vector_load %arg6[%get3A_268] {strides = array<i32>} : memref<10080xi32, #tpu.memory_space<vmem>>, vector<16xi32>,
      %get3A_270 = vector.shape_cast %get3A_269 : vector<16xi32> to vector<16xi32>
      %shift_right_logical3A_271 = arith.constant 14 : i32
      %shift_right_logical3A_272 = vector.broadcast %shift_right_logical3A_271 : i32 to vector<16xi32>
      %shift_right_logical3A_273 = arith.shrui %get3A_270, %shift_right_logical3A_272 : vector<16xi32>
      %swap3A_274 = arith.constant 32 : index
      %swap3A_275 = tpu.vector_load %arg11[%swap3A_274] {strides = array<i32>} : memref<96xi32, #tpu.memory_space<vmem>>, vector<16xi32>,
      %swap3A_276 = vector.shape_cast %swap3A_275 : vector<16xi32> to vector<16xi32>
      %swap3A_277 = vector.shape_cast %shift_right_logical3A_273 : vector<16xi32> to vector<16xi32>
      tpu.vector_store %arg11[%swap3A_274], %swap3A_277 {strides = array<i32>} : memref<96xi32, #tpu.memory_space<vmem>>, vector<16xi32>,
      %mul3A_278 = arith.constant 96 : i32
      %mul3A_279 = arith.muli %add3A_232, %mul3A_278 : i32
      %add3A_280 = arith.constant 48 : i32
      %add3A_281 = arith.addi %mul3A_279, %add3A_280 : i32
      %get3A_282 = arith.index_cast %add3A_281 : i32 to index
      %get3A_283 = tpu.vector_load %arg6[%get3A_282] {strides = array<i32>} : memref<10080xi32, #tpu.memory_space<vmem>>, vector<16xi32>,
      %get3A_284 = vector.shape_cast %get3A_283 : vector<16xi32> to vector<16xi32>
      %shift_right_logical3A_285 = arith.constant 14 : i32
      %shift_right_logical3A_286 = vector.broadcast %shift_right_logical3A_285 : i32 to vector<16xi32>
      %shift_right_logical3A_287 = arith.shrui %get3A_284, %shift_right_logical3A_286 : vector<16xi32>
      %swap3A_288 = arith.constant 48 : index
      %swap3A_289 = tpu.vector_load %arg11[%swap3A_288] {strides = array<i32>} : memref<96xi32, #tpu.memory_space<vmem>>, vector<16xi32>,
      %swap3A_290 = vector.shape_cast %swap3A_289 : vector<16xi32> to vector<16xi32>
      %swap3A_291 = vector.shape_cast %shift_right_logical3A_287 : vector<16xi32> to vector<16xi32>
      tpu.vector_store %arg11[%swap3A_288], %swap3A_291 {strides = array<i32>} : memref<96xi32, #tpu.memory_space<vmem>>, vector<16xi32>,
      %mul3A_292 = arith.constant 96 : i32
      %mul3A_293 = arith.muli %add3A_232, %mul3A_292 : i32
      %add3A_294 = arith.constant 64 : i32
      %add3A_295 = arith.addi %mul3A_293, %add3A_294 : i32
      %get3A_296 = arith.index_cast %add3A_295 : i32 to index
      %get3A_297 = tpu.vector_load %arg6[%get3A_296] {strides = array<i32>} : memref<10080xi32, #tpu.memory_space<vmem>>, vector<16xi32>,
      %get3A_298 = vector.shape_cast %get3A_297 : vector<16xi32> to vector<16xi32>
      %shift_right_logical3A_299 = arith.constant 14 : i32
      %shift_right_logical3A_300 = vector.broadcast %shift_right_logical3A_299 : i32 to vector<16xi32>
      %shift_right_logical3A_301 = arith.shrui %get3A_298, %shift_right_logical3A_300 : vector<16xi32>
      %swap3A_302 = arith.constant 64 : index
      %swap3A_303 = tpu.vector_load %arg11[%swap3A_302] {strides = array<i32>} : memref<96xi32, #tpu.memory_space<vmem>>, vector<16xi32>,
      %swap3A_304 = vector.shape_cast %swap3A_303 : vector<16xi32> to vector<16xi32>
      %swap3A_305 = vector.shape_cast %shift_right_logical3A_301 : vector<16xi32> to vector<16xi32>
      tpu.vector_store %arg11[%swap3A_302], %swap3A_305 {strides = array<i32>} : memref<96xi32, #tpu.memory_space<vmem>>, vector<16xi32>,
      %mul3A_306 = arith.constant 96 : i32
      %mul3A_307 = arith.muli %add3A_232, %mul3A_306 : i32
      %add3A_308 = arith.constant 80 : i32
      %add3A_309 = arith.addi %mul3A_307, %add3A_308 : i32
      %get3A_310 = arith.index_cast %add3A_309 : i32 to index
      %get3A_311 = tpu.vector_load %arg6[%get3A_310] {strides = array<i32>} : memref<10080xi32, #tpu.memory_space<vmem>>, vector<16xi32>,
      %get3A_312 = vector.shape_cast %get3A_311 : vector<16xi32> to vector<16xi32>
      %shift_right_logical3A_313 = arith.constant 14 : i32
      %shift_right_logical3A_314 = vector.broadcast %shift_right_logical3A_313 : i32 to vector<16xi32>
      %shift_right_logical3A_315 = arith.shrui %get3A_312, %shift_right_logical3A_314 : vector<16xi32>
      %swap3A_316 = arith.constant 80 : index
      %swap3A_317 = tpu.vector_load %arg11[%swap3A_316] {strides = array<i32>} : memref<96xi32, #tpu.memory_space<vmem>>, vector<16xi32>,
      %swap3A_318 = vector.shape_cast %swap3A_317 : vector<16xi32> to vector<16xi32>
      %swap3A_319 = vector.shape_cast %shift_right_logical3A_315 : vector<16xi32> to vector<16xi32>
      tpu.vector_store %arg11[%swap3A_316], %swap3A_319 {strides = array<i32>} : memref<96xi32, #tpu.memory_space<vmem>>, vector<16xi32>,
      "tpu.region"() ({
        %run_scoped3A = tpu.sem_alloc : memref<!tpu.dma_semaphore, #tpu.memory_space<semaphore_mem>>
        %dma_start3A_423 = arith.constant 0 : i32
        %dma_start3A_424 = arith.constant 0 : i32
        %dma_start3A_425 = tpu.memref_slice %arg16[%dma_start3A_423, %dma_start3A_424] : memref<10112x128xf32, #tpu.memory_space<vmem_shared>> -> memref<10112x128xf32, #tpu.memory_space<vmem_shared>>
        tpu.enqueue_indirect_dma source(%arg14 : memref<96x128xf32, #tpu.memory_space<vmem>>) target(%dma_start3A_425 : memref<10112x128xf32, #tpu.memory_space<vmem_shared>>) offsets(%arg11 : memref<96xi32, #tpu.memory_space<vmem>>) semaphore(%run_scoped3A : memref<!tpu.dma_semaphore, #tpu.memory_space<semaphore_mem>>) {add = true}
        %dma_wait3A_426 = arith.constant 0 : i32
        %dma_wait3A_427 = arith.constant 0 : i32
        %dma_wait3A_428 = tpu.memref_slice %arg16[%dma_wait3A_426, %dma_wait3A_427] : memref<10112x128xf32, #tpu.memory_space<vmem_shared>> -> memref<10112x128xf32, #tpu.memory_space<vmem_shared>>
        tpu.wait_indirect_dma semaphore(%run_scoped3A : memref<!tpu.dma_semaphore, #tpu.memory_space<semaphore_mem>>) src(%arg14 : memref<96x128xf32, #tpu.memory_space<vmem>>) dst(%dma_wait3A_428 : memref<10112x128xf32, #tpu.memory_space<vmem_shared>>)
        tpu.yield
      }) : () -> ()
      %add3A_320 = arith.constant 2 : i32
      %add3A_321 = arith.addi %add3A_232, %add3A_320 : i32
      %lt3A_322 = arith.constant 105 : i32
      %lt3A_323 = arith.cmpi slt, %add3A_321, %lt3A_322 : i32
      %convert_element_type3A_324 = arith.extui %lt3A_323 : i1 to i32
      %cond3A_325 = arith.constant 0 : i32
      %cond3A_326 = arith.cmpi ne, %convert_element_type3A_324, %cond3A_325 : i32
      scf.if %cond3A_326 {
        %add3A_423 = arith.constant 2 : i32
        %add3A_424 = arith.addi %add3A_232, %add3A_423 : i32
        %mul3A_425 = arith.constant 96 : i32
        %mul3A_426 = arith.muli %add3A_424, %mul3A_425 : i32
        %add3A_427 = arith.constant 0 : i32
        %add3A_428 = arith.addi %mul3A_426, %add3A_427 : i32
        %get3A_429 = arith.index_cast %add3A_428 : i32 to index
        %get3A_430 = tpu.vector_load %arg6[%get3A_429] {strides = array<i32>} : memref<10080xi32, #tpu.memory_space<vmem>>, vector<16xi32>,
        %get3A_431 = vector.shape_cast %get3A_430 : vector<16xi32> to vector<16xi32>
        %and3A_432 = arith.constant 16383 : i32
        %and3A_433 = vector.broadcast %and3A_432 : i32 to vector<16xi32>
        %and3A_434 = arith.andi %get3A_431, %and3A_433 : vector<16xi32>
        %swap3A_435 = arith.constant 0 : index
        %swap3A_436 = tpu.vector_load %arg7[%swap3A_435] {strides = array<i32>} : memref<96xi32, #tpu.memory_space<vmem>>, vector<16xi32>,
        %swap3A_437 = vector.shape_cast %swap3A_436 : vector<16xi32> to vector<16xi32>
        %swap3A_438 = vector.shape_cast %and3A_434 : vector<16xi32> to vector<16xi32>
        tpu.vector_store %arg7[%swap3A_435], %swap3A_438 {strides = array<i32>} : memref<96xi32, #tpu.memory_space<vmem>>, vector<16xi32>,
        %mul3A_439 = arith.constant 96 : i32
        %mul3A_440 = arith.muli %add3A_424, %mul3A_439 : i32
        %add3A_441 = arith.constant 16 : i32
        %add3A_442 = arith.addi %mul3A_440, %add3A_441 : i32
        %get3A_443 = arith.index_cast %add3A_442 : i32 to index
        %get3A_444 = tpu.vector_load %arg6[%get3A_443] {strides = array<i32>} : memref<10080xi32, #tpu.memory_space<vmem>>, vector<16xi32>,
        %get3A_445 = vector.shape_cast %get3A_444 : vector<16xi32> to vector<16xi32>
        %and3A_446 = arith.constant 16383 : i32
        %and3A_447 = vector.broadcast %and3A_446 : i32 to vector<16xi32>
        %and3A_448 = arith.andi %get3A_445, %and3A_447 : vector<16xi32>
        %swap3A_449 = arith.constant 16 : index
        %swap3A_450 = tpu.vector_load %arg7[%swap3A_449] {strides = array<i32>} : memref<96xi32, #tpu.memory_space<vmem>>, vector<16xi32>,
        %swap3A_451 = vector.shape_cast %swap3A_450 : vector<16xi32> to vector<16xi32>
        %swap3A_452 = vector.shape_cast %and3A_448 : vector<16xi32> to vector<16xi32>
        tpu.vector_store %arg7[%swap3A_449], %swap3A_452 {strides = array<i32>} : memref<96xi32, #tpu.memory_space<vmem>>, vector<16xi32>,
        %mul3A_453 = arith.constant 96 : i32
        %mul3A_454 = arith.muli %add3A_424, %mul3A_453 : i32
        %add3A_455 = arith.constant 32 : i32
        %add3A_456 = arith.addi %mul3A_454, %add3A_455 : i32
        %get3A_457 = arith.index_cast %add3A_456 : i32 to index
        %get3A_458 = tpu.vector_load %arg6[%get3A_457] {strides = array<i32>} : memref<10080xi32, #tpu.memory_space<vmem>>, vector<16xi32>,
        %get3A_459 = vector.shape_cast %get3A_458 : vector<16xi32> to vector<16xi32>
        %and3A_460 = arith.constant 16383 : i32
        %and3A_461 = vector.broadcast %and3A_460 : i32 to vector<16xi32>
        %and3A_462 = arith.andi %get3A_459, %and3A_461 : vector<16xi32>
        %swap3A_463 = arith.constant 32 : index
        %swap3A_464 = tpu.vector_load %arg7[%swap3A_463] {strides = array<i32>} : memref<96xi32, #tpu.memory_space<vmem>>, vector<16xi32>,
        %swap3A_465 = vector.shape_cast %swap3A_464 : vector<16xi32> to vector<16xi32>
        %swap3A_466 = vector.shape_cast %and3A_462 : vector<16xi32> to vector<16xi32>
        tpu.vector_store %arg7[%swap3A_463], %swap3A_466 {strides = array<i32>} : memref<96xi32, #tpu.memory_space<vmem>>, vector<16xi32>,
        %mul3A_467 = arith.constant 96 : i32
        %mul3A_468 = arith.muli %add3A_424, %mul3A_467 : i32
        %add3A_469 = arith.constant 48 : i32
        %add3A_470 = arith.addi %mul3A_468, %add3A_469 : i32
        %get3A_471 = arith.index_cast %add3A_470 : i32 to index
        %get3A_472 = tpu.vector_load %arg6[%get3A_471] {strides = array<i32>} : memref<10080xi32, #tpu.memory_space<vmem>>, vector<16xi32>,
        %get3A_473 = vector.shape_cast %get3A_472 : vector<16xi32> to vector<16xi32>
        %and3A_474 = arith.constant 16383 : i32
        %and3A_475 = vector.broadcast %and3A_474 : i32 to vector<16xi32>
        %and3A_476 = arith.andi %get3A_473, %and3A_475 : vector<16xi32>
        %swap3A_477 = arith.constant 48 : index
        %swap3A_478 = tpu.vector_load %arg7[%swap3A_477] {strides = array<i32>} : memref<96xi32, #tpu.memory_space<vmem>>, vector<16xi32>,
        %swap3A_479 = vector.shape_cast %swap3A_478 : vector<16xi32> to vector<16xi32>
        %swap3A_480 = vector.shape_cast %and3A_476 : vector<16xi32> to vector<16xi32>
        tpu.vector_store %arg7[%swap3A_477], %swap3A_480 {strides = array<i32>} : memref<96xi32, #tpu.memory_space<vmem>>, vector<16xi32>,
        %mul3A_481 = arith.constant 96 : i32
        %mul3A_482 = arith.muli %add3A_424, %mul3A_481 : i32
        %add3A_483 = arith.constant 64 : i32
        %add3A_484 = arith.addi %mul3A_482, %add3A_483 : i32
        %get3A_485 = arith.index_cast %add3A_484 : i32 to index
        %get3A_486 = tpu.vector_load %arg6[%get3A_485] {strides = array<i32>} : memref<10080xi32, #tpu.memory_space<vmem>>, vector<16xi32>,
        %get3A_487 = vector.shape_cast %get3A_486 : vector<16xi32> to vector<16xi32>
        %and3A_488 = arith.constant 16383 : i32
        %and3A_489 = vector.broadcast %and3A_488 : i32 to vector<16xi32>
        %and3A_490 = arith.andi %get3A_487, %and3A_489 : vector<16xi32>
        %swap3A_491 = arith.constant 64 : index
        %swap3A_492 = tpu.vector_load %arg7[%swap3A_491] {strides = array<i32>} : memref<96xi32, #tpu.memory_space<vmem>>, vector<16xi32>,
        %swap3A_493 = vector.shape_cast %swap3A_492 : vector<16xi32> to vector<16xi32>
        %swap3A_494 = vector.shape_cast %and3A_490 : vector<16xi32> to vector<16xi32>
        tpu.vector_store %arg7[%swap3A_491], %swap3A_494 {strides = array<i32>} : memref<96xi32, #tpu.memory_space<vmem>>, vector<16xi32>,
        %mul3A_495 = arith.constant 96 : i32
        %mul3A_496 = arith.muli %add3A_424, %mul3A_495 : i32
        %add3A_497 = arith.constant 80 : i32
        %add3A_498 = arith.addi %mul3A_496, %add3A_497 : i32
        %get3A_499 = arith.index_cast %add3A_498 : i32 to index
        %get3A_500 = tpu.vector_load %arg6[%get3A_499] {strides = array<i32>} : memref<10080xi32, #tpu.memory_space<vmem>>, vector<16xi32>,
        %get3A_501 = vector.shape_cast %get3A_500 : vector<16xi32> to vector<16xi32>
        %and3A_502 = arith.constant 16383 : i32
        %and3A_503 = vector.broadcast %and3A_502 : i32 to vector<16xi32>
        %and3A_504 = arith.andi %get3A_501, %and3A_503 : vector<16xi32>
        %swap3A_505 = arith.constant 80 : index
        %swap3A_506 = tpu.vector_load %arg7[%swap3A_505] {strides = array<i32>} : memref<96xi32, #tpu.memory_space<vmem>>, vector<16xi32>,
        %swap3A_507 = vector.shape_cast %swap3A_506 : vector<16xi32> to vector<16xi32>
        %swap3A_508 = vector.shape_cast %and3A_504 : vector<16xi32> to vector<16xi32>
        tpu.vector_store %arg7[%swap3A_505], %swap3A_508 {strides = array<i32>} : memref<96xi32, #tpu.memory_space<vmem>>, vector<16xi32>,
        %dma_start3A_509 = arith.constant 0 : i32
        %dma_start3A_510 = arith.constant 0 : i32
        %dma_start3A_511 = tpu.memref_slice %arg2[%dma_start3A_509, %dma_start3A_510] : memref<10000x128xf32, #tpu.memory_space<hbm>> -> memref<10000x128xf32, #tpu.memory_space<hbm>>
        tpu.enqueue_indirect_dma source(%dma_start3A_511 : memref<10000x128xf32, #tpu.memory_space<hbm>>) target(%arg13 : memref<96x128xf32, #tpu.memory_space<vmem>>) offsets(%arg7 : memref<96xi32, #tpu.memory_space<vmem>>) semaphore(%arg17 : memref<!tpu.dma_semaphore, #tpu.memory_space<semaphore_mem>>)
      } else {
      }
      %add3A_327 = arith.constant 2 : i32
      %add3A_328 = arith.addi %mul3A_139, %add3A_327 : i32
      %dma_wait3A_329 = arith.constant 0 : i32
      %dma_wait3A_330 = arith.constant 0 : i32
      %dma_wait3A_331 = tpu.memref_slice %arg2[%dma_wait3A_329, %dma_wait3A_330] : memref<10000x128xf32, #tpu.memory_space<hbm>> -> memref<10000x128xf32, #tpu.memory_space<hbm>>
      tpu.wait_indirect_dma semaphore(%arg19 : memref<!tpu.dma_semaphore, #tpu.memory_space<semaphore_mem>>) src(%dma_wait3A_331 : memref<10000x128xf32, #tpu.memory_space<hbm>>) dst(%arg15 : memref<96x128xf32, #tpu.memory_space<vmem>>)
      %mul3A_332 = arith.constant 96 : i32
      %mul3A_333 = arith.muli %add3A_328, %mul3A_332 : i32
      %add3A_334 = arith.constant 0 : i32
      %add3A_335 = arith.addi %mul3A_333, %add3A_334 : i32
      %get3A_336 = arith.index_cast %add3A_335 : i32 to index
      %get3A_337 = tpu.vector_load %arg6[%get3A_336] {strides = array<i32>} : memref<10080xi32, #tpu.memory_space<vmem>>, vector<16xi32>,
      %get3A_338 = vector.shape_cast %get3A_337 : vector<16xi32> to vector<16xi32>
      %shift_right_logical3A_339 = arith.constant 14 : i32
      %shift_right_logical3A_340 = vector.broadcast %shift_right_logical3A_339 : i32 to vector<16xi32>
      %shift_right_logical3A_341 = arith.shrui %get3A_338, %shift_right_logical3A_340 : vector<16xi32>
      %swap3A_342 = arith.constant 0 : index
      %swap3A_343 = tpu.vector_load %arg12[%swap3A_342] {strides = array<i32>} : memref<96xi32, #tpu.memory_space<vmem>>, vector<16xi32>,
      %swap3A_344 = vector.shape_cast %swap3A_343 : vector<16xi32> to vector<16xi32>
      %swap3A_345 = vector.shape_cast %shift_right_logical3A_341 : vector<16xi32> to vector<16xi32>
      tpu.vector_store %arg12[%swap3A_342], %swap3A_345 {strides = array<i32>} : memref<96xi32, #tpu.memory_space<vmem>>, vector<16xi32>,
      %mul3A_346 = arith.constant 96 : i32
      %mul3A_347 = arith.muli %add3A_328, %mul3A_346 : i32
      %add3A_348 = arith.constant 16 : i32
      %add3A_349 = arith.addi %mul3A_347, %add3A_348 : i32
      %get3A_350 = arith.index_cast %add3A_349 : i32 to index
      %get3A_351 = tpu.vector_load %arg6[%get3A_350] {strides = array<i32>} : memref<10080xi32, #tpu.memory_space<vmem>>, vector<16xi32>,
      %get3A_352 = vector.shape_cast %get3A_351 : vector<16xi32> to vector<16xi32>
      %shift_right_logical3A_353 = arith.constant 14 : i32
      %shift_right_logical3A_354 = vector.broadcast %shift_right_logical3A_353 : i32 to vector<16xi32>
      %shift_right_logical3A_355 = arith.shrui %get3A_352, %shift_right_logical3A_354 : vector<16xi32>
      %swap3A_356 = arith.constant 16 : index
      %swap3A_357 = tpu.vector_load %arg12[%swap3A_356] {strides = array<i32>} : memref<96xi32, #tpu.memory_space<vmem>>, vector<16xi32>,
      %swap3A_358 = vector.shape_cast %swap3A_357 : vector<16xi32> to vector<16xi32>
      %swap3A_359 = vector.shape_cast %shift_right_logical3A_355 : vector<16xi32> to vector<16xi32>
      tpu.vector_store %arg12[%swap3A_356], %swap3A_359 {strides = array<i32>} : memref<96xi32, #tpu.memory_space<vmem>>, vector<16xi32>,
      %mul3A_360 = arith.constant 96 : i32
      %mul3A_361 = arith.muli %add3A_328, %mul3A_360 : i32
      %add3A_362 = arith.constant 32 : i32
      %add3A_363 = arith.addi %mul3A_361, %add3A_362 : i32
      %get3A_364 = arith.index_cast %add3A_363 : i32 to index
      %get3A_365 = tpu.vector_load %arg6[%get3A_364] {strides = array<i32>} : memref<10080xi32, #tpu.memory_space<vmem>>, vector<16xi32>,
      %get3A_366 = vector.shape_cast %get3A_365 : vector<16xi32> to vector<16xi32>
      %shift_right_logical3A_367 = arith.constant 14 : i32
      %shift_right_logical3A_368 = vector.broadcast %shift_right_logical3A_367 : i32 to vector<16xi32>
      %shift_right_logical3A_369 = arith.shrui %get3A_366, %shift_right_logical3A_368 : vector<16xi32>
      %swap3A_370 = arith.constant 32 : index
      %swap3A_371 = tpu.vector_load %arg12[%swap3A_370] {strides = array<i32>} : memref<96xi32, #tpu.memory_space<vmem>>, vector<16xi32>,
      %swap3A_372 = vector.shape_cast %swap3A_371 : vector<16xi32> to vector<16xi32>
      %swap3A_373 = vector.shape_cast %shift_right_logical3A_369 : vector<16xi32> to vector<16xi32>
      tpu.vector_store %arg12[%swap3A_370], %swap3A_373 {strides = array<i32>} : memref<96xi32, #tpu.memory_space<vmem>>, vector<16xi32>,
      %mul3A_374 = arith.constant 96 : i32
      %mul3A_375 = arith.muli %add3A_328, %mul3A_374 : i32
      %add3A_376 = arith.constant 48 : i32
      %add3A_377 = arith.addi %mul3A_375, %add3A_376 : i32
      %get3A_378 = arith.index_cast %add3A_377 : i32 to index
      %get3A_379 = tpu.vector_load %arg6[%get3A_378] {strides = array<i32>} : memref<10080xi32, #tpu.memory_space<vmem>>, vector<16xi32>,
      %get3A_380 = vector.shape_cast %get3A_379 : vector<16xi32> to vector<16xi32>
      %shift_right_logical3A_381 = arith.constant 14 : i32
      %shift_right_logical3A_382 = vector.broadcast %shift_right_logical3A_381 : i32 to vector<16xi32>
      %shift_right_logical3A_383 = arith.shrui %get3A_380, %shift_right_logical3A_382 : vector<16xi32>
      %swap3A_384 = arith.constant 48 : index
      %swap3A_385 = tpu.vector_load %arg12[%swap3A_384] {strides = array<i32>} : memref<96xi32, #tpu.memory_space<vmem>>, vector<16xi32>,
      %swap3A_386 = vector.shape_cast %swap3A_385 : vector<16xi32> to vector<16xi32>
      %swap3A_387 = vector.shape_cast %shift_right_logical3A_383 : vector<16xi32> to vector<16xi32>
      tpu.vector_store %arg12[%swap3A_384], %swap3A_387 {strides = array<i32>} : memref<96xi32, #tpu.memory_space<vmem>>, vector<16xi32>,
      %mul3A_388 = arith.constant 96 : i32
      %mul3A_389 = arith.muli %add3A_328, %mul3A_388 : i32
      %add3A_390 = arith.constant 64 : i32
      %add3A_391 = arith.addi %mul3A_389, %add3A_390 : i32
      %get3A_392 = arith.index_cast %add3A_391 : i32 to index
      %get3A_393 = tpu.vector_load %arg6[%get3A_392] {strides = array<i32>} : memref<10080xi32, #tpu.memory_space<vmem>>, vector<16xi32>,
      %get3A_394 = vector.shape_cast %get3A_393 : vector<16xi32> to vector<16xi32>
      %shift_right_logical3A_395 = arith.constant 14 : i32
      %shift_right_logical3A_396 = vector.broadcast %shift_right_logical3A_395 : i32 to vector<16xi32>
      %shift_right_logical3A_397 = arith.shrui %get3A_394, %shift_right_logical3A_396 : vector<16xi32>
      %swap3A_398 = arith.constant 64 : index
      %swap3A_399 = tpu.vector_load %arg12[%swap3A_398] {strides = array<i32>} : memref<96xi32, #tpu.memory_space<vmem>>, vector<16xi32>,
      %swap3A_400 = vector.shape_cast %swap3A_399 : vector<16xi32> to vector<16xi32>
      %swap3A_401 = vector.shape_cast %shift_right_logical3A_397 : vector<16xi32> to vector<16xi32>
      tpu.vector_store %arg12[%swap3A_398], %swap3A_401 {strides = array<i32>} : memref<96xi32, #tpu.memory_space<vmem>>, vector<16xi32>,
      %mul3A_402 = arith.constant 96 : i32
      %mul3A_403 = arith.muli %add3A_328, %mul3A_402 : i32
      %add3A_404 = arith.constant 80 : i32
      %add3A_405 = arith.addi %mul3A_403, %add3A_404 : i32
      %get3A_406 = arith.index_cast %add3A_405 : i32 to index
      %get3A_407 = tpu.vector_load %arg6[%get3A_406] {strides = array<i32>} : memref<10080xi32, #tpu.memory_space<vmem>>, vector<16xi32>,
      %get3A_408 = vector.shape_cast %get3A_407 : vector<16xi32> to vector<16xi32>
      %shift_right_logical3A_409 = arith.constant 14 : i32
      %shift_right_logical3A_410 = vector.broadcast %shift_right_logical3A_409 : i32 to vector<16xi32>
      %shift_right_logical3A_411 = arith.shrui %get3A_408, %shift_right_logical3A_410 : vector<16xi32>
      %swap3A_412 = arith.constant 80 : index
      %swap3A_413 = tpu.vector_load %arg12[%swap3A_412] {strides = array<i32>} : memref<96xi32, #tpu.memory_space<vmem>>, vector<16xi32>,
      %swap3A_414 = vector.shape_cast %swap3A_413 : vector<16xi32> to vector<16xi32>
      %swap3A_415 = vector.shape_cast %shift_right_logical3A_411 : vector<16xi32> to vector<16xi32>
      tpu.vector_store %arg12[%swap3A_412], %swap3A_415 {strides = array<i32>} : memref<96xi32, #tpu.memory_space<vmem>>, vector<16xi32>,
      "tpu.region"() ({
        %run_scoped3A = tpu.sem_alloc : memref<!tpu.dma_semaphore, #tpu.memory_space<semaphore_mem>>
        %dma_start3A_423 = arith.constant 0 : i32
        %dma_start3A_424 = arith.constant 0 : i32
        %dma_start3A_425 = tpu.memref_slice %arg16[%dma_start3A_423, %dma_start3A_424] : memref<10112x128xf32, #tpu.memory_space<vmem_shared>> -> memref<10112x128xf32, #tpu.memory_space<vmem_shared>>
        tpu.enqueue_indirect_dma source(%arg15 : memref<96x128xf32, #tpu.memory_space<vmem>>) target(%dma_start3A_425 : memref<10112x128xf32, #tpu.memory_space<vmem_shared>>) offsets(%arg12 : memref<96xi32, #tpu.memory_space<vmem>>) semaphore(%run_scoped3A : memref<!tpu.dma_semaphore, #tpu.memory_space<semaphore_mem>>) {add = true}
        %dma_wait3A_426 = arith.constant 0 : i32
        %dma_wait3A_427 = arith.constant 0 : i32
        %dma_wait3A_428 = tpu.memref_slice %arg16[%dma_wait3A_426, %dma_wait3A_427] : memref<10112x128xf32, #tpu.memory_space<vmem_shared>> -> memref<10112x128xf32, #tpu.memory_space<vmem_shared>>
        tpu.wait_indirect_dma semaphore(%run_scoped3A : memref<!tpu.dma_semaphore, #tpu.memory_space<semaphore_mem>>) src(%arg15 : memref<96x128xf32, #tpu.memory_space<vmem>>) dst(%dma_wait3A_428 : memref<10112x128xf32, #tpu.memory_space<vmem_shared>>)
        tpu.yield
      }) : () -> ()
      %add3A_416 = arith.constant 2 : i32
      %add3A_417 = arith.addi %add3A_328, %add3A_416 : i32
      %lt3A_418 = arith.constant 105 : i32
      %lt3A_419 = arith.cmpi slt, %add3A_417, %lt3A_418 : i32
      %convert_element_type3A_420 = arith.extui %lt3A_419 : i1 to i32
      %cond3A_421 = arith.constant 0 : i32
      %cond3A_422 = arith.cmpi ne, %convert_element_type3A_420, %cond3A_421 : i32
      scf.if %cond3A_422 {
        %add3A_423 = arith.constant 2 : i32
        %add3A_424 = arith.addi %add3A_328, %add3A_423 : i32
        %mul3A_425 = arith.constant 96 : i32
        %mul3A_426 = arith.muli %add3A_424, %mul3A_425 : i32
        %add3A_427 = arith.constant 0 : i32
        %add3A_428 = arith.addi %mul3A_426, %add3A_427 : i32
        %get3A_429 = arith.index_cast %add3A_428 : i32 to index
        %get3A_430 = tpu.vector_load %arg6[%get3A_429] {strides = array<i32>} : memref<10080xi32, #tpu.memory_space<vmem>>, vector<16xi32>,
        %get3A_431 = vector.shape_cast %get3A_430 : vector<16xi32> to vector<16xi32>
        %and3A_432 = arith.constant 16383 : i32
        %and3A_433 = vector.broadcast %and3A_432 : i32 to vector<16xi32>
        %and3A_434 = arith.andi %get3A_431, %and3A_433 : vector<16xi32>
        %swap3A_435 = arith.constant 0 : index
        %swap3A_436 = tpu.vector_load %arg8[%swap3A_435] {strides = array<i32>} : memref<96xi32, #tpu.memory_space<vmem>>, vector<16xi32>,
        %swap3A_437 = vector.shape_cast %swap3A_436 : vector<16xi32> to vector<16xi32>
        %swap3A_438 = vector.shape_cast %and3A_434 : vector<16xi32> to vector<16xi32>
        tpu.vector_store %arg8[%swap3A_435], %swap3A_438 {strides = array<i32>} : memref<96xi32, #tpu.memory_space<vmem>>, vector<16xi32>,
        %mul3A_439 = arith.constant 96 : i32
        %mul3A_440 = arith.muli %add3A_424, %mul3A_439 : i32
        %add3A_441 = arith.constant 16 : i32
        %add3A_442 = arith.addi %mul3A_440, %add3A_441 : i32
        %get3A_443 = arith.index_cast %add3A_442 : i32 to index
        %get3A_444 = tpu.vector_load %arg6[%get3A_443] {strides = array<i32>} : memref<10080xi32, #tpu.memory_space<vmem>>, vector<16xi32>,
        %get3A_445 = vector.shape_cast %get3A_444 : vector<16xi32> to vector<16xi32>
        %and3A_446 = arith.constant 16383 : i32
        %and3A_447 = vector.broadcast %and3A_446 : i32 to vector<16xi32>
        %and3A_448 = arith.andi %get3A_445, %and3A_447 : vector<16xi32>
        %swap3A_449 = arith.constant 16 : index
        %swap3A_450 = tpu.vector_load %arg8[%swap3A_449] {strides = array<i32>} : memref<96xi32, #tpu.memory_space<vmem>>, vector<16xi32>,
        %swap3A_451 = vector.shape_cast %swap3A_450 : vector<16xi32> to vector<16xi32>
        %swap3A_452 = vector.shape_cast %and3A_448 : vector<16xi32> to vector<16xi32>
        tpu.vector_store %arg8[%swap3A_449], %swap3A_452 {strides = array<i32>} : memref<96xi32, #tpu.memory_space<vmem>>, vector<16xi32>,
        %mul3A_453 = arith.constant 96 : i32
        %mul3A_454 = arith.muli %add3A_424, %mul3A_453 : i32
        %add3A_455 = arith.constant 32 : i32
        %add3A_456 = arith.addi %mul3A_454, %add3A_455 : i32
        %get3A_457 = arith.index_cast %add3A_456 : i32 to index
        %get3A_458 = tpu.vector_load %arg6[%get3A_457] {strides = array<i32>} : memref<10080xi32, #tpu.memory_space<vmem>>, vector<16xi32>,
        %get3A_459 = vector.shape_cast %get3A_458 : vector<16xi32> to vector<16xi32>
        %and3A_460 = arith.constant 16383 : i32
        %and3A_461 = vector.broadcast %and3A_460 : i32 to vector<16xi32>
        %and3A_462 = arith.andi %get3A_459, %and3A_461 : vector<16xi32>
        %swap3A_463 = arith.constant 32 : index
        %swap3A_464 = tpu.vector_load %arg8[%swap3A_463] {strides = array<i32>} : memref<96xi32, #tpu.memory_space<vmem>>, vector<16xi32>,
        %swap3A_465 = vector.shape_cast %swap3A_464 : vector<16xi32> to vector<16xi32>
        %swap3A_466 = vector.shape_cast %and3A_462 : vector<16xi32> to vector<16xi32>
        tpu.vector_store %arg8[%swap3A_463], %swap3A_466 {strides = array<i32>} : memref<96xi32, #tpu.memory_space<vmem>>, vector<16xi32>,
        %mul3A_467 = arith.constant 96 : i32
        %mul3A_468 = arith.muli %add3A_424, %mul3A_467 : i32
        %add3A_469 = arith.constant 48 : i32
        %add3A_470 = arith.addi %mul3A_468, %add3A_469 : i32
        %get3A_471 = arith.index_cast %add3A_470 : i32 to index
        %get3A_472 = tpu.vector_load %arg6[%get3A_471] {strides = array<i32>} : memref<10080xi32, #tpu.memory_space<vmem>>, vector<16xi32>,
        %get3A_473 = vector.shape_cast %get3A_472 : vector<16xi32> to vector<16xi32>
        %and3A_474 = arith.constant 16383 : i32
        %and3A_475 = vector.broadcast %and3A_474 : i32 to vector<16xi32>
        %and3A_476 = arith.andi %get3A_473, %and3A_475 : vector<16xi32>
        %swap3A_477 = arith.constant 48 : index
        %swap3A_478 = tpu.vector_load %arg8[%swap3A_477] {strides = array<i32>} : memref<96xi32, #tpu.memory_space<vmem>>, vector<16xi32>,
        %swap3A_479 = vector.shape_cast %swap3A_478 : vector<16xi32> to vector<16xi32>
        %swap3A_480 = vector.shape_cast %and3A_476 : vector<16xi32> to vector<16xi32>
        tpu.vector_store %arg8[%swap3A_477], %swap3A_480 {strides = array<i32>} : memref<96xi32, #tpu.memory_space<vmem>>, vector<16xi32>,
        %mul3A_481 = arith.constant 96 : i32
        %mul3A_482 = arith.muli %add3A_424, %mul3A_481 : i32
        %add3A_483 = arith.constant 64 : i32
        %add3A_484 = arith.addi %mul3A_482, %add3A_483 : i32
        %get3A_485 = arith.index_cast %add3A_484 : i32 to index
        %get3A_486 = tpu.vector_load %arg6[%get3A_485] {strides = array<i32>} : memref<10080xi32, #tpu.memory_space<vmem>>, vector<16xi32>,
        %get3A_487 = vector.shape_cast %get3A_486 : vector<16xi32> to vector<16xi32>
        %and3A_488 = arith.constant 16383 : i32
        %and3A_489 = vector.broadcast %and3A_488 : i32 to vector<16xi32>
        %and3A_490 = arith.andi %get3A_487, %and3A_489 : vector<16xi32>
        %swap3A_491 = arith.constant 64 : index
        %swap3A_492 = tpu.vector_load %arg8[%swap3A_491] {strides = array<i32>} : memref<96xi32, #tpu.memory_space<vmem>>, vector<16xi32>,
        %swap3A_493 = vector.shape_cast %swap3A_492 : vector<16xi32> to vector<16xi32>
        %swap3A_494 = vector.shape_cast %and3A_490 : vector<16xi32> to vector<16xi32>
        tpu.vector_store %arg8[%swap3A_491], %swap3A_494 {strides = array<i32>} : memref<96xi32, #tpu.memory_space<vmem>>, vector<16xi32>,
        %mul3A_495 = arith.constant 96 : i32
        %mul3A_496 = arith.muli %add3A_424, %mul3A_495 : i32
        %add3A_497 = arith.constant 80 : i32
        %add3A_498 = arith.addi %mul3A_496, %add3A_497 : i32
        %get3A_499 = arith.index_cast %add3A_498 : i32 to index
        %get3A_500 = tpu.vector_load %arg6[%get3A_499] {strides = array<i32>} : memref<10080xi32, #tpu.memory_space<vmem>>, vector<16xi32>,
        %get3A_501 = vector.shape_cast %get3A_500 : vector<16xi32> to vector<16xi32>
        %and3A_502 = arith.constant 16383 : i32
        %and3A_503 = vector.broadcast %and3A_502 : i32 to vector<16xi32>
        %and3A_504 = arith.andi %get3A_501, %and3A_503 : vector<16xi32>
        %swap3A_505 = arith.constant 80 : index
        %swap3A_506 = tpu.vector_load %arg8[%swap3A_505] {strides = array<i32>} : memref<96xi32, #tpu.memory_space<vmem>>, vector<16xi32>,
        %swap3A_507 = vector.shape_cast %swap3A_506 : vector<16xi32> to vector<16xi32>
        %swap3A_508 = vector.shape_cast %and3A_504 : vector<16xi32> to vector<16xi32>
        tpu.vector_store %arg8[%swap3A_505], %swap3A_508 {strides = array<i32>} : memref<96xi32, #tpu.memory_space<vmem>>, vector<16xi32>,
        %dma_start3A_509 = arith.constant 0 : i32
        %dma_start3A_510 = arith.constant 0 : i32
        %dma_start3A_511 = tpu.memref_slice %arg2[%dma_start3A_509, %dma_start3A_510] : memref<10000x128xf32, #tpu.memory_space<hbm>> -> memref<10000x128xf32, #tpu.memory_space<hbm>>
        tpu.enqueue_indirect_dma source(%dma_start3A_511 : memref<10000x128xf32, #tpu.memory_space<hbm>>) target(%arg14 : memref<96x128xf32, #tpu.memory_space<vmem>>) offsets(%arg8 : memref<96xi32, #tpu.memory_space<vmem>>) semaphore(%arg18 : memref<!tpu.dma_semaphore, #tpu.memory_space<semaphore_mem>>)
      } else {
      }
    }
    %scan3A_131 = arith.constant 35 : i32
    %barrier3A_132 = arith.constant 0 : index
    tpu.barrier barrier_id(%barrier3A_132)
    %mul3A_133 = arith.constant 632 : i32
    %mul3A_134 = arith.muli %arg1, %mul3A_133 : i32
    %mul3A_135 = arith.constant 632 : i32
    %mul3A_136 = arith.muli %arg1, %mul3A_135 : i32
    "tpu.region"() ({
      %run_scoped3A = tpu.sem_alloc : memref<!tpu.dma_semaphore, #tpu.memory_space<semaphore_mem>>
      %dma_start3A_137 = arith.constant 0 : i32
      %dma_start3A_138 = tpu.memref_slice %arg5[%arg0, %mul3A_136, %dma_start3A_137] : memref<2x10112x128xf32, #tpu.memory_space<hbm>> -> memref<1x632x128xf32, #tpu.memory_space<hbm>>
      %dma_start3A_139 = tpu.memref_squeeze %dma_start3A_138 : memref<1x632x128xf32, #tpu.memory_space<hbm>> -> memref<632x128xf32, #tpu.memory_space<hbm>>
      %dma_start3A_140 = arith.constant 0 : i32
      %dma_start3A_141 = tpu.memref_slice %arg16[%mul3A_134, %dma_start3A_140] : memref<10112x128xf32, #tpu.memory_space<vmem_shared>> -> memref<632x128xf32, #tpu.memory_space<vmem_shared>>
      tpu.enqueue_dma source(%dma_start3A_141 : memref<632x128xf32, #tpu.memory_space<vmem_shared>>) target(%dma_start3A_139 : memref<632x128xf32, #tpu.memory_space<hbm>>) target_semaphore(%run_scoped3A : memref<!tpu.dma_semaphore, #tpu.memory_space<semaphore_mem>>)
      %dma_wait3A = arith.constant 0 : i32
      %dma_wait3A_142 = tpu.memref_slice %arg5[%arg0, %mul3A_136, %dma_wait3A] : memref<2x10112x128xf32, #tpu.memory_space<hbm>> -> memref<1x632x128xf32, #tpu.memory_space<hbm>>
      %dma_wait3A_143 = tpu.memref_squeeze %dma_wait3A_142 : memref<1x632x128xf32, #tpu.memory_space<hbm>> -> memref<632x128xf32, #tpu.memory_space<hbm>>
      %dma_wait3A_144 = arith.constant 0 : i32
      %dma_wait3A_145 = tpu.memref_slice %arg16[%mul3A_134, %dma_wait3A_144] : memref<10112x128xf32, #tpu.memory_space<vmem_shared>> -> memref<632x128xf32, #tpu.memory_space<vmem_shared>>
      tpu.wait_dma2 semaphore(%run_scoped3A : memref<!tpu.dma_semaphore, #tpu.memory_space<semaphore_mem>>) src(%dma_wait3A_145 : memref<632x128xf32, #tpu.memory_space<vmem_shared>>) dst(%dma_wait3A_143 : memref<632x128xf32, #tpu.memory_space<hbm>>)
      tpu.yield
    }) : () -> ()
    return
  }
}

#map = affine_map<(d0, d1) -> (0, 0)>
#map1 = affine_map<(d0, d1) -> (0, 0, 0)>
module attributes {stable_mosaic.version = 14 : i64} {
  func.func @agg_kernel(%arg0: i32, %arg1: i32, %arg2: memref<10000x128xf32, #tpu.memory_space<hbm>>, %arg3: memref<32x10080xi32, #tpu.memory_space<hbm>>, %arg4: memref<10112x128xf32, #tpu.memory_space<hbm>>, %arg5: memref<2x10112x128xf32, #tpu.memory_space<hbm>>, %arg6: memref<10080xi32, #tpu.memory_space<vmem>>, %arg7: memref<96xi32, #tpu.memory_space<vmem>>, %arg8: memref<96xi32, #tpu.memory_space<vmem>>, %arg9: memref<96xi32, #tpu.memory_space<vmem>>, %arg10: memref<96xi32, #tpu.memory_space<vmem>>, %arg11: memref<96xi32, #tpu.memory_space<vmem>>, %arg12: memref<96xi32, #tpu.memory_space<vmem>>, %arg13: memref<96x128xf32, #tpu.memory_space<vmem>>, %arg14: memref<96x128xf32, #tpu.memory_space<vmem>>, %arg15: memref<96x128xf32, #tpu.memory_space<vmem>>, %arg16: memref<10112x128xf32, #tpu.memory_space<vmem_shared>>, %arg17: memref<!tpu.dma_semaphore, #tpu.memory_space<semaphore_mem>>, %arg18: memref<!tpu.dma_semaphore, #tpu.memory_space<semaphore_mem>>, %arg19: memref<!tpu.dma_semaphore, #tpu.memory_space<semaphore_mem>>) attributes {dimension_semantics = [#tpu.dimension_semantics<core_parallel>, #tpu.dimension_semantics<subcore_parallel>], iteration_bounds = array<i64: 2, 16>, scalar_prefetch = 0 : i64, scratch_operands = 14 : i64, tpu.core_type = #tpu.core_type<sc_vector_subcore>, window_params = [{transform_indices = #map}, {transform_indices = #map}, {transform_indices = #map}, {transform_indices = #map1}]} {
    %mul3A = arith.constant 2 : i32
    %mul3A_0 = arith.muli %arg1, %mul3A : i32
    %add3A = arith.addi %mul3A_0, %arg0 : i32
    "tpu.region"() ({
      %run_scoped3A = tpu.sem_alloc : memref<!tpu.dma_semaphore, #tpu.memory_space<semaphore_mem>>
      %dma_start3A_137 = arith.constant 0 : i32
      %dma_start3A_138 = tpu.memref_slice %arg3[%add3A, %dma_start3A_137] : memref<32x10080xi32, #tpu.memory_space<hbm>> -> memref<1x10080xi32, #tpu.memory_space<hbm>>
      %dma_start3A_139 = tpu.memref_squeeze %dma_start3A_138 : memref<1x10080xi32, #tpu.memory_space<hbm>> -> memref<10080xi32, #tpu.memory_space<hbm>>
      %dma_start3A_140 = arith.constant 0 : i32
      %dma_start3A_141 = tpu.memref_slice %arg3[%add3A, %dma_start3A_140] : memref<32x10080xi32, #tpu.memory_space<hbm>> -> memref<1x10080xi32, #tpu.memory_space<hbm>>
      %dma_start3A_142 = tpu.memref_squeeze %dma_start3A_141 : memref<1x10080xi32, #tpu.memory_space<hbm>> -> memref<10080xi32, #tpu.memory_space<hbm>>
      tpu.enqueue_dma source(%dma_start3A_142 : memref<10080xi32, #tpu.memory_space<hbm>>) target(%arg6 : memref<10080xi32, #tpu.memory_space<vmem>>) target_semaphore(%run_scoped3A : memref<!tpu.dma_semaphore, #tpu.memory_space<semaphore_mem>>)
      %dma_wait3A = arith.constant 0 : i32
      %dma_wait3A_143 = tpu.memref_slice %arg3[%add3A, %dma_wait3A] : memref<32x10080xi32, #tpu.memory_space<hbm>> -> memref<1x10080xi32, #tpu.memory_space<hbm>>
      %dma_wait3A_144 = tpu.memref_squeeze %dma_wait3A_143 : memref<1x10080xi32, #tpu.memory_space<hbm>> -> memref<10080xi32, #tpu.memory_space<hbm>>
      %dma_wait3A_145 = arith.constant 0 : i32
      %dma_wait3A_146 = tpu.memref_slice %arg3[%add3A, %dma_wait3A_145] : memref<32x10080xi32, #tpu.memory_space<hbm>> -> memref<1x10080xi32, #tpu.memory_space<hbm>>
      %dma_wait3A_147 = tpu.memref_squeeze %dma_wait3A_146 : memref<1x10080xi32, #tpu.memory_space<hbm>> -> memref<10080xi32, #tpu.memory_space<hbm>>
      tpu.wait_dma2 semaphore(%run_scoped3A : memref<!tpu.dma_semaphore, #tpu.memory_space<semaphore_mem>>) src(%dma_wait3A_147 : memref<10080xi32, #tpu.memory_space<hbm>>) dst(%arg6 : memref<10080xi32, #tpu.memory_space<vmem>>)
      tpu.yield
    }) : () -> ()
    %mul3A_1 = arith.constant 632 : i32
    %mul3A_2 = arith.muli %arg1, %mul3A_1 : i32
    %mul3A_3 = arith.constant 632 : i32
    %mul3A_4 = arith.muli %arg1, %mul3A_3 : i32
    "tpu.region"() ({
      %run_scoped3A = tpu.sem_alloc : memref<!tpu.dma_semaphore, #tpu.memory_space<semaphore_mem>>
      %dma_start3A_137 = arith.constant 0 : i32
      %dma_start3A_138 = tpu.memref_slice %arg16[%mul3A_4, %dma_start3A_137] : memref<10112x128xf32, #tpu.memory_space<vmem_shared>> -> memref<632x128xf32, #tpu.memory_space<vmem_shared>>
      %dma_start3A_139 = arith.constant 0 : i32
      %dma_start3A_140 = tpu.memref_slice %arg4[%mul3A_2, %dma_start3A_139] : memref<10112x128xf32, #tpu.memory_space<hbm>> -> memref<632x128xf32, #tpu.memory_space<hbm>>
      tpu.enqueue_dma source(%dma_start3A_140 : memref<632x128xf32, #tpu.memory_space<hbm>>) target(%dma_start3A_138 : memref<632x128xf32, #tpu.memory_space<vmem_shared>>) target_semaphore(%run_scoped3A : memref<!tpu.dma_semaphore, #tpu.memory_space<semaphore_mem>>)
      %dma_wait3A = arith.constant 0 : i32
      %dma_wait3A_141 = tpu.memref_slice %arg16[%mul3A_4, %dma_wait3A] : memref<10112x128xf32, #tpu.memory_space<vmem_shared>> -> memref<632x128xf32, #tpu.memory_space<vmem_shared>>
      %dma_wait3A_142 = arith.constant 0 : i32
      %dma_wait3A_143 = tpu.memref_slice %arg4[%mul3A_2, %dma_wait3A_142] : memref<10112x128xf32, #tpu.memory_space<hbm>> -> memref<632x128xf32, #tpu.memory_space<hbm>>
      tpu.wait_dma2 semaphore(%run_scoped3A : memref<!tpu.dma_semaphore, #tpu.memory_space<semaphore_mem>>) src(%dma_wait3A_143 : memref<632x128xf32, #tpu.memory_space<hbm>>) dst(%dma_wait3A_141 : memref<632x128xf32, #tpu.memory_space<vmem_shared>>)
      tpu.yield
    }) : () -> ()
    %barrier3A = arith.constant 0 : index
    tpu.barrier barrier_id(%barrier3A)
    %get3A = arith.constant 0 : index
    %get3A_5 = tpu.vector_load %arg6[%get3A] {strides = array<i32>} : memref<10080xi32, #tpu.memory_space<vmem>>, vector<16xi32>,
    %get3A_6 = vector.shape_cast %get3A_5 : vector<16xi32> to vector<16xi32>
    %and3A = arith.constant 16383 : i32
    %and3A_7 = vector.broadcast %and3A : i32 to vector<16xi32>
    %and3A_8 = arith.andi %get3A_6, %and3A_7 : vector<16xi32>
    %swap3A = arith.constant 0 : index
    %swap3A_9 = tpu.vector_load %arg7[%swap3A] {strides = array<i32>} : memref<96xi32, #tpu.memory_space<vmem>>, vector<16xi32>,
    %swap3A_10 = vector.shape_cast %swap3A_9 : vector<16xi32> to vector<16xi32>
    %swap3A_11 = vector.shape_cast %and3A_8 : vector<16xi32> to vector<16xi32>
    tpu.vector_store %arg7[%swap3A], %swap3A_11 {strides = array<i32>} : memref<96xi32, #tpu.memory_space<vmem>>, vector<16xi32>,
    %get3A_12 = arith.constant 16 : index
    %get3A_13 = tpu.vector_load %arg6[%get3A_12] {strides = array<i32>} : memref<10080xi32, #tpu.memory_space<vmem>>, vector<16xi32>,
    %get3A_14 = vector.shape_cast %get3A_13 : vector<16xi32> to vector<16xi32>
    %and3A_15 = arith.constant 16383 : i32
    %and3A_16 = vector.broadcast %and3A_15 : i32 to vector<16xi32>
    %and3A_17 = arith.andi %get3A_14, %and3A_16 : vector<16xi32>
    %swap3A_18 = arith.constant 16 : index
    %swap3A_19 = tpu.vector_load %arg7[%swap3A_18] {strides = array<i32>} : memref<96xi32, #tpu.memory_space<vmem>>, vector<16xi32>,
    %swap3A_20 = vector.shape_cast %swap3A_19 : vector<16xi32> to vector<16xi32>
    %swap3A_21 = vector.shape_cast %and3A_17 : vector<16xi32> to vector<16xi32>
    tpu.vector_store %arg7[%swap3A_18], %swap3A_21 {strides = array<i32>} : memref<96xi32, #tpu.memory_space<vmem>>, vector<16xi32>,
    %get3A_22 = arith.constant 32 : index
    %get3A_23 = tpu.vector_load %arg6[%get3A_22] {strides = array<i32>} : memref<10080xi32, #tpu.memory_space<vmem>>, vector<16xi32>,
    %get3A_24 = vector.shape_cast %get3A_23 : vector<16xi32> to vector<16xi32>
    %and3A_25 = arith.constant 16383 : i32
    %and3A_26 = vector.broadcast %and3A_25 : i32 to vector<16xi32>
    %and3A_27 = arith.andi %get3A_24, %and3A_26 : vector<16xi32>
    %swap3A_28 = arith.constant 32 : index
    %swap3A_29 = tpu.vector_load %arg7[%swap3A_28] {strides = array<i32>} : memref<96xi32, #tpu.memory_space<vmem>>, vector<16xi32>,
    %swap3A_30 = vector.shape_cast %swap3A_29 : vector<16xi32> to vector<16xi32>
    %swap3A_31 = vector.shape_cast %and3A_27 : vector<16xi32> to vector<16xi32>
    tpu.vector_store %arg7[%swap3A_28], %swap3A_31 {strides = array<i32>} : memref<96xi32, #tpu.memory_space<vmem>>, vector<16xi32>,
    %get3A_32 = arith.constant 48 : index
    %get3A_33 = tpu.vector_load %arg6[%get3A_32] {strides = array<i32>} : memref<10080xi32, #tpu.memory_space<vmem>>, vector<16xi32>,
    %get3A_34 = vector.shape_cast %get3A_33 : vector<16xi32> to vector<16xi32>
    %and3A_35 = arith.constant 16383 : i32
    %and3A_36 = vector.broadcast %and3A_35 : i32 to vector<16xi32>
    %and3A_37 = arith.andi %get3A_34, %and3A_36 : vector<16xi32>
    %swap3A_38 = arith.constant 48 : index
    %swap3A_39 = tpu.vector_load %arg7[%swap3A_38] {strides = array<i32>} : memref<96xi32, #tpu.memory_space<vmem>>, vector<16xi32>,
    %swap3A_40 = vector.shape_cast %swap3A_39 : vector<16xi32> to vector<16xi32>
    %swap3A_41 = vector.shape_cast %and3A_37 : vector<16xi32> to vector<16xi32>
    tpu.vector_store %arg7[%swap3A_38], %swap3A_41 {strides = array<i32>} : memref<96xi32, #tpu.memory_space<vmem>>, vector<16xi32>,
    %get3A_42 = arith.constant 64 : index
    %get3A_43 = tpu.vector_load %arg6[%get3A_42] {strides = array<i32>} : memref<10080xi32, #tpu.memory_space<vmem>>, vector<16xi32>,
    %get3A_44 = vector.shape_cast %get3A_43 : vector<16xi32> to vector<16xi32>
    %and3A_45 = arith.constant 16383 : i32
    %and3A_46 = vector.broadcast %and3A_45 : i32 to vector<16xi32>
    %and3A_47 = arith.andi %get3A_44, %and3A_46 : vector<16xi32>
    %swap3A_48 = arith.constant 64 : index
    %swap3A_49 = tpu.vector_load %arg7[%swap3A_48] {strides = array<i32>} : memref<96xi32, #tpu.memory_space<vmem>>, vector<16xi32>,
    %swap3A_50 = vector.shape_cast %swap3A_49 : vector<16xi32> to vector<16xi32>
    %swap3A_51 = vector.shape_cast %and3A_47 : vector<16xi32> to vector<16xi32>
    tpu.vector_store %arg7[%swap3A_48], %swap3A_51 {strides = array<i32>} : memref<96xi32, #tpu.memory_space<vmem>>, vector<16xi32>,
    %get3A_52 = arith.constant 80 : index
    %get3A_53 = tpu.vector_load %arg6[%get3A_52] {strides = array<i32>} : memref<10080xi32, #tpu.memory_space<vmem>>, vector<16xi32>,
    %get3A_54 = vector.shape_cast %get3A_53 : vector<16xi32> to vector<16xi32>
    %and3A_55 = arith.constant 16383 : i32
    %and3A_56 = vector.broadcast %and3A_55 : i32 to vector<16xi32>
    %and3A_57 = arith.andi %get3A_54, %and3A_56 : vector<16xi32>
    %swap3A_58 = arith.constant 80 : index
    %swap3A_59 = tpu.vector_load %arg7[%swap3A_58] {strides = array<i32>} : memref<96xi32, #tpu.memory_space<vmem>>, vector<16xi32>,
    %swap3A_60 = vector.shape_cast %swap3A_59 : vector<16xi32> to vector<16xi32>
    %swap3A_61 = vector.shape_cast %and3A_57 : vector<16xi32> to vector<16xi32>
    tpu.vector_store %arg7[%swap3A_58], %swap3A_61 {strides = array<i32>} : memref<96xi32, #tpu.memory_space<vmem>>, vector<16xi32>,
    %dma_start3A = arith.constant 0 : i32
    %dma_start3A_62 = arith.constant 0 : i32
    %dma_start3A_63 = tpu.memref_slice %arg2[%dma_start3A, %dma_start3A_62] : memref<10000x128xf32, #tpu.memory_space<hbm>> -> memref<10000x128xf32, #tpu.memory_space<hbm>>
    tpu.enqueue_indirect_dma source(%dma_start3A_63 : memref<10000x128xf32, #tpu.memory_space<hbm>>) target(%arg13 : memref<96x128xf32, #tpu.memory_space<vmem>>) offsets(%arg7 : memref<96xi32, #tpu.memory_space<vmem>>) semaphore(%arg17 : memref<!tpu.dma_semaphore, #tpu.memory_space<semaphore_mem>>)
    %get3A_64 = arith.constant 96 : index
    %get3A_65 = tpu.vector_load %arg6[%get3A_64] {strides = array<i32>} : memref<10080xi32, #tpu.memory_space<vmem>>, vector<16xi32>,
    %get3A_66 = vector.shape_cast %get3A_65 : vector<16xi32> to vector<16xi32>
    %and3A_67 = arith.constant 16383 : i32
    %and3A_68 = vector.broadcast %and3A_67 : i32 to vector<16xi32>
    %and3A_69 = arith.andi %get3A_66, %and3A_68 : vector<16xi32>
    %swap3A_70 = arith.constant 0 : index
    %swap3A_71 = tpu.vector_load %arg8[%swap3A_70] {strides = array<i32>} : memref<96xi32, #tpu.memory_space<vmem>>, vector<16xi32>,
    %swap3A_72 = vector.shape_cast %swap3A_71 : vector<16xi32> to vector<16xi32>
    %swap3A_73 = vector.shape_cast %and3A_69 : vector<16xi32> to vector<16xi32>
    tpu.vector_store %arg8[%swap3A_70], %swap3A_73 {strides = array<i32>} : memref<96xi32, #tpu.memory_space<vmem>>, vector<16xi32>,
    %get3A_74 = arith.constant 112 : index
    %get3A_75 = tpu.vector_load %arg6[%get3A_74] {strides = array<i32>} : memref<10080xi32, #tpu.memory_space<vmem>>, vector<16xi32>,
    %get3A_76 = vector.shape_cast %get3A_75 : vector<16xi32> to vector<16xi32>
    %and3A_77 = arith.constant 16383 : i32
    %and3A_78 = vector.broadcast %and3A_77 : i32 to vector<16xi32>
    %and3A_79 = arith.andi %get3A_76, %and3A_78 : vector<16xi32>
    %swap3A_80 = arith.constant 16 : index
    %swap3A_81 = tpu.vector_load %arg8[%swap3A_80] {strides = array<i32>} : memref<96xi32, #tpu.memory_space<vmem>>, vector<16xi32>,
    %swap3A_82 = vector.shape_cast %swap3A_81 : vector<16xi32> to vector<16xi32>
    %swap3A_83 = vector.shape_cast %and3A_79 : vector<16xi32> to vector<16xi32>
    tpu.vector_store %arg8[%swap3A_80], %swap3A_83 {strides = array<i32>} : memref<96xi32, #tpu.memory_space<vmem>>, vector<16xi32>,
    %get3A_84 = arith.constant 128 : index
    %get3A_85 = tpu.vector_load %arg6[%get3A_84] {strides = array<i32>} : memref<10080xi32, #tpu.memory_space<vmem>>, vector<16xi32>,
    %get3A_86 = vector.shape_cast %get3A_85 : vector<16xi32> to vector<16xi32>
    %and3A_87 = arith.constant 16383 : i32
    %and3A_88 = vector.broadcast %and3A_87 : i32 to vector<16xi32>
    %and3A_89 = arith.andi %get3A_86, %and3A_88 : vector<16xi32>
    %swap3A_90 = arith.constant 32 : index
    %swap3A_91 = tpu.vector_load %arg8[%swap3A_90] {strides = array<i32>} : memref<96xi32, #tpu.memory_space<vmem>>, vector<16xi32>,
    %swap3A_92 = vector.shape_cast %swap3A_91 : vector<16xi32> to vector<16xi32>
    %swap3A_93 = vector.shape_cast %and3A_89 : vector<16xi32> to vector<16xi32>
    tpu.vector_store %arg8[%swap3A_90], %swap3A_93 {strides = array<i32>} : memref<96xi32, #tpu.memory_space<vmem>>, vector<16xi32>,
    %get3A_94 = arith.constant 144 : index
    %get3A_95 = tpu.vector_load %arg6[%get3A_94] {strides = array<i32>} : memref<10080xi32, #tpu.memory_space<vmem>>, vector<16xi32>,
    %get3A_96 = vector.shape_cast %get3A_95 : vector<16xi32> to vector<16xi32>
    %and3A_97 = arith.constant 16383 : i32
    %and3A_98 = vector.broadcast %and3A_97 : i32 to vector<16xi32>
    %and3A_99 = arith.andi %get3A_96, %and3A_98 : vector<16xi32>
    %swap3A_100 = arith.constant 48 : index
    %swap3A_101 = tpu.vector_load %arg8[%swap3A_100] {strides = array<i32>} : memref<96xi32, #tpu.memory_space<vmem>>, vector<16xi32>,
    %swap3A_102 = vector.shape_cast %swap3A_101 : vector<16xi32> to vector<16xi32>
    %swap3A_103 = vector.shape_cast %and3A_99 : vector<16xi32> to vector<16xi32>
    tpu.vector_store %arg8[%swap3A_100], %swap3A_103 {strides = array<i32>} : memref<96xi32, #tpu.memory_space<vmem>>, vector<16xi32>,
    %get3A_104 = arith.constant 160 : index
    %get3A_105 = tpu.vector_load %arg6[%get3A_104] {strides = array<i32>} : memref<10080xi32, #tpu.memory_space<vmem>>, vector<16xi32>,
    %get3A_106 = vector.shape_cast %get3A_105 : vector<16xi32> to vector<16xi32>
    %and3A_107 = arith.constant 16383 : i32
    %and3A_108 = vector.broadcast %and3A_107 : i32 to vector<16xi32>
    %and3A_109 = arith.andi %get3A_106, %and3A_108 : vector<16xi32>
    %swap3A_110 = arith.constant 64 : index
    %swap3A_111 = tpu.vector_load %arg8[%swap3A_110] {strides = array<i32>} : memref<96xi32, #tpu.memory_space<vmem>>, vector<16xi32>,
    %swap3A_112 = vector.shape_cast %swap3A_111 : vector<16xi32> to vector<16xi32>
    %swap3A_113 = vector.shape_cast %and3A_109 : vector<16xi32> to vector<16xi32>
    tpu.vector_store %arg8[%swap3A_110], %swap3A_113 {strides = array<i32>} : memref<96xi32, #tpu.memory_space<vmem>>, vector<16xi32>,
    %get3A_114 = arith.constant 176 : index
    %get3A_115 = tpu.vector_load %arg6[%get3A_114] {strides = array<i32>} : memref<10080xi32, #tpu.memory_space<vmem>>, vector<16xi32>,
    %get3A_116 = vector.shape_cast %get3A_115 : vector<16xi32> to vector<16xi32>
    %and3A_117 = arith.constant 16383 : i32
    %and3A_118 = vector.broadcast %and3A_117 : i32 to vector<16xi32>
    %and3A_119 = arith.andi %get3A_116, %and3A_118 : vector<16xi32>
    %swap3A_120 = arith.constant 80 : index
    %swap3A_121 = tpu.vector_load %arg8[%swap3A_120] {strides = array<i32>} : memref<96xi32, #tpu.memory_space<vmem>>, vector<16xi32>,
    %swap3A_122 = vector.shape_cast %swap3A_121 : vector<16xi32> to vector<16xi32>
    %swap3A_123 = vector.shape_cast %and3A_119 : vector<16xi32> to vector<16xi32>
    tpu.vector_store %arg8[%swap3A_120], %swap3A_123 {strides = array<i32>} : memref<96xi32, #tpu.memory_space<vmem>>, vector<16xi32>,
    %dma_start3A_124 = arith.constant 0 : i32
    %dma_start3A_125 = arith.constant 0 : i32
    %dma_start3A_126 = tpu.memref_slice %arg2[%dma_start3A_124, %dma_start3A_125] : memref<10000x128xf32, #tpu.memory_space<hbm>> -> memref<10000x128xf32, #tpu.memory_space<hbm>>
    tpu.enqueue_indirect_dma source(%dma_start3A_126 : memref<10000x128xf32, #tpu.memory_space<hbm>>) target(%arg14 : memref<96x128xf32, #tpu.memory_space<vmem>>) offsets(%arg8 : memref<96xi32, #tpu.memory_space<vmem>>) semaphore(%arg18 : memref<!tpu.dma_semaphore, #tpu.memory_space<semaphore_mem>>)
    %scan3A = arith.constant 0 : i32
    %scan3A_127 = arith.constant 0 : i32
    %scan3A_128 = arith.constant 35 : i32
    %scan3A_129 = arith.addi %scan3A_127, %scan3A_128 : i32
    %scan3A_130 = arith.constant 1 : i32
    scf.for %scan3A_137 = %scan3A_127 to %scan3A_129 step %scan3A_130  : i32 {
      %mul3A_138 = arith.constant 3 : i32
      %mul3A_139 = arith.muli %mul3A_138, %scan3A_137 : i32
      %add3A_140 = arith.constant 0 : i32
      %add3A_141 = arith.addi %mul3A_139, %add3A_140 : i32
      %dma_wait3A = arith.constant 0 : i32
      %dma_wait3A_142 = arith.constant 0 : i32
      %dma_wait3A_143 = tpu.memref_slice %arg2[%dma_wait3A, %dma_wait3A_142] : memref<10000x128xf32, #tpu.memory_space<hbm>> -> memref<10000x128xf32, #tpu.memory_space<hbm>>
      tpu.wait_indirect_dma semaphore(%arg17 : memref<!tpu.dma_semaphore, #tpu.memory_space<semaphore_mem>>) src(%dma_wait3A_143 : memref<10000x128xf32, #tpu.memory_space<hbm>>) dst(%arg13 : memref<96x128xf32, #tpu.memory_space<vmem>>)
      %mul3A_144 = arith.constant 96 : i32
      %mul3A_145 = arith.muli %add3A_141, %mul3A_144 : i32
      %add3A_146 = arith.constant 0 : i32
      %add3A_147 = arith.addi %mul3A_145, %add3A_146 : i32
      %get3A_148 = arith.index_cast %add3A_147 : i32 to index
      %get3A_149 = tpu.vector_load %arg6[%get3A_148] {strides = array<i32>} : memref<10080xi32, #tpu.memory_space<vmem>>, vector<16xi32>,
      %get3A_150 = vector.shape_cast %get3A_149 : vector<16xi32> to vector<16xi32>
      %shift_right_logical3A = arith.constant 14 : i32
      %shift_right_logical3A_151 = vector.broadcast %shift_right_logical3A : i32 to vector<16xi32>
      %shift_right_logical3A_152 = arith.shrui %get3A_150, %shift_right_logical3A_151 : vector<16xi32>
      %swap3A_153 = arith.constant 0 : index
      %swap3A_154 = tpu.vector_load %arg10[%swap3A_153] {strides = array<i32>} : memref<96xi32, #tpu.memory_space<vmem>>, vector<16xi32>,
      %swap3A_155 = vector.shape_cast %swap3A_154 : vector<16xi32> to vector<16xi32>
      %swap3A_156 = vector.shape_cast %shift_right_logical3A_152 : vector<16xi32> to vector<16xi32>
      tpu.vector_store %arg10[%swap3A_153], %swap3A_156 {strides = array<i32>} : memref<96xi32, #tpu.memory_space<vmem>>, vector<16xi32>,
      %mul3A_157 = arith.constant 96 : i32
      %mul3A_158 = arith.muli %add3A_141, %mul3A_157 : i32
      %add3A_159 = arith.constant 16 : i32
      %add3A_160 = arith.addi %mul3A_158, %add3A_159 : i32
      %get3A_161 = arith.index_cast %add3A_160 : i32 to index
      %get3A_162 = tpu.vector_load %arg6[%get3A_161] {strides = array<i32>} : memref<10080xi32, #tpu.memory_space<vmem>>, vector<16xi32>,
      %get3A_163 = vector.shape_cast %get3A_162 : vector<16xi32> to vector<16xi32>
      %shift_right_logical3A_164 = arith.constant 14 : i32
      %shift_right_logical3A_165 = vector.broadcast %shift_right_logical3A_164 : i32 to vector<16xi32>
      %shift_right_logical3A_166 = arith.shrui %get3A_163, %shift_right_logical3A_165 : vector<16xi32>
      %swap3A_167 = arith.constant 16 : index
      %swap3A_168 = tpu.vector_load %arg10[%swap3A_167] {strides = array<i32>} : memref<96xi32, #tpu.memory_space<vmem>>, vector<16xi32>,
      %swap3A_169 = vector.shape_cast %swap3A_168 : vector<16xi32> to vector<16xi32>
      %swap3A_170 = vector.shape_cast %shift_right_logical3A_166 : vector<16xi32> to vector<16xi32>
      tpu.vector_store %arg10[%swap3A_167], %swap3A_170 {strides = array<i32>} : memref<96xi32, #tpu.memory_space<vmem>>, vector<16xi32>,
      %mul3A_171 = arith.constant 96 : i32
      %mul3A_172 = arith.muli %add3A_141, %mul3A_171 : i32
      %add3A_173 = arith.constant 32 : i32
      %add3A_174 = arith.addi %mul3A_172, %add3A_173 : i32
      %get3A_175 = arith.index_cast %add3A_174 : i32 to index
      %get3A_176 = tpu.vector_load %arg6[%get3A_175] {strides = array<i32>} : memref<10080xi32, #tpu.memory_space<vmem>>, vector<16xi32>,
      %get3A_177 = vector.shape_cast %get3A_176 : vector<16xi32> to vector<16xi32>
      %shift_right_logical3A_178 = arith.constant 14 : i32
      %shift_right_logical3A_179 = vector.broadcast %shift_right_logical3A_178 : i32 to vector<16xi32>
      %shift_right_logical3A_180 = arith.shrui %get3A_177, %shift_right_logical3A_179 : vector<16xi32>
      %swap3A_181 = arith.constant 32 : index
      %swap3A_182 = tpu.vector_load %arg10[%swap3A_181] {strides = array<i32>} : memref<96xi32, #tpu.memory_space<vmem>>, vector<16xi32>,
      %swap3A_183 = vector.shape_cast %swap3A_182 : vector<16xi32> to vector<16xi32>
      %swap3A_184 = vector.shape_cast %shift_right_logical3A_180 : vector<16xi32> to vector<16xi32>
      tpu.vector_store %arg10[%swap3A_181], %swap3A_184 {strides = array<i32>} : memref<96xi32, #tpu.memory_space<vmem>>, vector<16xi32>,
      %mul3A_185 = arith.constant 96 : i32
      %mul3A_186 = arith.muli %add3A_141, %mul3A_185 : i32
      %add3A_187 = arith.constant 48 : i32
      %add3A_188 = arith.addi %mul3A_186, %add3A_187 : i32
      %get3A_189 = arith.index_cast %add3A_188 : i32 to index
      %get3A_190 = tpu.vector_load %arg6[%get3A_189] {strides = array<i32>} : memref<10080xi32, #tpu.memory_space<vmem>>, vector<16xi32>,
      %get3A_191 = vector.shape_cast %get3A_190 : vector<16xi32> to vector<16xi32>
      %shift_right_logical3A_192 = arith.constant 14 : i32
      %shift_right_logical3A_193 = vector.broadcast %shift_right_logical3A_192 : i32 to vector<16xi32>
      %shift_right_logical3A_194 = arith.shrui %get3A_191, %shift_right_logical3A_193 : vector<16xi32>
      %swap3A_195 = arith.constant 48 : index
      %swap3A_196 = tpu.vector_load %arg10[%swap3A_195] {strides = array<i32>} : memref<96xi32, #tpu.memory_space<vmem>>, vector<16xi32>,
      %swap3A_197 = vector.shape_cast %swap3A_196 : vector<16xi32> to vector<16xi32>
      %swap3A_198 = vector.shape_cast %shift_right_logical3A_194 : vector<16xi32> to vector<16xi32>
      tpu.vector_store %arg10[%swap3A_195], %swap3A_198 {strides = array<i32>} : memref<96xi32, #tpu.memory_space<vmem>>, vector<16xi32>,
      %mul3A_199 = arith.constant 96 : i32
      %mul3A_200 = arith.muli %add3A_141, %mul3A_199 : i32
      %add3A_201 = arith.constant 64 : i32
      %add3A_202 = arith.addi %mul3A_200, %add3A_201 : i32
      %get3A_203 = arith.index_cast %add3A_202 : i32 to index
      %get3A_204 = tpu.vector_load %arg6[%get3A_203] {strides = array<i32>} : memref<10080xi32, #tpu.memory_space<vmem>>, vector<16xi32>,
      %get3A_205 = vector.shape_cast %get3A_204 : vector<16xi32> to vector<16xi32>
      %shift_right_logical3A_206 = arith.constant 14 : i32
      %shift_right_logical3A_207 = vector.broadcast %shift_right_logical3A_206 : i32 to vector<16xi32>
      %shift_right_logical3A_208 = arith.shrui %get3A_205, %shift_right_logical3A_207 : vector<16xi32>
      %swap3A_209 = arith.constant 64 : index
      %swap3A_210 = tpu.vector_load %arg10[%swap3A_209] {strides = array<i32>} : memref<96xi32, #tpu.memory_space<vmem>>, vector<16xi32>,
      %swap3A_211 = vector.shape_cast %swap3A_210 : vector<16xi32> to vector<16xi32>
      %swap3A_212 = vector.shape_cast %shift_right_logical3A_208 : vector<16xi32> to vector<16xi32>
      tpu.vector_store %arg10[%swap3A_209], %swap3A_212 {strides = array<i32>} : memref<96xi32, #tpu.memory_space<vmem>>, vector<16xi32>,
      %mul3A_213 = arith.constant 96 : i32
      %mul3A_214 = arith.muli %add3A_141, %mul3A_213 : i32
      %add3A_215 = arith.constant 80 : i32
      %add3A_216 = arith.addi %mul3A_214, %add3A_215 : i32
      %get3A_217 = arith.index_cast %add3A_216 : i32 to index
      %get3A_218 = tpu.vector_load %arg6[%get3A_217] {strides = array<i32>} : memref<10080xi32, #tpu.memory_space<vmem>>, vector<16xi32>,
      %get3A_219 = vector.shape_cast %get3A_218 : vector<16xi32> to vector<16xi32>
      %shift_right_logical3A_220 = arith.constant 14 : i32
      %shift_right_logical3A_221 = vector.broadcast %shift_right_logical3A_220 : i32 to vector<16xi32>
      %shift_right_logical3A_222 = arith.shrui %get3A_219, %shift_right_logical3A_221 : vector<16xi32>
      %swap3A_223 = arith.constant 80 : index
      %swap3A_224 = tpu.vector_load %arg10[%swap3A_223] {strides = array<i32>} : memref<96xi32, #tpu.memory_space<vmem>>, vector<16xi32>,
      %swap3A_225 = vector.shape_cast %swap3A_224 : vector<16xi32> to vector<16xi32>
      %swap3A_226 = vector.shape_cast %shift_right_logical3A_222 : vector<16xi32> to vector<16xi32>
      tpu.vector_store %arg10[%swap3A_223], %swap3A_226 {strides = array<i32>} : memref<96xi32, #tpu.memory_space<vmem>>, vector<16xi32>,
      "tpu.region"() ({
        %run_scoped3A = tpu.sem_alloc : memref<!tpu.dma_semaphore, #tpu.memory_space<semaphore_mem>>
        %dma_start3A_423 = arith.constant 0 : i32
        %dma_start3A_424 = arith.constant 0 : i32
        %dma_start3A_425 = tpu.memref_slice %arg16[%dma_start3A_423, %dma_start3A_424] : memref<10112x128xf32, #tpu.memory_space<vmem_shared>> -> memref<10112x128xf32, #tpu.memory_space<vmem_shared>>
        tpu.enqueue_indirect_dma source(%arg13 : memref<96x128xf32, #tpu.memory_space<vmem>>) target(%dma_start3A_425 : memref<10112x128xf32, #tpu.memory_space<vmem_shared>>) offsets(%arg10 : memref<96xi32, #tpu.memory_space<vmem>>) semaphore(%run_scoped3A : memref<!tpu.dma_semaphore, #tpu.memory_space<semaphore_mem>>) {add = true}
        %dma_wait3A_426 = arith.constant 0 : i32
        %dma_wait3A_427 = arith.constant 0 : i32
        %dma_wait3A_428 = tpu.memref_slice %arg16[%dma_wait3A_426, %dma_wait3A_427] : memref<10112x128xf32, #tpu.memory_space<vmem_shared>> -> memref<10112x128xf32, #tpu.memory_space<vmem_shared>>
        tpu.wait_indirect_dma semaphore(%run_scoped3A : memref<!tpu.dma_semaphore, #tpu.memory_space<semaphore_mem>>) src(%arg13 : memref<96x128xf32, #tpu.memory_space<vmem>>) dst(%dma_wait3A_428 : memref<10112x128xf32, #tpu.memory_space<vmem_shared>>)
        tpu.yield
      }) : () -> ()
      %add3A_227 = arith.constant 2 : i32
      %add3A_228 = arith.addi %add3A_141, %add3A_227 : i32
      %lt3A = arith.constant 105 : i32
      %lt3A_229 = arith.cmpi slt, %add3A_228, %lt3A : i32
      %convert_element_type3A = arith.extui %lt3A_229 : i1 to i32
      %cond3A = arith.constant 0 : i32
      %cond3A_230 = arith.cmpi ne, %convert_element_type3A, %cond3A : i32
      scf.if %cond3A_230 {
        %add3A_423 = arith.constant 2 : i32
        %add3A_424 = arith.addi %add3A_141, %add3A_423 : i32
        %mul3A_425 = arith.constant 96 : i32
        %mul3A_426 = arith.muli %add3A_424, %mul3A_425 : i32
        %add3A_427 = arith.constant 0 : i32
        %add3A_428 = arith.addi %mul3A_426, %add3A_427 : i32
        %get3A_429 = arith.index_cast %add3A_428 : i32 to index
        %get3A_430 = tpu.vector_load %arg6[%get3A_429] {strides = array<i32>} : memref<10080xi32, #tpu.memory_space<vmem>>, vector<16xi32>,
        %get3A_431 = vector.shape_cast %get3A_430 : vector<16xi32> to vector<16xi32>
        %and3A_432 = arith.constant 16383 : i32
        %and3A_433 = vector.broadcast %and3A_432 : i32 to vector<16xi32>
        %and3A_434 = arith.andi %get3A_431, %and3A_433 : vector<16xi32>
        %swap3A_435 = arith.constant 0 : index
        %swap3A_436 = tpu.vector_load %arg9[%swap3A_435] {strides = array<i32>} : memref<96xi32, #tpu.memory_space<vmem>>, vector<16xi32>,
        %swap3A_437 = vector.shape_cast %swap3A_436 : vector<16xi32> to vector<16xi32>
        %swap3A_438 = vector.shape_cast %and3A_434 : vector<16xi32> to vector<16xi32>
        tpu.vector_store %arg9[%swap3A_435], %swap3A_438 {strides = array<i32>} : memref<96xi32, #tpu.memory_space<vmem>>, vector<16xi32>,
        %mul3A_439 = arith.constant 96 : i32
        %mul3A_440 = arith.muli %add3A_424, %mul3A_439 : i32
        %add3A_441 = arith.constant 16 : i32
        %add3A_442 = arith.addi %mul3A_440, %add3A_441 : i32
        %get3A_443 = arith.index_cast %add3A_442 : i32 to index
        %get3A_444 = tpu.vector_load %arg6[%get3A_443] {strides = array<i32>} : memref<10080xi32, #tpu.memory_space<vmem>>, vector<16xi32>,
        %get3A_445 = vector.shape_cast %get3A_444 : vector<16xi32> to vector<16xi32>
        %and3A_446 = arith.constant 16383 : i32
        %and3A_447 = vector.broadcast %and3A_446 : i32 to vector<16xi32>
        %and3A_448 = arith.andi %get3A_445, %and3A_447 : vector<16xi32>
        %swap3A_449 = arith.constant 16 : index
        %swap3A_450 = tpu.vector_load %arg9[%swap3A_449] {strides = array<i32>} : memref<96xi32, #tpu.memory_space<vmem>>, vector<16xi32>,
        %swap3A_451 = vector.shape_cast %swap3A_450 : vector<16xi32> to vector<16xi32>
        %swap3A_452 = vector.shape_cast %and3A_448 : vector<16xi32> to vector<16xi32>
        tpu.vector_store %arg9[%swap3A_449], %swap3A_452 {strides = array<i32>} : memref<96xi32, #tpu.memory_space<vmem>>, vector<16xi32>,
        %mul3A_453 = arith.constant 96 : i32
        %mul3A_454 = arith.muli %add3A_424, %mul3A_453 : i32
        %add3A_455 = arith.constant 32 : i32
        %add3A_456 = arith.addi %mul3A_454, %add3A_455 : i32
        %get3A_457 = arith.index_cast %add3A_456 : i32 to index
        %get3A_458 = tpu.vector_load %arg6[%get3A_457] {strides = array<i32>} : memref<10080xi32, #tpu.memory_space<vmem>>, vector<16xi32>,
        %get3A_459 = vector.shape_cast %get3A_458 : vector<16xi32> to vector<16xi32>
        %and3A_460 = arith.constant 16383 : i32
        %and3A_461 = vector.broadcast %and3A_460 : i32 to vector<16xi32>
        %and3A_462 = arith.andi %get3A_459, %and3A_461 : vector<16xi32>
        %swap3A_463 = arith.constant 32 : index
        %swap3A_464 = tpu.vector_load %arg9[%swap3A_463] {strides = array<i32>} : memref<96xi32, #tpu.memory_space<vmem>>, vector<16xi32>,
        %swap3A_465 = vector.shape_cast %swap3A_464 : vector<16xi32> to vector<16xi32>
        %swap3A_466 = vector.shape_cast %and3A_462 : vector<16xi32> to vector<16xi32>
        tpu.vector_store %arg9[%swap3A_463], %swap3A_466 {strides = array<i32>} : memref<96xi32, #tpu.memory_space<vmem>>, vector<16xi32>,
        %mul3A_467 = arith.constant 96 : i32
        %mul3A_468 = arith.muli %add3A_424, %mul3A_467 : i32
        %add3A_469 = arith.constant 48 : i32
        %add3A_470 = arith.addi %mul3A_468, %add3A_469 : i32
        %get3A_471 = arith.index_cast %add3A_470 : i32 to index
        %get3A_472 = tpu.vector_load %arg6[%get3A_471] {strides = array<i32>} : memref<10080xi32, #tpu.memory_space<vmem>>, vector<16xi32>,
        %get3A_473 = vector.shape_cast %get3A_472 : vector<16xi32> to vector<16xi32>
        %and3A_474 = arith.constant 16383 : i32
        %and3A_475 = vector.broadcast %and3A_474 : i32 to vector<16xi32>
        %and3A_476 = arith.andi %get3A_473, %and3A_475 : vector<16xi32>
        %swap3A_477 = arith.constant 48 : index
        %swap3A_478 = tpu.vector_load %arg9[%swap3A_477] {strides = array<i32>} : memref<96xi32, #tpu.memory_space<vmem>>, vector<16xi32>,
        %swap3A_479 = vector.shape_cast %swap3A_478 : vector<16xi32> to vector<16xi32>
        %swap3A_480 = vector.shape_cast %and3A_476 : vector<16xi32> to vector<16xi32>
        tpu.vector_store %arg9[%swap3A_477], %swap3A_480 {strides = array<i32>} : memref<96xi32, #tpu.memory_space<vmem>>, vector<16xi32>,
        %mul3A_481 = arith.constant 96 : i32
        %mul3A_482 = arith.muli %add3A_424, %mul3A_481 : i32
        %add3A_483 = arith.constant 64 : i32
        %add3A_484 = arith.addi %mul3A_482, %add3A_483 : i32
        %get3A_485 = arith.index_cast %add3A_484 : i32 to index
        %get3A_486 = tpu.vector_load %arg6[%get3A_485] {strides = array<i32>} : memref<10080xi32, #tpu.memory_space<vmem>>, vector<16xi32>,
        %get3A_487 = vector.shape_cast %get3A_486 : vector<16xi32> to vector<16xi32>
        %and3A_488 = arith.constant 16383 : i32
        %and3A_489 = vector.broadcast %and3A_488 : i32 to vector<16xi32>
        %and3A_490 = arith.andi %get3A_487, %and3A_489 : vector<16xi32>
        %swap3A_491 = arith.constant 64 : index
        %swap3A_492 = tpu.vector_load %arg9[%swap3A_491] {strides = array<i32>} : memref<96xi32, #tpu.memory_space<vmem>>, vector<16xi32>,
        %swap3A_493 = vector.shape_cast %swap3A_492 : vector<16xi32> to vector<16xi32>
        %swap3A_494 = vector.shape_cast %and3A_490 : vector<16xi32> to vector<16xi32>
        tpu.vector_store %arg9[%swap3A_491], %swap3A_494 {strides = array<i32>} : memref<96xi32, #tpu.memory_space<vmem>>, vector<16xi32>,
        %mul3A_495 = arith.constant 96 : i32
        %mul3A_496 = arith.muli %add3A_424, %mul3A_495 : i32
        %add3A_497 = arith.constant 80 : i32
        %add3A_498 = arith.addi %mul3A_496, %add3A_497 : i32
        %get3A_499 = arith.index_cast %add3A_498 : i32 to index
        %get3A_500 = tpu.vector_load %arg6[%get3A_499] {strides = array<i32>} : memref<10080xi32, #tpu.memory_space<vmem>>, vector<16xi32>,
        %get3A_501 = vector.shape_cast %get3A_500 : vector<16xi32> to vector<16xi32>
        %and3A_502 = arith.constant 16383 : i32
        %and3A_503 = vector.broadcast %and3A_502 : i32 to vector<16xi32>
        %and3A_504 = arith.andi %get3A_501, %and3A_503 : vector<16xi32>
        %swap3A_505 = arith.constant 80 : index
        %swap3A_506 = tpu.vector_load %arg9[%swap3A_505] {strides = array<i32>} : memref<96xi32, #tpu.memory_space<vmem>>, vector<16xi32>,
        %swap3A_507 = vector.shape_cast %swap3A_506 : vector<16xi32> to vector<16xi32>
        %swap3A_508 = vector.shape_cast %and3A_504 : vector<16xi32> to vector<16xi32>
        tpu.vector_store %arg9[%swap3A_505], %swap3A_508 {strides = array<i32>} : memref<96xi32, #tpu.memory_space<vmem>>, vector<16xi32>,
        %dma_start3A_509 = arith.constant 0 : i32
        %dma_start3A_510 = arith.constant 0 : i32
        %dma_start3A_511 = tpu.memref_slice %arg2[%dma_start3A_509, %dma_start3A_510] : memref<10000x128xf32, #tpu.memory_space<hbm>> -> memref<10000x128xf32, #tpu.memory_space<hbm>>
        tpu.enqueue_indirect_dma source(%dma_start3A_511 : memref<10000x128xf32, #tpu.memory_space<hbm>>) target(%arg15 : memref<96x128xf32, #tpu.memory_space<vmem>>) offsets(%arg9 : memref<96xi32, #tpu.memory_space<vmem>>) semaphore(%arg19 : memref<!tpu.dma_semaphore, #tpu.memory_space<semaphore_mem>>)
      } else {
      }
      %add3A_231 = arith.constant 1 : i32
      %add3A_232 = arith.addi %mul3A_139, %add3A_231 : i32
      %dma_wait3A_233 = arith.constant 0 : i32
      %dma_wait3A_234 = arith.constant 0 : i32
      %dma_wait3A_235 = tpu.memref_slice %arg2[%dma_wait3A_233, %dma_wait3A_234] : memref<10000x128xf32, #tpu.memory_space<hbm>> -> memref<10000x128xf32, #tpu.memory_space<hbm>>
      tpu.wait_indirect_dma semaphore(%arg18 : memref<!tpu.dma_semaphore, #tpu.memory_space<semaphore_mem>>) src(%dma_wait3A_235 : memref<10000x128xf32, #tpu.memory_space<hbm>>) dst(%arg14 : memref<96x128xf32, #tpu.memory_space<vmem>>)
      %mul3A_236 = arith.constant 96 : i32
      %mul3A_237 = arith.muli %add3A_232, %mul3A_236 : i32
      %add3A_238 = arith.constant 0 : i32
      %add3A_239 = arith.addi %mul3A_237, %add3A_238 : i32
      %get3A_240 = arith.index_cast %add3A_239 : i32 to index
      %get3A_241 = tpu.vector_load %arg6[%get3A_240] {strides = array<i32>} : memref<10080xi32, #tpu.memory_space<vmem>>, vector<16xi32>,
      %get3A_242 = vector.shape_cast %get3A_241 : vector<16xi32> to vector<16xi32>
      %shift_right_logical3A_243 = arith.constant 14 : i32
      %shift_right_logical3A_244 = vector.broadcast %shift_right_logical3A_243 : i32 to vector<16xi32>
      %shift_right_logical3A_245 = arith.shrui %get3A_242, %shift_right_logical3A_244 : vector<16xi32>
      %swap3A_246 = arith.constant 0 : index
      %swap3A_247 = tpu.vector_load %arg11[%swap3A_246] {strides = array<i32>} : memref<96xi32, #tpu.memory_space<vmem>>, vector<16xi32>,
      %swap3A_248 = vector.shape_cast %swap3A_247 : vector<16xi32> to vector<16xi32>
      %swap3A_249 = vector.shape_cast %shift_right_logical3A_245 : vector<16xi32> to vector<16xi32>
      tpu.vector_store %arg11[%swap3A_246], %swap3A_249 {strides = array<i32>} : memref<96xi32, #tpu.memory_space<vmem>>, vector<16xi32>,
      %mul3A_250 = arith.constant 96 : i32
      %mul3A_251 = arith.muli %add3A_232, %mul3A_250 : i32
      %add3A_252 = arith.constant 16 : i32
      %add3A_253 = arith.addi %mul3A_251, %add3A_252 : i32
      %get3A_254 = arith.index_cast %add3A_253 : i32 to index
      %get3A_255 = tpu.vector_load %arg6[%get3A_254] {strides = array<i32>} : memref<10080xi32, #tpu.memory_space<vmem>>, vector<16xi32>,
      %get3A_256 = vector.shape_cast %get3A_255 : vector<16xi32> to vector<16xi32>
      %shift_right_logical3A_257 = arith.constant 14 : i32
      %shift_right_logical3A_258 = vector.broadcast %shift_right_logical3A_257 : i32 to vector<16xi32>
      %shift_right_logical3A_259 = arith.shrui %get3A_256, %shift_right_logical3A_258 : vector<16xi32>
      %swap3A_260 = arith.constant 16 : index
      %swap3A_261 = tpu.vector_load %arg11[%swap3A_260] {strides = array<i32>} : memref<96xi32, #tpu.memory_space<vmem>>, vector<16xi32>,
      %swap3A_262 = vector.shape_cast %swap3A_261 : vector<16xi32> to vector<16xi32>
      %swap3A_263 = vector.shape_cast %shift_right_logical3A_259 : vector<16xi32> to vector<16xi32>
      tpu.vector_store %arg11[%swap3A_260], %swap3A_263 {strides = array<i32>} : memref<96xi32, #tpu.memory_space<vmem>>, vector<16xi32>,
      %mul3A_264 = arith.constant 96 : i32
      %mul3A_265 = arith.muli %add3A_232, %mul3A_264 : i32
      %add3A_266 = arith.constant 32 : i32
      %add3A_267 = arith.addi %mul3A_265, %add3A_266 : i32
      %get3A_268 = arith.index_cast %add3A_267 : i32 to index
      %get3A_269 = tpu.vector_load %arg6[%get3A_268] {strides = array<i32>} : memref<10080xi32, #tpu.memory_space<vmem>>, vector<16xi32>,
      %get3A_270 = vector.shape_cast %get3A_269 : vector<16xi32> to vector<16xi32>
      %shift_right_logical3A_271 = arith.constant 14 : i32
      %shift_right_logical3A_272 = vector.broadcast %shift_right_logical3A_271 : i32 to vector<16xi32>
      %shift_right_logical3A_273 = arith.shrui %get3A_270, %shift_right_logical3A_272 : vector<16xi32>
      %swap3A_274 = arith.constant 32 : index
      %swap3A_275 = tpu.vector_load %arg11[%swap3A_274] {strides = array<i32>} : memref<96xi32, #tpu.memory_space<vmem>>, vector<16xi32>,
      %swap3A_276 = vector.shape_cast %swap3A_275 : vector<16xi32> to vector<16xi32>
      %swap3A_277 = vector.shape_cast %shift_right_logical3A_273 : vector<16xi32> to vector<16xi32>
      tpu.vector_store %arg11[%swap3A_274], %swap3A_277 {strides = array<i32>} : memref<96xi32, #tpu.memory_space<vmem>>, vector<16xi32>,
      %mul3A_278 = arith.constant 96 : i32
      %mul3A_279 = arith.muli %add3A_232, %mul3A_278 : i32
      %add3A_280 = arith.constant 48 : i32
      %add3A_281 = arith.addi %mul3A_279, %add3A_280 : i32
      %get3A_282 = arith.index_cast %add3A_281 : i32 to index
      %get3A_283 = tpu.vector_load %arg6[%get3A_282] {strides = array<i32>} : memref<10080xi32, #tpu.memory_space<vmem>>, vector<16xi32>,
      %get3A_284 = vector.shape_cast %get3A_283 : vector<16xi32> to vector<16xi32>
      %shift_right_logical3A_285 = arith.constant 14 : i32
      %shift_right_logical3A_286 = vector.broadcast %shift_right_logical3A_285 : i32 to vector<16xi32>
      %shift_right_logical3A_287 = arith.shrui %get3A_284, %shift_right_logical3A_286 : vector<16xi32>
      %swap3A_288 = arith.constant 48 : index
      %swap3A_289 = tpu.vector_load %arg11[%swap3A_288] {strides = array<i32>} : memref<96xi32, #tpu.memory_space<vmem>>, vector<16xi32>,
      %swap3A_290 = vector.shape_cast %swap3A_289 : vector<16xi32> to vector<16xi32>
      %swap3A_291 = vector.shape_cast %shift_right_logical3A_287 : vector<16xi32> to vector<16xi32>
      tpu.vector_store %arg11[%swap3A_288], %swap3A_291 {strides = array<i32>} : memref<96xi32, #tpu.memory_space<vmem>>, vector<16xi32>,
      %mul3A_292 = arith.constant 96 : i32
      %mul3A_293 = arith.muli %add3A_232, %mul3A_292 : i32
      %add3A_294 = arith.constant 64 : i32
      %add3A_295 = arith.addi %mul3A_293, %add3A_294 : i32
      %get3A_296 = arith.index_cast %add3A_295 : i32 to index
      %get3A_297 = tpu.vector_load %arg6[%get3A_296] {strides = array<i32>} : memref<10080xi32, #tpu.memory_space<vmem>>, vector<16xi32>,
      %get3A_298 = vector.shape_cast %get3A_297 : vector<16xi32> to vector<16xi32>
      %shift_right_logical3A_299 = arith.constant 14 : i32
      %shift_right_logical3A_300 = vector.broadcast %shift_right_logical3A_299 : i32 to vector<16xi32>
      %shift_right_logical3A_301 = arith.shrui %get3A_298, %shift_right_logical3A_300 : vector<16xi32>
      %swap3A_302 = arith.constant 64 : index
      %swap3A_303 = tpu.vector_load %arg11[%swap3A_302] {strides = array<i32>} : memref<96xi32, #tpu.memory_space<vmem>>, vector<16xi32>,
      %swap3A_304 = vector.shape_cast %swap3A_303 : vector<16xi32> to vector<16xi32>
      %swap3A_305 = vector.shape_cast %shift_right_logical3A_301 : vector<16xi32> to vector<16xi32>
      tpu.vector_store %arg11[%swap3A_302], %swap3A_305 {strides = array<i32>} : memref<96xi32, #tpu.memory_space<vmem>>, vector<16xi32>,
      %mul3A_306 = arith.constant 96 : i32
      %mul3A_307 = arith.muli %add3A_232, %mul3A_306 : i32
      %add3A_308 = arith.constant 80 : i32
      %add3A_309 = arith.addi %mul3A_307, %add3A_308 : i32
      %get3A_310 = arith.index_cast %add3A_309 : i32 to index
      %get3A_311 = tpu.vector_load %arg6[%get3A_310] {strides = array<i32>} : memref<10080xi32, #tpu.memory_space<vmem>>, vector<16xi32>,
      %get3A_312 = vector.shape_cast %get3A_311 : vector<16xi32> to vector<16xi32>
      %shift_right_logical3A_313 = arith.constant 14 : i32
      %shift_right_logical3A_314 = vector.broadcast %shift_right_logical3A_313 : i32 to vector<16xi32>
      %shift_right_logical3A_315 = arith.shrui %get3A_312, %shift_right_logical3A_314 : vector<16xi32>
      %swap3A_316 = arith.constant 80 : index
      %swap3A_317 = tpu.vector_load %arg11[%swap3A_316] {strides = array<i32>} : memref<96xi32, #tpu.memory_space<vmem>>, vector<16xi32>,
      %swap3A_318 = vector.shape_cast %swap3A_317 : vector<16xi32> to vector<16xi32>
      %swap3A_319 = vector.shape_cast %shift_right_logical3A_315 : vector<16xi32> to vector<16xi32>
      tpu.vector_store %arg11[%swap3A_316], %swap3A_319 {strides = array<i32>} : memref<96xi32, #tpu.memory_space<vmem>>, vector<16xi32>,
      "tpu.region"() ({
        %run_scoped3A = tpu.sem_alloc : memref<!tpu.dma_semaphore, #tpu.memory_space<semaphore_mem>>
        %dma_start3A_423 = arith.constant 0 : i32
        %dma_start3A_424 = arith.constant 0 : i32
        %dma_start3A_425 = tpu.memref_slice %arg16[%dma_start3A_423, %dma_start3A_424] : memref<10112x128xf32, #tpu.memory_space<vmem_shared>> -> memref<10112x128xf32, #tpu.memory_space<vmem_shared>>
        tpu.enqueue_indirect_dma source(%arg14 : memref<96x128xf32, #tpu.memory_space<vmem>>) target(%dma_start3A_425 : memref<10112x128xf32, #tpu.memory_space<vmem_shared>>) offsets(%arg11 : memref<96xi32, #tpu.memory_space<vmem>>) semaphore(%run_scoped3A : memref<!tpu.dma_semaphore, #tpu.memory_space<semaphore_mem>>) {add = true}
        %dma_wait3A_426 = arith.constant 0 : i32
        %dma_wait3A_427 = arith.constant 0 : i32
        %dma_wait3A_428 = tpu.memref_slice %arg16[%dma_wait3A_426, %dma_wait3A_427] : memref<10112x128xf32, #tpu.memory_space<vmem_shared>> -> memref<10112x128xf32, #tpu.memory_space<vmem_shared>>
        tpu.wait_indirect_dma semaphore(%run_scoped3A : memref<!tpu.dma_semaphore, #tpu.memory_space<semaphore_mem>>) src(%arg14 : memref<96x128xf32, #tpu.memory_space<vmem>>) dst(%dma_wait3A_428 : memref<10112x128xf32, #tpu.memory_space<vmem_shared>>)
        tpu.yield
      }) : () -> ()
      %add3A_320 = arith.constant 2 : i32
      %add3A_321 = arith.addi %add3A_232, %add3A_320 : i32
      %lt3A_322 = arith.constant 105 : i32
      %lt3A_323 = arith.cmpi slt, %add3A_321, %lt3A_322 : i32
      %convert_element_type3A_324 = arith.extui %lt3A_323 : i1 to i32
      %cond3A_325 = arith.constant 0 : i32
      %cond3A_326 = arith.cmpi ne, %convert_element_type3A_324, %cond3A_325 : i32
      scf.if %cond3A_326 {
        %add3A_423 = arith.constant 2 : i32
        %add3A_424 = arith.addi %add3A_232, %add3A_423 : i32
        %mul3A_425 = arith.constant 96 : i32
        %mul3A_426 = arith.muli %add3A_424, %mul3A_425 : i32
        %add3A_427 = arith.constant 0 : i32
        %add3A_428 = arith.addi %mul3A_426, %add3A_427 : i32
        %get3A_429 = arith.index_cast %add3A_428 : i32 to index
        %get3A_430 = tpu.vector_load %arg6[%get3A_429] {strides = array<i32>} : memref<10080xi32, #tpu.memory_space<vmem>>, vector<16xi32>,
        %get3A_431 = vector.shape_cast %get3A_430 : vector<16xi32> to vector<16xi32>
        %and3A_432 = arith.constant 16383 : i32
        %and3A_433 = vector.broadcast %and3A_432 : i32 to vector<16xi32>
        %and3A_434 = arith.andi %get3A_431, %and3A_433 : vector<16xi32>
        %swap3A_435 = arith.constant 0 : index
        %swap3A_436 = tpu.vector_load %arg7[%swap3A_435] {strides = array<i32>} : memref<96xi32, #tpu.memory_space<vmem>>, vector<16xi32>,
        %swap3A_437 = vector.shape_cast %swap3A_436 : vector<16xi32> to vector<16xi32>
        %swap3A_438 = vector.shape_cast %and3A_434 : vector<16xi32> to vector<16xi32>
        tpu.vector_store %arg7[%swap3A_435], %swap3A_438 {strides = array<i32>} : memref<96xi32, #tpu.memory_space<vmem>>, vector<16xi32>,
        %mul3A_439 = arith.constant 96 : i32
        %mul3A_440 = arith.muli %add3A_424, %mul3A_439 : i32
        %add3A_441 = arith.constant 16 : i32
        %add3A_442 = arith.addi %mul3A_440, %add3A_441 : i32
        %get3A_443 = arith.index_cast %add3A_442 : i32 to index
        %get3A_444 = tpu.vector_load %arg6[%get3A_443] {strides = array<i32>} : memref<10080xi32, #tpu.memory_space<vmem>>, vector<16xi32>,
        %get3A_445 = vector.shape_cast %get3A_444 : vector<16xi32> to vector<16xi32>
        %and3A_446 = arith.constant 16383 : i32
        %and3A_447 = vector.broadcast %and3A_446 : i32 to vector<16xi32>
        %and3A_448 = arith.andi %get3A_445, %and3A_447 : vector<16xi32>
        %swap3A_449 = arith.constant 16 : index
        %swap3A_450 = tpu.vector_load %arg7[%swap3A_449] {strides = array<i32>} : memref<96xi32, #tpu.memory_space<vmem>>, vector<16xi32>,
        %swap3A_451 = vector.shape_cast %swap3A_450 : vector<16xi32> to vector<16xi32>
        %swap3A_452 = vector.shape_cast %and3A_448 : vector<16xi32> to vector<16xi32>
        tpu.vector_store %arg7[%swap3A_449], %swap3A_452 {strides = array<i32>} : memref<96xi32, #tpu.memory_space<vmem>>, vector<16xi32>,
        %mul3A_453 = arith.constant 96 : i32
        %mul3A_454 = arith.muli %add3A_424, %mul3A_453 : i32
        %add3A_455 = arith.constant 32 : i32
        %add3A_456 = arith.addi %mul3A_454, %add3A_455 : i32
        %get3A_457 = arith.index_cast %add3A_456 : i32 to index
        %get3A_458 = tpu.vector_load %arg6[%get3A_457] {strides = array<i32>} : memref<10080xi32, #tpu.memory_space<vmem>>, vector<16xi32>,
        %get3A_459 = vector.shape_cast %get3A_458 : vector<16xi32> to vector<16xi32>
        %and3A_460 = arith.constant 16383 : i32
        %and3A_461 = vector.broadcast %and3A_460 : i32 to vector<16xi32>
        %and3A_462 = arith.andi %get3A_459, %and3A_461 : vector<16xi32>
        %swap3A_463 = arith.constant 32 : index
        %swap3A_464 = tpu.vector_load %arg7[%swap3A_463] {strides = array<i32>} : memref<96xi32, #tpu.memory_space<vmem>>, vector<16xi32>,
        %swap3A_465 = vector.shape_cast %swap3A_464 : vector<16xi32> to vector<16xi32>
        %swap3A_466 = vector.shape_cast %and3A_462 : vector<16xi32> to vector<16xi32>
        tpu.vector_store %arg7[%swap3A_463], %swap3A_466 {strides = array<i32>} : memref<96xi32, #tpu.memory_space<vmem>>, vector<16xi32>,
        %mul3A_467 = arith.constant 96 : i32
        %mul3A_468 = arith.muli %add3A_424, %mul3A_467 : i32
        %add3A_469 = arith.constant 48 : i32
        %add3A_470 = arith.addi %mul3A_468, %add3A_469 : i32
        %get3A_471 = arith.index_cast %add3A_470 : i32 to index
        %get3A_472 = tpu.vector_load %arg6[%get3A_471] {strides = array<i32>} : memref<10080xi32, #tpu.memory_space<vmem>>, vector<16xi32>,
        %get3A_473 = vector.shape_cast %get3A_472 : vector<16xi32> to vector<16xi32>
        %and3A_474 = arith.constant 16383 : i32
        %and3A_475 = vector.broadcast %and3A_474 : i32 to vector<16xi32>
        %and3A_476 = arith.andi %get3A_473, %and3A_475 : vector<16xi32>
        %swap3A_477 = arith.constant 48 : index
        %swap3A_478 = tpu.vector_load %arg7[%swap3A_477] {strides = array<i32>} : memref<96xi32, #tpu.memory_space<vmem>>, vector<16xi32>,
        %swap3A_479 = vector.shape_cast %swap3A_478 : vector<16xi32> to vector<16xi32>
        %swap3A_480 = vector.shape_cast %and3A_476 : vector<16xi32> to vector<16xi32>
        tpu.vector_store %arg7[%swap3A_477], %swap3A_480 {strides = array<i32>} : memref<96xi32, #tpu.memory_space<vmem>>, vector<16xi32>,
        %mul3A_481 = arith.constant 96 : i32
        %mul3A_482 = arith.muli %add3A_424, %mul3A_481 : i32
        %add3A_483 = arith.constant 64 : i32
        %add3A_484 = arith.addi %mul3A_482, %add3A_483 : i32
        %get3A_485 = arith.index_cast %add3A_484 : i32 to index
        %get3A_486 = tpu.vector_load %arg6[%get3A_485] {strides = array<i32>} : memref<10080xi32, #tpu.memory_space<vmem>>, vector<16xi32>,
        %get3A_487 = vector.shape_cast %get3A_486 : vector<16xi32> to vector<16xi32>
        %and3A_488 = arith.constant 16383 : i32
        %and3A_489 = vector.broadcast %and3A_488 : i32 to vector<16xi32>
        %and3A_490 = arith.andi %get3A_487, %and3A_489 : vector<16xi32>
        %swap3A_491 = arith.constant 64 : index
        %swap3A_492 = tpu.vector_load %arg7[%swap3A_491] {strides = array<i32>} : memref<96xi32, #tpu.memory_space<vmem>>, vector<16xi32>,
        %swap3A_493 = vector.shape_cast %swap3A_492 : vector<16xi32> to vector<16xi32>
        %swap3A_494 = vector.shape_cast %and3A_490 : vector<16xi32> to vector<16xi32>
        tpu.vector_store %arg7[%swap3A_491], %swap3A_494 {strides = array<i32>} : memref<96xi32, #tpu.memory_space<vmem>>, vector<16xi32>,
        %mul3A_495 = arith.constant 96 : i32
        %mul3A_496 = arith.muli %add3A_424, %mul3A_495 : i32
        %add3A_497 = arith.constant 80 : i32
        %add3A_498 = arith.addi %mul3A_496, %add3A_497 : i32
        %get3A_499 = arith.index_cast %add3A_498 : i32 to index
        %get3A_500 = tpu.vector_load %arg6[%get3A_499] {strides = array<i32>} : memref<10080xi32, #tpu.memory_space<vmem>>, vector<16xi32>,
        %get3A_501 = vector.shape_cast %get3A_500 : vector<16xi32> to vector<16xi32>
        %and3A_502 = arith.constant 16383 : i32
        %and3A_503 = vector.broadcast %and3A_502 : i32 to vector<16xi32>
        %and3A_504 = arith.andi %get3A_501, %and3A_503 : vector<16xi32>
        %swap3A_505 = arith.constant 80 : index
        %swap3A_506 = tpu.vector_load %arg7[%swap3A_505] {strides = array<i32>} : memref<96xi32, #tpu.memory_space<vmem>>, vector<16xi32>,
        %swap3A_507 = vector.shape_cast %swap3A_506 : vector<16xi32> to vector<16xi32>
        %swap3A_508 = vector.shape_cast %and3A_504 : vector<16xi32> to vector<16xi32>
        tpu.vector_store %arg7[%swap3A_505], %swap3A_508 {strides = array<i32>} : memref<96xi32, #tpu.memory_space<vmem>>, vector<16xi32>,
        %dma_start3A_509 = arith.constant 0 : i32
        %dma_start3A_510 = arith.constant 0 : i32
        %dma_start3A_511 = tpu.memref_slice %arg2[%dma_start3A_509, %dma_start3A_510] : memref<10000x128xf32, #tpu.memory_space<hbm>> -> memref<10000x128xf32, #tpu.memory_space<hbm>>
        tpu.enqueue_indirect_dma source(%dma_start3A_511 : memref<10000x128xf32, #tpu.memory_space<hbm>>) target(%arg13 : memref<96x128xf32, #tpu.memory_space<vmem>>) offsets(%arg7 : memref<96xi32, #tpu.memory_space<vmem>>) semaphore(%arg17 : memref<!tpu.dma_semaphore, #tpu.memory_space<semaphore_mem>>)
      } else {
      }
      %add3A_327 = arith.constant 2 : i32
      %add3A_328 = arith.addi %mul3A_139, %add3A_327 : i32
      %dma_wait3A_329 = arith.constant 0 : i32
      %dma_wait3A_330 = arith.constant 0 : i32
      %dma_wait3A_331 = tpu.memref_slice %arg2[%dma_wait3A_329, %dma_wait3A_330] : memref<10000x128xf32, #tpu.memory_space<hbm>> -> memref<10000x128xf32, #tpu.memory_space<hbm>>
      tpu.wait_indirect_dma semaphore(%arg19 : memref<!tpu.dma_semaphore, #tpu.memory_space<semaphore_mem>>) src(%dma_wait3A_331 : memref<10000x128xf32, #tpu.memory_space<hbm>>) dst(%arg15 : memref<96x128xf32, #tpu.memory_space<vmem>>)
      %mul3A_332 = arith.constant 96 : i32
      %mul3A_333 = arith.muli %add3A_328, %mul3A_332 : i32
      %add3A_334 = arith.constant 0 : i32
      %add3A_335 = arith.addi %mul3A_333, %add3A_334 : i32
      %get3A_336 = arith.index_cast %add3A_335 : i32 to index
      %get3A_337 = tpu.vector_load %arg6[%get3A_336] {strides = array<i32>} : memref<10080xi32, #tpu.memory_space<vmem>>, vector<16xi32>,
      %get3A_338 = vector.shape_cast %get3A_337 : vector<16xi32> to vector<16xi32>
      %shift_right_logical3A_339 = arith.constant 14 : i32
      %shift_right_logical3A_340 = vector.broadcast %shift_right_logical3A_339 : i32 to vector<16xi32>
      %shift_right_logical3A_341 = arith.shrui %get3A_338, %shift_right_logical3A_340 : vector<16xi32>
      %swap3A_342 = arith.constant 0 : index
      %swap3A_343 = tpu.vector_load %arg12[%swap3A_342] {strides = array<i32>} : memref<96xi32, #tpu.memory_space<vmem>>, vector<16xi32>,
      %swap3A_344 = vector.shape_cast %swap3A_343 : vector<16xi32> to vector<16xi32>
      %swap3A_345 = vector.shape_cast %shift_right_logical3A_341 : vector<16xi32> to vector<16xi32>
      tpu.vector_store %arg12[%swap3A_342], %swap3A_345 {strides = array<i32>} : memref<96xi32, #tpu.memory_space<vmem>>, vector<16xi32>,
      %mul3A_346 = arith.constant 96 : i32
      %mul3A_347 = arith.muli %add3A_328, %mul3A_346 : i32
      %add3A_348 = arith.constant 16 : i32
      %add3A_349 = arith.addi %mul3A_347, %add3A_348 : i32
      %get3A_350 = arith.index_cast %add3A_349 : i32 to index
      %get3A_351 = tpu.vector_load %arg6[%get3A_350] {strides = array<i32>} : memref<10080xi32, #tpu.memory_space<vmem>>, vector<16xi32>,
      %get3A_352 = vector.shape_cast %get3A_351 : vector<16xi32> to vector<16xi32>
      %shift_right_logical3A_353 = arith.constant 14 : i32
      %shift_right_logical3A_354 = vector.broadcast %shift_right_logical3A_353 : i32 to vector<16xi32>
      %shift_right_logical3A_355 = arith.shrui %get3A_352, %shift_right_logical3A_354 : vector<16xi32>
      %swap3A_356 = arith.constant 16 : index
      %swap3A_357 = tpu.vector_load %arg12[%swap3A_356] {strides = array<i32>} : memref<96xi32, #tpu.memory_space<vmem>>, vector<16xi32>,
      %swap3A_358 = vector.shape_cast %swap3A_357 : vector<16xi32> to vector<16xi32>
      %swap3A_359 = vector.shape_cast %shift_right_logical3A_355 : vector<16xi32> to vector<16xi32>
      tpu.vector_store %arg12[%swap3A_356], %swap3A_359 {strides = array<i32>} : memref<96xi32, #tpu.memory_space<vmem>>, vector<16xi32>,
      %mul3A_360 = arith.constant 96 : i32
      %mul3A_361 = arith.muli %add3A_328, %mul3A_360 : i32
      %add3A_362 = arith.constant 32 : i32
      %add3A_363 = arith.addi %mul3A_361, %add3A_362 : i32
      %get3A_364 = arith.index_cast %add3A_363 : i32 to index
      %get3A_365 = tpu.vector_load %arg6[%get3A_364] {strides = array<i32>} : memref<10080xi32, #tpu.memory_space<vmem>>, vector<16xi32>,
      %get3A_366 = vector.shape_cast %get3A_365 : vector<16xi32> to vector<16xi32>
      %shift_right_logical3A_367 = arith.constant 14 : i32
      %shift_right_logical3A_368 = vector.broadcast %shift_right_logical3A_367 : i32 to vector<16xi32>
      %shift_right_logical3A_369 = arith.shrui %get3A_366, %shift_right_logical3A_368 : vector<16xi32>
      %swap3A_370 = arith.constant 32 : index
      %swap3A_371 = tpu.vector_load %arg12[%swap3A_370] {strides = array<i32>} : memref<96xi32, #tpu.memory_space<vmem>>, vector<16xi32>,
      %swap3A_372 = vector.shape_cast %swap3A_371 : vector<16xi32> to vector<16xi32>
      %swap3A_373 = vector.shape_cast %shift_right_logical3A_369 : vector<16xi32> to vector<16xi32>
      tpu.vector_store %arg12[%swap3A_370], %swap3A_373 {strides = array<i32>} : memref<96xi32, #tpu.memory_space<vmem>>, vector<16xi32>,
      %mul3A_374 = arith.constant 96 : i32
      %mul3A_375 = arith.muli %add3A_328, %mul3A_374 : i32
      %add3A_376 = arith.constant 48 : i32
      %add3A_377 = arith.addi %mul3A_375, %add3A_376 : i32
      %get3A_378 = arith.index_cast %add3A_377 : i32 to index
      %get3A_379 = tpu.vector_load %arg6[%get3A_378] {strides = array<i32>} : memref<10080xi32, #tpu.memory_space<vmem>>, vector<16xi32>,
      %get3A_380 = vector.shape_cast %get3A_379 : vector<16xi32> to vector<16xi32>
      %shift_right_logical3A_381 = arith.constant 14 : i32
      %shift_right_logical3A_382 = vector.broadcast %shift_right_logical3A_381 : i32 to vector<16xi32>
      %shift_right_logical3A_383 = arith.shrui %get3A_380, %shift_right_logical3A_382 : vector<16xi32>
      %swap3A_384 = arith.constant 48 : index
      %swap3A_385 = tpu.vector_load %arg12[%swap3A_384] {strides = array<i32>} : memref<96xi32, #tpu.memory_space<vmem>>, vector<16xi32>,
      %swap3A_386 = vector.shape_cast %swap3A_385 : vector<16xi32> to vector<16xi32>
      %swap3A_387 = vector.shape_cast %shift_right_logical3A_383 : vector<16xi32> to vector<16xi32>
      tpu.vector_store %arg12[%swap3A_384], %swap3A_387 {strides = array<i32>} : memref<96xi32, #tpu.memory_space<vmem>>, vector<16xi32>,
      %mul3A_388 = arith.constant 96 : i32
      %mul3A_389 = arith.muli %add3A_328, %mul3A_388 : i32
      %add3A_390 = arith.constant 64 : i32
      %add3A_391 = arith.addi %mul3A_389, %add3A_390 : i32
      %get3A_392 = arith.index_cast %add3A_391 : i32 to index
      %get3A_393 = tpu.vector_load %arg6[%get3A_392] {strides = array<i32>} : memref<10080xi32, #tpu.memory_space<vmem>>, vector<16xi32>,
      %get3A_394 = vector.shape_cast %get3A_393 : vector<16xi32> to vector<16xi32>
      %shift_right_logical3A_395 = arith.constant 14 : i32
      %shift_right_logical3A_396 = vector.broadcast %shift_right_logical3A_395 : i32 to vector<16xi32>
      %shift_right_logical3A_397 = arith.shrui %get3A_394, %shift_right_logical3A_396 : vector<16xi32>
      %swap3A_398 = arith.constant 64 : index
      %swap3A_399 = tpu.vector_load %arg12[%swap3A_398] {strides = array<i32>} : memref<96xi32, #tpu.memory_space<vmem>>, vector<16xi32>,
      %swap3A_400 = vector.shape_cast %swap3A_399 : vector<16xi32> to vector<16xi32>
      %swap3A_401 = vector.shape_cast %shift_right_logical3A_397 : vector<16xi32> to vector<16xi32>
      tpu.vector_store %arg12[%swap3A_398], %swap3A_401 {strides = array<i32>} : memref<96xi32, #tpu.memory_space<vmem>>, vector<16xi32>,
      %mul3A_402 = arith.constant 96 : i32
      %mul3A_403 = arith.muli %add3A_328, %mul3A_402 : i32
      %add3A_404 = arith.constant 80 : i32
      %add3A_405 = arith.addi %mul3A_403, %add3A_404 : i32
      %get3A_406 = arith.index_cast %add3A_405 : i32 to index
      %get3A_407 = tpu.vector_load %arg6[%get3A_406] {strides = array<i32>} : memref<10080xi32, #tpu.memory_space<vmem>>, vector<16xi32>,
      %get3A_408 = vector.shape_cast %get3A_407 : vector<16xi32> to vector<16xi32>
      %shift_right_logical3A_409 = arith.constant 14 : i32
      %shift_right_logical3A_410 = vector.broadcast %shift_right_logical3A_409 : i32 to vector<16xi32>
      %shift_right_logical3A_411 = arith.shrui %get3A_408, %shift_right_logical3A_410 : vector<16xi32>
      %swap3A_412 = arith.constant 80 : index
      %swap3A_413 = tpu.vector_load %arg12[%swap3A_412] {strides = array<i32>} : memref<96xi32, #tpu.memory_space<vmem>>, vector<16xi32>,
      %swap3A_414 = vector.shape_cast %swap3A_413 : vector<16xi32> to vector<16xi32>
      %swap3A_415 = vector.shape_cast %shift_right_logical3A_411 : vector<16xi32> to vector<16xi32>
      tpu.vector_store %arg12[%swap3A_412], %swap3A_415 {strides = array<i32>} : memref<96xi32, #tpu.memory_space<vmem>>, vector<16xi32>,
      "tpu.region"() ({
        %run_scoped3A = tpu.sem_alloc : memref<!tpu.dma_semaphore, #tpu.memory_space<semaphore_mem>>
        %dma_start3A_423 = arith.constant 0 : i32
        %dma_start3A_424 = arith.constant 0 : i32
        %dma_start3A_425 = tpu.memref_slice %arg16[%dma_start3A_423, %dma_start3A_424] : memref<10112x128xf32, #tpu.memory_space<vmem_shared>> -> memref<10112x128xf32, #tpu.memory_space<vmem_shared>>
        tpu.enqueue_indirect_dma source(%arg15 : memref<96x128xf32, #tpu.memory_space<vmem>>) target(%dma_start3A_425 : memref<10112x128xf32, #tpu.memory_space<vmem_shared>>) offsets(%arg12 : memref<96xi32, #tpu.memory_space<vmem>>) semaphore(%run_scoped3A : memref<!tpu.dma_semaphore, #tpu.memory_space<semaphore_mem>>) {add = true}
        %dma_wait3A_426 = arith.constant 0 : i32
        %dma_wait3A_427 = arith.constant 0 : i32
        %dma_wait3A_428 = tpu.memref_slice %arg16[%dma_wait3A_426, %dma_wait3A_427] : memref<10112x128xf32, #tpu.memory_space<vmem_shared>> -> memref<10112x128xf32, #tpu.memory_space<vmem_shared>>
        tpu.wait_indirect_dma semaphore(%run_scoped3A : memref<!tpu.dma_semaphore, #tpu.memory_space<semaphore_mem>>) src(%arg15 : memref<96x128xf32, #tpu.memory_space<vmem>>) dst(%dma_wait3A_428 : memref<10112x128xf32, #tpu.memory_space<vmem_shared>>)
        tpu.yield
      }) : () -> ()
      %add3A_416 = arith.constant 2 : i32
      %add3A_417 = arith.addi %add3A_328, %add3A_416 : i32
      %lt3A_418 = arith.constant 105 : i32
      %lt3A_419 = arith.cmpi slt, %add3A_417, %lt3A_418 : i32
      %convert_element_type3A_420 = arith.extui %lt3A_419 : i1 to i32
      %cond3A_421 = arith.constant 0 : i32
      %cond3A_422 = arith.cmpi ne, %convert_element_type3A_420, %cond3A_421 : i32
      scf.if %cond3A_422 {
        %add3A_423 = arith.constant 2 : i32
        %add3A_424 = arith.addi %add3A_328, %add3A_423 : i32
        %mul3A_425 = arith.constant 96 : i32
        %mul3A_426 = arith.muli %add3A_424, %mul3A_425 : i32
        %add3A_427 = arith.constant 0 : i32
        %add3A_428 = arith.addi %mul3A_426, %add3A_427 : i32
        %get3A_429 = arith.index_cast %add3A_428 : i32 to index
        %get3A_430 = tpu.vector_load %arg6[%get3A_429] {strides = array<i32>} : memref<10080xi32, #tpu.memory_space<vmem>>, vector<16xi32>,
        %get3A_431 = vector.shape_cast %get3A_430 : vector<16xi32> to vector<16xi32>
        %and3A_432 = arith.constant 16383 : i32
        %and3A_433 = vector.broadcast %and3A_432 : i32 to vector<16xi32>
        %and3A_434 = arith.andi %get3A_431, %and3A_433 : vector<16xi32>
        %swap3A_435 = arith.constant 0 : index
        %swap3A_436 = tpu.vector_load %arg8[%swap3A_435] {strides = array<i32>} : memref<96xi32, #tpu.memory_space<vmem>>, vector<16xi32>,
        %swap3A_437 = vector.shape_cast %swap3A_436 : vector<16xi32> to vector<16xi32>
        %swap3A_438 = vector.shape_cast %and3A_434 : vector<16xi32> to vector<16xi32>
        tpu.vector_store %arg8[%swap3A_435], %swap3A_438 {strides = array<i32>} : memref<96xi32, #tpu.memory_space<vmem>>, vector<16xi32>,
        %mul3A_439 = arith.constant 96 : i32
        %mul3A_440 = arith.muli %add3A_424, %mul3A_439 : i32
        %add3A_441 = arith.constant 16 : i32
        %add3A_442 = arith.addi %mul3A_440, %add3A_441 : i32
        %get3A_443 = arith.index_cast %add3A_442 : i32 to index
        %get3A_444 = tpu.vector_load %arg6[%get3A_443] {strides = array<i32>} : memref<10080xi32, #tpu.memory_space<vmem>>, vector<16xi32>,
        %get3A_445 = vector.shape_cast %get3A_444 : vector<16xi32> to vector<16xi32>
        %and3A_446 = arith.constant 16383 : i32
        %and3A_447 = vector.broadcast %and3A_446 : i32 to vector<16xi32>
        %and3A_448 = arith.andi %get3A_445, %and3A_447 : vector<16xi32>
        %swap3A_449 = arith.constant 16 : index
        %swap3A_450 = tpu.vector_load %arg8[%swap3A_449] {strides = array<i32>} : memref<96xi32, #tpu.memory_space<vmem>>, vector<16xi32>,
        %swap3A_451 = vector.shape_cast %swap3A_450 : vector<16xi32> to vector<16xi32>
        %swap3A_452 = vector.shape_cast %and3A_448 : vector<16xi32> to vector<16xi32>
        tpu.vector_store %arg8[%swap3A_449], %swap3A_452 {strides = array<i32>} : memref<96xi32, #tpu.memory_space<vmem>>, vector<16xi32>,
        %mul3A_453 = arith.constant 96 : i32
        %mul3A_454 = arith.muli %add3A_424, %mul3A_453 : i32
        %add3A_455 = arith.constant 32 : i32
        %add3A_456 = arith.addi %mul3A_454, %add3A_455 : i32
        %get3A_457 = arith.index_cast %add3A_456 : i32 to index
        %get3A_458 = tpu.vector_load %arg6[%get3A_457] {strides = array<i32>} : memref<10080xi32, #tpu.memory_space<vmem>>, vector<16xi32>,
        %get3A_459 = vector.shape_cast %get3A_458 : vector<16xi32> to vector<16xi32>
        %and3A_460 = arith.constant 16383 : i32
        %and3A_461 = vector.broadcast %and3A_460 : i32 to vector<16xi32>
        %and3A_462 = arith.andi %get3A_459, %and3A_461 : vector<16xi32>
        %swap3A_463 = arith.constant 32 : index
        %swap3A_464 = tpu.vector_load %arg8[%swap3A_463] {strides = array<i32>} : memref<96xi32, #tpu.memory_space<vmem>>, vector<16xi32>,
        %swap3A_465 = vector.shape_cast %swap3A_464 : vector<16xi32> to vector<16xi32>
        %swap3A_466 = vector.shape_cast %and3A_462 : vector<16xi32> to vector<16xi32>
        tpu.vector_store %arg8[%swap3A_463], %swap3A_466 {strides = array<i32>} : memref<96xi32, #tpu.memory_space<vmem>>, vector<16xi32>,
        %mul3A_467 = arith.constant 96 : i32
        %mul3A_468 = arith.muli %add3A_424, %mul3A_467 : i32
        %add3A_469 = arith.constant 48 : i32
        %add3A_470 = arith.addi %mul3A_468, %add3A_469 : i32
        %get3A_471 = arith.index_cast %add3A_470 : i32 to index
        %get3A_472 = tpu.vector_load %arg6[%get3A_471] {strides = array<i32>} : memref<10080xi32, #tpu.memory_space<vmem>>, vector<16xi32>,
        %get3A_473 = vector.shape_cast %get3A_472 : vector<16xi32> to vector<16xi32>
        %and3A_474 = arith.constant 16383 : i32
        %and3A_475 = vector.broadcast %and3A_474 : i32 to vector<16xi32>
        %and3A_476 = arith.andi %get3A_473, %and3A_475 : vector<16xi32>
        %swap3A_477 = arith.constant 48 : index
        %swap3A_478 = tpu.vector_load %arg8[%swap3A_477] {strides = array<i32>} : memref<96xi32, #tpu.memory_space<vmem>>, vector<16xi32>,
        %swap3A_479 = vector.shape_cast %swap3A_478 : vector<16xi32> to vector<16xi32>
        %swap3A_480 = vector.shape_cast %and3A_476 : vector<16xi32> to vector<16xi32>
        tpu.vector_store %arg8[%swap3A_477], %swap3A_480 {strides = array<i32>} : memref<96xi32, #tpu.memory_space<vmem>>, vector<16xi32>,
        %mul3A_481 = arith.constant 96 : i32
        %mul3A_482 = arith.muli %add3A_424, %mul3A_481 : i32
        %add3A_483 = arith.constant 64 : i32
        %add3A_484 = arith.addi %mul3A_482, %add3A_483 : i32
        %get3A_485 = arith.index_cast %add3A_484 : i32 to index
        %get3A_486 = tpu.vector_load %arg6[%get3A_485] {strides = array<i32>} : memref<10080xi32, #tpu.memory_space<vmem>>, vector<16xi32>,
        %get3A_487 = vector.shape_cast %get3A_486 : vector<16xi32> to vector<16xi32>
        %and3A_488 = arith.constant 16383 : i32
        %and3A_489 = vector.broadcast %and3A_488 : i32 to vector<16xi32>
        %and3A_490 = arith.andi %get3A_487, %and3A_489 : vector<16xi32>
        %swap3A_491 = arith.constant 64 : index
        %swap3A_492 = tpu.vector_load %arg8[%swap3A_491] {strides = array<i32>} : memref<96xi32, #tpu.memory_space<vmem>>, vector<16xi32>,
        %swap3A_493 = vector.shape_cast %swap3A_492 : vector<16xi32> to vector<16xi32>
        %swap3A_494 = vector.shape_cast %and3A_490 : vector<16xi32> to vector<16xi32>
        tpu.vector_store %arg8[%swap3A_491], %swap3A_494 {strides = array<i32>} : memref<96xi32, #tpu.memory_space<vmem>>, vector<16xi32>,
        %mul3A_495 = arith.constant 96 : i32
        %mul3A_496 = arith.muli %add3A_424, %mul3A_495 : i32
        %add3A_497 = arith.constant 80 : i32
        %add3A_498 = arith.addi %mul3A_496, %add3A_497 : i32
        %get3A_499 = arith.index_cast %add3A_498 : i32 to index
        %get3A_500 = tpu.vector_load %arg6[%get3A_499] {strides = array<i32>} : memref<10080xi32, #tpu.memory_space<vmem>>, vector<16xi32>,
        %get3A_501 = vector.shape_cast %get3A_500 : vector<16xi32> to vector<16xi32>
        %and3A_502 = arith.constant 16383 : i32
        %and3A_503 = vector.broadcast %and3A_502 : i32 to vector<16xi32>
        %and3A_504 = arith.andi %get3A_501, %and3A_503 : vector<16xi32>
        %swap3A_505 = arith.constant 80 : index
        %swap3A_506 = tpu.vector_load %arg8[%swap3A_505] {strides = array<i32>} : memref<96xi32, #tpu.memory_space<vmem>>, vector<16xi32>,
        %swap3A_507 = vector.shape_cast %swap3A_506 : vector<16xi32> to vector<16xi32>
        %swap3A_508 = vector.shape_cast %and3A_504 : vector<16xi32> to vector<16xi32>
        tpu.vector_store %arg8[%swap3A_505], %swap3A_508 {strides = array<i32>} : memref<96xi32, #tpu.memory_space<vmem>>, vector<16xi32>,
        %dma_start3A_509 = arith.constant 0 : i32
        %dma_start3A_510 = arith.constant 0 : i32
        %dma_start3A_511 = tpu.memref_slice %arg2[%dma_start3A_509, %dma_start3A_510] : memref<10000x128xf32, #tpu.memory_space<hbm>> -> memref<10000x128xf32, #tpu.memory_space<hbm>>
        tpu.enqueue_indirect_dma source(%dma_start3A_511 : memref<10000x128xf32, #tpu.memory_space<hbm>>) target(%arg14 : memref<96x128xf32, #tpu.memory_space<vmem>>) offsets(%arg8 : memref<96xi32, #tpu.memory_space<vmem>>) semaphore(%arg18 : memref<!tpu.dma_semaphore, #tpu.memory_space<semaphore_mem>>)
      } else {
      }
    }
    %scan3A_131 = arith.constant 35 : i32
    %barrier3A_132 = arith.constant 0 : index
    tpu.barrier barrier_id(%barrier3A_132)
    %mul3A_133 = arith.constant 632 : i32
    %mul3A_134 = arith.muli %arg1, %mul3A_133 : i32
    %mul3A_135 = arith.constant 632 : i32
    %mul3A_136 = arith.muli %arg1, %mul3A_135 : i32
    "tpu.region"() ({
      %run_scoped3A = tpu.sem_alloc : memref<!tpu.dma_semaphore, #tpu.memory_space<semaphore_mem>>
      %dma_start3A_137 = arith.constant 0 : i32
      %dma_start3A_138 = tpu.memref_slice %arg5[%arg0, %mul3A_136, %dma_start3A_137] : memref<2x10112x128xf32, #tpu.memory_space<hbm>> -> memref<1x632x128xf32, #tpu.memory_space<hbm>>
      %dma_start3A_139 = tpu.memref_squeeze %dma_start3A_138 : memref<1x632x128xf32, #tpu.memory_space<hbm>> -> memref<632x128xf32, #tpu.memory_space<hbm>>
      %dma_start3A_140 = arith.constant 0 : i32
      %dma_start3A_141 = tpu.memref_slice %arg16[%mul3A_134, %dma_start3A_140] : memref<10112x128xf32, #tpu.memory_space<vmem_shared>> -> memref<632x128xf32, #tpu.memory_space<vmem_shared>>
      tpu.enqueue_dma source(%dma_start3A_141 : memref<632x128xf32, #tpu.memory_space<vmem_shared>>) target(%dma_start3A_139 : memref<632x128xf32, #tpu.memory_space<hbm>>) target_semaphore(%run_scoped3A : memref<!tpu.dma_semaphore, #tpu.memory_space<semaphore_mem>>)
      %dma_wait3A = arith.constant 0 : i32
      %dma_wait3A_142 = tpu.memref_slice %arg5[%arg0, %mul3A_136, %dma_wait3A] : memref<2x10112x128xf32, #tpu.memory_space<hbm>> -> memref<1x632x128xf32, #tpu.memory_space<hbm>>
      %dma_wait3A_143 = tpu.memref_squeeze %dma_wait3A_142 : memref<1x632x128xf32, #tpu.memory_space<hbm>> -> memref<632x128xf32, #tpu.memory_space<hbm>>
      %dma_wait3A_144 = arith.constant 0 : i32
      %dma_wait3A_145 = tpu.memref_slice %arg16[%mul3A_134, %dma_wait3A_144] : memref<10112x128xf32, #tpu.memory_space<vmem_shared>> -> memref<632x128xf32, #tpu.memory_space<vmem_shared>>
      tpu.wait_dma2 semaphore(%run_scoped3A : memref<!tpu.dma_semaphore, #tpu.memory_space<semaphore_mem>>) src(%dma_wait3A_145 : memref<632x128xf32, #tpu.memory_space<vmem_shared>>) dst(%dma_wait3A_143 : memref<632x128xf32, #tpu.memory_space<hbm>>)
      tpu.yield
    }) : () -> ()
    return
  }
}

#map = affine_map<(d0, d1) -> (0, 0)>
#map1 = affine_map<(d0, d1) -> (0, 0, 0)>
module attributes {stable_mosaic.version = 14 : i64} {
  func.func @agg_kernel(%arg0: i32, %arg1: i32, %arg2: memref<10000x128xf32, #tpu.memory_space<hbm>>, %arg3: memref<32x10080xi32, #tpu.memory_space<hbm>>, %arg4: memref<10112x128xf32, #tpu.memory_space<hbm>>, %arg5: memref<2x10112x128xf32, #tpu.memory_space<hbm>>, %arg6: memref<10080xi32, #tpu.memory_space<vmem>>, %arg7: memref<96xi32, #tpu.memory_space<vmem>>, %arg8: memref<96xi32, #tpu.memory_space<vmem>>, %arg9: memref<96xi32, #tpu.memory_space<vmem>>, %arg10: memref<96xi32, #tpu.memory_space<vmem>>, %arg11: memref<96xi32, #tpu.memory_space<vmem>>, %arg12: memref<96xi32, #tpu.memory_space<vmem>>, %arg13: memref<96x128xf32, #tpu.memory_space<vmem>>, %arg14: memref<96x128xf32, #tpu.memory_space<vmem>>, %arg15: memref<96x128xf32, #tpu.memory_space<vmem>>, %arg16: memref<10112x128xf32, #tpu.memory_space<vmem_shared>>, %arg17: memref<!tpu.dma_semaphore, #tpu.memory_space<semaphore_mem>>, %arg18: memref<!tpu.dma_semaphore, #tpu.memory_space<semaphore_mem>>, %arg19: memref<!tpu.dma_semaphore, #tpu.memory_space<semaphore_mem>>) attributes {dimension_semantics = [#tpu.dimension_semantics<core_parallel>, #tpu.dimension_semantics<subcore_parallel>], iteration_bounds = array<i64: 2, 16>, scalar_prefetch = 0 : i64, scratch_operands = 14 : i64, tpu.core_type = #tpu.core_type<sc_vector_subcore>, window_params = [{transform_indices = #map}, {transform_indices = #map}, {transform_indices = #map}, {transform_indices = #map1}]} {
    %mul3A = arith.constant 2 : i32
    %mul3A_0 = arith.muli %arg1, %mul3A : i32
    %add3A = arith.addi %mul3A_0, %arg0 : i32
    "tpu.region"() ({
      %run_scoped3A = tpu.sem_alloc : memref<!tpu.dma_semaphore, #tpu.memory_space<semaphore_mem>>
      %dma_start3A_137 = arith.constant 0 : i32
      %dma_start3A_138 = tpu.memref_slice %arg3[%add3A, %dma_start3A_137] : memref<32x10080xi32, #tpu.memory_space<hbm>> -> memref<1x10080xi32, #tpu.memory_space<hbm>>
      %dma_start3A_139 = tpu.memref_squeeze %dma_start3A_138 : memref<1x10080xi32, #tpu.memory_space<hbm>> -> memref<10080xi32, #tpu.memory_space<hbm>>
      %dma_start3A_140 = arith.constant 0 : i32
      %dma_start3A_141 = tpu.memref_slice %arg3[%add3A, %dma_start3A_140] : memref<32x10080xi32, #tpu.memory_space<hbm>> -> memref<1x10080xi32, #tpu.memory_space<hbm>>
      %dma_start3A_142 = tpu.memref_squeeze %dma_start3A_141 : memref<1x10080xi32, #tpu.memory_space<hbm>> -> memref<10080xi32, #tpu.memory_space<hbm>>
      tpu.enqueue_dma source(%dma_start3A_142 : memref<10080xi32, #tpu.memory_space<hbm>>) target(%arg6 : memref<10080xi32, #tpu.memory_space<vmem>>) target_semaphore(%run_scoped3A : memref<!tpu.dma_semaphore, #tpu.memory_space<semaphore_mem>>)
      %dma_wait3A = arith.constant 0 : i32
      %dma_wait3A_143 = tpu.memref_slice %arg3[%add3A, %dma_wait3A] : memref<32x10080xi32, #tpu.memory_space<hbm>> -> memref<1x10080xi32, #tpu.memory_space<hbm>>
      %dma_wait3A_144 = tpu.memref_squeeze %dma_wait3A_143 : memref<1x10080xi32, #tpu.memory_space<hbm>> -> memref<10080xi32, #tpu.memory_space<hbm>>
      %dma_wait3A_145 = arith.constant 0 : i32
      %dma_wait3A_146 = tpu.memref_slice %arg3[%add3A, %dma_wait3A_145] : memref<32x10080xi32, #tpu.memory_space<hbm>> -> memref<1x10080xi32, #tpu.memory_space<hbm>>
      %dma_wait3A_147 = tpu.memref_squeeze %dma_wait3A_146 : memref<1x10080xi32, #tpu.memory_space<hbm>> -> memref<10080xi32, #tpu.memory_space<hbm>>
      tpu.wait_dma2 semaphore(%run_scoped3A : memref<!tpu.dma_semaphore, #tpu.memory_space<semaphore_mem>>) src(%dma_wait3A_147 : memref<10080xi32, #tpu.memory_space<hbm>>) dst(%arg6 : memref<10080xi32, #tpu.memory_space<vmem>>)
      tpu.yield
    }) : () -> ()
    %mul3A_1 = arith.constant 632 : i32
    %mul3A_2 = arith.muli %arg1, %mul3A_1 : i32
    %mul3A_3 = arith.constant 632 : i32
    %mul3A_4 = arith.muli %arg1, %mul3A_3 : i32
    "tpu.region"() ({
      %run_scoped3A = tpu.sem_alloc : memref<!tpu.dma_semaphore, #tpu.memory_space<semaphore_mem>>
      %dma_start3A_137 = arith.constant 0 : i32
      %dma_start3A_138 = tpu.memref_slice %arg16[%mul3A_4, %dma_start3A_137] : memref<10112x128xf32, #tpu.memory_space<vmem_shared>> -> memref<632x128xf32, #tpu.memory_space<vmem_shared>>
      %dma_start3A_139 = arith.constant 0 : i32
      %dma_start3A_140 = tpu.memref_slice %arg4[%mul3A_2, %dma_start3A_139] : memref<10112x128xf32, #tpu.memory_space<hbm>> -> memref<632x128xf32, #tpu.memory_space<hbm>>
      tpu.enqueue_dma source(%dma_start3A_140 : memref<632x128xf32, #tpu.memory_space<hbm>>) target(%dma_start3A_138 : memref<632x128xf32, #tpu.memory_space<vmem_shared>>) target_semaphore(%run_scoped3A : memref<!tpu.dma_semaphore, #tpu.memory_space<semaphore_mem>>)
      %dma_wait3A = arith.constant 0 : i32
      %dma_wait3A_141 = tpu.memref_slice %arg16[%mul3A_4, %dma_wait3A] : memref<10112x128xf32, #tpu.memory_space<vmem_shared>> -> memref<632x128xf32, #tpu.memory_space<vmem_shared>>
      %dma_wait3A_142 = arith.constant 0 : i32
      %dma_wait3A_143 = tpu.memref_slice %arg4[%mul3A_2, %dma_wait3A_142] : memref<10112x128xf32, #tpu.memory_space<hbm>> -> memref<632x128xf32, #tpu.memory_space<hbm>>
      tpu.wait_dma2 semaphore(%run_scoped3A : memref<!tpu.dma_semaphore, #tpu.memory_space<semaphore_mem>>) src(%dma_wait3A_143 : memref<632x128xf32, #tpu.memory_space<hbm>>) dst(%dma_wait3A_141 : memref<632x128xf32, #tpu.memory_space<vmem_shared>>)
      tpu.yield
    }) : () -> ()
    %barrier3A = arith.constant 0 : index
    tpu.barrier barrier_id(%barrier3A)
    %get3A = arith.constant 0 : index
    %get3A_5 = tpu.vector_load %arg6[%get3A] {strides = array<i32>} : memref<10080xi32, #tpu.memory_space<vmem>>, vector<16xi32>,
    %get3A_6 = vector.shape_cast %get3A_5 : vector<16xi32> to vector<16xi32>
    %and3A = arith.constant 16383 : i32
    %and3A_7 = vector.broadcast %and3A : i32 to vector<16xi32>
    %and3A_8 = arith.andi %get3A_6, %and3A_7 : vector<16xi32>
    %swap3A = arith.constant 0 : index
    %swap3A_9 = tpu.vector_load %arg7[%swap3A] {strides = array<i32>} : memref<96xi32, #tpu.memory_space<vmem>>, vector<16xi32>,
    %swap3A_10 = vector.shape_cast %swap3A_9 : vector<16xi32> to vector<16xi32>
    %swap3A_11 = vector.shape_cast %and3A_8 : vector<16xi32> to vector<16xi32>
    tpu.vector_store %arg7[%swap3A], %swap3A_11 {strides = array<i32>} : memref<96xi32, #tpu.memory_space<vmem>>, vector<16xi32>,
    %get3A_12 = arith.constant 16 : index
    %get3A_13 = tpu.vector_load %arg6[%get3A_12] {strides = array<i32>} : memref<10080xi32, #tpu.memory_space<vmem>>, vector<16xi32>,
    %get3A_14 = vector.shape_cast %get3A_13 : vector<16xi32> to vector<16xi32>
    %and3A_15 = arith.constant 16383 : i32
    %and3A_16 = vector.broadcast %and3A_15 : i32 to vector<16xi32>
    %and3A_17 = arith.andi %get3A_14, %and3A_16 : vector<16xi32>
    %swap3A_18 = arith.constant 16 : index
    %swap3A_19 = tpu.vector_load %arg7[%swap3A_18] {strides = array<i32>} : memref<96xi32, #tpu.memory_space<vmem>>, vector<16xi32>,
    %swap3A_20 = vector.shape_cast %swap3A_19 : vector<16xi32> to vector<16xi32>
    %swap3A_21 = vector.shape_cast %and3A_17 : vector<16xi32> to vector<16xi32>
    tpu.vector_store %arg7[%swap3A_18], %swap3A_21 {strides = array<i32>} : memref<96xi32, #tpu.memory_space<vmem>>, vector<16xi32>,
    %get3A_22 = arith.constant 32 : index
    %get3A_23 = tpu.vector_load %arg6[%get3A_22] {strides = array<i32>} : memref<10080xi32, #tpu.memory_space<vmem>>, vector<16xi32>,
    %get3A_24 = vector.shape_cast %get3A_23 : vector<16xi32> to vector<16xi32>
    %and3A_25 = arith.constant 16383 : i32
    %and3A_26 = vector.broadcast %and3A_25 : i32 to vector<16xi32>
    %and3A_27 = arith.andi %get3A_24, %and3A_26 : vector<16xi32>
    %swap3A_28 = arith.constant 32 : index
    %swap3A_29 = tpu.vector_load %arg7[%swap3A_28] {strides = array<i32>} : memref<96xi32, #tpu.memory_space<vmem>>, vector<16xi32>,
    %swap3A_30 = vector.shape_cast %swap3A_29 : vector<16xi32> to vector<16xi32>
    %swap3A_31 = vector.shape_cast %and3A_27 : vector<16xi32> to vector<16xi32>
    tpu.vector_store %arg7[%swap3A_28], %swap3A_31 {strides = array<i32>} : memref<96xi32, #tpu.memory_space<vmem>>, vector<16xi32>,
    %get3A_32 = arith.constant 48 : index
    %get3A_33 = tpu.vector_load %arg6[%get3A_32] {strides = array<i32>} : memref<10080xi32, #tpu.memory_space<vmem>>, vector<16xi32>,
    %get3A_34 = vector.shape_cast %get3A_33 : vector<16xi32> to vector<16xi32>
    %and3A_35 = arith.constant 16383 : i32
    %and3A_36 = vector.broadcast %and3A_35 : i32 to vector<16xi32>
    %and3A_37 = arith.andi %get3A_34, %and3A_36 : vector<16xi32>
    %swap3A_38 = arith.constant 48 : index
    %swap3A_39 = tpu.vector_load %arg7[%swap3A_38] {strides = array<i32>} : memref<96xi32, #tpu.memory_space<vmem>>, vector<16xi32>,
    %swap3A_40 = vector.shape_cast %swap3A_39 : vector<16xi32> to vector<16xi32>
    %swap3A_41 = vector.shape_cast %and3A_37 : vector<16xi32> to vector<16xi32>
    tpu.vector_store %arg7[%swap3A_38], %swap3A_41 {strides = array<i32>} : memref<96xi32, #tpu.memory_space<vmem>>, vector<16xi32>,
    %get3A_42 = arith.constant 64 : index
    %get3A_43 = tpu.vector_load %arg6[%get3A_42] {strides = array<i32>} : memref<10080xi32, #tpu.memory_space<vmem>>, vector<16xi32>,
    %get3A_44 = vector.shape_cast %get3A_43 : vector<16xi32> to vector<16xi32>
    %and3A_45 = arith.constant 16383 : i32
    %and3A_46 = vector.broadcast %and3A_45 : i32 to vector<16xi32>
    %and3A_47 = arith.andi %get3A_44, %and3A_46 : vector<16xi32>
    %swap3A_48 = arith.constant 64 : index
    %swap3A_49 = tpu.vector_load %arg7[%swap3A_48] {strides = array<i32>} : memref<96xi32, #tpu.memory_space<vmem>>, vector<16xi32>,
    %swap3A_50 = vector.shape_cast %swap3A_49 : vector<16xi32> to vector<16xi32>
    %swap3A_51 = vector.shape_cast %and3A_47 : vector<16xi32> to vector<16xi32>
    tpu.vector_store %arg7[%swap3A_48], %swap3A_51 {strides = array<i32>} : memref<96xi32, #tpu.memory_space<vmem>>, vector<16xi32>,
    %get3A_52 = arith.constant 80 : index
    %get3A_53 = tpu.vector_load %arg6[%get3A_52] {strides = array<i32>} : memref<10080xi32, #tpu.memory_space<vmem>>, vector<16xi32>,
    %get3A_54 = vector.shape_cast %get3A_53 : vector<16xi32> to vector<16xi32>
    %and3A_55 = arith.constant 16383 : i32
    %and3A_56 = vector.broadcast %and3A_55 : i32 to vector<16xi32>
    %and3A_57 = arith.andi %get3A_54, %and3A_56 : vector<16xi32>
    %swap3A_58 = arith.constant 80 : index
    %swap3A_59 = tpu.vector_load %arg7[%swap3A_58] {strides = array<i32>} : memref<96xi32, #tpu.memory_space<vmem>>, vector<16xi32>,
    %swap3A_60 = vector.shape_cast %swap3A_59 : vector<16xi32> to vector<16xi32>
    %swap3A_61 = vector.shape_cast %and3A_57 : vector<16xi32> to vector<16xi32>
    tpu.vector_store %arg7[%swap3A_58], %swap3A_61 {strides = array<i32>} : memref<96xi32, #tpu.memory_space<vmem>>, vector<16xi32>,
    %dma_start3A = arith.constant 0 : i32
    %dma_start3A_62 = arith.constant 0 : i32
    %dma_start3A_63 = tpu.memref_slice %arg2[%dma_start3A, %dma_start3A_62] : memref<10000x128xf32, #tpu.memory_space<hbm>> -> memref<10000x128xf32, #tpu.memory_space<hbm>>
    tpu.enqueue_indirect_dma source(%dma_start3A_63 : memref<10000x128xf32, #tpu.memory_space<hbm>>) target(%arg13 : memref<96x128xf32, #tpu.memory_space<vmem>>) offsets(%arg7 : memref<96xi32, #tpu.memory_space<vmem>>) semaphore(%arg17 : memref<!tpu.dma_semaphore, #tpu.memory_space<semaphore_mem>>)
    %get3A_64 = arith.constant 96 : index
    %get3A_65 = tpu.vector_load %arg6[%get3A_64] {strides = array<i32>} : memref<10080xi32, #tpu.memory_space<vmem>>, vector<16xi32>,
    %get3A_66 = vector.shape_cast %get3A_65 : vector<16xi32> to vector<16xi32>
    %and3A_67 = arith.constant 16383 : i32
    %and3A_68 = vector.broadcast %and3A_67 : i32 to vector<16xi32>
    %and3A_69 = arith.andi %get3A_66, %and3A_68 : vector<16xi32>
    %swap3A_70 = arith.constant 0 : index
    %swap3A_71 = tpu.vector_load %arg8[%swap3A_70] {strides = array<i32>} : memref<96xi32, #tpu.memory_space<vmem>>, vector<16xi32>,
    %swap3A_72 = vector.shape_cast %swap3A_71 : vector<16xi32> to vector<16xi32>
    %swap3A_73 = vector.shape_cast %and3A_69 : vector<16xi32> to vector<16xi32>
    tpu.vector_store %arg8[%swap3A_70], %swap3A_73 {strides = array<i32>} : memref<96xi32, #tpu.memory_space<vmem>>, vector<16xi32>,
    %get3A_74 = arith.constant 112 : index
    %get3A_75 = tpu.vector_load %arg6[%get3A_74] {strides = array<i32>} : memref<10080xi32, #tpu.memory_space<vmem>>, vector<16xi32>,
    %get3A_76 = vector.shape_cast %get3A_75 : vector<16xi32> to vector<16xi32>
    %and3A_77 = arith.constant 16383 : i32
    %and3A_78 = vector.broadcast %and3A_77 : i32 to vector<16xi32>
    %and3A_79 = arith.andi %get3A_76, %and3A_78 : vector<16xi32>
    %swap3A_80 = arith.constant 16 : index
    %swap3A_81 = tpu.vector_load %arg8[%swap3A_80] {strides = array<i32>} : memref<96xi32, #tpu.memory_space<vmem>>, vector<16xi32>,
    %swap3A_82 = vector.shape_cast %swap3A_81 : vector<16xi32> to vector<16xi32>
    %swap3A_83 = vector.shape_cast %and3A_79 : vector<16xi32> to vector<16xi32>
    tpu.vector_store %arg8[%swap3A_80], %swap3A_83 {strides = array<i32>} : memref<96xi32, #tpu.memory_space<vmem>>, vector<16xi32>,
    %get3A_84 = arith.constant 128 : index
    %get3A_85 = tpu.vector_load %arg6[%get3A_84] {strides = array<i32>} : memref<10080xi32, #tpu.memory_space<vmem>>, vector<16xi32>,
    %get3A_86 = vector.shape_cast %get3A_85 : vector<16xi32> to vector<16xi32>
    %and3A_87 = arith.constant 16383 : i32
    %and3A_88 = vector.broadcast %and3A_87 : i32 to vector<16xi32>
    %and3A_89 = arith.andi %get3A_86, %and3A_88 : vector<16xi32>
    %swap3A_90 = arith.constant 32 : index
    %swap3A_91 = tpu.vector_load %arg8[%swap3A_90] {strides = array<i32>} : memref<96xi32, #tpu.memory_space<vmem>>, vector<16xi32>,
    %swap3A_92 = vector.shape_cast %swap3A_91 : vector<16xi32> to vector<16xi32>
    %swap3A_93 = vector.shape_cast %and3A_89 : vector<16xi32> to vector<16xi32>
    tpu.vector_store %arg8[%swap3A_90], %swap3A_93 {strides = array<i32>} : memref<96xi32, #tpu.memory_space<vmem>>, vector<16xi32>,
    %get3A_94 = arith.constant 144 : index
    %get3A_95 = tpu.vector_load %arg6[%get3A_94] {strides = array<i32>} : memref<10080xi32, #tpu.memory_space<vmem>>, vector<16xi32>,
    %get3A_96 = vector.shape_cast %get3A_95 : vector<16xi32> to vector<16xi32>
    %and3A_97 = arith.constant 16383 : i32
    %and3A_98 = vector.broadcast %and3A_97 : i32 to vector<16xi32>
    %and3A_99 = arith.andi %get3A_96, %and3A_98 : vector<16xi32>
    %swap3A_100 = arith.constant 48 : index
    %swap3A_101 = tpu.vector_load %arg8[%swap3A_100] {strides = array<i32>} : memref<96xi32, #tpu.memory_space<vmem>>, vector<16xi32>,
    %swap3A_102 = vector.shape_cast %swap3A_101 : vector<16xi32> to vector<16xi32>
    %swap3A_103 = vector.shape_cast %and3A_99 : vector<16xi32> to vector<16xi32>
    tpu.vector_store %arg8[%swap3A_100], %swap3A_103 {strides = array<i32>} : memref<96xi32, #tpu.memory_space<vmem>>, vector<16xi32>,
    %get3A_104 = arith.constant 160 : index
    %get3A_105 = tpu.vector_load %arg6[%get3A_104] {strides = array<i32>} : memref<10080xi32, #tpu.memory_space<vmem>>, vector<16xi32>,
    %get3A_106 = vector.shape_cast %get3A_105 : vector<16xi32> to vector<16xi32>
    %and3A_107 = arith.constant 16383 : i32
    %and3A_108 = vector.broadcast %and3A_107 : i32 to vector<16xi32>
    %and3A_109 = arith.andi %get3A_106, %and3A_108 : vector<16xi32>
    %swap3A_110 = arith.constant 64 : index
    %swap3A_111 = tpu.vector_load %arg8[%swap3A_110] {strides = array<i32>} : memref<96xi32, #tpu.memory_space<vmem>>, vector<16xi32>,
    %swap3A_112 = vector.shape_cast %swap3A_111 : vector<16xi32> to vector<16xi32>
    %swap3A_113 = vector.shape_cast %and3A_109 : vector<16xi32> to vector<16xi32>
    tpu.vector_store %arg8[%swap3A_110], %swap3A_113 {strides = array<i32>} : memref<96xi32, #tpu.memory_space<vmem>>, vector<16xi32>,
    %get3A_114 = arith.constant 176 : index
    %get3A_115 = tpu.vector_load %arg6[%get3A_114] {strides = array<i32>} : memref<10080xi32, #tpu.memory_space<vmem>>, vector<16xi32>,
    %get3A_116 = vector.shape_cast %get3A_115 : vector<16xi32> to vector<16xi32>
    %and3A_117 = arith.constant 16383 : i32
    %and3A_118 = vector.broadcast %and3A_117 : i32 to vector<16xi32>
    %and3A_119 = arith.andi %get3A_116, %and3A_118 : vector<16xi32>
    %swap3A_120 = arith.constant 80 : index
    %swap3A_121 = tpu.vector_load %arg8[%swap3A_120] {strides = array<i32>} : memref<96xi32, #tpu.memory_space<vmem>>, vector<16xi32>,
    %swap3A_122 = vector.shape_cast %swap3A_121 : vector<16xi32> to vector<16xi32>
    %swap3A_123 = vector.shape_cast %and3A_119 : vector<16xi32> to vector<16xi32>
    tpu.vector_store %arg8[%swap3A_120], %swap3A_123 {strides = array<i32>} : memref<96xi32, #tpu.memory_space<vmem>>, vector<16xi32>,
    %dma_start3A_124 = arith.constant 0 : i32
    %dma_start3A_125 = arith.constant 0 : i32
    %dma_start3A_126 = tpu.memref_slice %arg2[%dma_start3A_124, %dma_start3A_125] : memref<10000x128xf32, #tpu.memory_space<hbm>> -> memref<10000x128xf32, #tpu.memory_space<hbm>>
    tpu.enqueue_indirect_dma source(%dma_start3A_126 : memref<10000x128xf32, #tpu.memory_space<hbm>>) target(%arg14 : memref<96x128xf32, #tpu.memory_space<vmem>>) offsets(%arg8 : memref<96xi32, #tpu.memory_space<vmem>>) semaphore(%arg18 : memref<!tpu.dma_semaphore, #tpu.memory_space<semaphore_mem>>)
    %scan3A = arith.constant 0 : i32
    %scan3A_127 = arith.constant 0 : i32
    %scan3A_128 = arith.constant 35 : i32
    %scan3A_129 = arith.addi %scan3A_127, %scan3A_128 : i32
    %scan3A_130 = arith.constant 1 : i32
    scf.for %scan3A_137 = %scan3A_127 to %scan3A_129 step %scan3A_130  : i32 {
      %mul3A_138 = arith.constant 3 : i32
      %mul3A_139 = arith.muli %mul3A_138, %scan3A_137 : i32
      %add3A_140 = arith.constant 0 : i32
      %add3A_141 = arith.addi %mul3A_139, %add3A_140 : i32
      %dma_wait3A = arith.constant 0 : i32
      %dma_wait3A_142 = arith.constant 0 : i32
      %dma_wait3A_143 = tpu.memref_slice %arg2[%dma_wait3A, %dma_wait3A_142] : memref<10000x128xf32, #tpu.memory_space<hbm>> -> memref<10000x128xf32, #tpu.memory_space<hbm>>
      tpu.wait_indirect_dma semaphore(%arg17 : memref<!tpu.dma_semaphore, #tpu.memory_space<semaphore_mem>>) src(%dma_wait3A_143 : memref<10000x128xf32, #tpu.memory_space<hbm>>) dst(%arg13 : memref<96x128xf32, #tpu.memory_space<vmem>>)
      %mul3A_144 = arith.constant 96 : i32
      %mul3A_145 = arith.muli %add3A_141, %mul3A_144 : i32
      %add3A_146 = arith.constant 0 : i32
      %add3A_147 = arith.addi %mul3A_145, %add3A_146 : i32
      %get3A_148 = arith.index_cast %add3A_147 : i32 to index
      %get3A_149 = tpu.vector_load %arg6[%get3A_148] {strides = array<i32>} : memref<10080xi32, #tpu.memory_space<vmem>>, vector<16xi32>,
      %get3A_150 = vector.shape_cast %get3A_149 : vector<16xi32> to vector<16xi32>
      %shift_right_logical3A = arith.constant 14 : i32
      %shift_right_logical3A_151 = vector.broadcast %shift_right_logical3A : i32 to vector<16xi32>
      %shift_right_logical3A_152 = arith.shrui %get3A_150, %shift_right_logical3A_151 : vector<16xi32>
      %swap3A_153 = arith.constant 0 : index
      %swap3A_154 = tpu.vector_load %arg10[%swap3A_153] {strides = array<i32>} : memref<96xi32, #tpu.memory_space<vmem>>, vector<16xi32>,
      %swap3A_155 = vector.shape_cast %swap3A_154 : vector<16xi32> to vector<16xi32>
      %swap3A_156 = vector.shape_cast %shift_right_logical3A_152 : vector<16xi32> to vector<16xi32>
      tpu.vector_store %arg10[%swap3A_153], %swap3A_156 {strides = array<i32>} : memref<96xi32, #tpu.memory_space<vmem>>, vector<16xi32>,
      %mul3A_157 = arith.constant 96 : i32
      %mul3A_158 = arith.muli %add3A_141, %mul3A_157 : i32
      %add3A_159 = arith.constant 16 : i32
      %add3A_160 = arith.addi %mul3A_158, %add3A_159 : i32
      %get3A_161 = arith.index_cast %add3A_160 : i32 to index
      %get3A_162 = tpu.vector_load %arg6[%get3A_161] {strides = array<i32>} : memref<10080xi32, #tpu.memory_space<vmem>>, vector<16xi32>,
      %get3A_163 = vector.shape_cast %get3A_162 : vector<16xi32> to vector<16xi32>
      %shift_right_logical3A_164 = arith.constant 14 : i32
      %shift_right_logical3A_165 = vector.broadcast %shift_right_logical3A_164 : i32 to vector<16xi32>
      %shift_right_logical3A_166 = arith.shrui %get3A_163, %shift_right_logical3A_165 : vector<16xi32>
      %swap3A_167 = arith.constant 16 : index
      %swap3A_168 = tpu.vector_load %arg10[%swap3A_167] {strides = array<i32>} : memref<96xi32, #tpu.memory_space<vmem>>, vector<16xi32>,
      %swap3A_169 = vector.shape_cast %swap3A_168 : vector<16xi32> to vector<16xi32>
      %swap3A_170 = vector.shape_cast %shift_right_logical3A_166 : vector<16xi32> to vector<16xi32>
      tpu.vector_store %arg10[%swap3A_167], %swap3A_170 {strides = array<i32>} : memref<96xi32, #tpu.memory_space<vmem>>, vector<16xi32>,
      %mul3A_171 = arith.constant 96 : i32
      %mul3A_172 = arith.muli %add3A_141, %mul3A_171 : i32
      %add3A_173 = arith.constant 32 : i32
      %add3A_174 = arith.addi %mul3A_172, %add3A_173 : i32
      %get3A_175 = arith.index_cast %add3A_174 : i32 to index
      %get3A_176 = tpu.vector_load %arg6[%get3A_175] {strides = array<i32>} : memref<10080xi32, #tpu.memory_space<vmem>>, vector<16xi32>,
      %get3A_177 = vector.shape_cast %get3A_176 : vector<16xi32> to vector<16xi32>
      %shift_right_logical3A_178 = arith.constant 14 : i32
      %shift_right_logical3A_179 = vector.broadcast %shift_right_logical3A_178 : i32 to vector<16xi32>
      %shift_right_logical3A_180 = arith.shrui %get3A_177, %shift_right_logical3A_179 : vector<16xi32>
      %swap3A_181 = arith.constant 32 : index
      %swap3A_182 = tpu.vector_load %arg10[%swap3A_181] {strides = array<i32>} : memref<96xi32, #tpu.memory_space<vmem>>, vector<16xi32>,
      %swap3A_183 = vector.shape_cast %swap3A_182 : vector<16xi32> to vector<16xi32>
      %swap3A_184 = vector.shape_cast %shift_right_logical3A_180 : vector<16xi32> to vector<16xi32>
      tpu.vector_store %arg10[%swap3A_181], %swap3A_184 {strides = array<i32>} : memref<96xi32, #tpu.memory_space<vmem>>, vector<16xi32>,
      %mul3A_185 = arith.constant 96 : i32
      %mul3A_186 = arith.muli %add3A_141, %mul3A_185 : i32
      %add3A_187 = arith.constant 48 : i32
      %add3A_188 = arith.addi %mul3A_186, %add3A_187 : i32
      %get3A_189 = arith.index_cast %add3A_188 : i32 to index
      %get3A_190 = tpu.vector_load %arg6[%get3A_189] {strides = array<i32>} : memref<10080xi32, #tpu.memory_space<vmem>>, vector<16xi32>,
      %get3A_191 = vector.shape_cast %get3A_190 : vector<16xi32> to vector<16xi32>
      %shift_right_logical3A_192 = arith.constant 14 : i32
      %shift_right_logical3A_193 = vector.broadcast %shift_right_logical3A_192 : i32 to vector<16xi32>
      %shift_right_logical3A_194 = arith.shrui %get3A_191, %shift_right_logical3A_193 : vector<16xi32>
      %swap3A_195 = arith.constant 48 : index
      %swap3A_196 = tpu.vector_load %arg10[%swap3A_195] {strides = array<i32>} : memref<96xi32, #tpu.memory_space<vmem>>, vector<16xi32>,
      %swap3A_197 = vector.shape_cast %swap3A_196 : vector<16xi32> to vector<16xi32>
      %swap3A_198 = vector.shape_cast %shift_right_logical3A_194 : vector<16xi32> to vector<16xi32>
      tpu.vector_store %arg10[%swap3A_195], %swap3A_198 {strides = array<i32>} : memref<96xi32, #tpu.memory_space<vmem>>, vector<16xi32>,
      %mul3A_199 = arith.constant 96 : i32
      %mul3A_200 = arith.muli %add3A_141, %mul3A_199 : i32
      %add3A_201 = arith.constant 64 : i32
      %add3A_202 = arith.addi %mul3A_200, %add3A_201 : i32
      %get3A_203 = arith.index_cast %add3A_202 : i32 to index
      %get3A_204 = tpu.vector_load %arg6[%get3A_203] {strides = array<i32>} : memref<10080xi32, #tpu.memory_space<vmem>>, vector<16xi32>,
      %get3A_205 = vector.shape_cast %get3A_204 : vector<16xi32> to vector<16xi32>
      %shift_right_logical3A_206 = arith.constant 14 : i32
      %shift_right_logical3A_207 = vector.broadcast %shift_right_logical3A_206 : i32 to vector<16xi32>
      %shift_right_logical3A_208 = arith.shrui %get3A_205, %shift_right_logical3A_207 : vector<16xi32>
      %swap3A_209 = arith.constant 64 : index
      %swap3A_210 = tpu.vector_load %arg10[%swap3A_209] {strides = array<i32>} : memref<96xi32, #tpu.memory_space<vmem>>, vector<16xi32>,
      %swap3A_211 = vector.shape_cast %swap3A_210 : vector<16xi32> to vector<16xi32>
      %swap3A_212 = vector.shape_cast %shift_right_logical3A_208 : vector<16xi32> to vector<16xi32>
      tpu.vector_store %arg10[%swap3A_209], %swap3A_212 {strides = array<i32>} : memref<96xi32, #tpu.memory_space<vmem>>, vector<16xi32>,
      %mul3A_213 = arith.constant 96 : i32
      %mul3A_214 = arith.muli %add3A_141, %mul3A_213 : i32
      %add3A_215 = arith.constant 80 : i32
      %add3A_216 = arith.addi %mul3A_214, %add3A_215 : i32
      %get3A_217 = arith.index_cast %add3A_216 : i32 to index
      %get3A_218 = tpu.vector_load %arg6[%get3A_217] {strides = array<i32>} : memref<10080xi32, #tpu.memory_space<vmem>>, vector<16xi32>,
      %get3A_219 = vector.shape_cast %get3A_218 : vector<16xi32> to vector<16xi32>
      %shift_right_logical3A_220 = arith.constant 14 : i32
      %shift_right_logical3A_221 = vector.broadcast %shift_right_logical3A_220 : i32 to vector<16xi32>
      %shift_right_logical3A_222 = arith.shrui %get3A_219, %shift_right_logical3A_221 : vector<16xi32>
      %swap3A_223 = arith.constant 80 : index
      %swap3A_224 = tpu.vector_load %arg10[%swap3A_223] {strides = array<i32>} : memref<96xi32, #tpu.memory_space<vmem>>, vector<16xi32>,
      %swap3A_225 = vector.shape_cast %swap3A_224 : vector<16xi32> to vector<16xi32>
      %swap3A_226 = vector.shape_cast %shift_right_logical3A_222 : vector<16xi32> to vector<16xi32>
      tpu.vector_store %arg10[%swap3A_223], %swap3A_226 {strides = array<i32>} : memref<96xi32, #tpu.memory_space<vmem>>, vector<16xi32>,
      "tpu.region"() ({
        %run_scoped3A = tpu.sem_alloc : memref<!tpu.dma_semaphore, #tpu.memory_space<semaphore_mem>>
        %dma_start3A_423 = arith.constant 0 : i32
        %dma_start3A_424 = arith.constant 0 : i32
        %dma_start3A_425 = tpu.memref_slice %arg16[%dma_start3A_423, %dma_start3A_424] : memref<10112x128xf32, #tpu.memory_space<vmem_shared>> -> memref<10112x128xf32, #tpu.memory_space<vmem_shared>>
        tpu.enqueue_indirect_dma source(%arg13 : memref<96x128xf32, #tpu.memory_space<vmem>>) target(%dma_start3A_425 : memref<10112x128xf32, #tpu.memory_space<vmem_shared>>) offsets(%arg10 : memref<96xi32, #tpu.memory_space<vmem>>) semaphore(%run_scoped3A : memref<!tpu.dma_semaphore, #tpu.memory_space<semaphore_mem>>) {add = true}
        %dma_wait3A_426 = arith.constant 0 : i32
        %dma_wait3A_427 = arith.constant 0 : i32
        %dma_wait3A_428 = tpu.memref_slice %arg16[%dma_wait3A_426, %dma_wait3A_427] : memref<10112x128xf32, #tpu.memory_space<vmem_shared>> -> memref<10112x128xf32, #tpu.memory_space<vmem_shared>>
        tpu.wait_indirect_dma semaphore(%run_scoped3A : memref<!tpu.dma_semaphore, #tpu.memory_space<semaphore_mem>>) src(%arg13 : memref<96x128xf32, #tpu.memory_space<vmem>>) dst(%dma_wait3A_428 : memref<10112x128xf32, #tpu.memory_space<vmem_shared>>)
        tpu.yield
      }) : () -> ()
      %add3A_227 = arith.constant 2 : i32
      %add3A_228 = arith.addi %add3A_141, %add3A_227 : i32
      %lt3A = arith.constant 105 : i32
      %lt3A_229 = arith.cmpi slt, %add3A_228, %lt3A : i32
      %convert_element_type3A = arith.extui %lt3A_229 : i1 to i32
      %cond3A = arith.constant 0 : i32
      %cond3A_230 = arith.cmpi ne, %convert_element_type3A, %cond3A : i32
      scf.if %cond3A_230 {
        %add3A_423 = arith.constant 2 : i32
        %add3A_424 = arith.addi %add3A_141, %add3A_423 : i32
        %mul3A_425 = arith.constant 96 : i32
        %mul3A_426 = arith.muli %add3A_424, %mul3A_425 : i32
        %add3A_427 = arith.constant 0 : i32
        %add3A_428 = arith.addi %mul3A_426, %add3A_427 : i32
        %get3A_429 = arith.index_cast %add3A_428 : i32 to index
        %get3A_430 = tpu.vector_load %arg6[%get3A_429] {strides = array<i32>} : memref<10080xi32, #tpu.memory_space<vmem>>, vector<16xi32>,
        %get3A_431 = vector.shape_cast %get3A_430 : vector<16xi32> to vector<16xi32>
        %and3A_432 = arith.constant 16383 : i32
        %and3A_433 = vector.broadcast %and3A_432 : i32 to vector<16xi32>
        %and3A_434 = arith.andi %get3A_431, %and3A_433 : vector<16xi32>
        %swap3A_435 = arith.constant 0 : index
        %swap3A_436 = tpu.vector_load %arg9[%swap3A_435] {strides = array<i32>} : memref<96xi32, #tpu.memory_space<vmem>>, vector<16xi32>,
        %swap3A_437 = vector.shape_cast %swap3A_436 : vector<16xi32> to vector<16xi32>
        %swap3A_438 = vector.shape_cast %and3A_434 : vector<16xi32> to vector<16xi32>
        tpu.vector_store %arg9[%swap3A_435], %swap3A_438 {strides = array<i32>} : memref<96xi32, #tpu.memory_space<vmem>>, vector<16xi32>,
        %mul3A_439 = arith.constant 96 : i32
        %mul3A_440 = arith.muli %add3A_424, %mul3A_439 : i32
        %add3A_441 = arith.constant 16 : i32
        %add3A_442 = arith.addi %mul3A_440, %add3A_441 : i32
        %get3A_443 = arith.index_cast %add3A_442 : i32 to index
        %get3A_444 = tpu.vector_load %arg6[%get3A_443] {strides = array<i32>} : memref<10080xi32, #tpu.memory_space<vmem>>, vector<16xi32>,
        %get3A_445 = vector.shape_cast %get3A_444 : vector<16xi32> to vector<16xi32>
        %and3A_446 = arith.constant 16383 : i32
        %and3A_447 = vector.broadcast %and3A_446 : i32 to vector<16xi32>
        %and3A_448 = arith.andi %get3A_445, %and3A_447 : vector<16xi32>
        %swap3A_449 = arith.constant 16 : index
        %swap3A_450 = tpu.vector_load %arg9[%swap3A_449] {strides = array<i32>} : memref<96xi32, #tpu.memory_space<vmem>>, vector<16xi32>,
        %swap3A_451 = vector.shape_cast %swap3A_450 : vector<16xi32> to vector<16xi32>
        %swap3A_452 = vector.shape_cast %and3A_448 : vector<16xi32> to vector<16xi32>
        tpu.vector_store %arg9[%swap3A_449], %swap3A_452 {strides = array<i32>} : memref<96xi32, #tpu.memory_space<vmem>>, vector<16xi32>,
        %mul3A_453 = arith.constant 96 : i32
        %mul3A_454 = arith.muli %add3A_424, %mul3A_453 : i32
        %add3A_455 = arith.constant 32 : i32
        %add3A_456 = arith.addi %mul3A_454, %add3A_455 : i32
        %get3A_457 = arith.index_cast %add3A_456 : i32 to index
        %get3A_458 = tpu.vector_load %arg6[%get3A_457] {strides = array<i32>} : memref<10080xi32, #tpu.memory_space<vmem>>, vector<16xi32>,
        %get3A_459 = vector.shape_cast %get3A_458 : vector<16xi32> to vector<16xi32>
        %and3A_460 = arith.constant 16383 : i32
        %and3A_461 = vector.broadcast %and3A_460 : i32 to vector<16xi32>
        %and3A_462 = arith.andi %get3A_459, %and3A_461 : vector<16xi32>
        %swap3A_463 = arith.constant 32 : index
        %swap3A_464 = tpu.vector_load %arg9[%swap3A_463] {strides = array<i32>} : memref<96xi32, #tpu.memory_space<vmem>>, vector<16xi32>,
        %swap3A_465 = vector.shape_cast %swap3A_464 : vector<16xi32> to vector<16xi32>
        %swap3A_466 = vector.shape_cast %and3A_462 : vector<16xi32> to vector<16xi32>
        tpu.vector_store %arg9[%swap3A_463], %swap3A_466 {strides = array<i32>} : memref<96xi32, #tpu.memory_space<vmem>>, vector<16xi32>,
        %mul3A_467 = arith.constant 96 : i32
        %mul3A_468 = arith.muli %add3A_424, %mul3A_467 : i32
        %add3A_469 = arith.constant 48 : i32
        %add3A_470 = arith.addi %mul3A_468, %add3A_469 : i32
        %get3A_471 = arith.index_cast %add3A_470 : i32 to index
        %get3A_472 = tpu.vector_load %arg6[%get3A_471] {strides = array<i32>} : memref<10080xi32, #tpu.memory_space<vmem>>, vector<16xi32>,
        %get3A_473 = vector.shape_cast %get3A_472 : vector<16xi32> to vector<16xi32>
        %and3A_474 = arith.constant 16383 : i32
        %and3A_475 = vector.broadcast %and3A_474 : i32 to vector<16xi32>
        %and3A_476 = arith.andi %get3A_473, %and3A_475 : vector<16xi32>
        %swap3A_477 = arith.constant 48 : index
        %swap3A_478 = tpu.vector_load %arg9[%swap3A_477] {strides = array<i32>} : memref<96xi32, #tpu.memory_space<vmem>>, vector<16xi32>,
        %swap3A_479 = vector.shape_cast %swap3A_478 : vector<16xi32> to vector<16xi32>
        %swap3A_480 = vector.shape_cast %and3A_476 : vector<16xi32> to vector<16xi32>
        tpu.vector_store %arg9[%swap3A_477], %swap3A_480 {strides = array<i32>} : memref<96xi32, #tpu.memory_space<vmem>>, vector<16xi32>,
        %mul3A_481 = arith.constant 96 : i32
        %mul3A_482 = arith.muli %add3A_424, %mul3A_481 : i32
        %add3A_483 = arith.constant 64 : i32
        %add3A_484 = arith.addi %mul3A_482, %add3A_483 : i32
        %get3A_485 = arith.index_cast %add3A_484 : i32 to index
        %get3A_486 = tpu.vector_load %arg6[%get3A_485] {strides = array<i32>} : memref<10080xi32, #tpu.memory_space<vmem>>, vector<16xi32>,
        %get3A_487 = vector.shape_cast %get3A_486 : vector<16xi32> to vector<16xi32>
        %and3A_488 = arith.constant 16383 : i32
        %and3A_489 = vector.broadcast %and3A_488 : i32 to vector<16xi32>
        %and3A_490 = arith.andi %get3A_487, %and3A_489 : vector<16xi32>
        %swap3A_491 = arith.constant 64 : index
        %swap3A_492 = tpu.vector_load %arg9[%swap3A_491] {strides = array<i32>} : memref<96xi32, #tpu.memory_space<vmem>>, vector<16xi32>,
        %swap3A_493 = vector.shape_cast %swap3A_492 : vector<16xi32> to vector<16xi32>
        %swap3A_494 = vector.shape_cast %and3A_490 : vector<16xi32> to vector<16xi32>
        tpu.vector_store %arg9[%swap3A_491], %swap3A_494 {strides = array<i32>} : memref<96xi32, #tpu.memory_space<vmem>>, vector<16xi32>,
        %mul3A_495 = arith.constant 96 : i32
        %mul3A_496 = arith.muli %add3A_424, %mul3A_495 : i32
        %add3A_497 = arith.constant 80 : i32
        %add3A_498 = arith.addi %mul3A_496, %add3A_497 : i32
        %get3A_499 = arith.index_cast %add3A_498 : i32 to index
        %get3A_500 = tpu.vector_load %arg6[%get3A_499] {strides = array<i32>} : memref<10080xi32, #tpu.memory_space<vmem>>, vector<16xi32>,
        %get3A_501 = vector.shape_cast %get3A_500 : vector<16xi32> to vector<16xi32>
        %and3A_502 = arith.constant 16383 : i32
        %and3A_503 = vector.broadcast %and3A_502 : i32 to vector<16xi32>
        %and3A_504 = arith.andi %get3A_501, %and3A_503 : vector<16xi32>
        %swap3A_505 = arith.constant 80 : index
        %swap3A_506 = tpu.vector_load %arg9[%swap3A_505] {strides = array<i32>} : memref<96xi32, #tpu.memory_space<vmem>>, vector<16xi32>,
        %swap3A_507 = vector.shape_cast %swap3A_506 : vector<16xi32> to vector<16xi32>
        %swap3A_508 = vector.shape_cast %and3A_504 : vector<16xi32> to vector<16xi32>
        tpu.vector_store %arg9[%swap3A_505], %swap3A_508 {strides = array<i32>} : memref<96xi32, #tpu.memory_space<vmem>>, vector<16xi32>,
        %dma_start3A_509 = arith.constant 0 : i32
        %dma_start3A_510 = arith.constant 0 : i32
        %dma_start3A_511 = tpu.memref_slice %arg2[%dma_start3A_509, %dma_start3A_510] : memref<10000x128xf32, #tpu.memory_space<hbm>> -> memref<10000x128xf32, #tpu.memory_space<hbm>>
        tpu.enqueue_indirect_dma source(%dma_start3A_511 : memref<10000x128xf32, #tpu.memory_space<hbm>>) target(%arg15 : memref<96x128xf32, #tpu.memory_space<vmem>>) offsets(%arg9 : memref<96xi32, #tpu.memory_space<vmem>>) semaphore(%arg19 : memref<!tpu.dma_semaphore, #tpu.memory_space<semaphore_mem>>)
      } else {
      }
      %add3A_231 = arith.constant 1 : i32
      %add3A_232 = arith.addi %mul3A_139, %add3A_231 : i32
      %dma_wait3A_233 = arith.constant 0 : i32
      %dma_wait3A_234 = arith.constant 0 : i32
      %dma_wait3A_235 = tpu.memref_slice %arg2[%dma_wait3A_233, %dma_wait3A_234] : memref<10000x128xf32, #tpu.memory_space<hbm>> -> memref<10000x128xf32, #tpu.memory_space<hbm>>
      tpu.wait_indirect_dma semaphore(%arg18 : memref<!tpu.dma_semaphore, #tpu.memory_space<semaphore_mem>>) src(%dma_wait3A_235 : memref<10000x128xf32, #tpu.memory_space<hbm>>) dst(%arg14 : memref<96x128xf32, #tpu.memory_space<vmem>>)
      %mul3A_236 = arith.constant 96 : i32
      %mul3A_237 = arith.muli %add3A_232, %mul3A_236 : i32
      %add3A_238 = arith.constant 0 : i32
      %add3A_239 = arith.addi %mul3A_237, %add3A_238 : i32
      %get3A_240 = arith.index_cast %add3A_239 : i32 to index
      %get3A_241 = tpu.vector_load %arg6[%get3A_240] {strides = array<i32>} : memref<10080xi32, #tpu.memory_space<vmem>>, vector<16xi32>,
      %get3A_242 = vector.shape_cast %get3A_241 : vector<16xi32> to vector<16xi32>
      %shift_right_logical3A_243 = arith.constant 14 : i32
      %shift_right_logical3A_244 = vector.broadcast %shift_right_logical3A_243 : i32 to vector<16xi32>
      %shift_right_logical3A_245 = arith.shrui %get3A_242, %shift_right_logical3A_244 : vector<16xi32>
      %swap3A_246 = arith.constant 0 : index
      %swap3A_247 = tpu.vector_load %arg11[%swap3A_246] {strides = array<i32>} : memref<96xi32, #tpu.memory_space<vmem>>, vector<16xi32>,
      %swap3A_248 = vector.shape_cast %swap3A_247 : vector<16xi32> to vector<16xi32>
      %swap3A_249 = vector.shape_cast %shift_right_logical3A_245 : vector<16xi32> to vector<16xi32>
      tpu.vector_store %arg11[%swap3A_246], %swap3A_249 {strides = array<i32>} : memref<96xi32, #tpu.memory_space<vmem>>, vector<16xi32>,
      %mul3A_250 = arith.constant 96 : i32
      %mul3A_251 = arith.muli %add3A_232, %mul3A_250 : i32
      %add3A_252 = arith.constant 16 : i32
      %add3A_253 = arith.addi %mul3A_251, %add3A_252 : i32
      %get3A_254 = arith.index_cast %add3A_253 : i32 to index
      %get3A_255 = tpu.vector_load %arg6[%get3A_254] {strides = array<i32>} : memref<10080xi32, #tpu.memory_space<vmem>>, vector<16xi32>,
      %get3A_256 = vector.shape_cast %get3A_255 : vector<16xi32> to vector<16xi32>
      %shift_right_logical3A_257 = arith.constant 14 : i32
      %shift_right_logical3A_258 = vector.broadcast %shift_right_logical3A_257 : i32 to vector<16xi32>
      %shift_right_logical3A_259 = arith.shrui %get3A_256, %shift_right_logical3A_258 : vector<16xi32>
      %swap3A_260 = arith.constant 16 : index
      %swap3A_261 = tpu.vector_load %arg11[%swap3A_260] {strides = array<i32>} : memref<96xi32, #tpu.memory_space<vmem>>, vector<16xi32>,
      %swap3A_262 = vector.shape_cast %swap3A_261 : vector<16xi32> to vector<16xi32>
      %swap3A_263 = vector.shape_cast %shift_right_logical3A_259 : vector<16xi32> to vector<16xi32>
      tpu.vector_store %arg11[%swap3A_260], %swap3A_263 {strides = array<i32>} : memref<96xi32, #tpu.memory_space<vmem>>, vector<16xi32>,
      %mul3A_264 = arith.constant 96 : i32
      %mul3A_265 = arith.muli %add3A_232, %mul3A_264 : i32
      %add3A_266 = arith.constant 32 : i32
      %add3A_267 = arith.addi %mul3A_265, %add3A_266 : i32
      %get3A_268 = arith.index_cast %add3A_267 : i32 to index
      %get3A_269 = tpu.vector_load %arg6[%get3A_268] {strides = array<i32>} : memref<10080xi32, #tpu.memory_space<vmem>>, vector<16xi32>,
      %get3A_270 = vector.shape_cast %get3A_269 : vector<16xi32> to vector<16xi32>
      %shift_right_logical3A_271 = arith.constant 14 : i32
      %shift_right_logical3A_272 = vector.broadcast %shift_right_logical3A_271 : i32 to vector<16xi32>
      %shift_right_logical3A_273 = arith.shrui %get3A_270, %shift_right_logical3A_272 : vector<16xi32>
      %swap3A_274 = arith.constant 32 : index
      %swap3A_275 = tpu.vector_load %arg11[%swap3A_274] {strides = array<i32>} : memref<96xi32, #tpu.memory_space<vmem>>, vector<16xi32>,
      %swap3A_276 = vector.shape_cast %swap3A_275 : vector<16xi32> to vector<16xi32>
      %swap3A_277 = vector.shape_cast %shift_right_logical3A_273 : vector<16xi32> to vector<16xi32>
      tpu.vector_store %arg11[%swap3A_274], %swap3A_277 {strides = array<i32>} : memref<96xi32, #tpu.memory_space<vmem>>, vector<16xi32>,
      %mul3A_278 = arith.constant 96 : i32
      %mul3A_279 = arith.muli %add3A_232, %mul3A_278 : i32
      %add3A_280 = arith.constant 48 : i32
      %add3A_281 = arith.addi %mul3A_279, %add3A_280 : i32
      %get3A_282 = arith.index_cast %add3A_281 : i32 to index
      %get3A_283 = tpu.vector_load %arg6[%get3A_282] {strides = array<i32>} : memref<10080xi32, #tpu.memory_space<vmem>>, vector<16xi32>,
      %get3A_284 = vector.shape_cast %get3A_283 : vector<16xi32> to vector<16xi32>
      %shift_right_logical3A_285 = arith.constant 14 : i32
      %shift_right_logical3A_286 = vector.broadcast %shift_right_logical3A_285 : i32 to vector<16xi32>
      %shift_right_logical3A_287 = arith.shrui %get3A_284, %shift_right_logical3A_286 : vector<16xi32>
      %swap3A_288 = arith.constant 48 : index
      %swap3A_289 = tpu.vector_load %arg11[%swap3A_288] {strides = array<i32>} : memref<96xi32, #tpu.memory_space<vmem>>, vector<16xi32>,
      %swap3A_290 = vector.shape_cast %swap3A_289 : vector<16xi32> to vector<16xi32>
      %swap3A_291 = vector.shape_cast %shift_right_logical3A_287 : vector<16xi32> to vector<16xi32>
      tpu.vector_store %arg11[%swap3A_288], %swap3A_291 {strides = array<i32>} : memref<96xi32, #tpu.memory_space<vmem>>, vector<16xi32>,
      %mul3A_292 = arith.constant 96 : i32
      %mul3A_293 = arith.muli %add3A_232, %mul3A_292 : i32
      %add3A_294 = arith.constant 64 : i32
      %add3A_295 = arith.addi %mul3A_293, %add3A_294 : i32
      %get3A_296 = arith.index_cast %add3A_295 : i32 to index
      %get3A_297 = tpu.vector_load %arg6[%get3A_296] {strides = array<i32>} : memref<10080xi32, #tpu.memory_space<vmem>>, vector<16xi32>,
      %get3A_298 = vector.shape_cast %get3A_297 : vector<16xi32> to vector<16xi32>
      %shift_right_logical3A_299 = arith.constant 14 : i32
      %shift_right_logical3A_300 = vector.broadcast %shift_right_logical3A_299 : i32 to vector<16xi32>
      %shift_right_logical3A_301 = arith.shrui %get3A_298, %shift_right_logical3A_300 : vector<16xi32>
      %swap3A_302 = arith.constant 64 : index
      %swap3A_303 = tpu.vector_load %arg11[%swap3A_302] {strides = array<i32>} : memref<96xi32, #tpu.memory_space<vmem>>, vector<16xi32>,
      %swap3A_304 = vector.shape_cast %swap3A_303 : vector<16xi32> to vector<16xi32>
      %swap3A_305 = vector.shape_cast %shift_right_logical3A_301 : vector<16xi32> to vector<16xi32>
      tpu.vector_store %arg11[%swap3A_302], %swap3A_305 {strides = array<i32>} : memref<96xi32, #tpu.memory_space<vmem>>, vector<16xi32>,
      %mul3A_306 = arith.constant 96 : i32
      %mul3A_307 = arith.muli %add3A_232, %mul3A_306 : i32
      %add3A_308 = arith.constant 80 : i32
      %add3A_309 = arith.addi %mul3A_307, %add3A_308 : i32
      %get3A_310 = arith.index_cast %add3A_309 : i32 to index
      %get3A_311 = tpu.vector_load %arg6[%get3A_310] {strides = array<i32>} : memref<10080xi32, #tpu.memory_space<vmem>>, vector<16xi32>,
      %get3A_312 = vector.shape_cast %get3A_311 : vector<16xi32> to vector<16xi32>
      %shift_right_logical3A_313 = arith.constant 14 : i32
      %shift_right_logical3A_314 = vector.broadcast %shift_right_logical3A_313 : i32 to vector<16xi32>
      %shift_right_logical3A_315 = arith.shrui %get3A_312, %shift_right_logical3A_314 : vector<16xi32>
      %swap3A_316 = arith.constant 80 : index
      %swap3A_317 = tpu.vector_load %arg11[%swap3A_316] {strides = array<i32>} : memref<96xi32, #tpu.memory_space<vmem>>, vector<16xi32>,
      %swap3A_318 = vector.shape_cast %swap3A_317 : vector<16xi32> to vector<16xi32>
      %swap3A_319 = vector.shape_cast %shift_right_logical3A_315 : vector<16xi32> to vector<16xi32>
      tpu.vector_store %arg11[%swap3A_316], %swap3A_319 {strides = array<i32>} : memref<96xi32, #tpu.memory_space<vmem>>, vector<16xi32>,
      "tpu.region"() ({
        %run_scoped3A = tpu.sem_alloc : memref<!tpu.dma_semaphore, #tpu.memory_space<semaphore_mem>>
        %dma_start3A_423 = arith.constant 0 : i32
        %dma_start3A_424 = arith.constant 0 : i32
        %dma_start3A_425 = tpu.memref_slice %arg16[%dma_start3A_423, %dma_start3A_424] : memref<10112x128xf32, #tpu.memory_space<vmem_shared>> -> memref<10112x128xf32, #tpu.memory_space<vmem_shared>>
        tpu.enqueue_indirect_dma source(%arg14 : memref<96x128xf32, #tpu.memory_space<vmem>>) target(%dma_start3A_425 : memref<10112x128xf32, #tpu.memory_space<vmem_shared>>) offsets(%arg11 : memref<96xi32, #tpu.memory_space<vmem>>) semaphore(%run_scoped3A : memref<!tpu.dma_semaphore, #tpu.memory_space<semaphore_mem>>) {add = true}
        %dma_wait3A_426 = arith.constant 0 : i32
        %dma_wait3A_427 = arith.constant 0 : i32
        %dma_wait3A_428 = tpu.memref_slice %arg16[%dma_wait3A_426, %dma_wait3A_427] : memref<10112x128xf32, #tpu.memory_space<vmem_shared>> -> memref<10112x128xf32, #tpu.memory_space<vmem_shared>>
        tpu.wait_indirect_dma semaphore(%run_scoped3A : memref<!tpu.dma_semaphore, #tpu.memory_space<semaphore_mem>>) src(%arg14 : memref<96x128xf32, #tpu.memory_space<vmem>>) dst(%dma_wait3A_428 : memref<10112x128xf32, #tpu.memory_space<vmem_shared>>)
        tpu.yield
      }) : () -> ()
      %add3A_320 = arith.constant 2 : i32
      %add3A_321 = arith.addi %add3A_232, %add3A_320 : i32
      %lt3A_322 = arith.constant 105 : i32
      %lt3A_323 = arith.cmpi slt, %add3A_321, %lt3A_322 : i32
      %convert_element_type3A_324 = arith.extui %lt3A_323 : i1 to i32
      %cond3A_325 = arith.constant 0 : i32
      %cond3A_326 = arith.cmpi ne, %convert_element_type3A_324, %cond3A_325 : i32
      scf.if %cond3A_326 {
        %add3A_423 = arith.constant 2 : i32
        %add3A_424 = arith.addi %add3A_232, %add3A_423 : i32
        %mul3A_425 = arith.constant 96 : i32
        %mul3A_426 = arith.muli %add3A_424, %mul3A_425 : i32
        %add3A_427 = arith.constant 0 : i32
        %add3A_428 = arith.addi %mul3A_426, %add3A_427 : i32
        %get3A_429 = arith.index_cast %add3A_428 : i32 to index
        %get3A_430 = tpu.vector_load %arg6[%get3A_429] {strides = array<i32>} : memref<10080xi32, #tpu.memory_space<vmem>>, vector<16xi32>,
        %get3A_431 = vector.shape_cast %get3A_430 : vector<16xi32> to vector<16xi32>
        %and3A_432 = arith.constant 16383 : i32
        %and3A_433 = vector.broadcast %and3A_432 : i32 to vector<16xi32>
        %and3A_434 = arith.andi %get3A_431, %and3A_433 : vector<16xi32>
        %swap3A_435 = arith.constant 0 : index
        %swap3A_436 = tpu.vector_load %arg7[%swap3A_435] {strides = array<i32>} : memref<96xi32, #tpu.memory_space<vmem>>, vector<16xi32>,
        %swap3A_437 = vector.shape_cast %swap3A_436 : vector<16xi32> to vector<16xi32>
        %swap3A_438 = vector.shape_cast %and3A_434 : vector<16xi32> to vector<16xi32>
        tpu.vector_store %arg7[%swap3A_435], %swap3A_438 {strides = array<i32>} : memref<96xi32, #tpu.memory_space<vmem>>, vector<16xi32>,
        %mul3A_439 = arith.constant 96 : i32
        %mul3A_440 = arith.muli %add3A_424, %mul3A_439 : i32
        %add3A_441 = arith.constant 16 : i32
        %add3A_442 = arith.addi %mul3A_440, %add3A_441 : i32
        %get3A_443 = arith.index_cast %add3A_442 : i32 to index
        %get3A_444 = tpu.vector_load %arg6[%get3A_443] {strides = array<i32>} : memref<10080xi32, #tpu.memory_space<vmem>>, vector<16xi32>,
        %get3A_445 = vector.shape_cast %get3A_444 : vector<16xi32> to vector<16xi32>
        %and3A_446 = arith.constant 16383 : i32
        %and3A_447 = vector.broadcast %and3A_446 : i32 to vector<16xi32>
        %and3A_448 = arith.andi %get3A_445, %and3A_447 : vector<16xi32>
        %swap3A_449 = arith.constant 16 : index
        %swap3A_450 = tpu.vector_load %arg7[%swap3A_449] {strides = array<i32>} : memref<96xi32, #tpu.memory_space<vmem>>, vector<16xi32>,
        %swap3A_451 = vector.shape_cast %swap3A_450 : vector<16xi32> to vector<16xi32>
        %swap3A_452 = vector.shape_cast %and3A_448 : vector<16xi32> to vector<16xi32>
        tpu.vector_store %arg7[%swap3A_449], %swap3A_452 {strides = array<i32>} : memref<96xi32, #tpu.memory_space<vmem>>, vector<16xi32>,
        %mul3A_453 = arith.constant 96 : i32
        %mul3A_454 = arith.muli %add3A_424, %mul3A_453 : i32
        %add3A_455 = arith.constant 32 : i32
        %add3A_456 = arith.addi %mul3A_454, %add3A_455 : i32
        %get3A_457 = arith.index_cast %add3A_456 : i32 to index
        %get3A_458 = tpu.vector_load %arg6[%get3A_457] {strides = array<i32>} : memref<10080xi32, #tpu.memory_space<vmem>>, vector<16xi32>,
        %get3A_459 = vector.shape_cast %get3A_458 : vector<16xi32> to vector<16xi32>
        %and3A_460 = arith.constant 16383 : i32
        %and3A_461 = vector.broadcast %and3A_460 : i32 to vector<16xi32>
        %and3A_462 = arith.andi %get3A_459, %and3A_461 : vector<16xi32>
        %swap3A_463 = arith.constant 32 : index
        %swap3A_464 = tpu.vector_load %arg7[%swap3A_463] {strides = array<i32>} : memref<96xi32, #tpu.memory_space<vmem>>, vector<16xi32>,
        %swap3A_465 = vector.shape_cast %swap3A_464 : vector<16xi32> to vector<16xi32>
        %swap3A_466 = vector.shape_cast %and3A_462 : vector<16xi32> to vector<16xi32>
        tpu.vector_store %arg7[%swap3A_463], %swap3A_466 {strides = array<i32>} : memref<96xi32, #tpu.memory_space<vmem>>, vector<16xi32>,
        %mul3A_467 = arith.constant 96 : i32
        %mul3A_468 = arith.muli %add3A_424, %mul3A_467 : i32
        %add3A_469 = arith.constant 48 : i32
        %add3A_470 = arith.addi %mul3A_468, %add3A_469 : i32
        %get3A_471 = arith.index_cast %add3A_470 : i32 to index
        %get3A_472 = tpu.vector_load %arg6[%get3A_471] {strides = array<i32>} : memref<10080xi32, #tpu.memory_space<vmem>>, vector<16xi32>,
        %get3A_473 = vector.shape_cast %get3A_472 : vector<16xi32> to vector<16xi32>
        %and3A_474 = arith.constant 16383 : i32
        %and3A_475 = vector.broadcast %and3A_474 : i32 to vector<16xi32>
        %and3A_476 = arith.andi %get3A_473, %and3A_475 : vector<16xi32>
        %swap3A_477 = arith.constant 48 : index
        %swap3A_478 = tpu.vector_load %arg7[%swap3A_477] {strides = array<i32>} : memref<96xi32, #tpu.memory_space<vmem>>, vector<16xi32>,
        %swap3A_479 = vector.shape_cast %swap3A_478 : vector<16xi32> to vector<16xi32>
        %swap3A_480 = vector.shape_cast %and3A_476 : vector<16xi32> to vector<16xi32>
        tpu.vector_store %arg7[%swap3A_477], %swap3A_480 {strides = array<i32>} : memref<96xi32, #tpu.memory_space<vmem>>, vector<16xi32>,
        %mul3A_481 = arith.constant 96 : i32
        %mul3A_482 = arith.muli %add3A_424, %mul3A_481 : i32
        %add3A_483 = arith.constant 64 : i32
        %add3A_484 = arith.addi %mul3A_482, %add3A_483 : i32
        %get3A_485 = arith.index_cast %add3A_484 : i32 to index
        %get3A_486 = tpu.vector_load %arg6[%get3A_485] {strides = array<i32>} : memref<10080xi32, #tpu.memory_space<vmem>>, vector<16xi32>,
        %get3A_487 = vector.shape_cast %get3A_486 : vector<16xi32> to vector<16xi32>
        %and3A_488 = arith.constant 16383 : i32
        %and3A_489 = vector.broadcast %and3A_488 : i32 to vector<16xi32>
        %and3A_490 = arith.andi %get3A_487, %and3A_489 : vector<16xi32>
        %swap3A_491 = arith.constant 64 : index
        %swap3A_492 = tpu.vector_load %arg7[%swap3A_491] {strides = array<i32>} : memref<96xi32, #tpu.memory_space<vmem>>, vector<16xi32>,
        %swap3A_493 = vector.shape_cast %swap3A_492 : vector<16xi32> to vector<16xi32>
        %swap3A_494 = vector.shape_cast %and3A_490 : vector<16xi32> to vector<16xi32>
        tpu.vector_store %arg7[%swap3A_491], %swap3A_494 {strides = array<i32>} : memref<96xi32, #tpu.memory_space<vmem>>, vector<16xi32>,
        %mul3A_495 = arith.constant 96 : i32
        %mul3A_496 = arith.muli %add3A_424, %mul3A_495 : i32
        %add3A_497 = arith.constant 80 : i32
        %add3A_498 = arith.addi %mul3A_496, %add3A_497 : i32
        %get3A_499 = arith.index_cast %add3A_498 : i32 to index
        %get3A_500 = tpu.vector_load %arg6[%get3A_499] {strides = array<i32>} : memref<10080xi32, #tpu.memory_space<vmem>>, vector<16xi32>,
        %get3A_501 = vector.shape_cast %get3A_500 : vector<16xi32> to vector<16xi32>
        %and3A_502 = arith.constant 16383 : i32
        %and3A_503 = vector.broadcast %and3A_502 : i32 to vector<16xi32>
        %and3A_504 = arith.andi %get3A_501, %and3A_503 : vector<16xi32>
        %swap3A_505 = arith.constant 80 : index
        %swap3A_506 = tpu.vector_load %arg7[%swap3A_505] {strides = array<i32>} : memref<96xi32, #tpu.memory_space<vmem>>, vector<16xi32>,
        %swap3A_507 = vector.shape_cast %swap3A_506 : vector<16xi32> to vector<16xi32>
        %swap3A_508 = vector.shape_cast %and3A_504 : vector<16xi32> to vector<16xi32>
        tpu.vector_store %arg7[%swap3A_505], %swap3A_508 {strides = array<i32>} : memref<96xi32, #tpu.memory_space<vmem>>, vector<16xi32>,
        %dma_start3A_509 = arith.constant 0 : i32
        %dma_start3A_510 = arith.constant 0 : i32
        %dma_start3A_511 = tpu.memref_slice %arg2[%dma_start3A_509, %dma_start3A_510] : memref<10000x128xf32, #tpu.memory_space<hbm>> -> memref<10000x128xf32, #tpu.memory_space<hbm>>
        tpu.enqueue_indirect_dma source(%dma_start3A_511 : memref<10000x128xf32, #tpu.memory_space<hbm>>) target(%arg13 : memref<96x128xf32, #tpu.memory_space<vmem>>) offsets(%arg7 : memref<96xi32, #tpu.memory_space<vmem>>) semaphore(%arg17 : memref<!tpu.dma_semaphore, #tpu.memory_space<semaphore_mem>>)
      } else {
      }
      %add3A_327 = arith.constant 2 : i32
      %add3A_328 = arith.addi %mul3A_139, %add3A_327 : i32
      %dma_wait3A_329 = arith.constant 0 : i32
      %dma_wait3A_330 = arith.constant 0 : i32
      %dma_wait3A_331 = tpu.memref_slice %arg2[%dma_wait3A_329, %dma_wait3A_330] : memref<10000x128xf32, #tpu.memory_space<hbm>> -> memref<10000x128xf32, #tpu.memory_space<hbm>>
      tpu.wait_indirect_dma semaphore(%arg19 : memref<!tpu.dma_semaphore, #tpu.memory_space<semaphore_mem>>) src(%dma_wait3A_331 : memref<10000x128xf32, #tpu.memory_space<hbm>>) dst(%arg15 : memref<96x128xf32, #tpu.memory_space<vmem>>)
      %mul3A_332 = arith.constant 96 : i32
      %mul3A_333 = arith.muli %add3A_328, %mul3A_332 : i32
      %add3A_334 = arith.constant 0 : i32
      %add3A_335 = arith.addi %mul3A_333, %add3A_334 : i32
      %get3A_336 = arith.index_cast %add3A_335 : i32 to index
      %get3A_337 = tpu.vector_load %arg6[%get3A_336] {strides = array<i32>} : memref<10080xi32, #tpu.memory_space<vmem>>, vector<16xi32>,
      %get3A_338 = vector.shape_cast %get3A_337 : vector<16xi32> to vector<16xi32>
      %shift_right_logical3A_339 = arith.constant 14 : i32
      %shift_right_logical3A_340 = vector.broadcast %shift_right_logical3A_339 : i32 to vector<16xi32>
      %shift_right_logical3A_341 = arith.shrui %get3A_338, %shift_right_logical3A_340 : vector<16xi32>
      %swap3A_342 = arith.constant 0 : index
      %swap3A_343 = tpu.vector_load %arg12[%swap3A_342] {strides = array<i32>} : memref<96xi32, #tpu.memory_space<vmem>>, vector<16xi32>,
      %swap3A_344 = vector.shape_cast %swap3A_343 : vector<16xi32> to vector<16xi32>
      %swap3A_345 = vector.shape_cast %shift_right_logical3A_341 : vector<16xi32> to vector<16xi32>
      tpu.vector_store %arg12[%swap3A_342], %swap3A_345 {strides = array<i32>} : memref<96xi32, #tpu.memory_space<vmem>>, vector<16xi32>,
      %mul3A_346 = arith.constant 96 : i32
      %mul3A_347 = arith.muli %add3A_328, %mul3A_346 : i32
      %add3A_348 = arith.constant 16 : i32
      %add3A_349 = arith.addi %mul3A_347, %add3A_348 : i32
      %get3A_350 = arith.index_cast %add3A_349 : i32 to index
      %get3A_351 = tpu.vector_load %arg6[%get3A_350] {strides = array<i32>} : memref<10080xi32, #tpu.memory_space<vmem>>, vector<16xi32>,
      %get3A_352 = vector.shape_cast %get3A_351 : vector<16xi32> to vector<16xi32>
      %shift_right_logical3A_353 = arith.constant 14 : i32
      %shift_right_logical3A_354 = vector.broadcast %shift_right_logical3A_353 : i32 to vector<16xi32>
      %shift_right_logical3A_355 = arith.shrui %get3A_352, %shift_right_logical3A_354 : vector<16xi32>
      %swap3A_356 = arith.constant 16 : index
      %swap3A_357 = tpu.vector_load %arg12[%swap3A_356] {strides = array<i32>} : memref<96xi32, #tpu.memory_space<vmem>>, vector<16xi32>,
      %swap3A_358 = vector.shape_cast %swap3A_357 : vector<16xi32> to vector<16xi32>
      %swap3A_359 = vector.shape_cast %shift_right_logical3A_355 : vector<16xi32> to vector<16xi32>
      tpu.vector_store %arg12[%swap3A_356], %swap3A_359 {strides = array<i32>} : memref<96xi32, #tpu.memory_space<vmem>>, vector<16xi32>,
      %mul3A_360 = arith.constant 96 : i32
      %mul3A_361 = arith.muli %add3A_328, %mul3A_360 : i32
      %add3A_362 = arith.constant 32 : i32
      %add3A_363 = arith.addi %mul3A_361, %add3A_362 : i32
      %get3A_364 = arith.index_cast %add3A_363 : i32 to index
      %get3A_365 = tpu.vector_load %arg6[%get3A_364] {strides = array<i32>} : memref<10080xi32, #tpu.memory_space<vmem>>, vector<16xi32>,
      %get3A_366 = vector.shape_cast %get3A_365 : vector<16xi32> to vector<16xi32>
      %shift_right_logical3A_367 = arith.constant 14 : i32
      %shift_right_logical3A_368 = vector.broadcast %shift_right_logical3A_367 : i32 to vector<16xi32>
      %shift_right_logical3A_369 = arith.shrui %get3A_366, %shift_right_logical3A_368 : vector<16xi32>
      %swap3A_370 = arith.constant 32 : index
      %swap3A_371 = tpu.vector_load %arg12[%swap3A_370] {strides = array<i32>} : memref<96xi32, #tpu.memory_space<vmem>>, vector<16xi32>,
      %swap3A_372 = vector.shape_cast %swap3A_371 : vector<16xi32> to vector<16xi32>
      %swap3A_373 = vector.shape_cast %shift_right_logical3A_369 : vector<16xi32> to vector<16xi32>
      tpu.vector_store %arg12[%swap3A_370], %swap3A_373 {strides = array<i32>} : memref<96xi32, #tpu.memory_space<vmem>>, vector<16xi32>,
      %mul3A_374 = arith.constant 96 : i32
      %mul3A_375 = arith.muli %add3A_328, %mul3A_374 : i32
      %add3A_376 = arith.constant 48 : i32
      %add3A_377 = arith.addi %mul3A_375, %add3A_376 : i32
      %get3A_378 = arith.index_cast %add3A_377 : i32 to index
      %get3A_379 = tpu.vector_load %arg6[%get3A_378] {strides = array<i32>} : memref<10080xi32, #tpu.memory_space<vmem>>, vector<16xi32>,
      %get3A_380 = vector.shape_cast %get3A_379 : vector<16xi32> to vector<16xi32>
      %shift_right_logical3A_381 = arith.constant 14 : i32
      %shift_right_logical3A_382 = vector.broadcast %shift_right_logical3A_381 : i32 to vector<16xi32>
      %shift_right_logical3A_383 = arith.shrui %get3A_380, %shift_right_logical3A_382 : vector<16xi32>
      %swap3A_384 = arith.constant 48 : index
      %swap3A_385 = tpu.vector_load %arg12[%swap3A_384] {strides = array<i32>} : memref<96xi32, #tpu.memory_space<vmem>>, vector<16xi32>,
      %swap3A_386 = vector.shape_cast %swap3A_385 : vector<16xi32> to vector<16xi32>
      %swap3A_387 = vector.shape_cast %shift_right_logical3A_383 : vector<16xi32> to vector<16xi32>
      tpu.vector_store %arg12[%swap3A_384], %swap3A_387 {strides = array<i32>} : memref<96xi32, #tpu.memory_space<vmem>>, vector<16xi32>,
      %mul3A_388 = arith.constant 96 : i32
      %mul3A_389 = arith.muli %add3A_328, %mul3A_388 : i32
      %add3A_390 = arith.constant 64 : i32
      %add3A_391 = arith.addi %mul3A_389, %add3A_390 : i32
      %get3A_392 = arith.index_cast %add3A_391 : i32 to index
      %get3A_393 = tpu.vector_load %arg6[%get3A_392] {strides = array<i32>} : memref<10080xi32, #tpu.memory_space<vmem>>, vector<16xi32>,
      %get3A_394 = vector.shape_cast %get3A_393 : vector<16xi32> to vector<16xi32>
      %shift_right_logical3A_395 = arith.constant 14 : i32
      %shift_right_logical3A_396 = vector.broadcast %shift_right_logical3A_395 : i32 to vector<16xi32>
      %shift_right_logical3A_397 = arith.shrui %get3A_394, %shift_right_logical3A_396 : vector<16xi32>
      %swap3A_398 = arith.constant 64 : index
      %swap3A_399 = tpu.vector_load %arg12[%swap3A_398] {strides = array<i32>} : memref<96xi32, #tpu.memory_space<vmem>>, vector<16xi32>,
      %swap3A_400 = vector.shape_cast %swap3A_399 : vector<16xi32> to vector<16xi32>
      %swap3A_401 = vector.shape_cast %shift_right_logical3A_397 : vector<16xi32> to vector<16xi32>
      tpu.vector_store %arg12[%swap3A_398], %swap3A_401 {strides = array<i32>} : memref<96xi32, #tpu.memory_space<vmem>>, vector<16xi32>,
      %mul3A_402 = arith.constant 96 : i32
      %mul3A_403 = arith.muli %add3A_328, %mul3A_402 : i32
      %add3A_404 = arith.constant 80 : i32
      %add3A_405 = arith.addi %mul3A_403, %add3A_404 : i32
      %get3A_406 = arith.index_cast %add3A_405 : i32 to index
      %get3A_407 = tpu.vector_load %arg6[%get3A_406] {strides = array<i32>} : memref<10080xi32, #tpu.memory_space<vmem>>, vector<16xi32>,
      %get3A_408 = vector.shape_cast %get3A_407 : vector<16xi32> to vector<16xi32>
      %shift_right_logical3A_409 = arith.constant 14 : i32
      %shift_right_logical3A_410 = vector.broadcast %shift_right_logical3A_409 : i32 to vector<16xi32>
      %shift_right_logical3A_411 = arith.shrui %get3A_408, %shift_right_logical3A_410 : vector<16xi32>
      %swap3A_412 = arith.constant 80 : index
      %swap3A_413 = tpu.vector_load %arg12[%swap3A_412] {strides = array<i32>} : memref<96xi32, #tpu.memory_space<vmem>>, vector<16xi32>,
      %swap3A_414 = vector.shape_cast %swap3A_413 : vector<16xi32> to vector<16xi32>
      %swap3A_415 = vector.shape_cast %shift_right_logical3A_411 : vector<16xi32> to vector<16xi32>
      tpu.vector_store %arg12[%swap3A_412], %swap3A_415 {strides = array<i32>} : memref<96xi32, #tpu.memory_space<vmem>>, vector<16xi32>,
      "tpu.region"() ({
        %run_scoped3A = tpu.sem_alloc : memref<!tpu.dma_semaphore, #tpu.memory_space<semaphore_mem>>
        %dma_start3A_423 = arith.constant 0 : i32
        %dma_start3A_424 = arith.constant 0 : i32
        %dma_start3A_425 = tpu.memref_slice %arg16[%dma_start3A_423, %dma_start3A_424] : memref<10112x128xf32, #tpu.memory_space<vmem_shared>> -> memref<10112x128xf32, #tpu.memory_space<vmem_shared>>
        tpu.enqueue_indirect_dma source(%arg15 : memref<96x128xf32, #tpu.memory_space<vmem>>) target(%dma_start3A_425 : memref<10112x128xf32, #tpu.memory_space<vmem_shared>>) offsets(%arg12 : memref<96xi32, #tpu.memory_space<vmem>>) semaphore(%run_scoped3A : memref<!tpu.dma_semaphore, #tpu.memory_space<semaphore_mem>>) {add = true}
        %dma_wait3A_426 = arith.constant 0 : i32
        %dma_wait3A_427 = arith.constant 0 : i32
        %dma_wait3A_428 = tpu.memref_slice %arg16[%dma_wait3A_426, %dma_wait3A_427] : memref<10112x128xf32, #tpu.memory_space<vmem_shared>> -> memref<10112x128xf32, #tpu.memory_space<vmem_shared>>
        tpu.wait_indirect_dma semaphore(%run_scoped3A : memref<!tpu.dma_semaphore, #tpu.memory_space<semaphore_mem>>) src(%arg15 : memref<96x128xf32, #tpu.memory_space<vmem>>) dst(%dma_wait3A_428 : memref<10112x128xf32, #tpu.memory_space<vmem_shared>>)
        tpu.yield
      }) : () -> ()
      %add3A_416 = arith.constant 2 : i32
      %add3A_417 = arith.addi %add3A_328, %add3A_416 : i32
      %lt3A_418 = arith.constant 105 : i32
      %lt3A_419 = arith.cmpi slt, %add3A_417, %lt3A_418 : i32
      %convert_element_type3A_420 = arith.extui %lt3A_419 : i1 to i32
      %cond3A_421 = arith.constant 0 : i32
      %cond3A_422 = arith.cmpi ne, %convert_element_type3A_420, %cond3A_421 : i32
      scf.if %cond3A_422 {
        %add3A_423 = arith.constant 2 : i32
        %add3A_424 = arith.addi %add3A_328, %add3A_423 : i32
        %mul3A_425 = arith.constant 96 : i32
        %mul3A_426 = arith.muli %add3A_424, %mul3A_425 : i32
        %add3A_427 = arith.constant 0 : i32
        %add3A_428 = arith.addi %mul3A_426, %add3A_427 : i32
        %get3A_429 = arith.index_cast %add3A_428 : i32 to index
        %get3A_430 = tpu.vector_load %arg6[%get3A_429] {strides = array<i32>} : memref<10080xi32, #tpu.memory_space<vmem>>, vector<16xi32>,
        %get3A_431 = vector.shape_cast %get3A_430 : vector<16xi32> to vector<16xi32>
        %and3A_432 = arith.constant 16383 : i32
        %and3A_433 = vector.broadcast %and3A_432 : i32 to vector<16xi32>
        %and3A_434 = arith.andi %get3A_431, %and3A_433 : vector<16xi32>
        %swap3A_435 = arith.constant 0 : index
        %swap3A_436 = tpu.vector_load %arg8[%swap3A_435] {strides = array<i32>} : memref<96xi32, #tpu.memory_space<vmem>>, vector<16xi32>,
        %swap3A_437 = vector.shape_cast %swap3A_436 : vector<16xi32> to vector<16xi32>
        %swap3A_438 = vector.shape_cast %and3A_434 : vector<16xi32> to vector<16xi32>
        tpu.vector_store %arg8[%swap3A_435], %swap3A_438 {strides = array<i32>} : memref<96xi32, #tpu.memory_space<vmem>>, vector<16xi32>,
        %mul3A_439 = arith.constant 96 : i32
        %mul3A_440 = arith.muli %add3A_424, %mul3A_439 : i32
        %add3A_441 = arith.constant 16 : i32
        %add3A_442 = arith.addi %mul3A_440, %add3A_441 : i32
        %get3A_443 = arith.index_cast %add3A_442 : i32 to index
        %get3A_444 = tpu.vector_load %arg6[%get3A_443] {strides = array<i32>} : memref<10080xi32, #tpu.memory_space<vmem>>, vector<16xi32>,
        %get3A_445 = vector.shape_cast %get3A_444 : vector<16xi32> to vector<16xi32>
        %and3A_446 = arith.constant 16383 : i32
        %and3A_447 = vector.broadcast %and3A_446 : i32 to vector<16xi32>
        %and3A_448 = arith.andi %get3A_445, %and3A_447 : vector<16xi32>
        %swap3A_449 = arith.constant 16 : index
        %swap3A_450 = tpu.vector_load %arg8[%swap3A_449] {strides = array<i32>} : memref<96xi32, #tpu.memory_space<vmem>>, vector<16xi32>,
        %swap3A_451 = vector.shape_cast %swap3A_450 : vector<16xi32> to vector<16xi32>
        %swap3A_452 = vector.shape_cast %and3A_448 : vector<16xi32> to vector<16xi32>
        tpu.vector_store %arg8[%swap3A_449], %swap3A_452 {strides = array<i32>} : memref<96xi32, #tpu.memory_space<vmem>>, vector<16xi32>,
        %mul3A_453 = arith.constant 96 : i32
        %mul3A_454 = arith.muli %add3A_424, %mul3A_453 : i32
        %add3A_455 = arith.constant 32 : i32
        %add3A_456 = arith.addi %mul3A_454, %add3A_455 : i32
        %get3A_457 = arith.index_cast %add3A_456 : i32 to index
        %get3A_458 = tpu.vector_load %arg6[%get3A_457] {strides = array<i32>} : memref<10080xi32, #tpu.memory_space<vmem>>, vector<16xi32>,
        %get3A_459 = vector.shape_cast %get3A_458 : vector<16xi32> to vector<16xi32>
        %and3A_460 = arith.constant 16383 : i32
        %and3A_461 = vector.broadcast %and3A_460 : i32 to vector<16xi32>
        %and3A_462 = arith.andi %get3A_459, %and3A_461 : vector<16xi32>
        %swap3A_463 = arith.constant 32 : index
        %swap3A_464 = tpu.vector_load %arg8[%swap3A_463] {strides = array<i32>} : memref<96xi32, #tpu.memory_space<vmem>>, vector<16xi32>,
        %swap3A_465 = vector.shape_cast %swap3A_464 : vector<16xi32> to vector<16xi32>
        %swap3A_466 = vector.shape_cast %and3A_462 : vector<16xi32> to vector<16xi32>
        tpu.vector_store %arg8[%swap3A_463], %swap3A_466 {strides = array<i32>} : memref<96xi32, #tpu.memory_space<vmem>>, vector<16xi32>,
        %mul3A_467 = arith.constant 96 : i32
        %mul3A_468 = arith.muli %add3A_424, %mul3A_467 : i32
        %add3A_469 = arith.constant 48 : i32
        %add3A_470 = arith.addi %mul3A_468, %add3A_469 : i32
        %get3A_471 = arith.index_cast %add3A_470 : i32 to index
        %get3A_472 = tpu.vector_load %arg6[%get3A_471] {strides = array<i32>} : memref<10080xi32, #tpu.memory_space<vmem>>, vector<16xi32>,
        %get3A_473 = vector.shape_cast %get3A_472 : vector<16xi32> to vector<16xi32>
        %and3A_474 = arith.constant 16383 : i32
        %and3A_475 = vector.broadcast %and3A_474 : i32 to vector<16xi32>
        %and3A_476 = arith.andi %get3A_473, %and3A_475 : vector<16xi32>
        %swap3A_477 = arith.constant 48 : index
        %swap3A_478 = tpu.vector_load %arg8[%swap3A_477] {strides = array<i32>} : memref<96xi32, #tpu.memory_space<vmem>>, vector<16xi32>,
        %swap3A_479 = vector.shape_cast %swap3A_478 : vector<16xi32> to vector<16xi32>
        %swap3A_480 = vector.shape_cast %and3A_476 : vector<16xi32> to vector<16xi32>
        tpu.vector_store %arg8[%swap3A_477], %swap3A_480 {strides = array<i32>} : memref<96xi32, #tpu.memory_space<vmem>>, vector<16xi32>,
        %mul3A_481 = arith.constant 96 : i32
        %mul3A_482 = arith.muli %add3A_424, %mul3A_481 : i32
        %add3A_483 = arith.constant 64 : i32
        %add3A_484 = arith.addi %mul3A_482, %add3A_483 : i32
        %get3A_485 = arith.index_cast %add3A_484 : i32 to index
        %get3A_486 = tpu.vector_load %arg6[%get3A_485] {strides = array<i32>} : memref<10080xi32, #tpu.memory_space<vmem>>, vector<16xi32>,
        %get3A_487 = vector.shape_cast %get3A_486 : vector<16xi32> to vector<16xi32>
        %and3A_488 = arith.constant 16383 : i32
        %and3A_489 = vector.broadcast %and3A_488 : i32 to vector<16xi32>
        %and3A_490 = arith.andi %get3A_487, %and3A_489 : vector<16xi32>
        %swap3A_491 = arith.constant 64 : index
        %swap3A_492 = tpu.vector_load %arg8[%swap3A_491] {strides = array<i32>} : memref<96xi32, #tpu.memory_space<vmem>>, vector<16xi32>,
        %swap3A_493 = vector.shape_cast %swap3A_492 : vector<16xi32> to vector<16xi32>
        %swap3A_494 = vector.shape_cast %and3A_490 : vector<16xi32> to vector<16xi32>
        tpu.vector_store %arg8[%swap3A_491], %swap3A_494 {strides = array<i32>} : memref<96xi32, #tpu.memory_space<vmem>>, vector<16xi32>,
        %mul3A_495 = arith.constant 96 : i32
        %mul3A_496 = arith.muli %add3A_424, %mul3A_495 : i32
        %add3A_497 = arith.constant 80 : i32
        %add3A_498 = arith.addi %mul3A_496, %add3A_497 : i32
        %get3A_499 = arith.index_cast %add3A_498 : i32 to index
        %get3A_500 = tpu.vector_load %arg6[%get3A_499] {strides = array<i32>} : memref<10080xi32, #tpu.memory_space<vmem>>, vector<16xi32>,
        %get3A_501 = vector.shape_cast %get3A_500 : vector<16xi32> to vector<16xi32>
        %and3A_502 = arith.constant 16383 : i32
        %and3A_503 = vector.broadcast %and3A_502 : i32 to vector<16xi32>
        %and3A_504 = arith.andi %get3A_501, %and3A_503 : vector<16xi32>
        %swap3A_505 = arith.constant 80 : index
        %swap3A_506 = tpu.vector_load %arg8[%swap3A_505] {strides = array<i32>} : memref<96xi32, #tpu.memory_space<vmem>>, vector<16xi32>,
        %swap3A_507 = vector.shape_cast %swap3A_506 : vector<16xi32> to vector<16xi32>
        %swap3A_508 = vector.shape_cast %and3A_504 : vector<16xi32> to vector<16xi32>
        tpu.vector_store %arg8[%swap3A_505], %swap3A_508 {strides = array<i32>} : memref<96xi32, #tpu.memory_space<vmem>>, vector<16xi32>,
        %dma_start3A_509 = arith.constant 0 : i32
        %dma_start3A_510 = arith.constant 0 : i32
        %dma_start3A_511 = tpu.memref_slice %arg2[%dma_start3A_509, %dma_start3A_510] : memref<10000x128xf32, #tpu.memory_space<hbm>> -> memref<10000x128xf32, #tpu.memory_space<hbm>>
        tpu.enqueue_indirect_dma source(%dma_start3A_511 : memref<10000x128xf32, #tpu.memory_space<hbm>>) target(%arg14 : memref<96x128xf32, #tpu.memory_space<vmem>>) offsets(%arg8 : memref<96xi32, #tpu.memory_space<vmem>>) semaphore(%arg18 : memref<!tpu.dma_semaphore, #tpu.memory_space<semaphore_mem>>)
      } else {
      }
    }
    %scan3A_131 = arith.constant 35 : i32
    %barrier3A_132 = arith.constant 0 : index
    tpu.barrier barrier_id(%barrier3A_132)
    %mul3A_133 = arith.constant 632 : i32
    %mul3A_134 = arith.muli %arg1, %mul3A_133 : i32
    %mul3A_135 = arith.constant 632 : i32
    %mul3A_136 = arith.muli %arg1, %mul3A_135 : i32
    "tpu.region"() ({
      %run_scoped3A = tpu.sem_alloc : memref<!tpu.dma_semaphore, #tpu.memory_space<semaphore_mem>>
      %dma_start3A_137 = arith.constant 0 : i32
      %dma_start3A_138 = tpu.memref_slice %arg5[%arg0, %mul3A_136, %dma_start3A_137] : memref<2x10112x128xf32, #tpu.memory_space<hbm>> -> memref<1x632x128xf32, #tpu.memory_space<hbm>>
      %dma_start3A_139 = tpu.memref_squeeze %dma_start3A_138 : memref<1x632x128xf32, #tpu.memory_space<hbm>> -> memref<632x128xf32, #tpu.memory_space<hbm>>
      %dma_start3A_140 = arith.constant 0 : i32
      %dma_start3A_141 = tpu.memref_slice %arg16[%mul3A_134, %dma_start3A_140] : memref<10112x128xf32, #tpu.memory_space<vmem_shared>> -> memref<632x128xf32, #tpu.memory_space<vmem_shared>>
      tpu.enqueue_dma source(%dma_start3A_141 : memref<632x128xf32, #tpu.memory_space<vmem_shared>>) target(%dma_start3A_139 : memref<632x128xf32, #tpu.memory_space<hbm>>) target_semaphore(%run_scoped3A : memref<!tpu.dma_semaphore, #tpu.memory_space<semaphore_mem>>)
      %dma_wait3A = arith.constant 0 : i32
      %dma_wait3A_142 = tpu.memref_slice %arg5[%arg0, %mul3A_136, %dma_wait3A] : memref<2x10112x128xf32, #tpu.memory_space<hbm>> -> memref<1x632x128xf32, #tpu.memory_space<hbm>>
      %dma_wait3A_143 = tpu.memref_squeeze %dma_wait3A_142 : memref<1x632x128xf32, #tpu.memory_space<hbm>> -> memref<632x128xf32, #tpu.memory_space<hbm>>
      %dma_wait3A_144 = arith.constant 0 : i32
      %dma_wait3A_145 = tpu.memref_slice %arg16[%mul3A_134, %dma_wait3A_144] : memref<10112x128xf32, #tpu.memory_space<vmem_shared>> -> memref<632x128xf32, #tpu.memory_space<vmem_shared>>
      tpu.wait_dma2 semaphore(%run_scoped3A : memref<!tpu.dma_semaphore, #tpu.memory_space<semaphore_mem>>) src(%dma_wait3A_145 : memref<632x128xf32, #tpu.memory_space<vmem_shared>>) dst(%dma_wait3A_143 : memref<632x128xf32, #tpu.memory_space<hbm>>)
      tpu.yield
    }) : () -> ()
    return
  }
}

module attributes {stable_mosaic.version = 14 : i64} {
  func.func @body(%arg0: i32, %arg1: memref<1x1xf32, #tpu.memory_space<smem>>, %arg2: memref<1000x128xf32, #tpu.memory_space<vmem>>, %arg3: memref<1x1000x128xf32, #tpu.memory_space<vmem>>, %arg4: memref<1x1000x128xf32, #tpu.memory_space<vmem>>, %arg5: memref<1x1x1000xi32, #tpu.memory_space<vmem>>, %arg6: memref<128x128xf32, #tpu.memory_space<vmem>>, %arg7: memref<1x128xf32, #tpu.memory_space<vmem>>, %arg8: memref<128x128xf32, #tpu.memory_space<vmem>>, %arg9: memref<1x128xf32, #tpu.memory_space<vmem>>, %arg10: memref<1000x128xf32, #tpu.memory_space<vmem>>, %arg11: memref<128x128xf32, #tpu.memory_space<vmem>>, %arg12: memref<128x1xf32, #tpu.memory_space<vmem>>) attributes {dimension_semantics = [#tpu.dimension_semantics<arbitrary>], iteration_bounds = array<i64: 10>, scalar_prefetch = 0 : i64, scratch_operands = 1 : i64, tpu.core_type = #tpu.core_type<tc>, window_params = [{transform_indices = @transform_0, window_bounds = array<i64: 1, 1>}, {transform_indices = @transform_1, window_bounds = array<i64: 1000, 128>}, {transform_indices = @transform_2, window_bounds = array<i64: 1, 1000, 128>}, {transform_indices = @transform_3, window_bounds = array<i64: 1, 1000, 128>}, {transform_indices = @transform_4, window_bounds = array<i64: 1, 1, 1000>}, {pipeline_mode = #tpu.pipeline_mode<synchronous>, transform_indices = @transform_5, window_bounds = array<i64: 128, 128>}, {pipeline_mode = #tpu.pipeline_mode<synchronous>, transform_indices = @transform_6, window_bounds = array<i64: 1, 128>}, {pipeline_mode = #tpu.pipeline_mode<synchronous>, transform_indices = @transform_7, window_bounds = array<i64: 128, 128>}, {pipeline_mode = #tpu.pipeline_mode<synchronous>, transform_indices = @transform_8, window_bounds = array<i64: 1, 128>}, {transform_indices = @transform_9, window_bounds = array<i64: 1000, 128>}, {pipeline_mode = #tpu.pipeline_mode<synchronous>, transform_indices = @transform_10, window_bounds = array<i64: 128, 128>}]} {
    %get3A = arith.constant 0 : index
    %get3A_0 = arith.constant 0 : index
    %get3A_1 = memref.load %arg1[%get3A, %get3A_0] : memref<1x1xf32, #tpu.memory_space<smem>>
    %add3A = arith.constant 1.000000e+00 : f32
    %add3A_2 = arith.addf %add3A, %get3A_1 : f32
    %get3A_3 = arith.constant 0 : index
    %get3A_4 = arith.constant 0 : index
    %get3A_5 = vector.load %arg2[%get3A_3, %get3A_4] : memref<1000x128xf32, #tpu.memory_space<vmem>>, vector<1000x128xf32>
    %mul3A = vector.broadcast %add3A_2 : f32 to vector<1000x128xf32>
    %mul3A_6 = arith.mulf %mul3A, %get3A_5 : vector<1000x128xf32>
    %get3A_7 = arith.constant 0 : index
    %get3A_8 = arith.constant 0 : index
    %get3A_9 = arith.constant 0 : index
    %get3A_10 = vector.load %arg3[%get3A_7, %get3A_8, %get3A_9] : memref<1x1000x128xf32, #tpu.memory_space<vmem>>, vector<1x1000x128xf32>
    %get3A_11 = vector.shape_cast %get3A_10 : vector<1x1000x128xf32> to vector<1000x128xf32>
    %add3A_12 = arith.addf %mul3A_6, %get3A_11 : vector<1000x128xf32>
    %get3A_13 = arith.constant 0 : index
    %get3A_14 = arith.constant 0 : index
    %get3A_15 = arith.constant 0 : index
    %get3A_16 = vector.load %arg4[%get3A_13, %get3A_14, %get3A_15] : memref<1x1000x128xf32, #tpu.memory_space<vmem>>, vector<1x1000x128xf32>
    %get3A_17 = vector.shape_cast %get3A_16 : vector<1x1000x128xf32> to vector<1000x128xf32>
    %add3A_18 = arith.addf %add3A_12, %get3A_17 : vector<1000x128xf32>
    %get3A_19 = arith.constant 0 : index
    %get3A_20 = arith.constant 0 : index
    %get3A_21 = vector.load %arg6[%get3A_19, %get3A_20] : memref<128x128xf32, #tpu.memory_space<vmem>>, vector<128x128xf32>
    %dot_general3A = arith.constant dense<0.000000e+00> : vector<1000x128xf32>
    %dot_general3A_22 = tpu.matmul %add3A_18, %get3A_21, %dot_general3A {dimension_numbers = #tpu.dot_dimension_numbers<[1], [0], [0], [1], [0, 0, 1, 1], [], []>, transpose_lhs_hint = false} : vector<1000x128xf32>, vector<128x128xf32>, vector<1000x128xf32> -> vector<1000x128xf32>
    %get3A_23 = arith.constant 0 : index
    %get3A_24 = arith.constant 0 : index
    %get3A_25 = vector.load %arg7[%get3A_23, %get3A_24] : memref<1x128xf32, #tpu.memory_space<vmem>>, vector<1x128xf32>
    %add3A_26 = vector.broadcast %get3A_25 : vector<1x128xf32> to vector<1000x128xf32>
    %add3A_27 = arith.addf %dot_general3A_22, %add3A_26 : vector<1000x128xf32>
    %max3A = arith.constant 0.000000e+00 : f32
    %max3A_28 = vector.broadcast %max3A : f32 to vector<1000x128xf32>
    %max3A_29 = arith.maximumf %add3A_27, %max3A_28 : vector<1000x128xf32>
    %get3A_30 = arith.constant 0 : index
    %get3A_31 = arith.constant 0 : index
    %get3A_32 = vector.load %arg8[%get3A_30, %get3A_31] : memref<128x128xf32, #tpu.memory_space<vmem>>, vector<128x128xf32>
    %dot_general3A_33 = arith.constant dense<0.000000e+00> : vector<1000x128xf32>
    %dot_general3A_34 = tpu.matmul %max3A_29, %get3A_32, %dot_general3A_33 {dimension_numbers = #tpu.dot_dimension_numbers<[1], [0], [0], [1], [0, 0, 1, 1], [], []>, transpose_lhs_hint = false} : vector<1000x128xf32>, vector<128x128xf32>, vector<1000x128xf32> -> vector<1000x128xf32>
    %get3A_35 = arith.constant 0 : index
    %get3A_36 = arith.constant 0 : index
    %get3A_37 = vector.load %arg9[%get3A_35, %get3A_36] : memref<1x128xf32, #tpu.memory_space<vmem>>, vector<1x128xf32>
    %add3A_38 = vector.broadcast %get3A_37 : vector<1x128xf32> to vector<1000x128xf32>
    %add3A_39 = arith.addf %dot_general3A_34, %add3A_38 : vector<1000x128xf32>
    %max3A_40 = arith.constant 0.000000e+00 : f32
    %max3A_41 = vector.broadcast %max3A_40 : f32 to vector<1000x128xf32>
    %max3A_42 = arith.maximumf %add3A_39, %max3A_41 : vector<1000x128xf32>
    %swap3A = arith.constant 0 : index
    %swap3A_43 = arith.constant 0 : index
    %swap3A_44 = vector.load %arg10[%swap3A, %swap3A_43] : memref<1000x128xf32, #tpu.memory_space<vmem>>, vector<1000x128xf32>
    tpu.vector_store %arg10[%swap3A, %swap3A_43], %max3A_42 {strides = array<i32>} : memref<1000x128xf32, #tpu.memory_space<vmem>>, vector<1000x128xf32>,
    %get3A_45 = arith.constant 0 : index
    %get3A_46 = arith.constant 0 : index
    %get3A_47 = arith.constant 0 : index
    %get3A_48 = vector.load %arg5[%get3A_45, %get3A_46, %get3A_47] : memref<1x1x1000xi32, #tpu.memory_space<vmem>>, vector<1x1x1000xi32>
    %get3A_49 = vector.shape_cast %get3A_48 : vector<1x1x1000xi32> to vector<1000xi32>
    %iota3A = tpu.iota {dimensions = array<i32: 0>} : vector<128x1000xi32>
    %broadcast_in_dim3A = vector.shape_cast %get3A_49 : vector<1000xi32> to vector<1x1000xi32>
    %eq3A = vector.broadcast %broadcast_in_dim3A : vector<1x1000xi32> to vector<128x1000xi32>
    %eq3A_50 = arith.cmpi eq, %eq3A, %iota3A : vector<128x1000xi32>
    %convert_element_type3A = arith.extui %eq3A_50 : vector<128x1000xi1> to vector<128x1000xi32>
    %convert_element_type3A_51 = arith.sitofp %convert_element_type3A : vector<128x1000xi32> to vector<128x1000xf32>
    %eq3A_52 = arith.constant 0 : i32
    %eq3A_53 = arith.cmpi eq, %arg0, %eq3A_52 : i32
    %convert_element_type3A_54 = arith.extui %eq3A_53 : i1 to i32
    %cond3A = arith.constant 0 : i32
    %cond3A_55 = arith.cmpi ne, %convert_element_type3A_54, %cond3A : i32
    scf.if %cond3A_55 {
      %broadcast_in_dim3A_79 = arith.constant 0.000000e+00 : f32
      %broadcast_in_dim3A_80 = vector.broadcast %broadcast_in_dim3A_79 : f32 to vector<128x128xf32>
      %swap3A_81 = arith.constant 0 : index
      %swap3A_82 = arith.constant 0 : index
      %swap3A_83 = vector.load %arg11[%swap3A_81, %swap3A_82] : memref<128x128xf32, #tpu.memory_space<vmem>>, vector<128x128xf32>
      tpu.vector_store %arg11[%swap3A_81, %swap3A_82], %broadcast_in_dim3A_80 {strides = array<i32>} : memref<128x128xf32, #tpu.memory_space<vmem>>, vector<128x128xf32>,
      %broadcast_in_dim3A_84 = arith.constant 0.000000e+00 : f32
      %broadcast_in_dim3A_85 = vector.broadcast %broadcast_in_dim3A_84 : f32 to vector<128x1xf32>
      %swap3A_86 = arith.constant 0 : index
      %swap3A_87 = arith.constant 0 : index
      %swap3A_88 = vector.load %arg12[%swap3A_86, %swap3A_87] : memref<128x1xf32, #tpu.memory_space<vmem>>, vector<128x1xf32>
      tpu.vector_store %arg12[%swap3A_86, %swap3A_87], %broadcast_in_dim3A_85 {strides = array<i32>} : memref<128x1xf32, #tpu.memory_space<vmem>>, vector<128x1xf32>,
    } else {
    }
    %get3A_56 = arith.constant 0 : index
    %get3A_57 = arith.constant 0 : index
    %get3A_58 = vector.load %arg11[%get3A_56, %get3A_57] : memref<128x128xf32, #tpu.memory_space<vmem>>, vector<128x128xf32>
    %dot_general3A_59 = arith.constant dense<0.000000e+00> : vector<128x128xf32>
    %dot_general3A_60 = tpu.matmul %convert_element_type3A_51, %max3A_42, %dot_general3A_59 {dimension_numbers = #tpu.dot_dimension_numbers<[1], [0], [0], [1], [0, 0, 1, 1], [], []>, transpose_lhs_hint = false} : vector<128x1000xf32>, vector<1000x128xf32>, vector<128x128xf32> -> vector<128x128xf32>
    %add3A_61 = arith.addf %get3A_58, %dot_general3A_60 : vector<128x128xf32>
    %swap3A_62 = arith.constant 0 : index
    %swap3A_63 = arith.constant 0 : index
    %swap3A_64 = vector.load %arg11[%swap3A_62, %swap3A_63] : memref<128x128xf32, #tpu.memory_space<vmem>>, vector<128x128xf32>
    tpu.vector_store %arg11[%swap3A_62, %swap3A_63], %add3A_61 {strides = array<i32>} : memref<128x128xf32, #tpu.memory_space<vmem>>, vector<128x128xf32>,
    %get3A_65 = arith.constant 0 : index
    %get3A_66 = arith.constant 0 : index
    %get3A_67 = vector.load %arg12[%get3A_65, %get3A_66] : memref<128x1xf32, #tpu.memory_space<vmem>>, vector<128x1xf32>
    %reduce_sum3A = arith.constant dense<0.000000e+00> : vector<128xf32>
    %reduce_sum3A_68 = vector.multi_reduction <add>, %convert_element_type3A_51, %reduce_sum3A [1] : vector<128x1000xf32> to vector<128xf32>
    %broadcast_in_dim3A_69 = vector.shape_cast %reduce_sum3A_68 : vector<128xf32> to vector<128x1xf32>
    %add3A_70 = arith.addf %get3A_67, %broadcast_in_dim3A_69 : vector<128x1xf32>
    %swap3A_71 = arith.constant 0 : index
    %swap3A_72 = arith.constant 0 : index
    %swap3A_73 = vector.load %arg12[%swap3A_71, %swap3A_72] : memref<128x1xf32, #tpu.memory_space<vmem>>, vector<128x1xf32>
    tpu.vector_store %arg12[%swap3A_71, %swap3A_72], %add3A_70 {strides = array<i32>} : memref<128x1xf32, #tpu.memory_space<vmem>>, vector<128x1xf32>,
    %eq3A_74 = arith.constant 9 : i32
    %eq3A_75 = arith.cmpi eq, %arg0, %eq3A_74 : i32
    %convert_element_type3A_76 = arith.extui %eq3A_75 : i1 to i32
    %cond3A_77 = arith.constant 0 : i32
    %cond3A_78 = arith.cmpi ne, %convert_element_type3A_76, %cond3A_77 : i32
    scf.if %cond3A_78 {
      %get3A_79 = arith.constant 0 : index
      %get3A_80 = arith.constant 0 : index
      %get3A_81 = vector.load %arg11[%get3A_79, %get3A_80] : memref<128x128xf32, #tpu.memory_space<vmem>>, vector<128x128xf32>
      %get3A_82 = arith.constant 0 : index
      %get3A_83 = arith.constant 0 : index
      %get3A_84 = vector.load %arg12[%get3A_82, %get3A_83] : memref<128x1xf32, #tpu.memory_space<vmem>>, vector<128x1xf32>
      %max3A_85 = arith.constant 1.000000e+00 : f32
      %max3A_86 = vector.broadcast %max3A_85 : f32 to vector<128x1xf32>
      %max3A_87 = arith.maximumf %get3A_84, %max3A_86 : vector<128x1xf32>
      %div3A = vector.broadcast %max3A_87 : vector<128x1xf32> to vector<128x128xf32>
      %div3A_88 = arith.divf %get3A_81, %div3A : vector<128x128xf32>
      %swap3A_89 = arith.constant 0 : index
      %swap3A_90 = arith.constant 0 : index
      %swap3A_91 = vector.load %arg11[%swap3A_89, %swap3A_90] : memref<128x128xf32, #tpu.memory_space<vmem>>, vector<128x128xf32>
      tpu.vector_store %arg11[%swap3A_89, %swap3A_90], %div3A_88 {strides = array<i32>} : memref<128x128xf32, #tpu.memory_space<vmem>>, vector<128x128xf32>,
    } else {
    }
    return
  }
  func.func @transform_0(%arg0: i32) -> (i32, i32) {
    %c0_i32 = arith.constant 0 : i32
    %c0_i32_0 = arith.constant 0 : i32
    %c0_i32_1 = arith.constant 0 : i32
    return %c0_i32, %c0_i32_0 : i32, i32
  }
  func.func @transform_1(%arg0: i32) -> (i32, i32) {
    %c0_i32 = arith.constant 0 : i32
    %c0_i32_0 = arith.constant 0 : i32
    return %arg0, %c0_i32 : i32, i32
  }
  func.func @transform_2(%arg0: i32) -> (i32, i32, i32) {
    %c0_i32 = arith.constant 0 : i32
    %c0_i32_0 = arith.constant 0 : i32
    %c0_i32_1 = arith.constant 0 : i32
    return %c0_i32, %arg0, %c0_i32_0 : i32, i32, i32
  }
  func.func @transform_3(%arg0: i32) -> (i32, i32, i32) {
    %c1_i32 = arith.constant 1 : i32
    %c0_i32 = arith.constant 0 : i32
    %c0_i32_0 = arith.constant 0 : i32
    return %c1_i32, %arg0, %c0_i32 : i32, i32, i32
  }
  func.func @transform_4(%arg0: i32) -> (i32, i32, i32) {
    %c0_i32 = arith.constant 0 : i32
    %c0_i32_0 = arith.constant 0 : i32
    %c0_i32_1 = arith.constant 0 : i32
    return %arg0, %c0_i32, %c0_i32_0 : i32, i32, i32
  }
  func.func @transform_5(%arg0: i32) -> (i32, i32) {
    %c0_i32 = arith.constant 0 : i32
    %c0_i32_0 = arith.constant 0 : i32
    %c0_i32_1 = arith.constant 0 : i32
    return %c0_i32, %c0_i32_0 : i32, i32
  }
  func.func @transform_6(%arg0: i32) -> (i32, i32) {
    %c0_i32 = arith.constant 0 : i32
    %c0_i32_0 = arith.constant 0 : i32
    %c0_i32_1 = arith.constant 0 : i32
    return %c0_i32, %c0_i32_0 : i32, i32
  }
  func.func @transform_7(%arg0: i32) -> (i32, i32) {
    %c0_i32 = arith.constant 0 : i32
    %c0_i32_0 = arith.constant 0 : i32
    %c0_i32_1 = arith.constant 0 : i32
    return %c0_i32, %c0_i32_0 : i32, i32
  }
  func.func @transform_8(%arg0: i32) -> (i32, i32) {
    %c0_i32 = arith.constant 0 : i32
    %c0_i32_0 = arith.constant 0 : i32
    %c0_i32_1 = arith.constant 0 : i32
    return %c0_i32, %c0_i32_0 : i32, i32
  }
  func.func @transform_9(%arg0: i32) -> (i32, i32) {
    %c0_i32 = arith.constant 0 : i32
    %c0_i32_0 = arith.constant 0 : i32
    return %arg0, %c0_i32 : i32, i32
  }
  func.func @transform_10(%arg0: i32) -> (i32, i32) {
    %c0_i32 = arith.constant 0 : i32
    %c0_i32_0 = arith.constant 0 : i32
    %c0_i32_1 = arith.constant 0 : i32
    return %c0_i32, %c0_i32_0 : i32, i32
  }
}

module attributes {stable_mosaic.version = 14 : i64} {
  func.func @body(%arg0: i32, %arg1: memref<1x1xf32, #tpu.memory_space<smem>>, %arg2: memref<1000x128xf32, #tpu.memory_space<vmem>>, %arg3: memref<1x1000x128xf32, #tpu.memory_space<vmem>>, %arg4: memref<1x1000x128xf32, #tpu.memory_space<vmem>>, %arg5: memref<1x1x1000xi32, #tpu.memory_space<vmem>>, %arg6: memref<128x128xf32, #tpu.memory_space<vmem>>, %arg7: memref<1x128xf32, #tpu.memory_space<vmem>>, %arg8: memref<128x128xf32, #tpu.memory_space<vmem>>, %arg9: memref<1x128xf32, #tpu.memory_space<vmem>>, %arg10: memref<1000x128xf32, #tpu.memory_space<vmem>>, %arg11: memref<1000x128xf32, #tpu.memory_space<vmem>>, %arg12: memref<128x128xf32, #tpu.memory_space<vmem>>, %arg13: memref<128x128xf32, #tpu.memory_space<vmem>>, %arg14: memref<1000x384xf32, #tpu.memory_space<vmem>>, %arg15: memref<128x384xf32, #tpu.memory_space<vmem>>, %arg16: memref<128x128xf32, #tpu.memory_space<vmem>>, %arg17: memref<128x1xf32, #tpu.memory_space<vmem>>) attributes {dimension_semantics = [#tpu.dimension_semantics<arbitrary>], iteration_bounds = array<i64: 10>, scalar_prefetch = 0 : i64, scratch_operands = 2 : i64, tpu.core_type = #tpu.core_type<tc>, window_params = [{transform_indices = @transform_0, window_bounds = array<i64: 1, 1>}, {transform_indices = @transform_1, window_bounds = array<i64: 1000, 128>}, {transform_indices = @transform_2, window_bounds = array<i64: 1, 1000, 128>}, {transform_indices = @transform_3, window_bounds = array<i64: 1, 1000, 128>}, {transform_indices = @transform_4, window_bounds = array<i64: 1, 1, 1000>}, {pipeline_mode = #tpu.pipeline_mode<synchronous>, transform_indices = @transform_5, window_bounds = array<i64: 128, 128>}, {pipeline_mode = #tpu.pipeline_mode<synchronous>, transform_indices = @transform_6, window_bounds = array<i64: 1, 128>}, {pipeline_mode = #tpu.pipeline_mode<synchronous>, transform_indices = @transform_7, window_bounds = array<i64: 128, 128>}, {pipeline_mode = #tpu.pipeline_mode<synchronous>, transform_indices = @transform_8, window_bounds = array<i64: 1, 128>}, {transform_indices = @transform_9, window_bounds = array<i64: 1000, 128>}, {transform_indices = @transform_10, window_bounds = array<i64: 1000, 128>}, {pipeline_mode = #tpu.pipeline_mode<synchronous>, transform_indices = @transform_11, window_bounds = array<i64: 128, 128>}, {pipeline_mode = #tpu.pipeline_mode<synchronous>, transform_indices = @transform_12, window_bounds = array<i64: 128, 128>}, {transform_indices = @transform_13, window_bounds = array<i64: 1000, 384>}, {pipeline_mode = #tpu.pipeline_mode<synchronous>, transform_indices = @transform_14, window_bounds = array<i64: 128, 384>}]} {
    %get3A = arith.constant 0 : index
    %get3A_0 = arith.constant 0 : index
    %get3A_1 = memref.load %arg1[%get3A, %get3A_0] : memref<1x1xf32, #tpu.memory_space<smem>>
    %add3A = arith.constant 1.000000e+00 : f32
    %add3A_2 = arith.addf %add3A, %get3A_1 : f32
    %get3A_3 = arith.constant 0 : index
    %get3A_4 = arith.constant 0 : index
    %get3A_5 = vector.load %arg2[%get3A_3, %get3A_4] : memref<1000x128xf32, #tpu.memory_space<vmem>>, vector<1000x128xf32>
    %mul3A = vector.broadcast %add3A_2 : f32 to vector<1000x128xf32>
    %mul3A_6 = arith.mulf %mul3A, %get3A_5 : vector<1000x128xf32>
    %get3A_7 = arith.constant 0 : index
    %get3A_8 = arith.constant 0 : index
    %get3A_9 = arith.constant 0 : index
    %get3A_10 = vector.load %arg3[%get3A_7, %get3A_8, %get3A_9] : memref<1x1000x128xf32, #tpu.memory_space<vmem>>, vector<1x1000x128xf32>
    %get3A_11 = vector.shape_cast %get3A_10 : vector<1x1000x128xf32> to vector<1000x128xf32>
    %add3A_12 = arith.addf %mul3A_6, %get3A_11 : vector<1000x128xf32>
    %get3A_13 = arith.constant 0 : index
    %get3A_14 = arith.constant 0 : index
    %get3A_15 = arith.constant 0 : index
    %get3A_16 = vector.load %arg4[%get3A_13, %get3A_14, %get3A_15] : memref<1x1000x128xf32, #tpu.memory_space<vmem>>, vector<1x1000x128xf32>
    %get3A_17 = vector.shape_cast %get3A_16 : vector<1x1000x128xf32> to vector<1000x128xf32>
    %add3A_18 = arith.addf %add3A_12, %get3A_17 : vector<1000x128xf32>
    %get3A_19 = arith.constant 0 : index
    %get3A_20 = arith.constant 0 : index
    %get3A_21 = vector.load %arg6[%get3A_19, %get3A_20] : memref<128x128xf32, #tpu.memory_space<vmem>>, vector<128x128xf32>
    %dot_general3A = arith.constant dense<0.000000e+00> : vector<1000x128xf32>
    %dot_general3A_22 = tpu.matmul %add3A_18, %get3A_21, %dot_general3A {dimension_numbers = #tpu.dot_dimension_numbers<[1], [0], [0], [1], [0, 0, 1, 1], [], []>, transpose_lhs_hint = false} : vector<1000x128xf32>, vector<128x128xf32>, vector<1000x128xf32> -> vector<1000x128xf32>
    %get3A_23 = arith.constant 0 : index
    %get3A_24 = arith.constant 0 : index
    %get3A_25 = vector.load %arg7[%get3A_23, %get3A_24] : memref<1x128xf32, #tpu.memory_space<vmem>>, vector<1x128xf32>
    %add3A_26 = vector.broadcast %get3A_25 : vector<1x128xf32> to vector<1000x128xf32>
    %add3A_27 = arith.addf %dot_general3A_22, %add3A_26 : vector<1000x128xf32>
    %max3A = arith.constant 0.000000e+00 : f32
    %max3A_28 = vector.broadcast %max3A : f32 to vector<1000x128xf32>
    %max3A_29 = arith.maximumf %add3A_27, %max3A_28 : vector<1000x128xf32>
    %get3A_30 = arith.constant 0 : index
    %get3A_31 = arith.constant 0 : index
    %get3A_32 = vector.load %arg8[%get3A_30, %get3A_31] : memref<128x128xf32, #tpu.memory_space<vmem>>, vector<128x128xf32>
    %dot_general3A_33 = arith.constant dense<0.000000e+00> : vector<1000x128xf32>
    %dot_general3A_34 = tpu.matmul %max3A_29, %get3A_32, %dot_general3A_33 {dimension_numbers = #tpu.dot_dimension_numbers<[1], [0], [0], [1], [0, 0, 1, 1], [], []>, transpose_lhs_hint = false} : vector<1000x128xf32>, vector<128x128xf32>, vector<1000x128xf32> -> vector<1000x128xf32>
    %get3A_35 = arith.constant 0 : index
    %get3A_36 = arith.constant 0 : index
    %get3A_37 = vector.load %arg9[%get3A_35, %get3A_36] : memref<1x128xf32, #tpu.memory_space<vmem>>, vector<1x128xf32>
    %add3A_38 = vector.broadcast %get3A_37 : vector<1x128xf32> to vector<1000x128xf32>
    %add3A_39 = arith.addf %dot_general3A_34, %add3A_38 : vector<1000x128xf32>
    %max3A_40 = arith.constant 0.000000e+00 : f32
    %max3A_41 = vector.broadcast %max3A_40 : f32 to vector<1000x128xf32>
    %max3A_42 = arith.maximumf %add3A_39, %max3A_41 : vector<1000x128xf32>
    %get3A_43 = arith.constant 0 : index
    %get3A_44 = arith.constant 0 : index
    %get3A_45 = vector.load %arg10[%get3A_43, %get3A_44] : memref<1000x128xf32, #tpu.memory_space<vmem>>, vector<1000x128xf32>
    %get3A_46 = arith.constant 0 : index
    %get3A_47 = arith.constant 0 : index
    %get3A_48 = vector.load %arg11[%get3A_46, %get3A_47] : memref<1000x128xf32, #tpu.memory_space<vmem>>, vector<1000x128xf32>
    %concatenate3A = tpu.concatenate %get3A_45, %get3A_48, %max3A_42 in 1 : vector<1000x128xf32>, vector<1000x128xf32>, vector<1000x128xf32> -> vector<1000x384xf32>
    %swap3A = arith.constant 0 : index
    %swap3A_49 = arith.constant 0 : index
    %swap3A_50 = vector.load %arg14[%swap3A, %swap3A_49] : memref<1000x384xf32, #tpu.memory_space<vmem>>, vector<1000x384xf32>
    tpu.vector_store %arg14[%swap3A, %swap3A_49], %concatenate3A {strides = array<i32>} : memref<1000x384xf32, #tpu.memory_space<vmem>>, vector<1000x384xf32>,
    %get3A_51 = arith.constant 0 : index
    %get3A_52 = arith.constant 0 : index
    %get3A_53 = arith.constant 0 : index
    %get3A_54 = vector.load %arg5[%get3A_51, %get3A_52, %get3A_53] : memref<1x1x1000xi32, #tpu.memory_space<vmem>>, vector<1x1x1000xi32>
    %get3A_55 = vector.shape_cast %get3A_54 : vector<1x1x1000xi32> to vector<1000xi32>
    %iota3A = tpu.iota {dimensions = array<i32: 0>} : vector<128x1000xi32>
    %broadcast_in_dim3A = vector.shape_cast %get3A_55 : vector<1000xi32> to vector<1x1000xi32>
    %eq3A = vector.broadcast %broadcast_in_dim3A : vector<1x1000xi32> to vector<128x1000xi32>
    %eq3A_56 = arith.cmpi eq, %eq3A, %iota3A : vector<128x1000xi32>
    %convert_element_type3A = arith.extui %eq3A_56 : vector<128x1000xi1> to vector<128x1000xi32>
    %convert_element_type3A_57 = arith.sitofp %convert_element_type3A : vector<128x1000xi32> to vector<128x1000xf32>
    %eq3A_58 = arith.constant 0 : i32
    %eq3A_59 = arith.cmpi eq, %arg0, %eq3A_58 : i32
    %convert_element_type3A_60 = arith.extui %eq3A_59 : i1 to i32
    %cond3A = arith.constant 0 : i32
    %cond3A_61 = arith.cmpi ne, %convert_element_type3A_60, %cond3A : i32
    scf.if %cond3A_61 {
      %broadcast_in_dim3A_85 = arith.constant 0.000000e+00 : f32
      %broadcast_in_dim3A_86 = vector.broadcast %broadcast_in_dim3A_85 : f32 to vector<128x128xf32>
      %swap3A_87 = arith.constant 0 : index
      %swap3A_88 = arith.constant 0 : index
      %swap3A_89 = vector.load %arg16[%swap3A_87, %swap3A_88] : memref<128x128xf32, #tpu.memory_space<vmem>>, vector<128x128xf32>
      tpu.vector_store %arg16[%swap3A_87, %swap3A_88], %broadcast_in_dim3A_86 {strides = array<i32>} : memref<128x128xf32, #tpu.memory_space<vmem>>, vector<128x128xf32>,
      %broadcast_in_dim3A_90 = arith.constant 0.000000e+00 : f32
      %broadcast_in_dim3A_91 = vector.broadcast %broadcast_in_dim3A_90 : f32 to vector<128x1xf32>
      %swap3A_92 = arith.constant 0 : index
      %swap3A_93 = arith.constant 0 : index
      %swap3A_94 = vector.load %arg17[%swap3A_92, %swap3A_93] : memref<128x1xf32, #tpu.memory_space<vmem>>, vector<128x1xf32>
      tpu.vector_store %arg17[%swap3A_92, %swap3A_93], %broadcast_in_dim3A_91 {strides = array<i32>} : memref<128x1xf32, #tpu.memory_space<vmem>>, vector<128x1xf32>,
    } else {
    }
    %get3A_62 = arith.constant 0 : index
    %get3A_63 = arith.constant 0 : index
    %get3A_64 = vector.load %arg16[%get3A_62, %get3A_63] : memref<128x128xf32, #tpu.memory_space<vmem>>, vector<128x128xf32>
    %dot_general3A_65 = arith.constant dense<0.000000e+00> : vector<128x128xf32>
    %dot_general3A_66 = tpu.matmul %convert_element_type3A_57, %max3A_42, %dot_general3A_65 {dimension_numbers = #tpu.dot_dimension_numbers<[1], [0], [0], [1], [0, 0, 1, 1], [], []>, transpose_lhs_hint = false} : vector<128x1000xf32>, vector<1000x128xf32>, vector<128x128xf32> -> vector<128x128xf32>
    %add3A_67 = arith.addf %get3A_64, %dot_general3A_66 : vector<128x128xf32>
    %swap3A_68 = arith.constant 0 : index
    %swap3A_69 = arith.constant 0 : index
    %swap3A_70 = vector.load %arg16[%swap3A_68, %swap3A_69] : memref<128x128xf32, #tpu.memory_space<vmem>>, vector<128x128xf32>
    tpu.vector_store %arg16[%swap3A_68, %swap3A_69], %add3A_67 {strides = array<i32>} : memref<128x128xf32, #tpu.memory_space<vmem>>, vector<128x128xf32>,
    %get3A_71 = arith.constant 0 : index
    %get3A_72 = arith.constant 0 : index
    %get3A_73 = vector.load %arg17[%get3A_71, %get3A_72] : memref<128x1xf32, #tpu.memory_space<vmem>>, vector<128x1xf32>
    %reduce_sum3A = arith.constant dense<0.000000e+00> : vector<128xf32>
    %reduce_sum3A_74 = vector.multi_reduction <add>, %convert_element_type3A_57, %reduce_sum3A [1] : vector<128x1000xf32> to vector<128xf32>
    %broadcast_in_dim3A_75 = vector.shape_cast %reduce_sum3A_74 : vector<128xf32> to vector<128x1xf32>
    %add3A_76 = arith.addf %get3A_73, %broadcast_in_dim3A_75 : vector<128x1xf32>
    %swap3A_77 = arith.constant 0 : index
    %swap3A_78 = arith.constant 0 : index
    %swap3A_79 = vector.load %arg17[%swap3A_77, %swap3A_78] : memref<128x1xf32, #tpu.memory_space<vmem>>, vector<128x1xf32>
    tpu.vector_store %arg17[%swap3A_77, %swap3A_78], %add3A_76 {strides = array<i32>} : memref<128x1xf32, #tpu.memory_space<vmem>>, vector<128x1xf32>,
    %eq3A_80 = arith.constant 9 : i32
    %eq3A_81 = arith.cmpi eq, %arg0, %eq3A_80 : i32
    %convert_element_type3A_82 = arith.extui %eq3A_81 : i1 to i32
    %cond3A_83 = arith.constant 0 : i32
    %cond3A_84 = arith.cmpi ne, %convert_element_type3A_82, %cond3A_83 : i32
    scf.if %cond3A_84 {
      %get3A_85 = arith.constant 0 : index
      %get3A_86 = arith.constant 0 : index
      %get3A_87 = vector.load %arg16[%get3A_85, %get3A_86] : memref<128x128xf32, #tpu.memory_space<vmem>>, vector<128x128xf32>
      %get3A_88 = arith.constant 0 : index
      %get3A_89 = arith.constant 0 : index
      %get3A_90 = vector.load %arg17[%get3A_88, %get3A_89] : memref<128x1xf32, #tpu.memory_space<vmem>>, vector<128x1xf32>
      %max3A_91 = arith.constant 1.000000e+00 : f32
      %max3A_92 = vector.broadcast %max3A_91 : f32 to vector<128x1xf32>
      %max3A_93 = arith.maximumf %get3A_90, %max3A_92 : vector<128x1xf32>
      %div3A = vector.broadcast %max3A_93 : vector<128x1xf32> to vector<128x128xf32>
      %div3A_94 = arith.divf %get3A_87, %div3A : vector<128x128xf32>
      %get3A_95 = arith.constant 0 : index
      %get3A_96 = arith.constant 0 : index
      %get3A_97 = vector.load %arg12[%get3A_95, %get3A_96] : memref<128x128xf32, #tpu.memory_space<vmem>>, vector<128x128xf32>
      %get3A_98 = arith.constant 0 : index
      %get3A_99 = arith.constant 0 : index
      %get3A_100 = vector.load %arg13[%get3A_98, %get3A_99] : memref<128x128xf32, #tpu.memory_space<vmem>>, vector<128x128xf32>
      %concatenate3A_101 = tpu.concatenate %get3A_97, %get3A_100, %div3A_94 in 1 : vector<128x128xf32>, vector<128x128xf32>, vector<128x128xf32> -> vector<128x384xf32>
      %swap3A_102 = arith.constant 0 : index
      %swap3A_103 = arith.constant 0 : index
      %swap3A_104 = vector.load %arg15[%swap3A_102, %swap3A_103] : memref<128x384xf32, #tpu.memory_space<vmem>>, vector<128x384xf32>
      tpu.vector_store %arg15[%swap3A_102, %swap3A_103], %concatenate3A_101 {strides = array<i32>} : memref<128x384xf32, #tpu.memory_space<vmem>>, vector<128x384xf32>,
    } else {
    }
    return
  }
  func.func @transform_0(%arg0: i32) -> (i32, i32) {
    %c0_i32 = arith.constant 0 : i32
    %c0_i32_0 = arith.constant 0 : i32
    %c0_i32_1 = arith.constant 0 : i32
    return %c0_i32, %c0_i32_0 : i32, i32
  }
  func.func @transform_1(%arg0: i32) -> (i32, i32) {
    %c0_i32 = arith.constant 0 : i32
    %c0_i32_0 = arith.constant 0 : i32
    return %arg0, %c0_i32 : i32, i32
  }
  func.func @transform_2(%arg0: i32) -> (i32, i32, i32) {
    %c0_i32 = arith.constant 0 : i32
    %c0_i32_0 = arith.constant 0 : i32
    %c0_i32_1 = arith.constant 0 : i32
    return %c0_i32, %arg0, %c0_i32_0 : i32, i32, i32
  }
  func.func @transform_3(%arg0: i32) -> (i32, i32, i32) {
    %c1_i32 = arith.constant 1 : i32
    %c0_i32 = arith.constant 0 : i32
    %c0_i32_0 = arith.constant 0 : i32
    return %c1_i32, %arg0, %c0_i32 : i32, i32, i32
  }
  func.func @transform_4(%arg0: i32) -> (i32, i32, i32) {
    %c0_i32 = arith.constant 0 : i32
    %c0_i32_0 = arith.constant 0 : i32
    %c0_i32_1 = arith.constant 0 : i32
    return %arg0, %c0_i32, %c0_i32_0 : i32, i32, i32
  }
  func.func @transform_5(%arg0: i32) -> (i32, i32) {
    %c0_i32 = arith.constant 0 : i32
    %c0_i32_0 = arith.constant 0 : i32
    %c0_i32_1 = arith.constant 0 : i32
    return %c0_i32, %c0_i32_0 : i32, i32
  }
  func.func @transform_6(%arg0: i32) -> (i32, i32) {
    %c0_i32 = arith.constant 0 : i32
    %c0_i32_0 = arith.constant 0 : i32
    %c0_i32_1 = arith.constant 0 : i32
    return %c0_i32, %c0_i32_0 : i32, i32
  }
  func.func @transform_7(%arg0: i32) -> (i32, i32) {
    %c0_i32 = arith.constant 0 : i32
    %c0_i32_0 = arith.constant 0 : i32
    %c0_i32_1 = arith.constant 0 : i32
    return %c0_i32, %c0_i32_0 : i32, i32
  }
  func.func @transform_8(%arg0: i32) -> (i32, i32) {
    %c0_i32 = arith.constant 0 : i32
    %c0_i32_0 = arith.constant 0 : i32
    %c0_i32_1 = arith.constant 0 : i32
    return %c0_i32, %c0_i32_0 : i32, i32
  }
  func.func @transform_9(%arg0: i32) -> (i32, i32) {
    %c0_i32 = arith.constant 0 : i32
    %c0_i32_0 = arith.constant 0 : i32
    return %arg0, %c0_i32 : i32, i32
  }
  func.func @transform_10(%arg0: i32) -> (i32, i32) {
    %c0_i32 = arith.constant 0 : i32
    %c0_i32_0 = arith.constant 0 : i32
    return %arg0, %c0_i32 : i32, i32
  }
  func.func @transform_11(%arg0: i32) -> (i32, i32) {
    %c0_i32 = arith.constant 0 : i32
    %c0_i32_0 = arith.constant 0 : i32
    %c0_i32_1 = arith.constant 0 : i32
    return %c0_i32, %c0_i32_0 : i32, i32
  }
  func.func @transform_12(%arg0: i32) -> (i32, i32) {
    %c0_i32 = arith.constant 0 : i32
    %c0_i32_0 = arith.constant 0 : i32
    %c0_i32_1 = arith.constant 0 : i32
    return %c0_i32, %c0_i32_0 : i32, i32
  }
  func.func @transform_13(%arg0: i32) -> (i32, i32) {
    %c0_i32 = arith.constant 0 : i32
    %c0_i32_0 = arith.constant 0 : i32
    return %arg0, %c0_i32 : i32, i32
  }
  func.func @transform_14(%arg0: i32) -> (i32, i32) {
    %c0_i32 = arith.constant 0 : i32
    %c0_i32_0 = arith.constant 0 : i32
    %c0_i32_1 = arith.constant 0 : i32
    return %c0_i32, %c0_i32_0 : i32, i32
  }
}

</mosaic_0001>

<sc_bundles>
// kernel: kernel.11.cloned.1.call-start
scs
__scs_entry_jumppad:
0x0: {  	(pc) =	sbr.rel $0x88, $3  }
0x1: {  	(tag) =	ssettag $0x0;
	lr =	simm.s32 $0x1  }
0x2: {  	[smem:$0x3F8F] =	sst lr;
	_ =	strace $0xD0000000  }
0x3: {  	_ = 	snop  }
0x4: {  	_ = 	snop  }
0x5: {  	_ = 	snop  }
0x6: {  	_ = 	snop  }
0x7: {  	_ = 	snop  }
__scs_overlays_trampoline_lowered:
0x8: {  	[smem:$0x3F9E] =	sst s0  }
0x9: {  	[smem:$0x3F9F] =	sst s1  }
0xa: {  	[smem:$0x3FA0] =	sst s2  }
0xb: {  	[smem:$0x3FA1] =	sst s3  }
0xc: {  	[smem:$0x3FA2] =	sst s4  }
0xd: {  	[smem:$0x3FA3] =	sst s5  }
0xe: {  	[smem:$0x3FA4] =	sst s6  }
0xf: {  	[smem:$0x3FA5] =	sst s7  }
0x10: {  	[smem:$0x3FA6] =	sst s8  }
0x11: {  	[smem:$0x3FA7] =	sst s9;
	s0 =	simm.s32 @!p0 $0x0  }
0x12: {  	s1 =	sld [smem:$0x3F8D];
	s0 =	simm.s32 @p0 $0x1  }
0x13: {  	[smem:$0x3FA8] =	sst s0;
	s0 =	simm.s32 @!p1 $0x0  }
0x14: {  	s2 =	sld [smem:$0x3F8C];
	s0 =	simm.s32 @p1 $0x1  }
0x15: {  	[smem:$0x3FA9] =	sst s0;
	s0 =	simm.s32 @!p2 $0x0  }
0x16: {  	s3 =	sld [smem:$0x3FDB];
	s0 =	simm.s32 @p2 $0x1  }
0x17: {  	s4 =	simm.s32 $0x1BF5;
	[smem:$0x3FAB] =	sst s0  }
0x18: {  	s0 =	sld [smem:$0x3F8E];
	_ =	swait.ge [sflag:s4], $0x0  }
0x19: {  	s7 =	sld [smem:$0x3F8F]  }
0x1a: {  	s8 =	sadd.s32 $0xFFFFE003, lr  }
0x1b: {  	s9 =	sadd.s32 $0xFFFFFEF7, lr;
	s5 =	simm.s32 $0xFFFFFFFF;
	p2 =	slt.u32 s8, $0xFFFFF086  }
0x1c: {  	p1 =	slt.u32 s9, $0xF7A;
	s5 =	simm.s32 @!p2 $0x0  }
0x1d: {  	s5 =	simm.s32 @p1 $0x1;
	p0 =	seq.s32 s7, s2  }
0x1e: {  	s7 =	smul.u32 @!p0 $0xF7A, s2;
	p2 =	seq.s32 @!p0 s5, $0x0  }
0x1f: {  	s9 =	smul.u32 $0xF7A, s1;
	s8 =	simm.s32 @!p0 $0x1BF5;
	p2 =	por !p2, p0  }
0x20: {  	[sflag:s8] =	ssyncset.s32 @!p0 $0xFFFFF086;
	s6 =	sadd.s32 @!p0 s3, s7;
	s7 =	simm.s32 @!p0 $0x108  }
0x21: {  	s3 =	sadd.s32 s3, s9;
	s6 =	sadd.s32 @!p0 $0x88, s6;
	s7 =	simm.s32 @p2 $0x1082  }
0x22: {  	[simem:s7], [sflag:s8] =	dma.local @!p0 [hbm:s6], $0xF7A  }
0x23: {  	s9 =	sor.u32 $0xD0000000, s2;
	s6 =	simm.s32 $0x108;
	_ =	swait.ge @!p0 [sflag:s8], $0x0  }
0x24: {  	s3 =	sadd.s32 $0x88, s3;
	s6 =	simm.s32 @!p1 $0x1082;
	[sflag:s4] =	ssyncset.s32 $0xFFFFF086  }
0x25: {  	[simem:s6], [sflag:s4] =	dma.local [hbm:s3], $0xF7A  }
0x26: {  	[smem:$0x3F8F] =	sst s1;
	(tag) =	ssettag s2;
	_ =	strace s9  }
0x27: {  	s1 =	sld [smem:$0x3F9F]  }
0x28: {  	s2 =	sld [smem:$0x3FA0]  }
0x29: {  	s4 =	sld [smem:$0x3FA2]  }
0x2a: {  	p0 =	seq.s32 s5, $0x0;
	s5 =	sld [smem:$0x3FA3]  }
0x2b: {  	s6 =	sld [smem:$0x3FA4]  }
0x2c: {  	s7 =	sld [smem:$0x3FA5]  }
0x2d: {  	s3 =	simm.s32 $0x108;
	s8 =	sld [smem:$0x3FA6]  }
0x2e: {  	s3 =	simm.s32 @!p0 $0x1082;
	s9 =	sld [smem:$0x3FA7]  }
0x2f: {  	lr =	sadd.s32 s0, s3;
	s0 =	sld [smem:$0x3F9E]  }
0x30: {  	s3 =	sld [smem:$0x3FA1]  }
0x31: {  	[smem:$0x3FAA] =	sst s10  }
0x32: {  	s10 =	sld [smem:$0x3FA8];
	_ =	sdelay $0x3  }
0x33: {  	p0 =	seq.s32 s10, $0x1;
	s10 =	sld [smem:$0x3FAA];
	_ =	sdelay $0x3  }
0x34: {  	[smem:$0x3FAA] =	sst s10  }
0x35: {  	s10 =	sld [smem:$0x3FA9];
	_ =	sdelay $0x3  }
0x36: {  	p1 =	seq.s32 s10, $0x1;
	s10 =	sld [smem:$0x3FAA];
	_ =	sdelay $0x3  }
0x37: {  	[smem:$0x3FAA] =	sst s10  }
0x38: {  	s10 =	sld [smem:$0x3FAB]  }
0x39: {  	_ = 	snop;
	(pc) =	sbr.ind lr, $3  }
0x3a: {  	_ = 	snop  }
0x3b: {  	_ = 	snop  }
0x3c: {  	p2 =	seq.s32 s10, $0x1;
	s10 =	sld [smem:$0x3FAA]  }
0x3d: {  	_ =	shalt  }
0x3e: {  	_ =	shalt  }
0x3f: {  	_ =	shalt  }
0x40: {  	_ =	shalt  }
0x41: {  	_ =	shalt  }
0x42: {  	_ =	shalt  }
0x43: {  	_ =	shalt  }
0x44: {  	_ =	shalt  }
0x45: {  	_ =	shalt  }
0x46: {  	_ =	shalt  }
0x47: {  	_ =	shalt  }
0x48: {  	_ =	shalt  }
0x49: {  	_ =	shalt  }
0x4a: {  	_ =	shalt  }
0x4b: {  	_ =	shalt  }
0x4c: {  	_ =	shalt  }
0x4d: {  	_ =	shalt  }
0x4e: {  	_ =	shalt  }
0x4f: {  	_ =	shalt  }
0x50: {  	_ =	shalt  }
0x51: {  	_ =	shalt  }
0x52: {  	_ =	shalt  }
0x53: {  	_ =	shalt  }
0x54: {  	_ =	shalt  }
0x55: {  	_ =	shalt  }
0x56: {  	_ =	shalt  }
0x57: {  	_ =	shalt  }
0x58: {  	_ =	shalt  }
0x59: {  	_ =	shalt  }
0x5a: {  	_ =	shalt  }
0x5b: {  	_ =	shalt  }
0x5c: {  	_ =	shalt  }
0x5d: {  	_ =	shalt  }
0x5e: {  	_ =	shalt  }
0x5f: {  	_ =	shalt  }
0x60: {  	_ =	shalt  }
0x61: {  	_ =	shalt  }
0x62: {  	_ =	shalt  }
0x63: {  	_ =	shalt  }
0x64: {  	_ =	shalt  }
0x65: {  	_ =	shalt  }
0x66: {  	_ =	shalt  }
0x67: {  	_ =	shalt  }
0x68: {  	_ =	shalt  }
0x69: {  	_ =	shalt  }
0x6a: {  	_ =	shalt  }
0x6b: {  	_ =	shalt  }
0x6c: {  	_ =	shalt  }
0x6d: {  	_ =	shalt  }
0x6e: {  	_ =	shalt  }
0x6f: {  	_ =	shalt  }
0x70: {  	_ =	shalt  }
0x71: {  	_ =	shalt  }
0x72: {  	_ =	shalt  }
0x73: {  	_ =	shalt  }
0x74: {  	_ =	shalt  }
0x75: {  	_ =	shalt  }
0x76: {  	_ =	shalt  }
0x77: {  	_ =	shalt  }
0x78: {  	_ =	shalt  }
0x79: {  	_ =	shalt  }
0x7a: {  	_ =	shalt  }
0x7b: {  	_ =	shalt  }
0x7c: {  	_ =	shalt  }
0x7d: {  	_ =	shalt  }
0x7e: {  	_ =	shalt  }
0x7f: {  	_ =	shalt  }
0x80: {  	_ =	shalt  }
0x81: {  	_ =	shalt  }
0x82: {  	_ =	shalt  }
0x83: {  	_ =	shalt  }
0x84: {  	_ =	shalt  }
0x85: {  	_ =	shalt  }
0x86: {  	_ =	shalt  }
0x87: {  	_ =	shalt  }
.Lfunc_end0:
.L_simem_size_0:
called_computation.1_lowered:
.L_overlay_start_0:
0x88: {  	s2 =	sld [smem:$0x3FD9]  }
0x89: {  	s3 =	sld [smem:$0x3FFE];
	_ =	sdelay $0x1  }
0x8a: {  	s1 =	srdreg.scid  }
0x8b: {  	s0 =	sand.u32 $0x1, s1  }
0x8c: {  	s14 =	sshll.u32 s0, $0xA;
	s2 =	sadd.s32 s3, s2  }
0x8d: {  	s2 =	sadd.s32 s2, s14  }
0x8e: {  	[smem:$0x3FB6] =	sst s2  }
0x8f: {  	_ = 	snop  }
0x90: {  	s2 =	sld [smem:$0x3FD0];
	_ =	sdelay $0x2  }
0x91: {  	s15 =	simm.s32 $0xA;
	s4 =	simm.s32 $0x10  }
0x92: {  	[smem:s4], [sflag:s15] =	dma.local [hbm:s2], $0x1  }
0x93: {  	_ =	swait.eq [sflag:s15], $0x1  }
0x94: {  	[sflag:s15] =	ssyncset.done $0x0  }
0x95: {  	[sflag:s15] =	ssyncadd.s32 $0xFFFFFFFF  }
0x96: {  	s16 =	sld [smem:$0x11];
	(tm) =	ssettm $0x1  }
0x97: {  	s17 =	sld [smem:$0x3FFB];
	_ =	sdelay $0x3  }
0x98: {  	_ =	strace s17  }
0x99: {  	s3 =	sld [smem:$0x3FFC];
	_ =	sdelay $0x3  }
0x9a: {  	_ =	strace s3  }
0x9b: {  	s3 =	sld [smem:$0x3FFD];
	_ =	sdelay $0x3  }
0x9c: {  	_ =	strace s3  }
0x9d: {  	_ =	strace $0x8FFFFFFF  }
0x9e: {  	s18 =	sld [smem:$0x3FDB];
	_ =	sdelay $0x1  }
0x9f: {  	s19 =	simm.s32 $_scs_section_size  }
0xa0: {  	s5 =	simm.s32 $_size__tile_overlayer_lowered;
	s6 =	simm.s32 $_tile_overlayer_lowered  }
0xa1: {  	s22 =	simm.s32 $0x1BFF;
	s21 =	sshll.u32 s6, $0x1;
	s3 =	sadd.s32 s19, s18  }
0xa2: {  	s7 =	simm.s32 $0x0;
	s20 =	sshll.u32 s5, $0x1;
	s5 =	sadd.s32 s21, s3  }
0xa3: {  	[timem:s7], [sflag:s22] =	dma.local [hbm:s5], s20  }
0xa4: {  	_ =	swait.ge [sflag:s22], s20  }
0xa5: {  	s4 =	ssub.s32 $0x0, s20;
	[sflag:s22] =	ssyncset.done $0x0  }
0xa6: {  	[sflag:s22] =	ssyncadd.s32 s4;
	_ =	sdelay $0x1  }
0xa7: {  	s23 =	simm.s32 $0x1B8B  }
0xa8: {  	_ =	swait.ge [sflag:s23], $0x1  }
0xa9: {  	[sflag:s23] =	ssyncset.done $0x0  }
0xaa: {  	s25 =	simm.s32 $0x1B8E;
	s24 =	sld [smem:$0x3FFE];
	[sflag:s23] =	ssyncadd.s32 $0xFFFFFFFF  }
0xab: {  	s26 =	simm.s32 $execute0_lowered;
	[smem:$0x3FD2] =	sst s25  }
0xac: {  	s5 =	sshll.u32 s26, $0x1;
	_ =	strace $0x80000049;
	[dreg:$0x1] =	wrdreg $0xFFFFFFFF  }
0xad: {  	s28 =	simm.s32 $_size_execute0_lowered;
	s3 =	sadd.s32 s3, s5;
	[dreg:$0x0] =	wrdreg $0x0  }
0xae: {  	s5 =	sshll.u32 s28, $0x1;
	[dreg:$0x2] =	wrdreg s3  }
0xaf: {  	[dreg:$0x3] =	wrdreg s5  }
0xb0: {  	[dreg:$0x4] =	wrdreg $0xC0  }
0xb1: {  	_ =	task [dreg:s7], $0x5FFFF  }
0xb2: {  	[dreg:$0x1] =	wrdreg $0xFFFFFFFF  }
0xb3: {  	[dreg:$0x0] =	wrdreg $0x60  }
0xb4: {  	[dreg:$0x2] =	wrdreg s24  }
0xb5: {  	[dreg:$0x3] =	wrdreg s16  }
0xb6: {  	[dreg:$0x4] =	wrdreg $0xBA800  }
0xb7: {  	[dreg:$0x5] =	wrdreg $0x9  }
0xb8: {  	_ =	task.clear_ibuf [dreg:s7], $0x6FFFF;
	_ =	strace $0x90000049  }
0xb9: {  	s29 =	simm.s32 $0x9;
	_ =	strace $0x8000004B  }
0xba: {  	_ =	swait.ge [sflag:s29], $0x1  }
0xbb: {  	[sflag:s29] =	ssyncadd.s32 $0xFFFFFFFF  }
0xbc: {  	_ =	strace $0x9000004B  }
0xbd: {  	_ =	sfence  }
0xbe: {  	s30 =	sld [smem:$0x0];
	_ =	sdelay $0x2  }
0xbf: {  	s31 =	sshll.u32 s1, $0xD;
	s1 =	sshrl.u32 s1, $0x2  }
0xc0: {  	s3 =	sand.u32 $0x4000, s31;
	s1 =	sadd.s32 s1, s30  }
0xc1: {  	s0 =	sor.u32 s3, s0;
	s1 =	sshll.u32 s1, $0x11  }
0xc2: {  	s0 =	sor.u32 s1, s0  }
0xc3: {  	s0 =	sadd.s32 $0x8F2B, s0  }
0xc4: {  	[sflag:s0] =	ssyncadd.remote.s32 $0x1  }
0xc5: {  	_ =	sfence.sel $0xFFFF  }
0xc6: {  	[dreg:$0x0] =	wrdreg $0xFFFFFFFF;
	(pc) =	sbr.abs _section_cstart, $3  }
0xc7: {  	[dreg:$0x1] =	wrdreg $0xFFFFFFFF  }
0xc8: {  	_ =	task.clear_ibuf [dreg:s7], $0x2FFFF;
	_ =	strace $0x9FFFFFFF  }
0xc9: {  	(tm) =	ssettm $0x7FFFFFFF  }
tec
execute0_lowered:
.L_overlay_start_1:
0x0: {  	(tag) =	ssettag $0x1  }
0x1: {  	s5 =	rddreg [dreg:$0x0]  }
0x2: {  	s7 =	rddreg [dreg:$0x1]  }
0x3: {  	s2 =	rddreg [dreg:$0x2];
	s3 =	simm.s32 $0x0;
	s4 =	srdreg.scid  }
0x4: {  	s0 =	stileid.u32;
	s14 =	simm.s32 $0x60;
	s15 =	simm.s32 $0x2780  }
0x5: {  	s16 =	simm.s32 $0x2A80;
	s17 =	simm.s32 $0x2800;
	s18 =	simm.s32 $0x5A80  }
0x6: {  	s19 =	simm.s32 $0x1;
	s20 =	simm.s32 $0x2900;
	s21 =	simm.s32 $0x2880  }
0x7: {  	s22 =	simm.s32 $0x8A80;
	s23 =	simm.s32 $0x2;
	s24 =	simm.s32 $0x2980  }
0x8: {  	s25 =	simm.s32 $0x3;
	s28 =	simm.s32 $0x0;
	s6 =	sand.u32 $0x1, s4  }
0x9: {  	s26 =	sshrl.u32 s0, $0x2;
	s8 =	sshll.u32 s0, $0x8;
	s29 =	smul.u32 $0x13C00, s0  }
0xa: {  	[smem:$0x7FF] =	sst s3;
	s13 =	smul.u32 $0x4F000, s0;
	s31 =	sshll.u32 s0, $0x6  }
0xb: {  	s4 =	smul.u32 $0x13C00, s26;
	s9 =	sshll.u32 s6, $0x7;
	s8 =	sand.u32 $0x300, s8  }
0xc: {  	_ =	strace $0x8000004A;
	s10 =	ssub.s32 $0x2, s6;
	s6 =	smul.u32 $0x13C000, s6  }
0xd: {  	s26 =	simm.s32 $0x2A00;
	s8 =	sor.u32 s9, s8;
	s11 =	sshrl.u32 s29, $0x3  }
0xe: {  	s12 =	sshrl.u32 s10, $0x1;
	s30 =	sshrl.u32 s13, $0x2;
	s8 =	sor.u32 s4, s8  }
0xf: {  	s4 =	sadd.s32 $0x35C00, s5;
	s11 =	sadd.s32 s11, s5;
	s10 =	ssub.s32 s10, s12  }
.Ltmp0:
0x10: {  	s6 =	sadd.s32 s29, s6;
	s13 =	sadd.s32 s30, s2;
	(pc) =	sbr.rel .LBB2_1-.Ltmp0, $4  }
0x11: {  	s12 =	sor.u32 $0x1C04, s31;
	s8 =	sshrl.u32 s8, $0x3;
	s9 =	sshrl.u32 s6, $0x3  }
0x12: {  	s6 =	sadd.s32 $0xE400, s11;
	s11 =	simm.s32 $0x4;
	s13 =	sshrl.u32 s13, $0x3  }
0x13: {  	s8 =	sadd.s32 s8, s5;
	s7 =	sadd.s32 s7, s9;
	s9 =	simm.s32 $0x80  }
0x14: {  	s5 =	sadd.s32 $0x4600, s8;
	s8 =	smax.u32 s10, $0x1;
	s10 =	simm.s32 $0x400  }
.LBB2_4:
0x15: {  	s28 =	sadd.s32 $0x1, s28  }
0x16: {  	p0 =	sne.s32 s28, s8  }
.Ltmp1:
0x17: {  	[bflag:$0x0] =	sbarrier.arrive $0xFFFF;
	(pc) =	sbr.rel @!p0 .LBB2_5-.Ltmp1, $4  }
0x18: {  	[hbm:s7], [sflag:s12] =	dma.local [spmem:s13], $0x2780  }
0x19: {  	_ =	swait.ge [sflag:s11], $0x2780  }
0x1a: {  	[sflag:s11] =	ssyncset.done $0x0  }
0x1b: {  	[sflag:s11] =	ssyncadd.s32 $0xFFFFD880  }
.LBB2_1:
0x1c: {  	[tilespmem:s3], [sflag:$0x4] =	stream.strided.gather [hbm4b:s5+s9], $0x2780, s10, s9, $0x38;
	[tilespmem:$0x1F680] =	vst v63  }
0x1d: {  	_ =	swait.ge [sflag:s11], $0x2780  }
0x1e: {  	[sflag:s11] =	ssyncset.done $0x0  }
0x1f: {  	[sflag:s11] =	ssyncadd.s32 $0xFFFFD880  }
0x20: {  	[spmem:s13], [sflag:s12] =	dma.local [hbm:s6], $0x2780  }
0x21: {  	_ =	swait.ge [sflag:s11], $0x2780  }
0x22: {  	[sflag:s11] =	ssyncset.done $0x0  }
0x23: {  	[sflag:s11] =	ssyncadd.s32 $0xFFFFD880  }
0x24: {  	[bflag:$0x0] =	sbarrier.arrive $0xFFFF  }
0x25: {  	v0 =	vld [tilespmem:$0x0]  }
0x26: {  	v1 =	vld [tilespmem:$0x10]  }
0x27: {  	v2 =	vld [tilespmem:$0x20]  }
0x28: {  	v3 =	vld [tilespmem:$0x30]  }
0x29: {  	v4 =	vld [tilespmem:$0x40]  }
0x2a: {  	v5 =	vld [tilespmem:$0x50];
	v0 =	vand.u32 $0x3FFF, v0  }
0x2b: {  	v48 =	vand.u32 $0x3FFF, v1;
	[tilespmem:$0x2780] =	vst v0  }
0x2c: {  	v49 =	vand.u32 $0x3FFF, v2;
	[tilespmem:$0x2790] =	vst v48  }
0x2d: {  	v50 =	vand.u32 $0x3FFF, v3;
	[tilespmem:$0x27A0] =	vst v49  }
0x2e: {  	v51 =	vand.u32 $0x3FFF, v4;
	[tilespmem:$0x27B0] =	vst v50  }
0x2f: {  	v52 =	vand.u32 $0x3FFF, v5;
	[tilespmem:$0x27C0] =	vst v51  }
0x30: {  	[tilespmem:$0x27D0] =	vst v52  }
0x31: {  	[tilespmem:s16], [sflag:$0x1] =	stream.indirect.gather [hbm4b:s4+s14], $0x80, s15, s14, $0xb8;
	[tilespmem:$0x1F680] =	vst v63  }
0x32: {  	v53 =	vld [tilespmem:$0x60]  }
0x33: {  	v54 =	vld [tilespmem:$0x70]  }
0x34: {  	v55 =	vld [tilespmem:$0x80]  }
0x35: {  	v56 =	vld [tilespmem:$0x90]  }
0x36: {  	v57 =	vld [tilespmem:$0xA0]  }
0x37: {  	v58 =	vld [tilespmem:$0xB0];
	v0 =	vand.u32 $0x3FFF, v53  }
0x38: {  	v59 =	vand.u32 $0x3FFF, v54;
	[tilespmem:$0x2800] =	vst v0  }
0x39: {  	v60 =	vand.u32 $0x3FFF, v55;
	[tilespmem:$0x2810] =	vst v59  }
0x3a: {  	v61 =	vand.u32 $0x3FFF, v56;
	[tilespmem:$0x2820] =	vst v60  }
0x3b: {  	v62 =	vand.u32 $0x3FFF, v57;
	[tilespmem:$0x2830] =	vst v61  }
0x3c: {  	v63 =	vand.u32 $0x3FFF, v58;
	[tilespmem:$0x2840] =	vst v62  }
0x3d: {  	s29 =	simm.s32 $0xF0;
	s30 =	simm.s32 $0x0;
	[tilespmem:$0x2850] =	vst v63  }
0x3e: {  	[tilespmem:s18], [sflag:$0x2] =	stream.indirect.gather [hbm4b:s4+s14], $0x80, s17, s14, $0xb8;
	[tilespmem:$0x1F680] =	vst v63  }
.LBB2_2:
0x3f: {  	_ =	swait.ge [sflag:s19], $0x3000  }
0x40: {  	[sflag:s19] =	ssyncset.done $0x0  }
0x41: {  	[sflag:s19] =	ssyncadd.s32 $0xFFFFD000  }
0x42: {  	v0 =	vld [tilespmem:s29+$0xFFFFFF10];
	_ =	sdelay $0x4  }
0x43: {  	v0 =	vshrl.u32 v0, $0xE  }
0x44: {  	[tilespmem:$0x2900] =	vst v0  }
0x45: {  	v0 =	vld [tilespmem:s29+$0xFFFFFF20];
	_ =	sdelay $0x4  }
0x46: {  	v0 =	vshrl.u32 v0, $0xE  }
0x47: {  	[tilespmem:$0x2910] =	vst v0  }
0x48: {  	v0 =	vld [tilespmem:s29+$0xFFFFFF30];
	_ =	sdelay $0x4  }
0x49: {  	v0 =	vshrl.u32 v0, $0xE  }
0x4a: {  	[tilespmem:$0x2920] =	vst v0  }
0x4b: {  	v0 =	vld [tilespmem:s29+$0xFFFFFF40];
	_ =	sdelay $0x4  }
0x4c: {  	v0 =	vshrl.u32 v0, $0xE  }
0x4d: {  	[tilespmem:$0x2930] =	vst v0  }
0x4e: {  	v0 =	vld [tilespmem:s29+$0xFFFFFF50];
	_ =	sdelay $0x4  }
0x4f: {  	v0 =	vshrl.u32 v0, $0xE  }
0x50: {  	[tilespmem:$0x2940] =	vst v0  }
0x51: {  	v0 =	vld [tilespmem:s29+$0xFFFFFF60];
	_ =	sdelay $0x4  }
0x52: {  	v0 =	vshrl.u32 v0, $0xE  }
0x53: {  	[tilespmem:$0x2950] =	vst v0  }
0x54: {  	[spmem:s2] =	stream.indirect.scatter.add.f32 [tilespmem:s16], [sflag:$0x4], $0x80, s20, s14, $0xb8;
	[tilespmem:$0x1F680] =	vst v63  }
0x55: {  	_ =	swait.ge [sflag:s11], $0x3000  }
0x56: {  	[sflag:s11] =	ssyncset.done $0x0  }
0x57: {  	[sflag:s11] =	ssyncadd.s32 $0xFFFFD000  }
0x58: {  	v61 =	vld [tilespmem:s29+$0xFFFFFFD0];
	_ =	sdelay $0x4  }
0x59: {  	v0 =	vand.u32 $0x3FFF, v61  }
0x5a: {  	[tilespmem:$0x2880] =	vst v0  }
0x5b: {  	v0 =	vld [tilespmem:s29+$0xFFFFFFE0];
	_ =	sdelay $0x4  }
0x5c: {  	v0 =	vand.u32 $0x3FFF, v0  }
0x5d: {  	[tilespmem:$0x2890] =	vst v0  }
0x5e: {  	v0 =	vld [tilespmem:s29+$0xFFFFFFF0];
	_ =	sdelay $0x4  }
0x5f: {  	v0 =	vand.u32 $0x3FFF, v0  }
0x60: {  	[tilespmem:$0x28A0] =	vst v0  }
0x61: {  	v0 =	vld [tilespmem:s29+$0x0];
	_ =	sdelay $0x4  }
0x62: {  	v0 =	vand.u32 $0x3FFF, v0  }
0x63: {  	[tilespmem:$0x28B0] =	vst v0  }
0x64: {  	v0 =	vld [tilespmem:s29+$0x10];
	_ =	sdelay $0x4  }
0x65: {  	v0 =	vand.u32 $0x3FFF, v0  }
0x66: {  	[tilespmem:$0x28C0] =	vst v0  }
0x67: {  	v0 =	vld [tilespmem:s29+$0x20];
	_ =	sdelay $0x4  }
0x68: {  	v0 =	vand.u32 $0x3FFF, v0  }
0x69: {  	[tilespmem:$0x28D0] =	vst v0  }
0x6a: {  	[tilespmem:s22], [sflag:$0x3] =	stream.indirect.gather [hbm4b:s4+s14], $0x80, s21, s14, $0xb8;
	[tilespmem:$0x1F680] =	vst v63  }
0x6b: {  	_ =	swait.ge [sflag:s23], $0x3000  }
0x6c: {  	[sflag:s23] =	ssyncset.done $0x0  }
0x6d: {  	[sflag:s23] =	ssyncadd.s32 $0xFFFFD000  }
0x6e: {  	v62 =	vld [tilespmem:s29+$0xFFFFFF70];
	_ =	sdelay $0x4  }
0x6f: {  	v0 =	vshrl.u32 v62, $0xE  }
0x70: {  	[tilespmem:$0x2980] =	vst v0  }
0x71: {  	v0 =	vld [tilespmem:s29+$0xFFFFFF80];
	_ =	sdelay $0x4  }
0x72: {  	v0 =	vshrl.u32 v0, $0xE  }
0x73: {  	s31 =	sand.u32 $0x7FE0, s30;
	[tilespmem:$0x2990] =	vst v0  }
0x74: {  	v0 =	vld [tilespmem:s31+$0x80];
	_ =	sdelay $0x4  }
0x75: {  	v0 =	vshrl.u32 v0, $0xE  }
0x76: {  	[tilespmem:$0x29A0] =	vst v0  }
0x77: {  	v0 =	vld [tilespmem:s29+$0xFFFFFFA0];
	_ =	sdelay $0x4  }
0x78: {  	v0 =	vshrl.u32 v0, $0xE  }
0x79: {  	[tilespmem:$0x29B0] =	vst v0  }
0x7a: {  	v0 =	vld [tilespmem:s29+$0xFFFFFFB0];
	_ =	sdelay $0x4  }
0x7b: {  	v0 =	vshrl.u32 v0, $0xE  }
0x7c: {  	[tilespmem:$0x29C0] =	vst v0  }
0x7d: {  	v0 =	vld [tilespmem:s29+$0xFFFFFFC0];
	_ =	sdelay $0x4  }
0x7e: {  	v0 =	vshrl.u32 v0, $0xE  }
0x7f: {  	[tilespmem:$0x29D0] =	vst v0  }
0x80: {  	[spmem:s2] =	stream.indirect.scatter.add.f32 [tilespmem:s18], [sflag:$0x4], $0x80, s24, s14, $0xb8;
	[tilespmem:$0x1F680] =	vst v63  }
0x81: {  	_ =	swait.ge [sflag:s11], $0x3000  }
0x82: {  	[sflag:s11] =	ssyncset.done $0x0  }
0x83: {  	p0 =	seq.s32 s30, $0x2640;
	[sflag:s11] =	ssyncadd.s32 $0xFFFFD000  }
0x84: {  	v0 =	vld @!p0 [tilespmem:s29+$0x30];
	_ =	sdelay $0x4  }
0x85: {  	v0 =	vand.u32 @!p0 $0x3FFF, v0  }
0x86: {  	[tilespmem:$0x2780] =	vst @!p0 v0  }
0x87: {  	v0 =	vld @!p0 [tilespmem:s29+$0x40];
	_ =	sdelay $0x4  }
0x88: {  	v0 =	vand.u32 @!p0 $0x3FFF, v0  }
0x89: {  	[tilespmem:$0x2790] =	vst @!p0 v0  }
0x8a: {  	v0 =	vld @!p0 [tilespmem:s29+$0x50];
	_ =	sdelay $0x4  }
0x8b: {  	v0 =	vand.u32 @!p0 $0x3FFF, v0  }
0x8c: {  	[tilespmem:$0x27A0] =	vst @!p0 v0  }
0x8d: {  	v0 =	vld @!p0 [tilespmem:s29+$0x60];
	_ =	sdelay $0x4  }
0x8e: {  	v0 =	vand.u32 @!p0 $0x3FFF, v0  }
0x8f: {  	[tilespmem:$0x27B0] =	vst @!p0 v0  }
0x90: {  	v0 =	vld @!p0 [tilespmem:s29+$0x70];
	_ =	sdelay $0x4  }
0x91: {  	v0 =	vand.u32 @!p0 $0x3FFF, v0  }
0x92: {  	[tilespmem:$0x27C0] =	vst @!p0 v0  }
0x93: {  	v0 =	vld @!p0 [tilespmem:s29+$0x80];
	_ =	sdelay $0x4  }
0x94: {  	v0 =	vand.u32 @!p0 $0x3FFF, v0  }
0x95: {  	s0 =	simm.s32 @!p0 $0x2780;
	s1 =	simm.s32 @!p0 $0x2A80;
	s31 =	simm.s32 @!p0 $0x60;
	[tilespmem:$0x27D0] =	vst @!p0 v0  }
0x96: {  	[tilespmem:s1], [sflag:$0x1] =	stream.indirect.gather @!p0 [hbm4b:s4+s31], $0x80, s0, s31, $0xb8;
	[tilespmem:$0x1F680] =	vst v63  }
0x97: {  	_ =	swait.ge [sflag:s25], $0x3000  }
0x98: {  	[sflag:s25] =	ssyncset.done $0x0  }
0x99: {  	[sflag:s25] =	ssyncadd.s32 $0xFFFFD000  }
0x9a: {  	v63 =	vld [tilespmem:s29+$0xFFFFFFD0];
	_ =	sdelay $0x4  }
0x9b: {  	v0 =	vshrl.u32 v63, $0xE  }
0x9c: {  	[tilespmem:$0x2A00] =	vst v0  }
0x9d: {  	v0 =	vld [tilespmem:s29+$0xFFFFFFE0];
	_ =	sdelay $0x4  }
0x9e: {  	v0 =	vshrl.u32 v0, $0xE  }
0x9f: {  	[tilespmem:$0x2A10] =	vst v0  }
0xa0: {  	v0 =	vld [tilespmem:s29+$0xFFFFFFF0];
	_ =	sdelay $0x4  }
0xa1: {  	v0 =	vshrl.u32 v0, $0xE  }
0xa2: {  	[tilespmem:$0x2A20] =	vst v0  }
0xa3: {  	v0 =	vld [tilespmem:s29+$0x0];
	_ =	sdelay $0x4  }
0xa4: {  	v0 =	vshrl.u32 v0, $0xE  }
0xa5: {  	[tilespmem:$0x2A30] =	vst v0  }
0xa6: {  	v0 =	vld [tilespmem:s29+$0x10];
	_ =	sdelay $0x4  }
0xa7: {  	v0 =	vshrl.u32 v0, $0xE  }
0xa8: {  	[tilespmem:$0x2A40] =	vst v0  }
0xa9: {  	v0 =	vld [tilespmem:s29+$0x20];
	_ =	sdelay $0x4  }
0xaa: {  	v0 =	vshrl.u32 v0, $0xE  }
.Ltmp2:
0xab: {  	[tilespmem:$0x2A50] =	vst v0;
	(pc) =	sbr.rel @p0 .LBB2_4-.Ltmp2, $4  }
0xac: {  	[spmem:s2] =	stream.indirect.scatter.add.f32 [tilespmem:s22], [sflag:$0x4], $0x80, s26, s14, $0xb8;
	[tilespmem:$0x1F680] =	vst v63  }
0xad: {  	_ =	swait.ge [sflag:s11], $0x3000  }
0xae: {  	[sflag:s11] =	ssyncset.done $0x0  }
0xaf: {  	[sflag:s11] =	ssyncadd.s32 $0xFFFFD000  }
0xb0: {  	v0 =	vld [tilespmem:s29+$0x90];
	_ =	sdelay $0x4  }
0xb1: {  	v0 =	vand.u32 $0x3FFF, v0  }
0xb2: {  	[tilespmem:$0x2800] =	vst v0  }
0xb3: {  	v0 =	vld [tilespmem:s29+$0xA0];
	_ =	sdelay $0x4  }
0xb4: {  	v0 =	vand.u32 $0x3FFF, v0  }
0xb5: {  	[tilespmem:$0x2810] =	vst v0  }
0xb6: {  	v0 =	vld [tilespmem:s29+$0xB0];
	_ =	sdelay $0x4  }
0xb7: {  	v0 =	vand.u32 $0x3FFF, v0  }
0xb8: {  	[tilespmem:$0x2820] =	vst v0  }
0xb9: {  	v0 =	vld [tilespmem:s29+$0xC0];
	_ =	sdelay $0x4  }
0xba: {  	v0 =	vand.u32 $0x3FFF, v0  }
0xbb: {  	[tilespmem:$0x2830] =	vst v0  }
0xbc: {  	v0 =	vld [tilespmem:s29+$0xD0];
	_ =	sdelay $0x4  }
0xbd: {  	v0 =	vand.u32 $0x3FFF, v0  }
0xbe: {  	[tilespmem:$0x2840] =	vst v0  }
0xbf: {  	v0 =	vld [tilespmem:s29+$0xE0];
	_ =	sdelay $0x2  }
.Ltmp3:
0xc0: {  	_ = 	snop;
	(pc) =	sbr.rel .LBB2_2-.Ltmp3, $4  }
0xc1: {  	_ = 	snop  }
0xc2: {  	v0 =	vand.u32 $0x3FFF, v0  }
0xc3: {  	s30 =	sadd.s32 $0x120, s30;
	s29 =	sadd.s32 $0x120, s29;
	[tilespmem:$0x2850] =	vst v0  }
0xc4: {  	[tilespmem:s18], [sflag:$0x2] =	stream.indirect.gather [hbm4b:s4+s14], $0x80, s17, s14, $0xb8;
	[tilespmem:$0x1F680] =	vst v63  }
.LBB2_5:
0xc5: {  	_ =	sfence.sel $0x180000  }
0xc6: {  	[bflag:$0x0] =	sbarrier.arrive $0xFFFF  }
0xc7: {  	_ =	strace $0x9000004A  }
0xc8: {  	s0 =	stileid.u32;
	[bflag:$0x2] =	sbarrier.arrive $0xFFFF  }
0xc9: {  	p0 =	sne.s32 s0, $0x0;
	s0 =	rddreg [dreg:$0x3]  }
0xca: {  	s0 =	sadd.s32 @!p0 $0x100000, s0  }
0xcb: {  	[sflag:s0] =	ssyncadd.tile.s32 @!p0 $0x1;
	_ =	shalt  }
.Lfunc_end2:
_tile_overlayer_lowered:
.L_overlay_start_2:
0xcc: {  	(tag) =	ssettag $0x2  }
0xcd: {  	s0 =	rddreg [dreg:$0x0];
	s2 =	stileid.u32  }
0xce: {  	s1 =	rddreg [dreg:$0x1];
	p0 =	sne.s32 s2, $0x0  }
0xcf: {  	s3 =	rddreg [dreg:$0x2];
	[bflag:$0x3] =	sbarrier.arrive $0xFFFF;
	s2 =	simm.s32 @!p0 $0x1C04  }
0xd0: {  	[timem:s3], [sflag:s2] =	dma.local @!p0 [hbm:s0], s1  }
0xd1: {  	s0 =	simm.s32 @!p0 $0x4  }
0xd2: {  	_ =	swait.ge @!p0 [sflag:s0], s1  }
0xd3: {  	s1 =	ssub.s32 @!p0 $0x0, s1;
	[sflag:s0] =	ssyncset.done @!p0 $0x0  }
0xd4: {  	[sflag:s0] =	ssyncadd.s32 @!p0 s1  }
0xd5: {  	[bflag:$0x3] =	sbarrier.arrive $0xFFFF  }
0xd6: {  	_ =	shalt  }

// kernel: kernel.14.cloned.1.call-start
scs
__scs_entry_jumppad:
0x0: {  	(pc) =	sbr.rel $0x88, $3  }
0x1: {  	(tag) =	ssettag $0x0;
	lr =	simm.s32 $0x1  }
0x2: {  	[smem:$0x3F8F] =	sst lr;
	_ =	strace $0xD0000000  }
0x3: {  	_ = 	snop  }
0x4: {  	_ = 	snop  }
0x5: {  	_ = 	snop  }
0x6: {  	_ = 	snop  }
0x7: {  	_ = 	snop  }
__scs_overlays_trampoline_lowered:
0x8: {  	[smem:$0x3F9E] =	sst s0  }
0x9: {  	[smem:$0x3F9F] =	sst s1  }
0xa: {  	[smem:$0x3FA0] =	sst s2  }
0xb: {  	[smem:$0x3FA1] =	sst s3  }
0xc: {  	[smem:$0x3FA2] =	sst s4  }
0xd: {  	[smem:$0x3FA3] =	sst s5  }
0xe: {  	[smem:$0x3FA4] =	sst s6  }
0xf: {  	[smem:$0x3FA5] =	sst s7  }
0x10: {  	[smem:$0x3FA6] =	sst s8  }
0x11: {  	[smem:$0x3FA7] =	sst s9;
	s0 =	simm.s32 @!p0 $0x0  }
0x12: {  	s1 =	sld [smem:$0x3F8D];
	s0 =	simm.s32 @p0 $0x1  }
0x13: {  	[smem:$0x3FA8] =	sst s0;
	s0 =	simm.s32 @!p1 $0x0  }
0x14: {  	s2 =	sld [smem:$0x3F8C];
	s0 =	simm.s32 @p1 $0x1  }
0x15: {  	[smem:$0x3FA9] =	sst s0;
	s0 =	simm.s32 @!p2 $0x0  }
0x16: {  	s3 =	sld [smem:$0x3FDB];
	s0 =	simm.s32 @p2 $0x1  }
0x17: {  	s4 =	simm.s32 $0x1BF5;
	[smem:$0x3FAB] =	sst s0  }
0x18: {  	s0 =	sld [smem:$0x3F8E];
	_ =	swait.ge [sflag:s4], $0x0  }
0x19: {  	s7 =	sld [smem:$0x3F8F]  }
0x1a: {  	s8 =	sadd.s32 $0xFFFFE003, lr  }
0x1b: {  	s9 =	sadd.s32 $0xFFFFFEF7, lr;
	s5 =	simm.s32 $0xFFFFFFFF;
	p2 =	slt.u32 s8, $0xFFFFF086  }
0x1c: {  	p1 =	slt.u32 s9, $0xF7A;
	s5 =	simm.s32 @!p2 $0x0  }
0x1d: {  	s5 =	simm.s32 @p1 $0x1;
	p0 =	seq.s32 s7, s2  }
0x1e: {  	s7 =	smul.u32 @!p0 $0xF7A, s2;
	p2 =	seq.s32 @!p0 s5, $0x0  }
0x1f: {  	s9 =	smul.u32 $0xF7A, s1;
	s8 =	simm.s32 @!p0 $0x1BF5;
	p2 =	por !p2, p0  }
0x20: {  	[sflag:s8] =	ssyncset.s32 @!p0 $0xFFFFF086;
	s6 =	sadd.s32 @!p0 s3, s7;
	s7 =	simm.s32 @!p0 $0x108  }
0x21: {  	s3 =	sadd.s32 s3, s9;
	s6 =	sadd.s32 @!p0 $0x88, s6;
	s7 =	simm.s32 @p2 $0x1082  }
0x22: {  	[simem:s7], [sflag:s8] =	dma.local @!p0 [hbm:s6], $0xF7A  }
0x23: {  	s9 =	sor.u32 $0xD0000000, s2;
	s6 =	simm.s32 $0x108;
	_ =	swait.ge @!p0 [sflag:s8], $0x0  }
0x24: {  	s3 =	sadd.s32 $0x88, s3;
	s6 =	simm.s32 @!p1 $0x1082;
	[sflag:s4] =	ssyncset.s32 $0xFFFFF086  }
0x25: {  	[simem:s6], [sflag:s4] =	dma.local [hbm:s3], $0xF7A  }
0x26: {  	[smem:$0x3F8F] =	sst s1;
	(tag) =	ssettag s2;
	_ =	strace s9  }
0x27: {  	s1 =	sld [smem:$0x3F9F]  }
0x28: {  	s2 =	sld [smem:$0x3FA0]  }
0x29: {  	s4 =	sld [smem:$0x3FA2]  }
0x2a: {  	p0 =	seq.s32 s5, $0x0;
	s5 =	sld [smem:$0x3FA3]  }
0x2b: {  	s6 =	sld [smem:$0x3FA4]  }
0x2c: {  	s7 =	sld [smem:$0x3FA5]  }
0x2d: {  	s3 =	simm.s32 $0x108;
	s8 =	sld [smem:$0x3FA6]  }
0x2e: {  	s3 =	simm.s32 @!p0 $0x1082;
	s9 =	sld [smem:$0x3FA7]  }
0x2f: {  	lr =	sadd.s32 s0, s3;
	s0 =	sld [smem:$0x3F9E]  }
0x30: {  	s3 =	sld [smem:$0x3FA1]  }
0x31: {  	[smem:$0x3FAA] =	sst s10  }
0x32: {  	s10 =	sld [smem:$0x3FA8];
	_ =	sdelay $0x3  }
0x33: {  	p0 =	seq.s32 s10, $0x1;
	s10 =	sld [smem:$0x3FAA];
	_ =	sdelay $0x3  }
0x34: {  	[smem:$0x3FAA] =	sst s10  }
0x35: {  	s10 =	sld [smem:$0x3FA9];
	_ =	sdelay $0x3  }
0x36: {  	p1 =	seq.s32 s10, $0x1;
	s10 =	sld [smem:$0x3FAA];
	_ =	sdelay $0x3  }
0x37: {  	[smem:$0x3FAA] =	sst s10  }
0x38: {  	s10 =	sld [smem:$0x3FAB]  }
0x39: {  	_ = 	snop;
	(pc) =	sbr.ind lr, $3  }
0x3a: {  	_ = 	snop  }
0x3b: {  	_ = 	snop  }
0x3c: {  	p2 =	seq.s32 s10, $0x1;
	s10 =	sld [smem:$0x3FAA]  }
0x3d: {  	_ =	shalt  }
0x3e: {  	_ =	shalt  }
0x3f: {  	_ =	shalt  }
0x40: {  	_ =	shalt  }
0x41: {  	_ =	shalt  }
0x42: {  	_ =	shalt  }
0x43: {  	_ =	shalt  }
0x44: {  	_ =	shalt  }
0x45: {  	_ =	shalt  }
0x46: {  	_ =	shalt  }
0x47: {  	_ =	shalt  }
0x48: {  	_ =	shalt  }
0x49: {  	_ =	shalt  }
0x4a: {  	_ =	shalt  }
0x4b: {  	_ =	shalt  }
0x4c: {  	_ =	shalt  }
0x4d: {  	_ =	shalt  }
0x4e: {  	_ =	shalt  }
0x4f: {  	_ =	shalt  }
0x50: {  	_ =	shalt  }
0x51: {  	_ =	shalt  }
0x52: {  	_ =	shalt  }
0x53: {  	_ =	shalt  }
0x54: {  	_ =	shalt  }
0x55: {  	_ =	shalt  }
0x56: {  	_ =	shalt  }
0x57: {  	_ =	shalt  }
0x58: {  	_ =	shalt  }
0x59: {  	_ =	shalt  }
0x5a: {  	_ =	shalt  }
0x5b: {  	_ =	shalt  }
0x5c: {  	_ =	shalt  }
0x5d: {  	_ =	shalt  }
0x5e: {  	_ =	shalt  }
0x5f: {  	_ =	shalt  }
0x60: {  	_ =	shalt  }
0x61: {  	_ =	shalt  }
0x62: {  	_ =	shalt  }
0x63: {  	_ =	shalt  }
0x64: {  	_ =	shalt  }
0x65: {  	_ =	shalt  }
0x66: {  	_ =	shalt  }
0x67: {  	_ =	shalt  }
0x68: {  	_ =	shalt  }
0x69: {  	_ =	shalt  }
0x6a: {  	_ =	shalt  }
0x6b: {  	_ =	shalt  }
0x6c: {  	_ =	shalt  }
0x6d: {  	_ =	shalt  }
0x6e: {  	_ =	shalt  }
0x6f: {  	_ =	shalt  }
0x70: {  	_ =	shalt  }
0x71: {  	_ =	shalt  }
0x72: {  	_ =	shalt  }
0x73: {  	_ =	shalt  }
0x74: {  	_ =	shalt  }
0x75: {  	_ =	shalt  }
0x76: {  	_ =	shalt  }
0x77: {  	_ =	shalt  }
0x78: {  	_ =	shalt  }
0x79: {  	_ =	shalt  }
0x7a: {  	_ =	shalt  }
0x7b: {  	_ =	shalt  }
0x7c: {  	_ =	shalt  }
0x7d: {  	_ =	shalt  }
0x7e: {  	_ =	shalt  }
0x7f: {  	_ =	shalt  }
0x80: {  	_ =	shalt  }
0x81: {  	_ =	shalt  }
0x82: {  	_ =	shalt  }
0x83: {  	_ =	shalt  }
0x84: {  	_ =	shalt  }
0x85: {  	_ =	shalt  }
0x86: {  	_ =	shalt  }
0x87: {  	_ =	shalt  }
.Lfunc_end0:
.L_simem_size_0:
called_computation.2_lowered:
.L_overlay_start_0:
0x88: {  	s2 =	sld [smem:$0x3FD9]  }
0x89: {  	s3 =	sld [smem:$0x3FFE];
	_ =	sdelay $0x1  }
0x8a: {  	s1 =	srdreg.scid  }
0x8b: {  	s0 =	sand.u32 $0x1, s1  }
0x8c: {  	s14 =	sshll.u32 s0, $0xA;
	s2 =	sadd.s32 s3, s2  }
0x8d: {  	s2 =	sadd.s32 s2, s14  }
0x8e: {  	[smem:$0x3FB6] =	sst s2  }
0x8f: {  	_ = 	snop  }
0x90: {  	s2 =	sld [smem:$0x3FD0];
	_ =	sdelay $0x2  }
0x91: {  	s15 =	simm.s32 $0xA;
	s4 =	simm.s32 $0x10  }
0x92: {  	[smem:s4], [sflag:s15] =	dma.local [hbm:s2], $0x1  }
0x93: {  	_ =	swait.eq [sflag:s15], $0x1  }
0x94: {  	[sflag:s15] =	ssyncset.done $0x0  }
0x95: {  	[sflag:s15] =	ssyncadd.s32 $0xFFFFFFFF  }
0x96: {  	s16 =	sld [smem:$0x11];
	(tm) =	ssettm $0x1  }
0x97: {  	s17 =	sld [smem:$0x3FFB];
	_ =	sdelay $0x3  }
0x98: {  	_ =	strace s17  }
0x99: {  	s3 =	sld [smem:$0x3FFC];
	_ =	sdelay $0x3  }
0x9a: {  	_ =	strace s3  }
0x9b: {  	s3 =	sld [smem:$0x3FFD];
	_ =	sdelay $0x3  }
0x9c: {  	_ =	strace s3  }
0x9d: {  	_ =	strace $0x8FFFFFFF  }
0x9e: {  	s18 =	sld [smem:$0x3FDB];
	_ =	sdelay $0x1  }
0x9f: {  	s19 =	simm.s32 $_scs_section_size  }
0xa0: {  	s5 =	simm.s32 $_size__tile_overlayer_lowered;
	s6 =	simm.s32 $_tile_overlayer_lowered  }
0xa1: {  	s22 =	simm.s32 $0x1BFF;
	s21 =	sshll.u32 s6, $0x1;
	s3 =	sadd.s32 s19, s18  }
0xa2: {  	s7 =	simm.s32 $0x0;
	s20 =	sshll.u32 s5, $0x1;
	s5 =	sadd.s32 s21, s3  }
0xa3: {  	[timem:s7], [sflag:s22] =	dma.local [hbm:s5], s20  }
0xa4: {  	_ =	swait.ge [sflag:s22], s20  }
0xa5: {  	s4 =	ssub.s32 $0x0, s20;
	[sflag:s22] =	ssyncset.done $0x0  }
0xa6: {  	[sflag:s22] =	ssyncadd.s32 s4;
	_ =	sdelay $0x1  }
0xa7: {  	s23 =	simm.s32 $0x1B8B  }
0xa8: {  	_ =	swait.ge [sflag:s23], $0x1  }
0xa9: {  	[sflag:s23] =	ssyncset.done $0x0  }
0xaa: {  	s25 =	simm.s32 $0x1B8E;
	s24 =	sld [smem:$0x3FFE];
	[sflag:s23] =	ssyncadd.s32 $0xFFFFFFFF  }
0xab: {  	s26 =	simm.s32 $execute0_lowered;
	[smem:$0x3FD2] =	sst s25  }
0xac: {  	s5 =	sshll.u32 s26, $0x1;
	_ =	strace $0x8000004C;
	[dreg:$0x1] =	wrdreg $0xFFFFFFFF  }
0xad: {  	s28 =	simm.s32 $_size_execute0_lowered;
	s3 =	sadd.s32 s3, s5;
	[dreg:$0x0] =	wrdreg $0x0  }
0xae: {  	s5 =	sshll.u32 s28, $0x1;
	[dreg:$0x2] =	wrdreg s3  }
0xaf: {  	[dreg:$0x3] =	wrdreg s5  }
0xb0: {  	[dreg:$0x4] =	wrdreg $0xC0  }
0xb1: {  	_ =	task [dreg:s7], $0x5FFFF  }
0xb2: {  	[dreg:$0x1] =	wrdreg $0xFFFFFFFF  }
0xb3: {  	[dreg:$0x0] =	wrdreg $0x60  }
0xb4: {  	[dreg:$0x2] =	wrdreg s24  }
0xb5: {  	[dreg:$0x3] =	wrdreg s16  }
0xb6: {  	[dreg:$0x4] =	wrdreg $0xBA800  }
0xb7: {  	[dreg:$0x5] =	wrdreg $0x9  }
0xb8: {  	_ =	task.clear_ibuf [dreg:s7], $0x6FFFF;
	_ =	strace $0x9000004C  }
0xb9: {  	s29 =	simm.s32 $0x9;
	_ =	strace $0x8000004E  }
0xba: {  	_ =	swait.ge [sflag:s29], $0x1  }
0xbb: {  	[sflag:s29] =	ssyncadd.s32 $0xFFFFFFFF  }
0xbc: {  	_ =	strace $0x9000004E  }
0xbd: {  	_ =	sfence  }
0xbe: {  	s30 =	sld [smem:$0x0];
	_ =	sdelay $0x2  }
0xbf: {  	s31 =	sshll.u32 s1, $0xD;
	s1 =	sshrl.u32 s1, $0x2  }
0xc0: {  	s3 =	sand.u32 $0x4000, s31;
	s1 =	sadd.s32 s1, s30  }
0xc1: {  	s0 =	sor.u32 s3, s0;
	s1 =	sshll.u32 s1, $0x11  }
0xc2: {  	s0 =	sor.u32 s1, s0  }
0xc3: {  	s0 =	sadd.s32 $0x8F2B, s0  }
0xc4: {  	[sflag:s0] =	ssyncadd.remote.s32 $0x1  }
0xc5: {  	_ =	sfence.sel $0xFFFF  }
0xc6: {  	[dreg:$0x0] =	wrdreg $0xFFFFFFFF;
	(pc) =	sbr.abs _section_cstart, $3  }
0xc7: {  	[dreg:$0x1] =	wrdreg $0xFFFFFFFF  }
0xc8: {  	_ =	task.clear_ibuf [dreg:s7], $0x2FFFF;
	_ =	strace $0x9FFFFFFF  }
0xc9: {  	(tm) =	ssettm $0x7FFFFFFF  }
tec
execute0_lowered:
.L_overlay_start_1:
0x0: {  	(tag) =	ssettag $0x1  }
0x1: {  	s5 =	rddreg [dreg:$0x0]  }
0x2: {  	s7 =	rddreg [dreg:$0x1]  }
0x3: {  	s2 =	rddreg [dreg:$0x2];
	s3 =	simm.s32 $0x0;
	s4 =	srdreg.scid  }
0x4: {  	s0 =	stileid.u32;
	s14 =	simm.s32 $0x60;
	s15 =	simm.s32 $0x2780  }
0x5: {  	s16 =	simm.s32 $0x2A80;
	s17 =	simm.s32 $0x2800;
	s18 =	simm.s32 $0x5A80  }
0x6: {  	s19 =	simm.s32 $0x1;
	s20 =	simm.s32 $0x2900;
	s21 =	simm.s32 $0x2880  }
0x7: {  	s22 =	simm.s32 $0x8A80;
	s23 =	simm.s32 $0x2;
	s24 =	simm.s32 $0x2980  }
0x8: {  	s25 =	simm.s32 $0x3;
	s28 =	simm.s32 $0x0;
	s6 =	sand.u32 $0x1, s4  }
0x9: {  	s26 =	sshrl.u32 s0, $0x2;
	s8 =	sshll.u32 s0, $0x8;
	s29 =	smul.u32 $0x13C00, s0  }
0xa: {  	[smem:$0x7FF] =	sst s3;
	s13 =	smul.u32 $0x4F000, s0;
	s31 =	sshll.u32 s0, $0x6  }
0xb: {  	s4 =	smul.u32 $0x13C00, s26;
	s9 =	sshll.u32 s6, $0x7;
	s8 =	sand.u32 $0x300, s8  }
0xc: {  	_ =	strace $0x8000004D;
	s10 =	ssub.s32 $0x2, s6;
	s6 =	smul.u32 $0x13C000, s6  }
0xd: {  	s26 =	simm.s32 $0x2A00;
	s8 =	sor.u32 s9, s8;
	s11 =	sshrl.u32 s29, $0x3  }
0xe: {  	s12 =	sshrl.u32 s10, $0x1;
	s30 =	sshrl.u32 s13, $0x2;
	s8 =	sor.u32 s4, s8  }
0xf: {  	s4 =	sadd.s32 $0x35C00, s5;
	s11 =	sadd.s32 s11, s5;
	s10 =	ssub.s32 s10, s12  }
.Ltmp0:
0x10: {  	s6 =	sadd.s32 s29, s6;
	s13 =	sadd.s32 s30, s2;
	(pc) =	sbr.rel .LBB2_1-.Ltmp0, $4  }
0x11: {  	s12 =	sor.u32 $0x1C04, s31;
	s8 =	sshrl.u32 s8, $0x3;
	s9 =	sshrl.u32 s6, $0x3  }
0x12: {  	s6 =	sadd.s32 $0xE400, s11;
	s11 =	simm.s32 $0x4;
	s13 =	sshrl.u32 s13, $0x3  }
0x13: {  	s8 =	sadd.s32 s8, s5;
	s7 =	sadd.s32 s7, s9;
	s9 =	simm.s32 $0x80  }
0x14: {  	s5 =	sadd.s32 $0x4600, s8;
	s8 =	smax.u32 s10, $0x1;
	s10 =	simm.s32 $0x400  }
.LBB2_4:
0x15: {  	s28 =	sadd.s32 $0x1, s28  }
0x16: {  	p0 =	sne.s32 s28, s8  }
.Ltmp1:
0x17: {  	[bflag:$0x0] =	sbarrier.arrive $0xFFFF;
	(pc) =	sbr.rel @!p0 .LBB2_5-.Ltmp1, $4  }
0x18: {  	[hbm:s7], [sflag:s12] =	dma.local [spmem:s13], $0x2780  }
0x19: {  	_ =	swait.ge [sflag:s11], $0x2780  }
0x1a: {  	[sflag:s11] =	ssyncset.done $0x0  }
0x1b: {  	[sflag:s11] =	ssyncadd.s32 $0xFFFFD880  }
.LBB2_1:
0x1c: {  	[tilespmem:s3], [sflag:$0x4] =	stream.strided.gather [hbm4b:s5+s9], $0x2780, s10, s9, $0x38;
	[tilespmem:$0x1F680] =	vst v63  }
0x1d: {  	_ =	swait.ge [sflag:s11], $0x2780  }
0x1e: {  	[sflag:s11] =	ssyncset.done $0x0  }
0x1f: {  	[sflag:s11] =	ssyncadd.s32 $0xFFFFD880  }
0x20: {  	[spmem:s13], [sflag:s12] =	dma.local [hbm:s6], $0x2780  }
0x21: {  	_ =	swait.ge [sflag:s11], $0x2780  }
0x22: {  	[sflag:s11] =	ssyncset.done $0x0  }
0x23: {  	[sflag:s11] =	ssyncadd.s32 $0xFFFFD880  }
0x24: {  	[bflag:$0x0] =	sbarrier.arrive $0xFFFF  }
0x25: {  	v0 =	vld [tilespmem:$0x0]  }
0x26: {  	v1 =	vld [tilespmem:$0x10]  }
0x27: {  	v2 =	vld [tilespmem:$0x20]  }
0x28: {  	v3 =	vld [tilespmem:$0x30]  }
0x29: {  	v4 =	vld [tilespmem:$0x40]  }
0x2a: {  	v5 =	vld [tilespmem:$0x50];
	v0 =	vand.u32 $0x3FFF, v0  }
0x2b: {  	v48 =	vand.u32 $0x3FFF, v1;
	[tilespmem:$0x2780] =	vst v0  }
0x2c: {  	v49 =	vand.u32 $0x3FFF, v2;
	[tilespmem:$0x2790] =	vst v48  }
0x2d: {  	v50 =	vand.u32 $0x3FFF, v3;
	[tilespmem:$0x27A0] =	vst v49  }
0x2e: {  	v51 =	vand.u32 $0x3FFF, v4;
	[tilespmem:$0x27B0] =	vst v50  }
0x2f: {  	v52 =	vand.u32 $0x3FFF, v5;
	[tilespmem:$0x27C0] =	vst v51  }
0x30: {  	[tilespmem:$0x27D0] =	vst v52  }
0x31: {  	[tilespmem:s16], [sflag:$0x1] =	stream.indirect.gather [hbm4b:s4+s14], $0x80, s15, s14, $0xb8;
	[tilespmem:$0x1F680] =	vst v63  }
0x32: {  	v53 =	vld [tilespmem:$0x60]  }
0x33: {  	v54 =	vld [tilespmem:$0x70]  }
0x34: {  	v55 =	vld [tilespmem:$0x80]  }
0x35: {  	v56 =	vld [tilespmem:$0x90]  }
0x36: {  	v57 =	vld [tilespmem:$0xA0]  }
0x37: {  	v58 =	vld [tilespmem:$0xB0];
	v0 =	vand.u32 $0x3FFF, v53  }
0x38: {  	v59 =	vand.u32 $0x3FFF, v54;
	[tilespmem:$0x2800] =	vst v0  }
0x39: {  	v60 =	vand.u32 $0x3FFF, v55;
	[tilespmem:$0x2810] =	vst v59  }
0x3a: {  	v61 =	vand.u32 $0x3FFF, v56;
	[tilespmem:$0x2820] =	vst v60  }
0x3b: {  	v62 =	vand.u32 $0x3FFF, v57;
	[tilespmem:$0x2830] =	vst v61  }
0x3c: {  	v63 =	vand.u32 $0x3FFF, v58;
	[tilespmem:$0x2840] =	vst v62  }
0x3d: {  	s29 =	simm.s32 $0xF0;
	s30 =	simm.s32 $0x0;
	[tilespmem:$0x2850] =	vst v63  }
0x3e: {  	[tilespmem:s18], [sflag:$0x2] =	stream.indirect.gather [hbm4b:s4+s14], $0x80, s17, s14, $0xb8;
	[tilespmem:$0x1F680] =	vst v63  }
.LBB2_2:
0x3f: {  	_ =	swait.ge [sflag:s19], $0x3000  }
0x40: {  	[sflag:s19] =	ssyncset.done $0x0  }
0x41: {  	[sflag:s19] =	ssyncadd.s32 $0xFFFFD000  }
0x42: {  	v0 =	vld [tilespmem:s29+$0xFFFFFF10];
	_ =	sdelay $0x4  }
0x43: {  	v0 =	vshrl.u32 v0, $0xE  }
0x44: {  	[tilespmem:$0x2900] =	vst v0  }
0x45: {  	v0 =	vld [tilespmem:s29+$0xFFFFFF20];
	_ =	sdelay $0x4  }
0x46: {  	v0 =	vshrl.u32 v0, $0xE  }
0x47: {  	[tilespmem:$0x2910] =	vst v0  }
0x48: {  	v0 =	vld [tilespmem:s29+$0xFFFFFF30];
	_ =	sdelay $0x4  }
0x49: {  	v0 =	vshrl.u32 v0, $0xE  }
0x4a: {  	[tilespmem:$0x2920] =	vst v0  }
0x4b: {  	v0 =	vld [tilespmem:s29+$0xFFFFFF40];
	_ =	sdelay $0x4  }
0x4c: {  	v0 =	vshrl.u32 v0, $0xE  }
0x4d: {  	[tilespmem:$0x2930] =	vst v0  }
0x4e: {  	v0 =	vld [tilespmem:s29+$0xFFFFFF50];
	_ =	sdelay $0x4  }
0x4f: {  	v0 =	vshrl.u32 v0, $0xE  }
0x50: {  	[tilespmem:$0x2940] =	vst v0  }
0x51: {  	v0 =	vld [tilespmem:s29+$0xFFFFFF60];
	_ =	sdelay $0x4  }
0x52: {  	v0 =	vshrl.u32 v0, $0xE  }
0x53: {  	[tilespmem:$0x2950] =	vst v0  }
0x54: {  	[spmem:s2] =	stream.indirect.scatter.add.f32 [tilespmem:s16], [sflag:$0x4], $0x80, s20, s14, $0xb8;
	[tilespmem:$0x1F680] =	vst v63  }
0x55: {  	_ =	swait.ge [sflag:s11], $0x3000  }
0x56: {  	[sflag:s11] =	ssyncset.done $0x0  }
0x57: {  	[sflag:s11] =	ssyncadd.s32 $0xFFFFD000  }
0x58: {  	v61 =	vld [tilespmem:s29+$0xFFFFFFD0];
	_ =	sdelay $0x4  }
0x59: {  	v0 =	vand.u32 $0x3FFF, v61  }
0x5a: {  	[tilespmem:$0x2880] =	vst v0  }
0x5b: {  	v0 =	vld [tilespmem:s29+$0xFFFFFFE0];
	_ =	sdelay $0x4  }
0x5c: {  	v0 =	vand.u32 $0x3FFF, v0  }
0x5d: {  	[tilespmem:$0x2890] =	vst v0  }
0x5e: {  	v0 =	vld [tilespmem:s29+$0xFFFFFFF0];
	_ =	sdelay $0x4  }
0x5f: {  	v0 =	vand.u32 $0x3FFF, v0  }
0x60: {  	[tilespmem:$0x28A0] =	vst v0  }
0x61: {  	v0 =	vld [tilespmem:s29+$0x0];
	_ =	sdelay $0x4  }
0x62: {  	v0 =	vand.u32 $0x3FFF, v0  }
0x63: {  	[tilespmem:$0x28B0] =	vst v0  }
0x64: {  	v0 =	vld [tilespmem:s29+$0x10];
	_ =	sdelay $0x4  }
0x65: {  	v0 =	vand.u32 $0x3FFF, v0  }
0x66: {  	[tilespmem:$0x28C0] =	vst v0  }
0x67: {  	v0 =	vld [tilespmem:s29+$0x20];
	_ =	sdelay $0x4  }
0x68: {  	v0 =	vand.u32 $0x3FFF, v0  }
0x69: {  	[tilespmem:$0x28D0] =	vst v0  }
0x6a: {  	[tilespmem:s22], [sflag:$0x3] =	stream.indirect.gather [hbm4b:s4+s14], $0x80, s21, s14, $0xb8;
	[tilespmem:$0x1F680] =	vst v63  }
0x6b: {  	_ =	swait.ge [sflag:s23], $0x3000  }
0x6c: {  	[sflag:s23] =	ssyncset.done $0x0  }
0x6d: {  	[sflag:s23] =	ssyncadd.s32 $0xFFFFD000  }
0x6e: {  	v62 =	vld [tilespmem:s29+$0xFFFFFF70];
	_ =	sdelay $0x4  }
0x6f: {  	v0 =	vshrl.u32 v62, $0xE  }
0x70: {  	[tilespmem:$0x2980] =	vst v0  }
0x71: {  	v0 =	vld [tilespmem:s29+$0xFFFFFF80];
	_ =	sdelay $0x4  }
0x72: {  	v0 =	vshrl.u32 v0, $0xE  }
0x73: {  	s31 =	sand.u32 $0x7FE0, s30;
	[tilespmem:$0x2990] =	vst v0  }
0x74: {  	v0 =	vld [tilespmem:s31+$0x80];
	_ =	sdelay $0x4  }
0x75: {  	v0 =	vshrl.u32 v0, $0xE  }
0x76: {  	[tilespmem:$0x29A0] =	vst v0  }
0x77: {  	v0 =	vld [tilespmem:s29+$0xFFFFFFA0];
	_ =	sdelay $0x4  }
0x78: {  	v0 =	vshrl.u32 v0, $0xE  }
0x79: {  	[tilespmem:$0x29B0] =	vst v0  }
0x7a: {  	v0 =	vld [tilespmem:s29+$0xFFFFFFB0];
	_ =	sdelay $0x4  }
0x7b: {  	v0 =	vshrl.u32 v0, $0xE  }
0x7c: {  	[tilespmem:$0x29C0] =	vst v0  }
0x7d: {  	v0 =	vld [tilespmem:s29+$0xFFFFFFC0];
	_ =	sdelay $0x4  }
0x7e: {  	v0 =	vshrl.u32 v0, $0xE  }
0x7f: {  	[tilespmem:$0x29D0] =	vst v0  }
0x80: {  	[spmem:s2] =	stream.indirect.scatter.add.f32 [tilespmem:s18], [sflag:$0x4], $0x80, s24, s14, $0xb8;
	[tilespmem:$0x1F680] =	vst v63  }
0x81: {  	_ =	swait.ge [sflag:s11], $0x3000  }
0x82: {  	[sflag:s11] =	ssyncset.done $0x0  }
0x83: {  	p0 =	seq.s32 s30, $0x2640;
	[sflag:s11] =	ssyncadd.s32 $0xFFFFD000  }
0x84: {  	v0 =	vld @!p0 [tilespmem:s29+$0x30];
	_ =	sdelay $0x4  }
0x85: {  	v0 =	vand.u32 @!p0 $0x3FFF, v0  }
0x86: {  	[tilespmem:$0x2780] =	vst @!p0 v0  }
0x87: {  	v0 =	vld @!p0 [tilespmem:s29+$0x40];
	_ =	sdelay $0x4  }
0x88: {  	v0 =	vand.u32 @!p0 $0x3FFF, v0  }
0x89: {  	[tilespmem:$0x2790] =	vst @!p0 v0  }
0x8a: {  	v0 =	vld @!p0 [tilespmem:s29+$0x50];
	_ =	sdelay $0x4  }
0x8b: {  	v0 =	vand.u32 @!p0 $0x3FFF, v0  }
0x8c: {  	[tilespmem:$0x27A0] =	vst @!p0 v0  }
0x8d: {  	v0 =	vld @!p0 [tilespmem:s29+$0x60];
	_ =	sdelay $0x4  }
0x8e: {  	v0 =	vand.u32 @!p0 $0x3FFF, v0  }
0x8f: {  	[tilespmem:$0x27B0] =	vst @!p0 v0  }
0x90: {  	v0 =	vld @!p0 [tilespmem:s29+$0x70];
	_ =	sdelay $0x4  }
0x91: {  	v0 =	vand.u32 @!p0 $0x3FFF, v0  }
0x92: {  	[tilespmem:$0x27C0] =	vst @!p0 v0  }
0x93: {  	v0 =	vld @!p0 [tilespmem:s29+$0x80];
	_ =	sdelay $0x4  }
0x94: {  	v0 =	vand.u32 @!p0 $0x3FFF, v0  }
0x95: {  	s0 =	simm.s32 @!p0 $0x2780;
	s1 =	simm.s32 @!p0 $0x2A80;
	s31 =	simm.s32 @!p0 $0x60;
	[tilespmem:$0x27D0] =	vst @!p0 v0  }
0x96: {  	[tilespmem:s1], [sflag:$0x1] =	stream.indirect.gather @!p0 [hbm4b:s4+s31], $0x80, s0, s31, $0xb8;
	[tilespmem:$0x1F680] =	vst v63  }
0x97: {  	_ =	swait.ge [sflag:s25], $0x3000  }
0x98: {  	[sflag:s25] =	ssyncset.done $0x0  }
0x99: {  	[sflag:s25] =	ssyncadd.s32 $0xFFFFD000  }
0x9a: {  	v63 =	vld [tilespmem:s29+$0xFFFFFFD0];
	_ =	sdelay $0x4  }
0x9b: {  	v0 =	vshrl.u32 v63, $0xE  }
0x9c: {  	[tilespmem:$0x2A00] =	vst v0  }
0x9d: {  	v0 =	vld [tilespmem:s29+$0xFFFFFFE0];
	_ =	sdelay $0x4  }
0x9e: {  	v0 =	vshrl.u32 v0, $0xE  }
0x9f: {  	[tilespmem:$0x2A10] =	vst v0  }
0xa0: {  	v0 =	vld [tilespmem:s29+$0xFFFFFFF0];
	_ =	sdelay $0x4  }
0xa1: {  	v0 =	vshrl.u32 v0, $0xE  }
0xa2: {  	[tilespmem:$0x2A20] =	vst v0  }
0xa3: {  	v0 =	vld [tilespmem:s29+$0x0];
	_ =	sdelay $0x4  }
0xa4: {  	v0 =	vshrl.u32 v0, $0xE  }
0xa5: {  	[tilespmem:$0x2A30] =	vst v0  }
0xa6: {  	v0 =	vld [tilespmem:s29+$0x10];
	_ =	sdelay $0x4  }
0xa7: {  	v0 =	vshrl.u32 v0, $0xE  }
0xa8: {  	[tilespmem:$0x2A40] =	vst v0  }
0xa9: {  	v0 =	vld [tilespmem:s29+$0x20];
	_ =	sdelay $0x4  }
0xaa: {  	v0 =	vshrl.u32 v0, $0xE  }
.Ltmp2:
0xab: {  	[tilespmem:$0x2A50] =	vst v0;
	(pc) =	sbr.rel @p0 .LBB2_4-.Ltmp2, $4  }
0xac: {  	[spmem:s2] =	stream.indirect.scatter.add.f32 [tilespmem:s22], [sflag:$0x4], $0x80, s26, s14, $0xb8;
	[tilespmem:$0x1F680] =	vst v63  }
0xad: {  	_ =	swait.ge [sflag:s11], $0x3000  }
0xae: {  	[sflag:s11] =	ssyncset.done $0x0  }
0xaf: {  	[sflag:s11] =	ssyncadd.s32 $0xFFFFD000  }
0xb0: {  	v0 =	vld [tilespmem:s29+$0x90];
	_ =	sdelay $0x4  }
0xb1: {  	v0 =	vand.u32 $0x3FFF, v0  }
0xb2: {  	[tilespmem:$0x2800] =	vst v0  }
0xb3: {  	v0 =	vld [tilespmem:s29+$0xA0];
	_ =	sdelay $0x4  }
0xb4: {  	v0 =	vand.u32 $0x3FFF, v0  }
0xb5: {  	[tilespmem:$0x2810] =	vst v0  }
0xb6: {  	v0 =	vld [tilespmem:s29+$0xB0];
	_ =	sdelay $0x4  }
0xb7: {  	v0 =	vand.u32 $0x3FFF, v0  }
0xb8: {  	[tilespmem:$0x2820] =	vst v0  }
0xb9: {  	v0 =	vld [tilespmem:s29+$0xC0];
	_ =	sdelay $0x4  }
0xba: {  	v0 =	vand.u32 $0x3FFF, v0  }
0xbb: {  	[tilespmem:$0x2830] =	vst v0  }
0xbc: {  	v0 =	vld [tilespmem:s29+$0xD0];
	_ =	sdelay $0x4  }
0xbd: {  	v0 =	vand.u32 $0x3FFF, v0  }
0xbe: {  	[tilespmem:$0x2840] =	vst v0  }
0xbf: {  	v0 =	vld [tilespmem:s29+$0xE0];
	_ =	sdelay $0x2  }
.Ltmp3:
0xc0: {  	_ = 	snop;
	(pc) =	sbr.rel .LBB2_2-.Ltmp3, $4  }
0xc1: {  	_ = 	snop  }
0xc2: {  	v0 =	vand.u32 $0x3FFF, v0  }
0xc3: {  	s30 =	sadd.s32 $0x120, s30;
	s29 =	sadd.s32 $0x120, s29;
	[tilespmem:$0x2850] =	vst v0  }
0xc4: {  	[tilespmem:s18], [sflag:$0x2] =	stream.indirect.gather [hbm4b:s4+s14], $0x80, s17, s14, $0xb8;
	[tilespmem:$0x1F680] =	vst v63  }
.LBB2_5:
0xc5: {  	_ =	sfence.sel $0x180000  }
0xc6: {  	[bflag:$0x0] =	sbarrier.arrive $0xFFFF  }
0xc7: {  	_ =	strace $0x9000004D  }
0xc8: {  	s0 =	stileid.u32;
	[bflag:$0x2] =	sbarrier.arrive $0xFFFF  }
0xc9: {  	p0 =	sne.s32 s0, $0x0;
	s0 =	rddreg [dreg:$0x3]  }
0xca: {  	s0 =	sadd.s32 @!p0 $0x100000, s0  }
0xcb: {  	[sflag:s0] =	ssyncadd.tile.s32 @!p0 $0x1;
	_ =	shalt  }
.Lfunc_end2:
_tile_overlayer_lowered:
.L_overlay_start_2:
0xcc: {  	(tag) =	ssettag $0x2  }
0xcd: {  	s0 =	rddreg [dreg:$0x0];
	s2 =	stileid.u32  }
0xce: {  	s1 =	rddreg [dreg:$0x1];
	p0 =	sne.s32 s2, $0x0  }
0xcf: {  	s3 =	rddreg [dreg:$0x2];
	[bflag:$0x3] =	sbarrier.arrive $0xFFFF;
	s2 =	simm.s32 @!p0 $0x1C04  }
0xd0: {  	[timem:s3], [sflag:s2] =	dma.local @!p0 [hbm:s0], s1  }
0xd1: {  	s0 =	simm.s32 @!p0 $0x4  }
0xd2: {  	_ =	swait.ge @!p0 [sflag:s0], s1  }
0xd3: {  	s1 =	ssub.s32 @!p0 $0x0, s1;
	[sflag:s0] =	ssyncset.done @!p0 $0x0  }
0xd4: {  	[sflag:s0] =	ssyncadd.s32 @!p0 s1  }
0xd5: {  	[bflag:$0x3] =	sbarrier.arrive $0xFFFF  }
0xd6: {  	_ =	shalt  }

// kernel: kernel.8.cloned.1.call-start
scs
__scs_entry_jumppad:
0x0: {  	(pc) =	sbr.rel $0x88, $3  }
0x1: {  	(tag) =	ssettag $0x0;
	lr =	simm.s32 $0x1  }
0x2: {  	[smem:$0x3F8F] =	sst lr;
	_ =	strace $0xD0000000  }
0x3: {  	_ = 	snop  }
0x4: {  	_ = 	snop  }
0x5: {  	_ = 	snop  }
0x6: {  	_ = 	snop  }
0x7: {  	_ = 	snop  }
__scs_overlays_trampoline_lowered:
0x8: {  	[smem:$0x3F9E] =	sst s0  }
0x9: {  	[smem:$0x3F9F] =	sst s1  }
0xa: {  	[smem:$0x3FA0] =	sst s2  }
0xb: {  	[smem:$0x3FA1] =	sst s3  }
0xc: {  	[smem:$0x3FA2] =	sst s4  }
0xd: {  	[smem:$0x3FA3] =	sst s5  }
0xe: {  	[smem:$0x3FA4] =	sst s6  }
0xf: {  	[smem:$0x3FA5] =	sst s7  }
0x10: {  	[smem:$0x3FA6] =	sst s8  }
0x11: {  	[smem:$0x3FA7] =	sst s9;
	s0 =	simm.s32 @!p0 $0x0  }
0x12: {  	s1 =	sld [smem:$0x3F8D];
	s0 =	simm.s32 @p0 $0x1  }
0x13: {  	[smem:$0x3FA8] =	sst s0;
	s0 =	simm.s32 @!p1 $0x0  }
0x14: {  	s2 =	sld [smem:$0x3F8C];
	s0 =	simm.s32 @p1 $0x1  }
0x15: {  	[smem:$0x3FA9] =	sst s0;
	s0 =	simm.s32 @!p2 $0x0  }
0x16: {  	s3 =	sld [smem:$0x3FDB];
	s0 =	simm.s32 @p2 $0x1  }
0x17: {  	s4 =	simm.s32 $0x1BF5;
	[smem:$0x3FAB] =	sst s0  }
0x18: {  	s0 =	sld [smem:$0x3F8E];
	_ =	swait.ge [sflag:s4], $0x0  }
0x19: {  	s7 =	sld [smem:$0x3F8F]  }
0x1a: {  	s8 =	sadd.s32 $0xFFFFE003, lr  }
0x1b: {  	s9 =	sadd.s32 $0xFFFFFEF7, lr;
	s5 =	simm.s32 $0xFFFFFFFF;
	p2 =	slt.u32 s8, $0xFFFFF086  }
0x1c: {  	p1 =	slt.u32 s9, $0xF7A;
	s5 =	simm.s32 @!p2 $0x0  }
0x1d: {  	s5 =	simm.s32 @p1 $0x1;
	p0 =	seq.s32 s7, s2  }
0x1e: {  	s7 =	smul.u32 @!p0 $0xF7A, s2;
	p2 =	seq.s32 @!p0 s5, $0x0  }
0x1f: {  	s9 =	smul.u32 $0xF7A, s1;
	s8 =	simm.s32 @!p0 $0x1BF5;
	p2 =	por !p2, p0  }
0x20: {  	[sflag:s8] =	ssyncset.s32 @!p0 $0xFFFFF086;
	s6 =	sadd.s32 @!p0 s3, s7;
	s7 =	simm.s32 @!p0 $0x108  }
0x21: {  	s3 =	sadd.s32 s3, s9;
	s6 =	sadd.s32 @!p0 $0x88, s6;
	s7 =	simm.s32 @p2 $0x1082  }
0x22: {  	[simem:s7], [sflag:s8] =	dma.local @!p0 [hbm:s6], $0xF7A  }
0x23: {  	s9 =	sor.u32 $0xD0000000, s2;
	s6 =	simm.s32 $0x108;
	_ =	swait.ge @!p0 [sflag:s8], $0x0  }
0x24: {  	s3 =	sadd.s32 $0x88, s3;
	s6 =	simm.s32 @!p1 $0x1082;
	[sflag:s4] =	ssyncset.s32 $0xFFFFF086  }
0x25: {  	[simem:s6], [sflag:s4] =	dma.local [hbm:s3], $0xF7A  }
0x26: {  	[smem:$0x3F8F] =	sst s1;
	(tag) =	ssettag s2;
	_ =	strace s9  }
0x27: {  	s1 =	sld [smem:$0x3F9F]  }
0x28: {  	s2 =	sld [smem:$0x3FA0]  }
0x29: {  	s4 =	sld [smem:$0x3FA2]  }
0x2a: {  	p0 =	seq.s32 s5, $0x0;
	s5 =	sld [smem:$0x3FA3]  }
0x2b: {  	s6 =	sld [smem:$0x3FA4]  }
0x2c: {  	s7 =	sld [smem:$0x3FA5]  }
0x2d: {  	s3 =	simm.s32 $0x108;
	s8 =	sld [smem:$0x3FA6]  }
0x2e: {  	s3 =	simm.s32 @!p0 $0x1082;
	s9 =	sld [smem:$0x3FA7]  }
0x2f: {  	lr =	sadd.s32 s0, s3;
	s0 =	sld [smem:$0x3F9E]  }
0x30: {  	s3 =	sld [smem:$0x3FA1]  }
0x31: {  	[smem:$0x3FAA] =	sst s10  }
0x32: {  	s10 =	sld [smem:$0x3FA8];
	_ =	sdelay $0x3  }
0x33: {  	p0 =	seq.s32 s10, $0x1;
	s10 =	sld [smem:$0x3FAA];
	_ =	sdelay $0x3  }
0x34: {  	[smem:$0x3FAA] =	sst s10  }
0x35: {  	s10 =	sld [smem:$0x3FA9];
	_ =	sdelay $0x3  }
0x36: {  	p1 =	seq.s32 s10, $0x1;
	s10 =	sld [smem:$0x3FAA];
	_ =	sdelay $0x3  }
0x37: {  	[smem:$0x3FAA] =	sst s10  }
0x38: {  	s10 =	sld [smem:$0x3FAB]  }
0x39: {  	_ = 	snop;
	(pc) =	sbr.ind lr, $3  }
0x3a: {  	_ = 	snop  }
0x3b: {  	_ = 	snop  }
0x3c: {  	p2 =	seq.s32 s10, $0x1;
	s10 =	sld [smem:$0x3FAA]  }
0x3d: {  	_ =	shalt  }
0x3e: {  	_ =	shalt  }
0x3f: {  	_ =	shalt  }
0x40: {  	_ =	shalt  }
0x41: {  	_ =	shalt  }
0x42: {  	_ =	shalt  }
0x43: {  	_ =	shalt  }
0x44: {  	_ =	shalt  }
0x45: {  	_ =	shalt  }
0x46: {  	_ =	shalt  }
0x47: {  	_ =	shalt  }
0x48: {  	_ =	shalt  }
0x49: {  	_ =	shalt  }
0x4a: {  	_ =	shalt  }
0x4b: {  	_ =	shalt  }
0x4c: {  	_ =	shalt  }
0x4d: {  	_ =	shalt  }
0x4e: {  	_ =	shalt  }
0x4f: {  	_ =	shalt  }
0x50: {  	_ =	shalt  }
0x51: {  	_ =	shalt  }
0x52: {  	_ =	shalt  }
0x53: {  	_ =	shalt  }
0x54: {  	_ =	shalt  }
0x55: {  	_ =	shalt  }
0x56: {  	_ =	shalt  }
0x57: {  	_ =	shalt  }
0x58: {  	_ =	shalt  }
0x59: {  	_ =	shalt  }
0x5a: {  	_ =	shalt  }
0x5b: {  	_ =	shalt  }
0x5c: {  	_ =	shalt  }
0x5d: {  	_ =	shalt  }
0x5e: {  	_ =	shalt  }
0x5f: {  	_ =	shalt  }
0x60: {  	_ =	shalt  }
0x61: {  	_ =	shalt  }
0x62: {  	_ =	shalt  }
0x63: {  	_ =	shalt  }
0x64: {  	_ =	shalt  }
0x65: {  	_ =	shalt  }
0x66: {  	_ =	shalt  }
0x67: {  	_ =	shalt  }
0x68: {  	_ =	shalt  }
0x69: {  	_ =	shalt  }
0x6a: {  	_ =	shalt  }
0x6b: {  	_ =	shalt  }
0x6c: {  	_ =	shalt  }
0x6d: {  	_ =	shalt  }
0x6e: {  	_ =	shalt  }
0x6f: {  	_ =	shalt  }
0x70: {  	_ =	shalt  }
0x71: {  	_ =	shalt  }
0x72: {  	_ =	shalt  }
0x73: {  	_ =	shalt  }
0x74: {  	_ =	shalt  }
0x75: {  	_ =	shalt  }
0x76: {  	_ =	shalt  }
0x77: {  	_ =	shalt  }
0x78: {  	_ =	shalt  }
0x79: {  	_ =	shalt  }
0x7a: {  	_ =	shalt  }
0x7b: {  	_ =	shalt  }
0x7c: {  	_ =	shalt  }
0x7d: {  	_ =	shalt  }
0x7e: {  	_ =	shalt  }
0x7f: {  	_ =	shalt  }
0x80: {  	_ =	shalt  }
0x81: {  	_ =	shalt  }
0x82: {  	_ =	shalt  }
0x83: {  	_ =	shalt  }
0x84: {  	_ =	shalt  }
0x85: {  	_ =	shalt  }
0x86: {  	_ =	shalt  }
0x87: {  	_ =	shalt  }
.Lfunc_end0:
.L_simem_size_0:
called_computation_lowered:
.L_overlay_start_0:
0x88: {  	s2 =	sld [smem:$0x3FD9]  }
0x89: {  	s3 =	sld [smem:$0x3FFE];
	_ =	sdelay $0x1  }
0x8a: {  	s1 =	srdreg.scid  }
0x8b: {  	s0 =	sand.u32 $0x1, s1  }
0x8c: {  	s14 =	sshll.u32 s0, $0xA;
	s2 =	sadd.s32 s3, s2  }
0x8d: {  	s2 =	sadd.s32 s2, s14  }
0x8e: {  	[smem:$0x3FB6] =	sst s2  }
0x8f: {  	_ = 	snop  }
0x90: {  	s2 =	sld [smem:$0x3FD0];
	_ =	sdelay $0x2  }
0x91: {  	s4 =	simm.s32 $0xA;
	s5 =	simm.s32 $0x10;
	s15 =	sld [smem:$0x3FC9]  }
0x92: {  	[smem:s5], [sflag:s4] =	dma.local [hbm:s2], $0x1  }
0x93: {  	_ =	swait.eq [sflag:s4], $0x1  }
0x94: {  	[sflag:s4] =	ssyncset.done $0x0  }
0x95: {  	[sflag:s4] =	ssyncadd.s32 $0xFFFFFFFF  }
0x96: {  	s16 =	sld [smem:$0x11];
	(tm) =	ssettm $0x1  }
0x97: {  	s17 =	sld [smem:$0x3FFB];
	_ =	sdelay $0x3  }
0x98: {  	_ =	strace s17  }
0x99: {  	s4 =	sld [smem:$0x3FFC];
	_ =	sdelay $0x3  }
0x9a: {  	_ =	strace s4  }
0x9b: {  	s4 =	sld [smem:$0x3FFD];
	_ =	sdelay $0x3  }
0x9c: {  	_ =	strace s4  }
0x9d: {  	_ =	strace $0x8FFFFFFF  }
0x9e: {  	s18 =	sld [smem:$0x3FDB];
	_ =	sdelay $0x1  }
0x9f: {  	s19 =	simm.s32 $_scs_section_size  }
0xa0: {  	s6 =	simm.s32 $_size__tile_overlayer_lowered;
	s7 =	simm.s32 $_tile_overlayer_lowered  }
0xa1: {  	s22 =	simm.s32 $0x1BFF;
	s21 =	sshll.u32 s7, $0x1;
	s4 =	sadd.s32 s19, s18  }
0xa2: {  	s8 =	simm.s32 $0x0;
	s20 =	sshll.u32 s6, $0x1;
	s6 =	sadd.s32 s21, s4  }
0xa3: {  	[timem:s8], [sflag:s22] =	dma.local [hbm:s6], s20  }
0xa4: {  	_ =	swait.ge [sflag:s22], s20  }
0xa5: {  	s5 =	ssub.s32 $0x0, s20;
	[sflag:s22] =	ssyncset.done $0x0  }
0xa6: {  	[sflag:s22] =	ssyncadd.s32 s5;
	_ =	sdelay $0x1  }
0xa7: {  	s23 =	simm.s32 $0x1B8B  }
0xa8: {  	_ =	swait.ge [sflag:s23], $0x1  }
0xa9: {  	[sflag:s23] =	ssyncset.done $0x0  }
0xaa: {  	s25 =	simm.s32 $0x1B8E;
	s24 =	sld [smem:$0x3FFE];
	[sflag:s23] =	ssyncadd.s32 $0xFFFFFFFF  }
0xab: {  	s26 =	simm.s32 $execute0_lowered;
	[smem:$0x3FD2] =	sst s25  }
0xac: {  	s6 =	sshll.u32 s26, $0x1;
	_ =	strace $0x80000046;
	[dreg:$0x1] =	wrdreg $0xFFFFFFFF  }
0xad: {  	s28 =	simm.s32 $_size_execute0_lowered;
	s4 =	sadd.s32 s4, s6;
	[dreg:$0x0] =	wrdreg $0x0  }
0xae: {  	s6 =	sshll.u32 s28, $0x1;
	[dreg:$0x2] =	wrdreg s4  }
0xaf: {  	[dreg:$0x3] =	wrdreg s6  }
0xb0: {  	[dreg:$0x4] =	wrdreg $0xC0  }
0xb1: {  	_ =	task [dreg:s8], $0x5FFFF  }
0xb2: {  	[dreg:$0x1] =	wrdreg $0xFFFFFFFF  }
0xb3: {  	[dreg:$0x0] =	wrdreg $0x60  }
0xb4: {  	[dreg:$0x2] =	wrdreg s15  }
0xb5: {  	[dreg:$0x3] =	wrdreg s24  }
0xb6: {  	[dreg:$0x4] =	wrdreg s16  }
0xb7: {  	[dreg:$0x5] =	wrdreg $0xBA800  }
0xb8: {  	[dreg:$0x6] =	wrdreg $0x9  }
0xb9: {  	_ =	task.clear_ibuf [dreg:s8], $0x7FFFF;
	_ =	strace $0x90000046  }
0xba: {  	s29 =	simm.s32 $0x9;
	_ =	strace $0x80000048  }
0xbb: {  	_ =	swait.ge [sflag:s29], $0x1  }
0xbc: {  	[sflag:s29] =	ssyncadd.s32 $0xFFFFFFFF  }
0xbd: {  	_ =	strace $0x90000048  }
0xbe: {  	_ =	sfence  }
0xbf: {  	s30 =	sld [smem:$0x0];
	_ =	sdelay $0x2  }
0xc0: {  	s31 =	sshll.u32 s1, $0xD;
	s1 =	sshrl.u32 s1, $0x2  }
0xc1: {  	s3 =	sand.u32 $0x4000, s31;
	s1 =	sadd.s32 s1, s30  }
0xc2: {  	s0 =	sor.u32 s3, s0;
	s1 =	sshll.u32 s1, $0x11  }
0xc3: {  	s0 =	sor.u32 s1, s0  }
0xc4: {  	s0 =	sadd.s32 $0x8F2B, s0  }
0xc5: {  	[sflag:s0] =	ssyncadd.remote.s32 $0x1  }
0xc6: {  	_ =	sfence.sel $0xFFFF  }
0xc7: {  	[dreg:$0x0] =	wrdreg $0xFFFFFFFF;
	(pc) =	sbr.abs _section_cstart, $3  }
0xc8: {  	[dreg:$0x1] =	wrdreg $0xFFFFFFFF  }
0xc9: {  	_ =	task.clear_ibuf [dreg:s8], $0x2FFFF;
	_ =	strace $0x9FFFFFFF  }
0xca: {  	(tm) =	ssettm $0x7FFFFFFF  }
0xcb: {  	_ =	shalt  }
tec
execute0_lowered:
.L_overlay_start_1:
0x0: {  	(tag) =	ssettag $0x1  }
0x1: {  	s0 =	rddreg [dreg:$0x0]  }
0x2: {  	s5 =	rddreg [dreg:$0x1]  }
0x3: {  	s7 =	rddreg [dreg:$0x2]  }
0x4: {  	s2 =	rddreg [dreg:$0x3];
	s3 =	srdreg.scid  }
0x5: {  	s1 =	stileid.u32;
	s14 =	simm.s32 $0x60;
	s15 =	simm.s32 $0x2780  }
0x6: {  	s16 =	simm.s32 $0x2A80;
	s17 =	simm.s32 $0x2800;
	s18 =	simm.s32 $0x5A80  }
0x7: {  	s19 =	simm.s32 $0x1;
	s20 =	simm.s32 $0x2900;
	s21 =	simm.s32 $0x2880  }
0x8: {  	s22 =	simm.s32 $0x8A80;
	s23 =	simm.s32 $0x2;
	s24 =	simm.s32 $0x2980  }
0x9: {  	s28 =	simm.s32 $0x0;
	s6 =	sand.u32 $0x1, s3;
	s26 =	smul.u32 $0x13C00, s1  }
0xa: {  	s25 =	sshrl.u32 s1, $0x2;
	s4 =	sshll.u32 s1, $0x8;
	s13 =	smul.u32 $0x4F000, s1  }
0xb: {  	s31 =	sshll.u32 s1, $0x6;
	s8 =	smul.u32 $0x13C00, s25;
	s9 =	sshll.u32 s6, $0x7  }
0xc: {  	s10 =	sand.u32 $0x300, s4;
	s4 =	simm.s32 $0x0;
	s29 =	ssub.s32 $0x2, s6  }
0xd: {  	s6 =	smul.u32 $0x13C000, s6;
	s25 =	simm.s32 $0x3;
	s9 =	sor.u32 s9, s10  }
0xe: {  	[smem:$0x7FF] =	sst s4;
	s11 =	sshrl.u32 s26, $0x3;
	s12 =	sshrl.u32 s29, $0x1  }
0xf: {  	s30 =	sshrl.u32 s13, $0x2;
	s8 =	sor.u32 s8, s9;
	_ =	strace $0x80000047  }
0x10: {  	s11 =	sadd.s32 s11, s5;
	s10 =	ssub.s32 s29, s12;
	s6 =	sadd.s32 s26, s6  }
.Ltmp0:
0x11: {  	s13 =	sadd.s32 s30, s2;
	s12 =	sor.u32 $0x1C04, s31;
	(pc) =	sbr.rel .LBB2_1-.Ltmp0, $4  }
0x12: {  	s26 =	simm.s32 $0x2A00;
	s8 =	sshrl.u32 s8, $0x3;
	s9 =	sshrl.u32 s6, $0x3  }
0x13: {  	s6 =	sadd.s32 $0xE400, s11;
	s11 =	simm.s32 $0x4;
	s13 =	sshrl.u32 s13, $0x3  }
0x14: {  	s8 =	sadd.s32 s8, s5;
	s7 =	sadd.s32 s7, s9;
	s9 =	simm.s32 $0x80  }
0x15: {  	s5 =	sadd.s32 $0x4600, s8;
	s8 =	smax.u32 s10, $0x1;
	s10 =	simm.s32 $0x400  }
.LBB2_4:
0x16: {  	s28 =	sadd.s32 $0x1, s28  }
0x17: {  	p0 =	sne.s32 s28, s8  }
.Ltmp1:
0x18: {  	[bflag:$0x0] =	sbarrier.arrive $0xFFFF;
	(pc) =	sbr.rel @!p0 .LBB2_5-.Ltmp1, $4  }
0x19: {  	[hbm:s7], [sflag:s12] =	dma.local [spmem:s13], $0x2780  }
0x1a: {  	_ =	swait.ge [sflag:s11], $0x2780  }
0x1b: {  	[sflag:s11] =	ssyncset.done $0x0  }
0x1c: {  	[sflag:s11] =	ssyncadd.s32 $0xFFFFD880  }
.LBB2_1:
0x1d: {  	[tilespmem:s4], [sflag:$0x4] =	stream.strided.gather [hbm4b:s5+s9], $0x2780, s10, s9, $0x38;
	[tilespmem:$0x1F680] =	vst v63  }
0x1e: {  	_ =	swait.ge [sflag:s11], $0x2780  }
0x1f: {  	[sflag:s11] =	ssyncset.done $0x0  }
0x20: {  	[sflag:s11] =	ssyncadd.s32 $0xFFFFD880  }
0x21: {  	[spmem:s13], [sflag:s12] =	dma.local [hbm:s6], $0x2780  }
0x22: {  	_ =	swait.ge [sflag:s11], $0x2780  }
0x23: {  	[sflag:s11] =	ssyncset.done $0x0  }
0x24: {  	[sflag:s11] =	ssyncadd.s32 $0xFFFFD880  }
0x25: {  	[bflag:$0x0] =	sbarrier.arrive $0xFFFF  }
0x26: {  	v0 =	vld [tilespmem:$0x0]  }
0x27: {  	v1 =	vld [tilespmem:$0x10]  }
0x28: {  	v2 =	vld [tilespmem:$0x20]  }
0x29: {  	v3 =	vld [tilespmem:$0x30]  }
0x2a: {  	v4 =	vld [tilespmem:$0x40]  }
0x2b: {  	v5 =	vld [tilespmem:$0x50];
	v0 =	vand.u32 $0x3FFF, v0  }
0x2c: {  	v48 =	vand.u32 $0x3FFF, v1;
	[tilespmem:$0x2780] =	vst v0  }
0x2d: {  	v49 =	vand.u32 $0x3FFF, v2;
	[tilespmem:$0x2790] =	vst v48  }
0x2e: {  	v50 =	vand.u32 $0x3FFF, v3;
	[tilespmem:$0x27A0] =	vst v49  }
0x2f: {  	v51 =	vand.u32 $0x3FFF, v4;
	[tilespmem:$0x27B0] =	vst v50  }
0x30: {  	v52 =	vand.u32 $0x3FFF, v5;
	[tilespmem:$0x27C0] =	vst v51  }
0x31: {  	[tilespmem:$0x27D0] =	vst v52  }
0x32: {  	[tilespmem:s16], [sflag:$0x1] =	stream.indirect.gather [hbm4b:s0+s14], $0x80, s15, s14, $0xb8;
	[tilespmem:$0x1F680] =	vst v63  }
0x33: {  	v53 =	vld [tilespmem:$0x60]  }
0x34: {  	v54 =	vld [tilespmem:$0x70]  }
0x35: {  	v55 =	vld [tilespmem:$0x80]  }
0x36: {  	v56 =	vld [tilespmem:$0x90]  }
0x37: {  	v57 =	vld [tilespmem:$0xA0]  }
0x38: {  	v58 =	vld [tilespmem:$0xB0];
	v0 =	vand.u32 $0x3FFF, v53  }
0x39: {  	v59 =	vand.u32 $0x3FFF, v54;
	[tilespmem:$0x2800] =	vst v0  }
0x3a: {  	v60 =	vand.u32 $0x3FFF, v55;
	[tilespmem:$0x2810] =	vst v59  }
0x3b: {  	v61 =	vand.u32 $0x3FFF, v56;
	[tilespmem:$0x2820] =	vst v60  }
0x3c: {  	v62 =	vand.u32 $0x3FFF, v57;
	[tilespmem:$0x2830] =	vst v61  }
0x3d: {  	v63 =	vand.u32 $0x3FFF, v58;
	[tilespmem:$0x2840] =	vst v62  }
0x3e: {  	s29 =	simm.s32 $0xF0;
	s30 =	simm.s32 $0x0;
	[tilespmem:$0x2850] =	vst v63  }
0x3f: {  	[tilespmem:s18], [sflag:$0x2] =	stream.indirect.gather [hbm4b:s0+s14], $0x80, s17, s14, $0xb8;
	[tilespmem:$0x1F680] =	vst v63  }
.LBB2_2:
0x40: {  	_ =	swait.ge [sflag:s19], $0x3000  }
0x41: {  	[sflag:s19] =	ssyncset.done $0x0  }
0x42: {  	[sflag:s19] =	ssyncadd.s32 $0xFFFFD000  }
0x43: {  	v0 =	vld [tilespmem:s29+$0xFFFFFF10];
	_ =	sdelay $0x4  }
0x44: {  	v0 =	vshrl.u32 v0, $0xE  }
0x45: {  	[tilespmem:$0x2900] =	vst v0  }
0x46: {  	v0 =	vld [tilespmem:s29+$0xFFFFFF20];
	_ =	sdelay $0x4  }
0x47: {  	v0 =	vshrl.u32 v0, $0xE  }
0x48: {  	[tilespmem:$0x2910] =	vst v0  }
0x49: {  	v0 =	vld [tilespmem:s29+$0xFFFFFF30];
	_ =	sdelay $0x4  }
0x4a: {  	v0 =	vshrl.u32 v0, $0xE  }
0x4b: {  	[tilespmem:$0x2920] =	vst v0  }
0x4c: {  	v0 =	vld [tilespmem:s29+$0xFFFFFF40];
	_ =	sdelay $0x4  }
0x4d: {  	v0 =	vshrl.u32 v0, $0xE  }
0x4e: {  	[tilespmem:$0x2930] =	vst v0  }
0x4f: {  	v0 =	vld [tilespmem:s29+$0xFFFFFF50];
	_ =	sdelay $0x4  }
0x50: {  	v0 =	vshrl.u32 v0, $0xE  }
0x51: {  	[tilespmem:$0x2940] =	vst v0  }
0x52: {  	v0 =	vld [tilespmem:s29+$0xFFFFFF60];
	_ =	sdelay $0x4  }
0x53: {  	v0 =	vshrl.u32 v0, $0xE  }
0x54: {  	[tilespmem:$0x2950] =	vst v0  }
0x55: {  	[spmem:s2] =	stream.indirect.scatter.add.f32 [tilespmem:s16], [sflag:$0x4], $0x80, s20, s14, $0xb8;
	[tilespmem:$0x1F680] =	vst v63  }
0x56: {  	_ =	swait.ge [sflag:s11], $0x3000  }
0x57: {  	[sflag:s11] =	ssyncset.done $0x0  }
0x58: {  	[sflag:s11] =	ssyncadd.s32 $0xFFFFD000  }
0x59: {  	v61 =	vld [tilespmem:s29+$0xFFFFFFD0];
	_ =	sdelay $0x4  }
0x5a: {  	v0 =	vand.u32 $0x3FFF, v61  }
0x5b: {  	[tilespmem:$0x2880] =	vst v0  }
0x5c: {  	v0 =	vld [tilespmem:s29+$0xFFFFFFE0];
	_ =	sdelay $0x4  }
0x5d: {  	v0 =	vand.u32 $0x3FFF, v0  }
0x5e: {  	[tilespmem:$0x2890] =	vst v0  }
0x5f: {  	v0 =	vld [tilespmem:s29+$0xFFFFFFF0];
	_ =	sdelay $0x4  }
0x60: {  	v0 =	vand.u32 $0x3FFF, v0  }
0x61: {  	[tilespmem:$0x28A0] =	vst v0  }
0x62: {  	v0 =	vld [tilespmem:s29+$0x0];
	_ =	sdelay $0x4  }
0x63: {  	v0 =	vand.u32 $0x3FFF, v0  }
0x64: {  	[tilespmem:$0x28B0] =	vst v0  }
0x65: {  	v0 =	vld [tilespmem:s29+$0x10];
	_ =	sdelay $0x4  }
0x66: {  	v0 =	vand.u32 $0x3FFF, v0  }
0x67: {  	[tilespmem:$0x28C0] =	vst v0  }
0x68: {  	v0 =	vld [tilespmem:s29+$0x20];
	_ =	sdelay $0x4  }
0x69: {  	v0 =	vand.u32 $0x3FFF, v0  }
0x6a: {  	[tilespmem:$0x28D0] =	vst v0  }
0x6b: {  	[tilespmem:s22], [sflag:$0x3] =	stream.indirect.gather [hbm4b:s0+s14], $0x80, s21, s14, $0xb8;
	[tilespmem:$0x1F680] =	vst v63  }
0x6c: {  	_ =	swait.ge [sflag:s23], $0x3000  }
0x6d: {  	[sflag:s23] =	ssyncset.done $0x0  }
0x6e: {  	[sflag:s23] =	ssyncadd.s32 $0xFFFFD000  }
0x6f: {  	v62 =	vld [tilespmem:s29+$0xFFFFFF70];
	_ =	sdelay $0x4  }
0x70: {  	v0 =	vshrl.u32 v62, $0xE  }
0x71: {  	[tilespmem:$0x2980] =	vst v0  }
0x72: {  	v0 =	vld [tilespmem:s29+$0xFFFFFF80];
	_ =	sdelay $0x4  }
0x73: {  	v0 =	vshrl.u32 v0, $0xE  }
0x74: {  	s31 =	sand.u32 $0x7FE0, s30;
	[tilespmem:$0x2990] =	vst v0  }
0x75: {  	v0 =	vld [tilespmem:s31+$0x80];
	_ =	sdelay $0x4  }
0x76: {  	v0 =	vshrl.u32 v0, $0xE  }
0x77: {  	[tilespmem:$0x29A0] =	vst v0  }
0x78: {  	v0 =	vld [tilespmem:s29+$0xFFFFFFA0];
	_ =	sdelay $0x4  }
0x79: {  	v0 =	vshrl.u32 v0, $0xE  }
0x7a: {  	[tilespmem:$0x29B0] =	vst v0  }
0x7b: {  	v0 =	vld [tilespmem:s29+$0xFFFFFFB0];
	_ =	sdelay $0x4  }
0x7c: {  	v0 =	vshrl.u32 v0, $0xE  }
0x7d: {  	[tilespmem:$0x29C0] =	vst v0  }
0x7e: {  	v0 =	vld [tilespmem:s29+$0xFFFFFFC0];
	_ =	sdelay $0x4  }
0x7f: {  	v0 =	vshrl.u32 v0, $0xE  }
0x80: {  	[tilespmem:$0x29D0] =	vst v0  }
0x81: {  	[spmem:s2] =	stream.indirect.scatter.add.f32 [tilespmem:s18], [sflag:$0x4], $0x80, s24, s14, $0xb8;
	[tilespmem:$0x1F680] =	vst v63  }
0x82: {  	_ =	swait.ge [sflag:s11], $0x3000  }
0x83: {  	[sflag:s11] =	ssyncset.done $0x0  }
0x84: {  	p0 =	seq.s32 s30, $0x2640;
	[sflag:s11] =	ssyncadd.s32 $0xFFFFD000  }
0x85: {  	v0 =	vld @!p0 [tilespmem:s29+$0x30];
	_ =	sdelay $0x4  }
0x86: {  	v0 =	vand.u32 @!p0 $0x3FFF, v0  }
0x87: {  	[tilespmem:$0x2780] =	vst @!p0 v0  }
0x88: {  	v0 =	vld @!p0 [tilespmem:s29+$0x40];
	_ =	sdelay $0x4  }
0x89: {  	v0 =	vand.u32 @!p0 $0x3FFF, v0  }
0x8a: {  	[tilespmem:$0x2790] =	vst @!p0 v0  }
0x8b: {  	v0 =	vld @!p0 [tilespmem:s29+$0x50];
	_ =	sdelay $0x4  }
0x8c: {  	v0 =	vand.u32 @!p0 $0x3FFF, v0  }
0x8d: {  	[tilespmem:$0x27A0] =	vst @!p0 v0  }
0x8e: {  	v0 =	vld @!p0 [tilespmem:s29+$0x60];
	_ =	sdelay $0x4  }
0x8f: {  	v0 =	vand.u32 @!p0 $0x3FFF, v0  }
0x90: {  	[tilespmem:$0x27B0] =	vst @!p0 v0  }
0x91: {  	v0 =	vld @!p0 [tilespmem:s29+$0x70];
	_ =	sdelay $0x4  }
0x92: {  	v0 =	vand.u32 @!p0 $0x3FFF, v0  }
0x93: {  	[tilespmem:$0x27C0] =	vst @!p0 v0  }
0x94: {  	v0 =	vld @!p0 [tilespmem:s29+$0x80];
	_ =	sdelay $0x4  }
0x95: {  	v0 =	vand.u32 @!p0 $0x3FFF, v0  }
0x96: {  	s3 =	simm.s32 @!p0 $0x2780;
	s1 =	simm.s32 @!p0 $0x2A80;
	s31 =	simm.s32 @!p0 $0x60;
	[tilespmem:$0x27D0] =	vst @!p0 v0  }
0x97: {  	[tilespmem:s1], [sflag:$0x1] =	stream.indirect.gather @!p0 [hbm4b:s0+s31], $0x80, s3, s31, $0xb8;
	[tilespmem:$0x1F680] =	vst v63  }
0x98: {  	_ =	swait.ge [sflag:s25], $0x3000  }
0x99: {  	[sflag:s25] =	ssyncset.done $0x0  }
0x9a: {  	[sflag:s25] =	ssyncadd.s32 $0xFFFFD000  }
0x9b: {  	v63 =	vld [tilespmem:s29+$0xFFFFFFD0];
	_ =	sdelay $0x4  }
0x9c: {  	v0 =	vshrl.u32 v63, $0xE  }
0x9d: {  	[tilespmem:$0x2A00] =	vst v0  }
0x9e: {  	v0 =	vld [tilespmem:s29+$0xFFFFFFE0];
	_ =	sdelay $0x4  }
0x9f: {  	v0 =	vshrl.u32 v0, $0xE  }
0xa0: {  	[tilespmem:$0x2A10] =	vst v0  }
0xa1: {  	v0 =	vld [tilespmem:s29+$0xFFFFFFF0];
	_ =	sdelay $0x4  }
0xa2: {  	v0 =	vshrl.u32 v0, $0xE  }
0xa3: {  	[tilespmem:$0x2A20] =	vst v0  }
0xa4: {  	v0 =	vld [tilespmem:s29+$0x0];
	_ =	sdelay $0x4  }
0xa5: {  	v0 =	vshrl.u32 v0, $0xE  }
0xa6: {  	[tilespmem:$0x2A30] =	vst v0  }
0xa7: {  	v0 =	vld [tilespmem:s29+$0x10];
	_ =	sdelay $0x4  }
0xa8: {  	v0 =	vshrl.u32 v0, $0xE  }
0xa9: {  	[tilespmem:$0x2A40] =	vst v0  }
0xaa: {  	v0 =	vld [tilespmem:s29+$0x20];
	_ =	sdelay $0x4  }
0xab: {  	v0 =	vshrl.u32 v0, $0xE  }
.Ltmp2:
0xac: {  	[tilespmem:$0x2A50] =	vst v0;
	(pc) =	sbr.rel @p0 .LBB2_4-.Ltmp2, $4  }
0xad: {  	[spmem:s2] =	stream.indirect.scatter.add.f32 [tilespmem:s22], [sflag:$0x4], $0x80, s26, s14, $0xb8;
	[tilespmem:$0x1F680] =	vst v63  }
0xae: {  	_ =	swait.ge [sflag:s11], $0x3000  }
0xaf: {  	[sflag:s11] =	ssyncset.done $0x0  }
0xb0: {  	[sflag:s11] =	ssyncadd.s32 $0xFFFFD000  }
0xb1: {  	v0 =	vld [tilespmem:s29+$0x90];
	_ =	sdelay $0x4  }
0xb2: {  	v0 =	vand.u32 $0x3FFF, v0  }
0xb3: {  	[tilespmem:$0x2800] =	vst v0  }
0xb4: {  	v0 =	vld [tilespmem:s29+$0xA0];
	_ =	sdelay $0x4  }
0xb5: {  	v0 =	vand.u32 $0x3FFF, v0  }
0xb6: {  	[tilespmem:$0x2810] =	vst v0  }
0xb7: {  	v0 =	vld [tilespmem:s29+$0xB0];
	_ =	sdelay $0x4  }
0xb8: {  	v0 =	vand.u32 $0x3FFF, v0  }
0xb9: {  	[tilespmem:$0x2820] =	vst v0  }
0xba: {  	v0 =	vld [tilespmem:s29+$0xC0];
	_ =	sdelay $0x4  }
0xbb: {  	v0 =	vand.u32 $0x3FFF, v0  }
0xbc: {  	[tilespmem:$0x2830] =	vst v0  }
0xbd: {  	v0 =	vld [tilespmem:s29+$0xD0];
	_ =	sdelay $0x4  }
0xbe: {  	v0 =	vand.u32 $0x3FFF, v0  }
0xbf: {  	[tilespmem:$0x2840] =	vst v0  }
0xc0: {  	v0 =	vld [tilespmem:s29+$0xE0];
	_ =	sdelay $0x2  }
.Ltmp3:
0xc1: {  	_ = 	snop;
	(pc) =	sbr.rel .LBB2_2-.Ltmp3, $4  }
0xc2: {  	_ = 	snop  }
0xc3: {  	v0 =	vand.u32 $0x3FFF, v0  }
0xc4: {  	s30 =	sadd.s32 $0x120, s30;
	s29 =	sadd.s32 $0x120, s29;
	[tilespmem:$0x2850] =	vst v0  }
0xc5: {  	[tilespmem:s18], [sflag:$0x2] =	stream.indirect.gather [hbm4b:s0+s14], $0x80, s17, s14, $0xb8;
	[tilespmem:$0x1F680] =	vst v63  }
.LBB2_5:
0xc6: {  	_ =	sfence.sel $0x180000  }
0xc7: {  	[bflag:$0x0] =	sbarrier.arrive $0xFFFF  }
0xc8: {  	_ =	strace $0x90000047  }
0xc9: {  	s0 =	stileid.u32;
	[bflag:$0x2] =	sbarrier.arrive $0xFFFF  }
0xca: {  	p0 =	sne.s32 s0, $0x0;
	s0 =	rddreg [dreg:$0x4]  }
0xcb: {  	s0 =	sadd.s32 @!p0 $0x100000, s0  }
0xcc: {  	[sflag:s0] =	ssyncadd.tile.s32 @!p0 $0x1;
	_ =	shalt  }
.Lfunc_end2:
_tile_overlayer_lowered:
.L_overlay_start_2:
0xcd: {  	(tag) =	ssettag $0x2  }
0xce: {  	s0 =	rddreg [dreg:$0x0];
	s2 =	stileid.u32  }
0xcf: {  	s1 =	rddreg [dreg:$0x1];
	p0 =	sne.s32 s2, $0x0  }
0xd0: {  	s3 =	rddreg [dreg:$0x2];
	[bflag:$0x3] =	sbarrier.arrive $0xFFFF;
	s2 =	simm.s32 @!p0 $0x1C04  }
0xd1: {  	[timem:s3], [sflag:s2] =	dma.local @!p0 [hbm:s0], s1  }
0xd2: {  	s0 =	simm.s32 @!p0 $0x4  }
0xd3: {  	_ =	swait.ge @!p0 [sflag:s0], s1  }
0xd4: {  	s1 =	ssub.s32 @!p0 $0x0, s1;
	[sflag:s0] =	ssyncset.done @!p0 $0x0  }
0xd5: {  	[sflag:s0] =	ssyncadd.s32 @!p0 s1  }
0xd6: {  	[bflag:$0x3] =	sbarrier.arrive $0xFFFF  }
0xd7: {  	_ =	shalt  }

</sc_bundles>
